<compile_context>
chip_gen: v7x
topology: tpu7x:2x2x1
jax: 0.10.2.dev20260603
libtpu: 0.0.44.dev20260713+nightly
codegen_flags: <defaults>
</compile_context>

<pallas_src>
import functools

import jax
import jax.numpy as jnp
from jax import lax
from jax.experimental import pallas as pl
from jax.experimental.pallas import tpu as pltpu
from jax.experimental.pallas import tpu_sc as plsc

B, C, H, W = 4, 96, 384, 384
HW = H * W
HALF = HW // 2
N_WORKERS = 32
N_ASSIGN = B * C * 2
PER_WORKER = N_ASSIGN // N_WORKERS
CHUNK = 1536
HCHUNK = CHUNK // 2
N_CHUNKS = HW // CHUNK
GROUPS = CHUNK // 16
UNROLL = 4
NBUF = 4

ROW_BLK = 128


def _prep_body(flow_ref, base_ref, wpk_ref):
    i = pl.program_id(1)
    fx = flow_ref[0, 0]
    fy = flow_ref[0, 1]
    cols = lax.broadcasted_iota(jnp.int32, (ROW_BLK, W), 1).astype(jnp.float32)
    rows = lax.broadcasted_iota(jnp.int32, (ROW_BLK, W), 0).astype(jnp.float32)
    fltX = cols + fx
    fltY = (rows + (i * ROW_BLK).astype(jnp.float32)) + fy
    x0 = jnp.floor(fltX)
    y0 = jnp.floor(fltY)
    x1 = x0 + 1.0
    y1 = y0 + 1.0
    xi = jnp.clip(x0, -4.0, float(W + 2)).astype(jnp.int32)
    yi = jnp.clip(y0, -4.0, float(H + 2)).astype(jnp.int32)
    vx0 = (xi >= 0) & (xi < W)
    vx1 = (xi >= -1) & (xi < W - 1)
    vy0 = (yi >= 0) & (yi < H)
    vy1 = (yi >= -1) & (yi < H - 1)
    dxR = x1 - fltX
    dxL = fltX - x0
    dyB = y1 - fltY
    dyT = fltY - y0
    zero = jnp.zeros_like(fltX)
    base_ref[0] = lax.bitcast_convert_type(yi * W + xi, jnp.float32)

    def packed(w):
        wu = lax.bitcast_convert_type(w.astype(jnp.bfloat16), jnp.uint16)
        r = wu.astype(jnp.uint32).reshape(ROW_BLK // 4, 4, W)
        word = r[:, 0:2] | (r[:, 2:4] << 16)
        return lax.bitcast_convert_type(word, jnp.float32).reshape(
            ROW_BLK // 2, W)

    wpk_ref[0, 0] = packed(jnp.where(vx0 & vy0, dxR * dyB, zero))
    wpk_ref[0, 1] = packed(jnp.where(vx1 & vy0, dxL * dyB, zero))
    wpk_ref[0, 2] = packed(jnp.where(vx0 & vy1, dxR * dyT, zero))
    wpk_ref[0, 3] = packed(jnp.where(vx1 & vy1, dxL * dyT, zero))


def _prep(flow):
    return pl.pallas_call(
        _prep_body,
        grid=(B, H // ROW_BLK),
        in_specs=[pl.BlockSpec((1, 2, ROW_BLK, W), lambda b, i: (b, 0, i, 0))],
        out_specs=[
            pl.BlockSpec((1, ROW_BLK, W), lambda b, i: (b, i, 0)),
            pl.BlockSpec((1, 4, ROW_BLK // 2, W), lambda b, i: (b, 0, i, 0)),
        ],
        out_shape=[
            jax.ShapeDtypeStruct((B, H, W), jnp.float32),
            jax.ShapeDtypeStruct((B, 4, H // 2, W), jnp.float32),
        ],
    )(flow)


_MESH = plsc.VectorSubcoreMesh(core_axis_name="c", subcore_axis_name="s")


@functools.partial(
    pl.kernel,
    out_type=jax.ShapeDtypeStruct((B * C, HW), jnp.float32),
    mesh=_MESH,
    compiler_params=pltpu.CompilerParams(needs_layout_passes=False),
    scratch_types=[
        pltpu.VMEM((HALF,), jnp.float32),
        pltpu.VMEM((NBUF, CHUNK), jnp.float32),
        pltpu.VMEM((NBUF, CHUNK), jnp.float32),
        pltpu.VMEM((NBUF, 4, HCHUNK), jnp.float32),
        pltpu.SemaphoreType.DMA,
        pltpu.SemaphoreType.DMA,
        pltpu.SemaphoreType.DMA,
        pltpu.SemaphoreType.DMA,
    ],
)
def _sc_scatter(img_hbm, base_hbm, wpk_hbm, out_hbm, acc_v, img_v, base_v,
                wpk_v, sem0, sem1, sem2, sem3):
    wid = lax.axis_index("s") * 2 + lax.axis_index("c")
    sems = (sem0, sem1, sem2, sem3)

    def per_assignment(i, _):
        aid = i * N_WORKERS + wid
        b = aid // (C * 2)
        rem = aid - b * (C * 2)
        ch = rem // 2
        half = rem - ch * 2
        lo = half * HALF
        row = b * C + ch

        @plsc.parallel_loop(0, HALF // 16, unroll=8)
        def _zero(j):
            acc_v[pl.ds(j * 16, 16)] = jnp.zeros((16,), jnp.float32)

        def issue(k, sl):
            pltpu.async_copy(img_hbm.at[row, pl.ds(k * CHUNK, CHUNK)],
                             img_v.at[sl], sems[sl])
            pltpu.async_copy(base_hbm.at[b, pl.ds(k * CHUNK, CHUNK)],
                             base_v.at[sl], sems[sl])
            pltpu.async_copy(wpk_hbm.at[b, :, pl.ds(k * HCHUNK, HCHUNK)],
                             wpk_v.at[sl], sems[sl])

        def drain(sl):
            pltpu.make_async_copy(img_hbm.at[row, pl.ds(0, CHUNK)],
                                  img_v.at[sl], sems[sl]).wait()
            pltpu.make_async_copy(base_hbm.at[b, pl.ds(0, CHUNK)],
                                  base_v.at[sl], sems[sl]).wait()
            pltpu.make_async_copy(wpk_hbm.at[b, :, pl.ds(0, HCHUNK)],
                                  wpk_v.at[sl], sems[sl]).wait()

        def compute(sl):
            @plsc.parallel_loop(0, GROUPS // 2, unroll=UNROLL)
            def _per_pair(g):
                s = g * 16
                basea = plsc.bitcast(base_v[sl, pl.ds(s, 16)], jnp.int32)
                baseb = plsc.bitcast(base_v[sl, pl.ds(s + HCHUNK, 16)],
                                     jnp.int32)
                imga = img_v[sl, pl.ds(s, 16)]
                imgb = img_v[sl, pl.ds(s + HCHUNK, 16)]
                for t, toff in enumerate((0, 1, W, W + 1)):
                    pair = plsc.bitcast(wpk_v[sl, t, pl.ds(s, 16)],
                                        jnp.bfloat16)
                    wa, wb = plsc.unpack(pair,
                                         format=plsc.PackFormat.INTERLEAVED)
                    loca = basea + (toff - lo)
                    ma = plsc.bitcast(loca, jnp.uint32) < jnp.uint32(HALF)
                    plsc.addupdate_scatter(acc_v, [loca], wa * imga, mask=ma)
                    locb = baseb + (toff - lo)
                    mb = plsc.bitcast(locb, jnp.uint32) < jnp.uint32(HALF)
                    plsc.addupdate_scatter(acc_v, [locb], wb * imgb, mask=mb)

        for k in range(NBUF):
            issue(k, k)

        def ring(g, _):
            for sl in range(NBUF):
                k = g * NBUF + sl
                drain(sl)
                compute(sl)
                nk = k + NBUF

                @pl.when(nk < N_CHUNKS)
                def _issue_next():
                    issue(nk, sl)
            return _

        lax.fori_loop(0, N_CHUNKS // NBUF, ring, None)
        pltpu.sync_copy(acc_v, out_hbm.at[row, pl.ds(lo, HALF)])
        return _

    lax.fori_loop(0, PER_WORKER, per_assignment, None)


def kernel(image, flow):
    base3, wpk4 = _prep(flow)
    img2 = image.reshape(B * C, HW)
    base2 = base3.reshape(B, HW)
    wpk2 = wpk4.reshape(B, 4, HW // 2)
    out = _sc_scatter(img2, base2, wpk2)
    return out.reshape(B, C, H, W)

# --- scband reference (transcript-rebuilt; emitter-appended) ---
"""Pipeline reference for scband-module-softsplat-22763326669391 (READ-ONLY COPY).

The authoritative reference and input builder live on the scoring server;
editing this copy changes nothing except your own understanding.
"""

import jax, jax.numpy as jnp
import numpy as np


def setup_inputs(seed: int = 0) -> dict:
    key = jax.random.key(seed)
    k1, k2 = jax.random.split(key)
    image = jax.random.normal(k1, (4, 96, 384, 384), dtype=jnp.float32)
    flow = jax.random.normal(k2, (4, 2, 384, 384), dtype=jnp.float32)
    return {"image": image, "flow": flow}


def reference(image, flow):
    # Softmax-splatting forward warp, summation mode (kernel_Softsplat_updateOutput):
    # each source pixel (x, y) is splatted to (x + flow_x, y + flow_y) with
    # bilinear weights into the four surrounding integer pixels via scatter-add.
    B, C, H, W = image.shape
    gx = jnp.arange(W, dtype=jnp.float32)[None, None, :]
    gy = jnp.arange(H, dtype=jnp.float32)[None, :, None]
    fltX = gx + flow[:, 0]  # [B, H, W]
    fltY = gy + flow[:, 1]  # [B, H, W]
    x0 = jnp.floor(fltX)
    y0 = jnp.floor(fltY)
    x1 = x0 + 1.0
    y1 = y0 + 1.0
    wNW = (x1 - fltX) * (y1 - fltY)
    wNE = (fltX - x0) * (y1 - fltY)
    wSW = (x1 - fltX) * (fltY - y0)
    wSE = (fltX - x0) * (fltY - y0)
    img_flat = image.reshape(B, C, H * W)

    def accum(out, xi, yi, w):
        xi_i = xi.astype(jnp.int32)
        yi_i = yi.astype(jnp.int32)
        valid = (xi_i >= 0) & (xi_i < W) & (yi_i >= 0) & (yi_i < H)
        idx = jnp.clip(yi_i, 0, H - 1) * W + jnp.clip(xi_i, 0, W - 1)
        idx = idx.reshape(B, H * W)
        wm = (w * valid.astype(w.dtype)).reshape(B, H * W)

        def one(o, i, v, ww):
            return o.at[:, i].add(v * ww[None, :])

        return jax.vmap(one)(out, idx, img_flat, wm)

    out = jnp.zeros((B, C, H * W), dtype=image.dtype)
    out = accum(out, x0, y0, wNW)
    out = accum(out, x1, y0, wNE)
    out = accum(out, x0, y1, wSW)
    out = accum(out, x1, y1, wSE)
    return out.reshape(B, C, H, W)

if __name__ == "__main__":
    import jax
    _d = setup_inputs()
    print(jax.jit(kernel)(*tuple(_d.values())))

</pallas_src>

<mosaic_0001>
#map = affine_map<(d0, d1) -> (0, 0)>
#map1 = affine_map<(d0, d1) -> (0, 0, 0)>
module attributes {stable_mosaic.version = 14 : i64} {
  func.func @_sc_scatter(%arg0: i32, %arg1: i32, %arg2: memref<384x147456xf32, #tpu.memory_space<hbm>>, %arg3: memref<4x147456xf32, #tpu.memory_space<hbm>>, %arg4: memref<4x4x73728xf32, #tpu.memory_space<hbm>>, %arg5: memref<384x147456xf32, #tpu.memory_space<hbm>>, %arg6: memref<73728xf32, #tpu.memory_space<vmem>>, %arg7: memref<4x1536xf32, #tpu.memory_space<vmem>>, %arg8: memref<4x1536xf32, #tpu.memory_space<vmem>>, %arg9: memref<4x4x768xf32, #tpu.memory_space<vmem>>, %arg10: memref<!tpu.dma_semaphore, #tpu.memory_space<semaphore_mem>>, %arg11: memref<!tpu.dma_semaphore, #tpu.memory_space<semaphore_mem>>, %arg12: memref<!tpu.dma_semaphore, #tpu.memory_space<semaphore_mem>>, %arg13: memref<!tpu.dma_semaphore, #tpu.memory_space<semaphore_mem>>) attributes {dimension_semantics = [#tpu.dimension_semantics<core_parallel>, #tpu.dimension_semantics<subcore_parallel>], iteration_bounds = array<i64: 2, 16>, scalar_prefetch = 0 : i64, scratch_operands = 8 : i64, tpu.core_type = #tpu.core_type<sc_vector_subcore>, window_params = [{transform_indices = #map}, {transform_indices = #map}, {transform_indices = #map1}, {transform_indices = #map}]} {
    %mul3A = arith.constant 2 : i32
    %mul3A_0 = arith.muli %arg1, %mul3A : i32
    %add3A = arith.addi %mul3A_0, %arg0 : i32
    %scan3A = arith.constant 0 : i32
    %scan3A_1 = arith.constant 24 : i32
    %scan3A_2 = arith.addi %scan3A, %scan3A_1 : i32
    %scan3A_3 = arith.constant 1 : i32
    scf.for %scan3A_5 = %scan3A to %scan3A_2 step %scan3A_3  : i32 {
      %mul3A_6 = arith.constant 32 : i32
      %mul3A_7 = arith.muli %scan3A_5, %mul3A_6 : i32
      %add3A_8 = arith.addi %mul3A_7, %add3A : i32
      %jit3A = arith.constant 192 : i32
      %div3A = arith.divsi %add3A_8, %jit3A : i32
      %sign3A = arith.constant 0 : i32
      %sign3A_9 = arith.cmpi sgt, %add3A_8, %sign3A : i32
      %sign3A_10 = arith.extui %sign3A_9 : i1 to i32
      %sign3A_11 = arith.constant 0 : i32
      %sign3A_12 = arith.cmpi slt, %add3A_8, %sign3A_11 : i32
      %sign3A_13 = arith.extui %sign3A_12 : i1 to i32
      %sign3A_14 = arith.subi %sign3A_10, %sign3A_13 : i32
      %sign3A_15 = arith.constant 0 : i32
      %sign3A_16 = arith.cmpi sgt, %jit3A, %sign3A_15 : i32
      %sign3A_17 = arith.extui %sign3A_16 : i1 to i32
      %sign3A_18 = arith.constant 0 : i32
      %sign3A_19 = arith.cmpi slt, %jit3A, %sign3A_18 : i32
      %sign3A_20 = arith.extui %sign3A_19 : i1 to i32
      %sign3A_21 = arith.subi %sign3A_17, %sign3A_20 : i32
      %ne3A = arith.cmpi ne, %sign3A_14, %sign3A_21 : i32
      %rem3A = arith.remsi %add3A_8, %jit3A : i32
      %ne3A_22 = arith.constant 0 : i32
      %ne3A_23 = arith.cmpi ne, %rem3A, %ne3A_22 : i32
      %and3A = arith.andi %ne3A, %ne3A_23 : i1
      %sub3A = arith.constant 1 : i32
      %sub3A_24 = arith.subi %div3A, %sub3A : i32
      %select_n3A = arith.select %and3A, %sub3A_24, %div3A : i32
      %mul3A_25 = arith.constant 192 : i32
      %mul3A_26 = arith.muli %select_n3A, %mul3A_25 : i32
      %sub3A_27 = arith.subi %add3A_8, %mul3A_26 : i32
      %jit3A_28 = arith.constant 2 : i32
      %div3A_29 = arith.divsi %sub3A_27, %jit3A_28 : i32
      %sign3A_30 = arith.constant 0 : i32
      %sign3A_31 = arith.cmpi sgt, %sub3A_27, %sign3A_30 : i32
      %sign3A_32 = arith.extui %sign3A_31 : i1 to i32
      %sign3A_33 = arith.constant 0 : i32
      %sign3A_34 = arith.cmpi slt, %sub3A_27, %sign3A_33 : i32
      %sign3A_35 = arith.extui %sign3A_34 : i1 to i32
      %sign3A_36 = arith.subi %sign3A_32, %sign3A_35 : i32
      %sign3A_37 = arith.constant 0 : i32
      %sign3A_38 = arith.cmpi sgt, %jit3A_28, %sign3A_37 : i32
      %sign3A_39 = arith.extui %sign3A_38 : i1 to i32
      %sign3A_40 = arith.constant 0 : i32
      %sign3A_41 = arith.cmpi slt, %jit3A_28, %sign3A_40 : i32
      %sign3A_42 = arith.extui %sign3A_41 : i1 to i32
      %sign3A_43 = arith.subi %sign3A_39, %sign3A_42 : i32
      %ne3A_44 = arith.cmpi ne, %sign3A_36, %sign3A_43 : i32
      %rem3A_45 = arith.remsi %sub3A_27, %jit3A_28 : i32
      %ne3A_46 = arith.constant 0 : i32
      %ne3A_47 = arith.cmpi ne, %rem3A_45, %ne3A_46 : i32
      %and3A_48 = arith.andi %ne3A_44, %ne3A_47 : i1
      %sub3A_49 = arith.constant 1 : i32
      %sub3A_50 = arith.subi %div3A_29, %sub3A_49 : i32
      %select_n3A_51 = arith.select %and3A_48, %sub3A_50, %div3A_29 : i32
      %mul3A_52 = arith.constant 2 : i32
      %mul3A_53 = arith.muli %select_n3A_51, %mul3A_52 : i32
      %sub3A_54 = arith.subi %sub3A_27, %mul3A_53 : i32
      %mul3A_55 = arith.constant 73728 : i32
      %mul3A_56 = arith.muli %sub3A_54, %mul3A_55 : i32
      %mul3A_57 = arith.constant 96 : i32
      %mul3A_58 = arith.muli %select_n3A, %mul3A_57 : i32
      %add3A_59 = arith.addi %mul3A_58, %select_n3A_51 : i32
      %parallel_loop3A = arith.constant 0 : i32
      %parallel_loop3A_60 = arith.constant 4608 : i32
      %parallel_loop3A_61 = arith.constant 1 : i32
      scf.for %parallel_loop3A_238 = %parallel_loop3A to %parallel_loop3A_60 step %parallel_loop3A_61  : i32 {
        %parallel_loop3A_239 = arith.constant 0.000000e+00 : f32
        %parallel_loop3A_240 = vector.broadcast %parallel_loop3A_239 : f32 to vector<16xf32>
        %parallel_loop3A_241 = arith.constant 16 : i32
        %parallel_loop3A_242 = arith.muli %parallel_loop3A_238, %parallel_loop3A_241 : i32
        %parallel_loop3A_243 = arith.index_cast %parallel_loop3A_242 : i32 to index
        %parallel_loop3A_244 = tpu.vector_load %arg6[%parallel_loop3A_243] {strides = array<i32>} : memref<73728xf32, #tpu.memory_space<vmem>>, vector<16xf32>,
        tpu.vector_store %arg6[%parallel_loop3A_243], %parallel_loop3A_240 {strides = array<i32>} : memref<73728xf32, #tpu.memory_space<vmem>>, vector<16xf32>,
      } {sc.loop_unroll_factor = 8 : i64, sc.parallel_access}
      %dma_start3A = arith.constant 0 : i32
      %dma_start3A_62 = arith.constant 0 : i32
      %dma_start3A_63 = tpu.memref_slice %arg7[%dma_start3A, %dma_start3A_62] : memref<4x1536xf32, #tpu.memory_space<vmem>> -> memref<1x1536xf32, #tpu.memory_space<vmem>>
      %dma_start3A_64 = tpu.memref_squeeze %dma_start3A_63 : memref<1x1536xf32, #tpu.memory_space<vmem>> -> memref<1536xf32, #tpu.memory_space<vmem>>
      %dma_start3A_65 = arith.constant 0 : i32
      %dma_start3A_66 = tpu.memref_slice %arg2[%add3A_59, %dma_start3A_65] : memref<384x147456xf32, #tpu.memory_space<hbm>> -> memref<1x1536xf32, #tpu.memory_space<hbm>>
      %dma_start3A_67 = tpu.memref_squeeze %dma_start3A_66 : memref<1x1536xf32, #tpu.memory_space<hbm>> -> memref<1536xf32, #tpu.memory_space<hbm>>
      %dma_start3A_68 = arith.constant 0 : i32
      %dma_start3A_69 = tpu.memref_slice %arg7[%dma_start3A, %dma_start3A_68] : memref<4x1536xf32, #tpu.memory_space<vmem>> -> memref<1x1536xf32, #tpu.memory_space<vmem>>
      %dma_start3A_70 = tpu.memref_squeeze %dma_start3A_69 : memref<1x1536xf32, #tpu.memory_space<vmem>> -> memref<1536xf32, #tpu.memory_space<vmem>>
      %dma_start3A_71 = arith.constant 0 : i32
      %dma_start3A_72 = tpu.memref_slice %arg2[%add3A_59, %dma_start3A_71] : memref<384x147456xf32, #tpu.memory_space<hbm>> -> memref<1x1536xf32, #tpu.memory_space<hbm>>
      %dma_start3A_73 = tpu.memref_squeeze %dma_start3A_72 : memref<1x1536xf32, #tpu.memory_space<hbm>> -> memref<1536xf32, #tpu.memory_space<hbm>>
      tpu.enqueue_dma source(%dma_start3A_73 : memref<1536xf32, #tpu.memory_space<hbm>>) target(%dma_start3A_70 : memref<1536xf32, #tpu.memory_space<vmem>>) target_semaphore(%arg10 : memref<!tpu.dma_semaphore, #tpu.memory_space<semaphore_mem>>)
      %dma_start3A_74 = arith.constant 0 : i32
      %dma_start3A_75 = arith.constant 0 : i32
      %dma_start3A_76 = tpu.memref_slice %arg8[%dma_start3A_74, %dma_start3A_75] : memref<4x1536xf32, #tpu.memory_space<vmem>> -> memref<1x1536xf32, #tpu.memory_space<vmem>>
      %dma_start3A_77 = tpu.memref_squeeze %dma_start3A_76 : memref<1x1536xf32, #tpu.memory_space<vmem>> -> memref<1536xf32, #tpu.memory_space<vmem>>
      %dma_start3A_78 = arith.constant 0 : i32
      %dma_start3A_79 = tpu.memref_slice %arg3[%select_n3A, %dma_start3A_78] : memref<4x147456xf32, #tpu.memory_space<hbm>> -> memref<1x1536xf32, #tpu.memory_space<hbm>>
      %dma_start3A_80 = tpu.memref_squeeze %dma_start3A_79 : memref<1x1536xf32, #tpu.memory_space<hbm>> -> memref<1536xf32, #tpu.memory_space<hbm>>
      %dma_start3A_81 = arith.constant 0 : i32
      %dma_start3A_82 = tpu.memref_slice %arg8[%dma_start3A_74, %dma_start3A_81] : memref<4x1536xf32, #tpu.memory_space<vmem>> -> memref<1x1536xf32, #tpu.memory_space<vmem>>
      %dma_start3A_83 = tpu.memref_squeeze %dma_start3A_82 : memref<1x1536xf32, #tpu.memory_space<vmem>> -> memref<1536xf32, #tpu.memory_space<vmem>>
      %dma_start3A_84 = arith.constant 0 : i32
      %dma_start3A_85 = tpu.memref_slice %arg3[%select_n3A, %dma_start3A_84] : memref<4x147456xf32, #tpu.memory_space<hbm>> -> memref<1x1536xf32, #tpu.memory_space<hbm>>
      %dma_start3A_86 = tpu.memref_squeeze %dma_start3A_85 : memref<1x1536xf32, #tpu.memory_space<hbm>> -> memref<1536xf32, #tpu.memory_space<hbm>>
      tpu.enqueue_dma source(%dma_start3A_86 : memref<1536xf32, #tpu.memory_space<hbm>>) target(%dma_start3A_83 : memref<1536xf32, #tpu.memory_space<vmem>>) target_semaphore(%arg10 : memref<!tpu.dma_semaphore, #tpu.memory_space<semaphore_mem>>)
      %dma_start3A_87 = arith.constant 0 : i32
      %dma_start3A_88 = arith.constant 0 : i32
      %dma_start3A_89 = arith.constant 0 : i32
      %dma_start3A_90 = tpu.memref_slice %arg9[%dma_start3A_87, %dma_start3A_88, %dma_start3A_89] : memref<4x4x768xf32, #tpu.memory_space<vmem>> -> memref<1x4x768xf32, #tpu.memory_space<vmem>>
      %dma_start3A_91 = tpu.memref_squeeze %dma_start3A_90 : memref<1x4x768xf32, #tpu.memory_space<vmem>> -> memref<4x768xf32, #tpu.memory_space<vmem>>
      %dma_start3A_92 = arith.constant 0 : i32
      %dma_start3A_93 = arith.constant 0 : i32
      %dma_start3A_94 = tpu.memref_slice %arg4[%select_n3A, %dma_start3A_92, %dma_start3A_93] : memref<4x4x73728xf32, #tpu.memory_space<hbm>> -> memref<1x4x768xf32, #tpu.memory_space<hbm>>
      %dma_start3A_95 = tpu.memref_squeeze %dma_start3A_94 : memref<1x4x768xf32, #tpu.memory_space<hbm>> -> memref<4x768xf32, #tpu.memory_space<hbm>>
      %dma_start3A_96 = arith.constant 0 : i32
      %dma_start3A_97 = arith.constant 0 : i32
      %dma_start3A_98 = tpu.memref_slice %arg9[%dma_start3A_87, %dma_start3A_96, %dma_start3A_97] : memref<4x4x768xf32, #tpu.memory_space<vmem>> -> memref<1x4x768xf32, #tpu.memory_space<vmem>>
      %dma_start3A_99 = tpu.memref_squeeze %dma_start3A_98 : memref<1x4x768xf32, #tpu.memory_space<vmem>> -> memref<4x768xf32, #tpu.memory_space<vmem>>
      %dma_start3A_100 = arith.constant 0 : i32
      %dma_start3A_101 = arith.constant 0 : i32
      %dma_start3A_102 = tpu.memref_slice %arg4[%select_n3A, %dma_start3A_100, %dma_start3A_101] : memref<4x4x73728xf32, #tpu.memory_space<hbm>> -> memref<1x4x768xf32, #tpu.memory_space<hbm>>
      %dma_start3A_103 = tpu.memref_squeeze %dma_start3A_102 : memref<1x4x768xf32, #tpu.memory_space<hbm>> -> memref<4x768xf32, #tpu.memory_space<hbm>>
      tpu.enqueue_dma source(%dma_start3A_103 : memref<4x768xf32, #tpu.memory_space<hbm>>) target(%dma_start3A_99 : memref<4x768xf32, #tpu.memory_space<vmem>>) target_semaphore(%arg10 : memref<!tpu.dma_semaphore, #tpu.memory_space<semaphore_mem>>)
      %dma_start3A_104 = arith.constant 1 : i32
      %dma_start3A_105 = arith.constant 0 : i32
      %dma_start3A_106 = tpu.memref_slice %arg7[%dma_start3A_104, %dma_start3A_105] : memref<4x1536xf32, #tpu.memory_space<vmem>> -> memref<1x1536xf32, #tpu.memory_space<vmem>>
      %dma_start3A_107 = tpu.memref_squeeze %dma_start3A_106 : memref<1x1536xf32, #tpu.memory_space<vmem>> -> memref<1536xf32, #tpu.memory_space<vmem>>
      %dma_start3A_108 = arith.constant 1536 : i32
      %dma_start3A_109 = tpu.memref_slice %arg2[%add3A_59, %dma_start3A_108] : memref<384x147456xf32, #tpu.memory_space<hbm>> -> memref<1x1536xf32, #tpu.memory_space<hbm>>
      %dma_start3A_110 = tpu.memref_squeeze %dma_start3A_109 : memref<1x1536xf32, #tpu.memory_space<hbm>> -> memref<1536xf32, #tpu.memory_space<hbm>>
      %dma_start3A_111 = arith.constant 0 : i32
      %dma_start3A_112 = tpu.memref_slice %arg7[%dma_start3A_104, %dma_start3A_111] : memref<4x1536xf32, #tpu.memory_space<vmem>> -> memref<1x1536xf32, #tpu.memory_space<vmem>>
      %dma_start3A_113 = tpu.memref_squeeze %dma_start3A_112 : memref<1x1536xf32, #tpu.memory_space<vmem>> -> memref<1536xf32, #tpu.memory_space<vmem>>
      %dma_start3A_114 = arith.constant 1536 : i32
      %dma_start3A_115 = tpu.memref_slice %arg2[%add3A_59, %dma_start3A_114] : memref<384x147456xf32, #tpu.memory_space<hbm>> -> memref<1x1536xf32, #tpu.memory_space<hbm>>
      %dma_start3A_116 = tpu.memref_squeeze %dma_start3A_115 : memref<1x1536xf32, #tpu.memory_space<hbm>> -> memref<1536xf32, #tpu.memory_space<hbm>>
      tpu.enqueue_dma source(%dma_start3A_116 : memref<1536xf32, #tpu.memory_space<hbm>>) target(%dma_start3A_113 : memref<1536xf32, #tpu.memory_space<vmem>>) target_semaphore(%arg11 : memref<!tpu.dma_semaphore, #tpu.memory_space<semaphore_mem>>)
      %dma_start3A_117 = arith.constant 1 : i32
      %dma_start3A_118 = arith.constant 0 : i32
      %dma_start3A_119 = tpu.memref_slice %arg8[%dma_start3A_117, %dma_start3A_118] : memref<4x1536xf32, #tpu.memory_space<vmem>> -> memref<1x1536xf32, #tpu.memory_space<vmem>>
      %dma_start3A_120 = tpu.memref_squeeze %dma_start3A_119 : memref<1x1536xf32, #tpu.memory_space<vmem>> -> memref<1536xf32, #tpu.memory_space<vmem>>
      %dma_start3A_121 = arith.constant 1536 : i32
      %dma_start3A_122 = tpu.memref_slice %arg3[%select_n3A, %dma_start3A_121] : memref<4x147456xf32, #tpu.memory_space<hbm>> -> memref<1x1536xf32, #tpu.memory_space<hbm>>
      %dma_start3A_123 = tpu.memref_squeeze %dma_start3A_122 : memref<1x1536xf32, #tpu.memory_space<hbm>> -> memref<1536xf32, #tpu.memory_space<hbm>>
      %dma_start3A_124 = arith.constant 0 : i32
      %dma_start3A_125 = tpu.memref_slice %arg8[%dma_start3A_117, %dma_start3A_124] : memref<4x1536xf32, #tpu.memory_space<vmem>> -> memref<1x1536xf32, #tpu.memory_space<vmem>>
      %dma_start3A_126 = tpu.memref_squeeze %dma_start3A_125 : memref<1x1536xf32, #tpu.memory_space<vmem>> -> memref<1536xf32, #tpu.memory_space<vmem>>
      %dma_start3A_127 = arith.constant 1536 : i32
      %dma_start3A_128 = tpu.memref_slice %arg3[%select_n3A, %dma_start3A_127] : memref<4x147456xf32, #tpu.memory_space<hbm>> -> memref<1x1536xf32, #tpu.memory_space<hbm>>
      %dma_start3A_129 = tpu.memref_squeeze %dma_start3A_128 : memref<1x1536xf32, #tpu.memory_space<hbm>> -> memref<1536xf32, #tpu.memory_space<hbm>>
      tpu.enqueue_dma source(%dma_start3A_129 : memref<1536xf32, #tpu.memory_space<hbm>>) target(%dma_start3A_126 : memref<1536xf32, #tpu.memory_space<vmem>>) target_semaphore(%arg11 : memref<!tpu.dma_semaphore, #tpu.memory_space<semaphore_mem>>)
      %dma_start3A_130 = arith.constant 1 : i32
      %dma_start3A_131 = arith.constant 0 : i32
      %dma_start3A_132 = arith.constant 0 : i32
      %dma_start3A_133 = tpu.memref_slice %arg9[%dma_start3A_130, %dma_start3A_131, %dma_start3A_132] : memref<4x4x768xf32, #tpu.memory_space<vmem>> -> memref<1x4x768xf32, #tpu.memory_space<vmem>>
      %dma_start3A_134 = tpu.memref_squeeze %dma_start3A_133 : memref<1x4x768xf32, #tpu.memory_space<vmem>> -> memref<4x768xf32, #tpu.memory_space<vmem>>
      %dma_start3A_135 = arith.constant 0 : i32
      %dma_start3A_136 = arith.constant 768 : i32
      %dma_start3A_137 = tpu.memref_slice %arg4[%select_n3A, %dma_start3A_135, %dma_start3A_136] : memref<4x4x73728xf32, #tpu.memory_space<hbm>> -> memref<1x4x768xf32, #tpu.memory_space<hbm>>
      %dma_start3A_138 = tpu.memref_squeeze %dma_start3A_137 : memref<1x4x768xf32, #tpu.memory_space<hbm>> -> memref<4x768xf32, #tpu.memory_space<hbm>>
      %dma_start3A_139 = arith.constant 0 : i32
      %dma_start3A_140 = arith.constant 0 : i32
      %dma_start3A_141 = tpu.memref_slice %arg9[%dma_start3A_130, %dma_start3A_139, %dma_start3A_140] : memref<4x4x768xf32, #tpu.memory_space<vmem>> -> memref<1x4x768xf32, #tpu.memory_space<vmem>>
      %dma_start3A_142 = tpu.memref_squeeze %dma_start3A_141 : memref<1x4x768xf32, #tpu.memory_space<vmem>> -> memref<4x768xf32, #tpu.memory_space<vmem>>
      %dma_start3A_143 = arith.constant 0 : i32
      %dma_start3A_144 = arith.constant 768 : i32
      %dma_start3A_145 = tpu.memref_slice %arg4[%select_n3A, %dma_start3A_143, %dma_start3A_144] : memref<4x4x73728xf32, #tpu.memory_space<hbm>> -> memref<1x4x768xf32, #tpu.memory_space<hbm>>
      %dma_start3A_146 = tpu.memref_squeeze %dma_start3A_145 : memref<1x4x768xf32, #tpu.memory_space<hbm>> -> memref<4x768xf32, #tpu.memory_space<hbm>>
      tpu.enqueue_dma source(%dma_start3A_146 : memref<4x768xf32, #tpu.memory_space<hbm>>) target(%dma_start3A_142 : memref<4x768xf32, #tpu.memory_space<vmem>>) target_semaphore(%arg11 : memref<!tpu.dma_semaphore, #tpu.memory_space<semaphore_mem>>)
      %dma_start3A_147 = arith.constant 2 : i32
      %dma_start3A_148 = arith.constant 0 : i32
      %dma_start3A_149 = tpu.memref_slice %arg7[%dma_start3A_147, %dma_start3A_148] : memref<4x1536xf32, #tpu.memory_space<vmem>> -> memref<1x1536xf32, #tpu.memory_space<vmem>>
      %dma_start3A_150 = tpu.memref_squeeze %dma_start3A_149 : memref<1x1536xf32, #tpu.memory_space<vmem>> -> memref<1536xf32, #tpu.memory_space<vmem>>
      %dma_start3A_151 = arith.constant 3072 : i32
      %dma_start3A_152 = tpu.memref_slice %arg2[%add3A_59, %dma_start3A_151] : memref<384x147456xf32, #tpu.memory_space<hbm>> -> memref<1x1536xf32, #tpu.memory_space<hbm>>
      %dma_start3A_153 = tpu.memref_squeeze %dma_start3A_152 : memref<1x1536xf32, #tpu.memory_space<hbm>> -> memref<1536xf32, #tpu.memory_space<hbm>>
      %dma_start3A_154 = arith.constant 0 : i32
      %dma_start3A_155 = tpu.memref_slice %arg7[%dma_start3A_147, %dma_start3A_154] : memref<4x1536xf32, #tpu.memory_space<vmem>> -> memref<1x1536xf32, #tpu.memory_space<vmem>>
      %dma_start3A_156 = tpu.memref_squeeze %dma_start3A_155 : memref<1x1536xf32, #tpu.memory_space<vmem>> -> memref<1536xf32, #tpu.memory_space<vmem>>
      %dma_start3A_157 = arith.constant 3072 : i32
      %dma_start3A_158 = tpu.memref_slice %arg2[%add3A_59, %dma_start3A_157] : memref<384x147456xf32, #tpu.memory_space<hbm>> -> memref<1x1536xf32, #tpu.memory_space<hbm>>
      %dma_start3A_159 = tpu.memref_squeeze %dma_start3A_158 : memref<1x1536xf32, #tpu.memory_space<hbm>> -> memref<1536xf32, #tpu.memory_space<hbm>>
      tpu.enqueue_dma source(%dma_start3A_159 : memref<1536xf32, #tpu.memory_space<hbm>>) target(%dma_start3A_156 : memref<1536xf32, #tpu.memory_space<vmem>>) target_semaphore(%arg12 : memref<!tpu.dma_semaphore, #tpu.memory_space<semaphore_mem>>)
      %dma_start3A_160 = arith.constant 2 : i32
      %dma_start3A_161 = arith.constant 0 : i32
      %dma_start3A_162 = tpu.memref_slice %arg8[%dma_start3A_160, %dma_start3A_161] : memref<4x1536xf32, #tpu.memory_space<vmem>> -> memref<1x1536xf32, #tpu.memory_space<vmem>>
      %dma_start3A_163 = tpu.memref_squeeze %dma_start3A_162 : memref<1x1536xf32, #tpu.memory_space<vmem>> -> memref<1536xf32, #tpu.memory_space<vmem>>
      %dma_start3A_164 = arith.constant 3072 : i32
      %dma_start3A_165 = tpu.memref_slice %arg3[%select_n3A, %dma_start3A_164] : memref<4x147456xf32, #tpu.memory_space<hbm>> -> memref<1x1536xf32, #tpu.memory_space<hbm>>
      %dma_start3A_166 = tpu.memref_squeeze %dma_start3A_165 : memref<1x1536xf32, #tpu.memory_space<hbm>> -> memref<1536xf32, #tpu.memory_space<hbm>>
      %dma_start3A_167 = arith.constant 0 : i32
      %dma_start3A_168 = tpu.memref_slice %arg8[%dma_start3A_160, %dma_start3A_167] : memref<4x1536xf32, #tpu.memory_space<vmem>> -> memref<1x1536xf32, #tpu.memory_space<vmem>>
      %dma_start3A_169 = tpu.memref_squeeze %dma_start3A_168 : memref<1x1536xf32, #tpu.memory_space<vmem>> -> memref<1536xf32, #tpu.memory_space<vmem>>
      %dma_start3A_170 = arith.constant 3072 : i32
      %dma_start3A_171 = tpu.memref_slice %arg3[%select_n3A, %dma_start3A_170] : memref<4x147456xf32, #tpu.memory_space<hbm>> -> memref<1x1536xf32, #tpu.memory_space<hbm>>
      %dma_start3A_172 = tpu.memref_squeeze %dma_start3A_171 : memref<1x1536xf32, #tpu.memory_space<hbm>> -> memref<1536xf32, #tpu.memory_space<hbm>>
      tpu.enqueue_dma source(%dma_start3A_172 : memref<1536xf32, #tpu.memory_space<hbm>>) target(%dma_start3A_169 : memref<1536xf32, #tpu.memory_space<vmem>>) target_semaphore(%arg12 : memref<!tpu.dma_semaphore, #tpu.memory_space<semaphore_mem>>)
      %dma_start3A_173 = arith.constant 2 : i32
      %dma_start3A_174 = arith.constant 0 : i32
      %dma_start3A_175 = arith.constant 0 : i32
      %dma_start3A_176 = tpu.memref_slice %arg9[%dma_start3A_173, %dma_start3A_174, %dma_start3A_175] : memref<4x4x768xf32, #tpu.memory_space<vmem>> -> memref<1x4x768xf32, #tpu.memory_space<vmem>>
      %dma_start3A_177 = tpu.memref_squeeze %dma_start3A_176 : memref<1x4x768xf32, #tpu.memory_space<vmem>> -> memref<4x768xf32, #tpu.memory_space<vmem>>
      %dma_start3A_178 = arith.constant 0 : i32
      %dma_start3A_179 = arith.constant 1536 : i32
      %dma_start3A_180 = tpu.memref_slice %arg4[%select_n3A, %dma_start3A_178, %dma_start3A_179] : memref<4x4x73728xf32, #tpu.memory_space<hbm>> -> memref<1x4x768xf32, #tpu.memory_space<hbm>>
      %dma_start3A_181 = tpu.memref_squeeze %dma_start3A_180 : memref<1x4x768xf32, #tpu.memory_space<hbm>> -> memref<4x768xf32, #tpu.memory_space<hbm>>
      %dma_start3A_182 = arith.constant 0 : i32
      %dma_start3A_183 = arith.constant 0 : i32
      %dma_start3A_184 = tpu.memref_slice %arg9[%dma_start3A_173, %dma_start3A_182, %dma_start3A_183] : memref<4x4x768xf32, #tpu.memory_space<vmem>> -> memref<1x4x768xf32, #tpu.memory_space<vmem>>
      %dma_start3A_185 = tpu.memref_squeeze %dma_start3A_184 : memref<1x4x768xf32, #tpu.memory_space<vmem>> -> memref<4x768xf32, #tpu.memory_space<vmem>>
      %dma_start3A_186 = arith.constant 0 : i32
      %dma_start3A_187 = arith.constant 1536 : i32
      %dma_start3A_188 = tpu.memref_slice %arg4[%select_n3A, %dma_start3A_186, %dma_start3A_187] : memref<4x4x73728xf32, #tpu.memory_space<hbm>> -> memref<1x4x768xf32, #tpu.memory_space<hbm>>
      %dma_start3A_189 = tpu.memref_squeeze %dma_start3A_188 : memref<1x4x768xf32, #tpu.memory_space<hbm>> -> memref<4x768xf32, #tpu.memory_space<hbm>>
      tpu.enqueue_dma source(%dma_start3A_189 : memref<4x768xf32, #tpu.memory_space<hbm>>) target(%dma_start3A_185 : memref<4x768xf32, #tpu.memory_space<vmem>>) target_semaphore(%arg12 : memref<!tpu.dma_semaphore, #tpu.memory_space<semaphore_mem>>)
      %dma_start3A_190 = arith.constant 3 : i32
      %dma_start3A_191 = arith.constant 0 : i32
      %dma_start3A_192 = tpu.memref_slice %arg7[%dma_start3A_190, %dma_start3A_191] : memref<4x1536xf32, #tpu.memory_space<vmem>> -> memref<1x1536xf32, #tpu.memory_space<vmem>>
      %dma_start3A_193 = tpu.memref_squeeze %dma_start3A_192 : memref<1x1536xf32, #tpu.memory_space<vmem>> -> memref<1536xf32, #tpu.memory_space<vmem>>
      %dma_start3A_194 = arith.constant 4608 : i32
      %dma_start3A_195 = tpu.memref_slice %arg2[%add3A_59, %dma_start3A_194] : memref<384x147456xf32, #tpu.memory_space<hbm>> -> memref<1x1536xf32, #tpu.memory_space<hbm>>
      %dma_start3A_196 = tpu.memref_squeeze %dma_start3A_195 : memref<1x1536xf32, #tpu.memory_space<hbm>> -> memref<1536xf32, #tpu.memory_space<hbm>>
      %dma_start3A_197 = arith.constant 0 : i32
      %dma_start3A_198 = tpu.memref_slice %arg7[%dma_start3A_190, %dma_start3A_197] : memref<4x1536xf32, #tpu.memory_space<vmem>> -> memref<1x1536xf32, #tpu.memory_space<vmem>>
      %dma_start3A_199 = tpu.memref_squeeze %dma_start3A_198 : memref<1x1536xf32, #tpu.memory_space<vmem>> -> memref<1536xf32, #tpu.memory_space<vmem>>
      %dma_start3A_200 = arith.constant 4608 : i32
      %dma_start3A_201 = tpu.memref_slice %arg2[%add3A_59, %dma_start3A_200] : memref<384x147456xf32, #tpu.memory_space<hbm>> -> memref<1x1536xf32, #tpu.memory_space<hbm>>
      %dma_start3A_202 = tpu.memref_squeeze %dma_start3A_201 : memref<1x1536xf32, #tpu.memory_space<hbm>> -> memref<1536xf32, #tpu.memory_space<hbm>>
      tpu.enqueue_dma source(%dma_start3A_202 : memref<1536xf32, #tpu.memory_space<hbm>>) target(%dma_start3A_199 : memref<1536xf32, #tpu.memory_space<vmem>>) target_semaphore(%arg13 : memref<!tpu.dma_semaphore, #tpu.memory_space<semaphore_mem>>)
      %dma_start3A_203 = arith.constant 3 : i32
      %dma_start3A_204 = arith.constant 0 : i32
      %dma_start3A_205 = tpu.memref_slice %arg8[%dma_start3A_203, %dma_start3A_204] : memref<4x1536xf32, #tpu.memory_space<vmem>> -> memref<1x1536xf32, #tpu.memory_space<vmem>>
      %dma_start3A_206 = tpu.memref_squeeze %dma_start3A_205 : memref<1x1536xf32, #tpu.memory_space<vmem>> -> memref<1536xf32, #tpu.memory_space<vmem>>
      %dma_start3A_207 = arith.constant 4608 : i32
      %dma_start3A_208 = tpu.memref_slice %arg3[%select_n3A, %dma_start3A_207] : memref<4x147456xf32, #tpu.memory_space<hbm>> -> memref<1x1536xf32, #tpu.memory_space<hbm>>
      %dma_start3A_209 = tpu.memref_squeeze %dma_start3A_208 : memref<1x1536xf32, #tpu.memory_space<hbm>> -> memref<1536xf32, #tpu.memory_space<hbm>>
      %dma_start3A_210 = arith.constant 0 : i32
      %dma_start3A_211 = tpu.memref_slice %arg8[%dma_start3A_203, %dma_start3A_210] : memref<4x1536xf32, #tpu.memory_space<vmem>> -> memref<1x1536xf32, #tpu.memory_space<vmem>>
      %dma_start3A_212 = tpu.memref_squeeze %dma_start3A_211 : memref<1x1536xf32, #tpu.memory_space<vmem>> -> memref<1536xf32, #tpu.memory_space<vmem>>
      %dma_start3A_213 = arith.constant 4608 : i32
      %dma_start3A_214 = tpu.memref_slice %arg3[%select_n3A, %dma_start3A_213] : memref<4x147456xf32, #tpu.memory_space<hbm>> -> memref<1x1536xf32, #tpu.memory_space<hbm>>
      %dma_start3A_215 = tpu.memref_squeeze %dma_start3A_214 : memref<1x1536xf32, #tpu.memory_space<hbm>> -> memref<1536xf32, #tpu.memory_space<hbm>>
      tpu.enqueue_dma source(%dma_start3A_215 : memref<1536xf32, #tpu.memory_space<hbm>>) target(%dma_start3A_212 : memref<1536xf32, #tpu.memory_space<vmem>>) target_semaphore(%arg13 : memref<!tpu.dma_semaphore, #tpu.memory_space<semaphore_mem>>)
      %dma_start3A_216 = arith.constant 3 : i32
      %dma_start3A_217 = arith.constant 0 : i32
      %dma_start3A_218 = arith.constant 0 : i32
      %dma_start3A_219 = tpu.memref_slice %arg9[%dma_start3A_216, %dma_start3A_217, %dma_start3A_218] : memref<4x4x768xf32, #tpu.memory_space<vmem>> -> memref<1x4x768xf32, #tpu.memory_space<vmem>>
      %dma_start3A_220 = tpu.memref_squeeze %dma_start3A_219 : memref<1x4x768xf32, #tpu.memory_space<vmem>> -> memref<4x768xf32, #tpu.memory_space<vmem>>
      %dma_start3A_221 = arith.constant 0 : i32
      %dma_start3A_222 = arith.constant 2304 : i32
      %dma_start3A_223 = tpu.memref_slice %arg4[%select_n3A, %dma_start3A_221, %dma_start3A_222] : memref<4x4x73728xf32, #tpu.memory_space<hbm>> -> memref<1x4x768xf32, #tpu.memory_space<hbm>>
      %dma_start3A_224 = tpu.memref_squeeze %dma_start3A_223 : memref<1x4x768xf32, #tpu.memory_space<hbm>> -> memref<4x768xf32, #tpu.memory_space<hbm>>
      %dma_start3A_225 = arith.constant 0 : i32
      %dma_start3A_226 = arith.constant 0 : i32
      %dma_start3A_227 = tpu.memref_slice %arg9[%dma_start3A_216, %dma_start3A_225, %dma_start3A_226] : memref<4x4x768xf32, #tpu.memory_space<vmem>> -> memref<1x4x768xf32, #tpu.memory_space<vmem>>
      %dma_start3A_228 = tpu.memref_squeeze %dma_start3A_227 : memref<1x4x768xf32, #tpu.memory_space<vmem>> -> memref<4x768xf32, #tpu.memory_space<vmem>>
      %dma_start3A_229 = arith.constant 0 : i32
      %dma_start3A_230 = arith.constant 2304 : i32
      %dma_start3A_231 = tpu.memref_slice %arg4[%select_n3A, %dma_start3A_229, %dma_start3A_230] : memref<4x4x73728xf32, #tpu.memory_space<hbm>> -> memref<1x4x768xf32, #tpu.memory_space<hbm>>
      %dma_start3A_232 = tpu.memref_squeeze %dma_start3A_231 : memref<1x4x768xf32, #tpu.memory_space<hbm>> -> memref<4x768xf32, #tpu.memory_space<hbm>>
      tpu.enqueue_dma source(%dma_start3A_232 : memref<4x768xf32, #tpu.memory_space<hbm>>) target(%dma_start3A_228 : memref<4x768xf32, #tpu.memory_space<vmem>>) target_semaphore(%arg13 : memref<!tpu.dma_semaphore, #tpu.memory_space<semaphore_mem>>)
      %scan3A_233 = arith.constant 0 : i32
      %scan3A_234 = arith.constant 24 : i32
      %scan3A_235 = arith.addi %scan3A_233, %scan3A_234 : i32
      %scan3A_236 = arith.constant 1 : i32
      scf.for %scan3A_238 = %scan3A_233 to %scan3A_235 step %scan3A_236  : i32 {
        %mul3A_239 = arith.constant 4 : i32
        %mul3A_240 = arith.muli %scan3A_238, %mul3A_239 : i32
        %add3A_241 = arith.constant 0 : i32
        %add3A_242 = arith.addi %mul3A_240, %add3A_241 : i32
        %dma_wait3A = arith.constant 0 : i32
        %dma_wait3A_243 = arith.constant 0 : i32
        %dma_wait3A_244 = tpu.memref_slice %arg7[%dma_wait3A, %dma_wait3A_243] : memref<4x1536xf32, #tpu.memory_space<vmem>> -> memref<1x1536xf32, #tpu.memory_space<vmem>>
        %dma_wait3A_245 = tpu.memref_squeeze %dma_wait3A_244 : memref<1x1536xf32, #tpu.memory_space<vmem>> -> memref<1536xf32, #tpu.memory_space<vmem>>
        %dma_wait3A_246 = arith.constant 0 : i32
        %dma_wait3A_247 = tpu.memref_slice %arg2[%add3A_59, %dma_wait3A_246] : memref<384x147456xf32, #tpu.memory_space<hbm>> -> memref<1x1536xf32, #tpu.memory_space<hbm>>
        %dma_wait3A_248 = tpu.memref_squeeze %dma_wait3A_247 : memref<1x1536xf32, #tpu.memory_space<hbm>> -> memref<1536xf32, #tpu.memory_space<hbm>>
        %dma_wait3A_249 = arith.constant 0 : i32
        %dma_wait3A_250 = tpu.memref_slice %arg7[%dma_wait3A, %dma_wait3A_249] : memref<4x1536xf32, #tpu.memory_space<vmem>> -> memref<1x1536xf32, #tpu.memory_space<vmem>>
        %dma_wait3A_251 = tpu.memref_squeeze %dma_wait3A_250 : memref<1x1536xf32, #tpu.memory_space<vmem>> -> memref<1536xf32, #tpu.memory_space<vmem>>
        %dma_wait3A_252 = arith.constant 0 : i32
        %dma_wait3A_253 = tpu.memref_slice %arg2[%add3A_59, %dma_wait3A_252] : memref<384x147456xf32, #tpu.memory_space<hbm>> -> memref<1x1536xf32, #tpu.memory_space<hbm>>
        %dma_wait3A_254 = tpu.memref_squeeze %dma_wait3A_253 : memref<1x1536xf32, #tpu.memory_space<hbm>> -> memref<1536xf32, #tpu.memory_space<hbm>>
        tpu.wait_dma2 semaphore(%arg10 : memref<!tpu.dma_semaphore, #tpu.memory_space<semaphore_mem>>) src(%dma_wait3A_254 : memref<1536xf32, #tpu.memory_space<hbm>>) dst(%dma_wait3A_251 : memref<1536xf32, #tpu.memory_space<vmem>>)
        %dma_wait3A_255 = arith.constant 0 : i32
        %dma_wait3A_256 = arith.constant 0 : i32
        %dma_wait3A_257 = tpu.memref_slice %arg8[%dma_wait3A_255, %dma_wait3A_256] : memref<4x1536xf32, #tpu.memory_space<vmem>> -> memref<1x1536xf32, #tpu.memory_space<vmem>>
        %dma_wait3A_258 = tpu.memref_squeeze %dma_wait3A_257 : memref<1x1536xf32, #tpu.memory_space<vmem>> -> memref<1536xf32, #tpu.memory_space<vmem>>
        %dma_wait3A_259 = arith.constant 0 : i32
        %dma_wait3A_260 = tpu.memref_slice %arg3[%select_n3A, %dma_wait3A_259] : memref<4x147456xf32, #tpu.memory_space<hbm>> -> memref<1x1536xf32, #tpu.memory_space<hbm>>
        %dma_wait3A_261 = tpu.memref_squeeze %dma_wait3A_260 : memref<1x1536xf32, #tpu.memory_space<hbm>> -> memref<1536xf32, #tpu.memory_space<hbm>>
        %dma_wait3A_262 = arith.constant 0 : i32
        %dma_wait3A_263 = tpu.memref_slice %arg8[%dma_wait3A_255, %dma_wait3A_262] : memref<4x1536xf32, #tpu.memory_space<vmem>> -> memref<1x1536xf32, #tpu.memory_space<vmem>>
        %dma_wait3A_264 = tpu.memref_squeeze %dma_wait3A_263 : memref<1x1536xf32, #tpu.memory_space<vmem>> -> memref<1536xf32, #tpu.memory_space<vmem>>
        %dma_wait3A_265 = arith.constant 0 : i32
        %dma_wait3A_266 = tpu.memref_slice %arg3[%select_n3A, %dma_wait3A_265] : memref<4x147456xf32, #tpu.memory_space<hbm>> -> memref<1x1536xf32, #tpu.memory_space<hbm>>
        %dma_wait3A_267 = tpu.memref_squeeze %dma_wait3A_266 : memref<1x1536xf32, #tpu.memory_space<hbm>> -> memref<1536xf32, #tpu.memory_space<hbm>>
        tpu.wait_dma2 semaphore(%arg10 : memref<!tpu.dma_semaphore, #tpu.memory_space<semaphore_mem>>) src(%dma_wait3A_267 : memref<1536xf32, #tpu.memory_space<hbm>>) dst(%dma_wait3A_264 : memref<1536xf32, #tpu.memory_space<vmem>>)
        %dma_wait3A_268 = arith.constant 0 : i32
        %dma_wait3A_269 = arith.constant 0 : i32
        %dma_wait3A_270 = arith.constant 0 : i32
        %dma_wait3A_271 = tpu.memref_slice %arg9[%dma_wait3A_268, %dma_wait3A_269, %dma_wait3A_270] : memref<4x4x768xf32, #tpu.memory_space<vmem>> -> memref<1x4x768xf32, #tpu.memory_space<vmem>>
        %dma_wait3A_272 = tpu.memref_squeeze %dma_wait3A_271 : memref<1x4x768xf32, #tpu.memory_space<vmem>> -> memref<4x768xf32, #tpu.memory_space<vmem>>
        %dma_wait3A_273 = arith.constant 0 : i32
        %dma_wait3A_274 = arith.constant 0 : i32
        %dma_wait3A_275 = tpu.memref_slice %arg4[%select_n3A, %dma_wait3A_273, %dma_wait3A_274] : memref<4x4x73728xf32, #tpu.memory_space<hbm>> -> memref<1x4x768xf32, #tpu.memory_space<hbm>>
        %dma_wait3A_276 = tpu.memref_squeeze %dma_wait3A_275 : memref<1x4x768xf32, #tpu.memory_space<hbm>> -> memref<4x768xf32, #tpu.memory_space<hbm>>
        %dma_wait3A_277 = arith.constant 0 : i32
        %dma_wait3A_278 = arith.constant 0 : i32
        %dma_wait3A_279 = tpu.memref_slice %arg9[%dma_wait3A_268, %dma_wait3A_277, %dma_wait3A_278] : memref<4x4x768xf32, #tpu.memory_space<vmem>> -> memref<1x4x768xf32, #tpu.memory_space<vmem>>
        %dma_wait3A_280 = tpu.memref_squeeze %dma_wait3A_279 : memref<1x4x768xf32, #tpu.memory_space<vmem>> -> memref<4x768xf32, #tpu.memory_space<vmem>>
        %dma_wait3A_281 = arith.constant 0 : i32
        %dma_wait3A_282 = arith.constant 0 : i32
        %dma_wait3A_283 = tpu.memref_slice %arg4[%select_n3A, %dma_wait3A_281, %dma_wait3A_282] : memref<4x4x73728xf32, #tpu.memory_space<hbm>> -> memref<1x4x768xf32, #tpu.memory_space<hbm>>
        %dma_wait3A_284 = tpu.memref_squeeze %dma_wait3A_283 : memref<1x4x768xf32, #tpu.memory_space<hbm>> -> memref<4x768xf32, #tpu.memory_space<hbm>>
        tpu.wait_dma2 semaphore(%arg10 : memref<!tpu.dma_semaphore, #tpu.memory_space<semaphore_mem>>) src(%dma_wait3A_284 : memref<4x768xf32, #tpu.memory_space<hbm>>) dst(%dma_wait3A_280 : memref<4x768xf32, #tpu.memory_space<vmem>>)
        %parallel_loop3A_285 = arith.constant 0 : i32
        %parallel_loop3A_286 = arith.constant 48 : i32
        %parallel_loop3A_287 = arith.constant 1 : i32
        scf.for %parallel_loop3A_463 = %parallel_loop3A_285 to %parallel_loop3A_286 step %parallel_loop3A_287  : i32 {
          %parallel_loop3A_464 = arith.constant 16 : i32
          %parallel_loop3A_465 = arith.muli %parallel_loop3A_463, %parallel_loop3A_464 : i32
          %parallel_loop3A_466 = arith.constant 0 : i32
          %parallel_loop3A_467 = arith.index_cast %parallel_loop3A_466 : i32 to index
          %parallel_loop3A_468 = arith.index_cast %parallel_loop3A_465 : i32 to index
          %parallel_loop3A_469 = tpu.vector_load %arg8[%parallel_loop3A_467, %parallel_loop3A_468] {strides = array<i32>} : memref<4x1536xf32, #tpu.memory_space<vmem>>, vector<16xf32>,
          %parallel_loop3A_470 = vector.bitcast %parallel_loop3A_469 : vector<16xf32> to vector<16xi32>
          %parallel_loop3A_471 = arith.constant 768 : i32
          %parallel_loop3A_472 = arith.addi %parallel_loop3A_465, %parallel_loop3A_471 : i32
          %parallel_loop3A_473 = arith.constant 0 : i32
          %parallel_loop3A_474 = arith.index_cast %parallel_loop3A_473 : i32 to index
          %parallel_loop3A_475 = arith.index_cast %parallel_loop3A_472 : i32 to index
          %parallel_loop3A_476 = tpu.vector_load %arg8[%parallel_loop3A_474, %parallel_loop3A_475] {strides = array<i32>} : memref<4x1536xf32, #tpu.memory_space<vmem>>, vector<16xf32>,
          %parallel_loop3A_477 = vector.bitcast %parallel_loop3A_476 : vector<16xf32> to vector<16xi32>
          %parallel_loop3A_478 = arith.constant 0 : i32
          %parallel_loop3A_479 = arith.index_cast %parallel_loop3A_478 : i32 to index
          %parallel_loop3A_480 = arith.index_cast %parallel_loop3A_465 : i32 to index
          %parallel_loop3A_481 = tpu.vector_load %arg7[%parallel_loop3A_479, %parallel_loop3A_480] {strides = array<i32>} : memref<4x1536xf32, #tpu.memory_space<vmem>>, vector<16xf32>,
          %parallel_loop3A_482 = arith.constant 768 : i32
          %parallel_loop3A_483 = arith.addi %parallel_loop3A_465, %parallel_loop3A_482 : i32
          %parallel_loop3A_484 = arith.constant 0 : i32
          %parallel_loop3A_485 = arith.index_cast %parallel_loop3A_484 : i32 to index
          %parallel_loop3A_486 = arith.index_cast %parallel_loop3A_483 : i32 to index
          %parallel_loop3A_487 = tpu.vector_load %arg7[%parallel_loop3A_485, %parallel_loop3A_486] {strides = array<i32>} : memref<4x1536xf32, #tpu.memory_space<vmem>>, vector<16xf32>,
          %parallel_loop3A_488 = arith.constant 0 : i32
          %parallel_loop3A_489 = arith.constant 0 : i32
          %parallel_loop3A_490 = arith.index_cast %parallel_loop3A_488 : i32 to index
          %parallel_loop3A_491 = arith.index_cast %parallel_loop3A_489 : i32 to index
          %parallel_loop3A_492 = arith.index_cast %parallel_loop3A_465 : i32 to index
          %parallel_loop3A_493 = tpu.vector_load %arg9[%parallel_loop3A_490, %parallel_loop3A_491, %parallel_loop3A_492] {strides = array<i32>} : memref<4x4x768xf32, #tpu.memory_space<vmem>>, vector<16xf32>,
          %parallel_loop3A_494 = vector.bitcast %parallel_loop3A_493 : vector<16xf32> to vector<32xbf16>
          %parallel_loop3A_495 = tpu.unpack_subelements %parallel_loop3A_494, 0 {pack_format = #tpu.pack_format<interleaved>} : vector<32xbf16> -> vector<16xf32>
          %parallel_loop3A_496 = tpu.unpack_subelements %parallel_loop3A_494, 1 {pack_format = #tpu.pack_format<interleaved>} : vector<32xbf16> -> vector<16xf32>
          %parallel_loop3A_497 = arith.constant 0 : i32
          %parallel_loop3A_498 = arith.subi %parallel_loop3A_497, %mul3A_56 : i32
          %parallel_loop3A_499 = vector.broadcast %parallel_loop3A_498 : i32 to vector<16xi32>
          %parallel_loop3A_500 = arith.addi %parallel_loop3A_470, %parallel_loop3A_499 : vector<16xi32>
          %parallel_loop3A_501 = vector.bitcast %parallel_loop3A_500 : vector<16xi32> to vector<16xi32>
          %parallel_loop3A_502 = arith.constant 73728 : i32
          %parallel_loop3A_503 = vector.broadcast %parallel_loop3A_502 : i32 to vector<16xi32>
          %parallel_loop3A_504 = arith.cmpi ult, %parallel_loop3A_501, %parallel_loop3A_503 : vector<16xi32>
          %parallel_loop3A_505 = arith.mulf %parallel_loop3A_495, %parallel_loop3A_481 : vector<16xf32>
          tpu.vector_store_idx %arg6[%parallel_loop3A_500], %parallel_loop3A_505 masked %parallel_loop3A_504 {add = true} : memref<73728xf32, #tpu.memory_space<vmem>>[vector<16xi32>], vector<16xf32>, vector<16xi1>
          %parallel_loop3A_506 = arith.constant 0 : i32
          %parallel_loop3A_507 = arith.subi %parallel_loop3A_506, %mul3A_56 : i32
          %parallel_loop3A_508 = vector.broadcast %parallel_loop3A_507 : i32 to vector<16xi32>
          %parallel_loop3A_509 = arith.addi %parallel_loop3A_477, %parallel_loop3A_508 : vector<16xi32>
          %parallel_loop3A_510 = vector.bitcast %parallel_loop3A_509 : vector<16xi32> to vector<16xi32>
          %parallel_loop3A_511 = arith.constant 73728 : i32
          %parallel_loop3A_512 = vector.broadcast %parallel_loop3A_511 : i32 to vector<16xi32>
          %parallel_loop3A_513 = arith.cmpi ult, %parallel_loop3A_510, %parallel_loop3A_512 : vector<16xi32>
          %parallel_loop3A_514 = arith.mulf %parallel_loop3A_496, %parallel_loop3A_487 : vector<16xf32>
          tpu.vector_store_idx %arg6[%parallel_loop3A_509], %parallel_loop3A_514 masked %parallel_loop3A_513 {add = true} : memref<73728xf32, #tpu.memory_space<vmem>>[vector<16xi32>], vector<16xf32>, vector<16xi1>
          %parallel_loop3A_515 = arith.constant 0 : i32
          %parallel_loop3A_516 = arith.constant 1 : i32
          %parallel_loop3A_517 = arith.index_cast %parallel_loop3A_515 : i32 to index
          %parallel_loop3A_518 = arith.index_cast %parallel_loop3A_516 : i32 to index
          %parallel_loop3A_519 = arith.index_cast %parallel_loop3A_465 : i32 to index
          %parallel_loop3A_520 = tpu.vector_load %arg9[%parallel_loop3A_517, %parallel_loop3A_518, %parallel_loop3A_519] {strides = array<i32>} : memref<4x4x768xf32, #tpu.memory_space<vmem>>, vector<16xf32>,
          %parallel_loop3A_521 = vector.bitcast %parallel_loop3A_520 : vector<16xf32> to vector<32xbf16>
          %parallel_loop3A_522 = tpu.unpack_subelements %parallel_loop3A_521, 0 {pack_format = #tpu.pack_format<interleaved>} : vector<32xbf16> -> vector<16xf32>
          %parallel_loop3A_523 = tpu.unpack_subelements %parallel_loop3A_521, 1 {pack_format = #tpu.pack_format<interleaved>} : vector<32xbf16> -> vector<16xf32>
          %parallel_loop3A_524 = arith.constant 1 : i32
          %parallel_loop3A_525 = arith.subi %parallel_loop3A_524, %mul3A_56 : i32
          %parallel_loop3A_526 = vector.broadcast %parallel_loop3A_525 : i32 to vector<16xi32>
          %parallel_loop3A_527 = arith.addi %parallel_loop3A_470, %parallel_loop3A_526 : vector<16xi32>
          %parallel_loop3A_528 = vector.bitcast %parallel_loop3A_527 : vector<16xi32> to vector<16xi32>
          %parallel_loop3A_529 = arith.constant 73728 : i32
          %parallel_loop3A_530 = vector.broadcast %parallel_loop3A_529 : i32 to vector<16xi32>
          %parallel_loop3A_531 = arith.cmpi ult, %parallel_loop3A_528, %parallel_loop3A_530 : vector<16xi32>
          %parallel_loop3A_532 = arith.mulf %parallel_loop3A_522, %parallel_loop3A_481 : vector<16xf32>
          tpu.vector_store_idx %arg6[%parallel_loop3A_527], %parallel_loop3A_532 masked %parallel_loop3A_531 {add = true} : memref<73728xf32, #tpu.memory_space<vmem>>[vector<16xi32>], vector<16xf32>, vector<16xi1>
          %parallel_loop3A_533 = arith.constant 1 : i32
          %parallel_loop3A_534 = arith.subi %parallel_loop3A_533, %mul3A_56 : i32
          %parallel_loop3A_535 = vector.broadcast %parallel_loop3A_534 : i32 to vector<16xi32>
          %parallel_loop3A_536 = arith.addi %parallel_loop3A_477, %parallel_loop3A_535 : vector<16xi32>
          %parallel_loop3A_537 = vector.bitcast %parallel_loop3A_536 : vector<16xi32> to vector<16xi32>
          %parallel_loop3A_538 = arith.constant 73728 : i32
          %parallel_loop3A_539 = vector.broadcast %parallel_loop3A_538 : i32 to vector<16xi32>
          %parallel_loop3A_540 = arith.cmpi ult, %parallel_loop3A_537, %parallel_loop3A_539 : vector<16xi32>
          %parallel_loop3A_541 = arith.mulf %parallel_loop3A_523, %parallel_loop3A_487 : vector<16xf32>
          tpu.vector_store_idx %arg6[%parallel_loop3A_536], %parallel_loop3A_541 masked %parallel_loop3A_540 {add = true} : memref<73728xf32, #tpu.memory_space<vmem>>[vector<16xi32>], vector<16xf32>, vector<16xi1>
          %parallel_loop3A_542 = arith.constant 0 : i32
          %parallel_loop3A_543 = arith.constant 2 : i32
          %parallel_loop3A_544 = arith.index_cast %parallel_loop3A_542 : i32 to index
          %parallel_loop3A_545 = arith.index_cast %parallel_loop3A_543 : i32 to index
          %parallel_loop3A_546 = arith.index_cast %parallel_loop3A_465 : i32 to index
          %parallel_loop3A_547 = tpu.vector_load %arg9[%parallel_loop3A_544, %parallel_loop3A_545, %parallel_loop3A_546] {strides = array<i32>} : memref<4x4x768xf32, #tpu.memory_space<vmem>>, vector<16xf32>,
          %parallel_loop3A_548 = vector.bitcast %parallel_loop3A_547 : vector<16xf32> to vector<32xbf16>
          %parallel_loop3A_549 = tpu.unpack_subelements %parallel_loop3A_548, 0 {pack_format = #tpu.pack_format<interleaved>} : vector<32xbf16> -> vector<16xf32>
          %parallel_loop3A_550 = tpu.unpack_subelements %parallel_loop3A_548, 1 {pack_format = #tpu.pack_format<interleaved>} : vector<32xbf16> -> vector<16xf32>
          %parallel_loop3A_551 = arith.constant 384 : i32
          %parallel_loop3A_552 = arith.subi %parallel_loop3A_551, %mul3A_56 : i32
          %parallel_loop3A_553 = vector.broadcast %parallel_loop3A_552 : i32 to vector<16xi32>
          %parallel_loop3A_554 = arith.addi %parallel_loop3A_470, %parallel_loop3A_553 : vector<16xi32>
          %parallel_loop3A_555 = vector.bitcast %parallel_loop3A_554 : vector<16xi32> to vector<16xi32>
          %parallel_loop3A_556 = arith.constant 73728 : i32
          %parallel_loop3A_557 = vector.broadcast %parallel_loop3A_556 : i32 to vector<16xi32>
          %parallel_loop3A_558 = arith.cmpi ult, %parallel_loop3A_555, %parallel_loop3A_557 : vector<16xi32>
          %parallel_loop3A_559 = arith.mulf %parallel_loop3A_549, %parallel_loop3A_481 : vector<16xf32>
          tpu.vector_store_idx %arg6[%parallel_loop3A_554], %parallel_loop3A_559 masked %parallel_loop3A_558 {add = true} : memref<73728xf32, #tpu.memory_space<vmem>>[vector<16xi32>], vector<16xf32>, vector<16xi1>
          %parallel_loop3A_560 = arith.constant 384 : i32
          %parallel_loop3A_561 = arith.subi %parallel_loop3A_560, %mul3A_56 : i32
          %parallel_loop3A_562 = vector.broadcast %parallel_loop3A_561 : i32 to vector<16xi32>
          %parallel_loop3A_563 = arith.addi %parallel_loop3A_477, %parallel_loop3A_562 : vector<16xi32>
          %parallel_loop3A_564 = vector.bitcast %parallel_loop3A_563 : vector<16xi32> to vector<16xi32>
          %parallel_loop3A_565 = arith.constant 73728 : i32
          %parallel_loop3A_566 = vector.broadcast %parallel_loop3A_565 : i32 to vector<16xi32>
          %parallel_loop3A_567 = arith.cmpi ult, %parallel_loop3A_564, %parallel_loop3A_566 : vector<16xi32>
          %parallel_loop3A_568 = arith.mulf %parallel_loop3A_550, %parallel_loop3A_487 : vector<16xf32>
          tpu.vector_store_idx %arg6[%parallel_loop3A_563], %parallel_loop3A_568 masked %parallel_loop3A_567 {add = true} : memref<73728xf32, #tpu.memory_space<vmem>>[vector<16xi32>], vector<16xf32>, vector<16xi1>
          %parallel_loop3A_569 = arith.constant 0 : i32
          %parallel_loop3A_570 = arith.constant 3 : i32
          %parallel_loop3A_571 = arith.index_cast %parallel_loop3A_569 : i32 to index
          %parallel_loop3A_572 = arith.index_cast %parallel_loop3A_570 : i32 to index
          %parallel_loop3A_573 = arith.index_cast %parallel_loop3A_465 : i32 to index
          %parallel_loop3A_574 = tpu.vector_load %arg9[%parallel_loop3A_571, %parallel_loop3A_572, %parallel_loop3A_573] {strides = array<i32>} : memref<4x4x768xf32, #tpu.memory_space<vmem>>, vector<16xf32>,
          %parallel_loop3A_575 = vector.bitcast %parallel_loop3A_574 : vector<16xf32> to vector<32xbf16>
          %parallel_loop3A_576 = tpu.unpack_subelements %parallel_loop3A_575, 0 {pack_format = #tpu.pack_format<interleaved>} : vector<32xbf16> -> vector<16xf32>
          %parallel_loop3A_577 = tpu.unpack_subelements %parallel_loop3A_575, 1 {pack_format = #tpu.pack_format<interleaved>} : vector<32xbf16> -> vector<16xf32>
          %parallel_loop3A_578 = arith.constant 385 : i32
          %parallel_loop3A_579 = arith.subi %parallel_loop3A_578, %mul3A_56 : i32
          %parallel_loop3A_580 = vector.broadcast %parallel_loop3A_579 : i32 to vector<16xi32>
          %parallel_loop3A_581 = arith.addi %parallel_loop3A_470, %parallel_loop3A_580 : vector<16xi32>
          %parallel_loop3A_582 = vector.bitcast %parallel_loop3A_581 : vector<16xi32> to vector<16xi32>
          %parallel_loop3A_583 = arith.constant 73728 : i32
          %parallel_loop3A_584 = vector.broadcast %parallel_loop3A_583 : i32 to vector<16xi32>
          %parallel_loop3A_585 = arith.cmpi ult, %parallel_loop3A_582, %parallel_loop3A_584 : vector<16xi32>
          %parallel_loop3A_586 = arith.mulf %parallel_loop3A_576, %parallel_loop3A_481 : vector<16xf32>
          tpu.vector_store_idx %arg6[%parallel_loop3A_581], %parallel_loop3A_586 masked %parallel_loop3A_585 {add = true} : memref<73728xf32, #tpu.memory_space<vmem>>[vector<16xi32>], vector<16xf32>, vector<16xi1>
          %parallel_loop3A_587 = arith.constant 385 : i32
          %parallel_loop3A_588 = arith.subi %parallel_loop3A_587, %mul3A_56 : i32
          %parallel_loop3A_589 = vector.broadcast %parallel_loop3A_588 : i32 to vector<16xi32>
          %parallel_loop3A_590 = arith.addi %parallel_loop3A_477, %parallel_loop3A_589 : vector<16xi32>
          %parallel_loop3A_591 = vector.bitcast %parallel_loop3A_590 : vector<16xi32> to vector<16xi32>
          %parallel_loop3A_592 = arith.constant 73728 : i32
          %parallel_loop3A_593 = vector.broadcast %parallel_loop3A_592 : i32 to vector<16xi32>
          %parallel_loop3A_594 = arith.cmpi ult, %parallel_loop3A_591, %parallel_loop3A_593 : vector<16xi32>
          %parallel_loop3A_595 = arith.mulf %parallel_loop3A_577, %parallel_loop3A_487 : vector<16xf32>
          tpu.vector_store_idx %arg6[%parallel_loop3A_590], %parallel_loop3A_595 masked %parallel_loop3A_594 {add = true} : memref<73728xf32, #tpu.memory_space<vmem>>[vector<16xi32>], vector<16xf32>, vector<16xi1>
        } {sc.loop_unroll_factor = 4 : i64, sc.parallel_access}
        %add3A_288 = arith.constant 4 : i32
        %add3A_289 = arith.addi %add3A_242, %add3A_288 : i32
        %lt3A = arith.constant 96 : i32
        %lt3A_290 = arith.cmpi slt, %add3A_289, %lt3A : i32
        %convert_element_type3A = arith.extui %lt3A_290 : i1 to i32
        %cond3A = arith.constant 0 : i32
        %cond3A_291 = arith.cmpi ne, %convert_element_type3A, %cond3A : i32
        scf.if %cond3A_291 {
          %mul3A_463 = arith.constant 1536 : i32
          %mul3A_464 = arith.muli %add3A_289, %mul3A_463 : i32
          %dma_start3A_465 = arith.constant 0 : i32
          %dma_start3A_466 = arith.constant 0 : i32
          %dma_start3A_467 = tpu.memref_slice %arg7[%dma_start3A_465, %dma_start3A_466] : memref<4x1536xf32, #tpu.memory_space<vmem>> -> memref<1x1536xf32, #tpu.memory_space<vmem>>
          %dma_start3A_468 = tpu.memref_squeeze %dma_start3A_467 : memref<1x1536xf32, #tpu.memory_space<vmem>> -> memref<1536xf32, #tpu.memory_space<vmem>>
          %dma_start3A_469 = tpu.memref_slice %arg2[%add3A_59, %mul3A_464] : memref<384x147456xf32, #tpu.memory_space<hbm>> -> memref<1x1536xf32, #tpu.memory_space<hbm>>
          %dma_start3A_470 = tpu.memref_squeeze %dma_start3A_469 : memref<1x1536xf32, #tpu.memory_space<hbm>> -> memref<1536xf32, #tpu.memory_space<hbm>>
          %dma_start3A_471 = arith.constant 0 : i32
          %dma_start3A_472 = tpu.memref_slice %arg7[%dma_start3A_465, %dma_start3A_471] : memref<4x1536xf32, #tpu.memory_space<vmem>> -> memref<1x1536xf32, #tpu.memory_space<vmem>>
          %dma_start3A_473 = tpu.memref_squeeze %dma_start3A_472 : memref<1x1536xf32, #tpu.memory_space<vmem>> -> memref<1536xf32, #tpu.memory_space<vmem>>
          %dma_start3A_474 = tpu.memref_slice %arg2[%add3A_59, %mul3A_464] : memref<384x147456xf32, #tpu.memory_space<hbm>> -> memref<1x1536xf32, #tpu.memory_space<hbm>>
          %dma_start3A_475 = tpu.memref_squeeze %dma_start3A_474 : memref<1x1536xf32, #tpu.memory_space<hbm>> -> memref<1536xf32, #tpu.memory_space<hbm>>
          tpu.enqueue_dma source(%dma_start3A_475 : memref<1536xf32, #tpu.memory_space<hbm>>) target(%dma_start3A_473 : memref<1536xf32, #tpu.memory_space<vmem>>) target_semaphore(%arg10 : memref<!tpu.dma_semaphore, #tpu.memory_space<semaphore_mem>>)
          %mul3A_476 = arith.constant 1536 : i32
          %mul3A_477 = arith.muli %add3A_289, %mul3A_476 : i32
          %dma_start3A_478 = arith.constant 0 : i32
          %dma_start3A_479 = arith.constant 0 : i32
          %dma_start3A_480 = tpu.memref_slice %arg8[%dma_start3A_478, %dma_start3A_479] : memref<4x1536xf32, #tpu.memory_space<vmem>> -> memref<1x1536xf32, #tpu.memory_space<vmem>>
          %dma_start3A_481 = tpu.memref_squeeze %dma_start3A_480 : memref<1x1536xf32, #tpu.memory_space<vmem>> -> memref<1536xf32, #tpu.memory_space<vmem>>
          %dma_start3A_482 = tpu.memref_slice %arg3[%select_n3A, %mul3A_477] : memref<4x147456xf32, #tpu.memory_space<hbm>> -> memref<1x1536xf32, #tpu.memory_space<hbm>>
          %dma_start3A_483 = tpu.memref_squeeze %dma_start3A_482 : memref<1x1536xf32, #tpu.memory_space<hbm>> -> memref<1536xf32, #tpu.memory_space<hbm>>
          %dma_start3A_484 = arith.constant 0 : i32
          %dma_start3A_485 = tpu.memref_slice %arg8[%dma_start3A_478, %dma_start3A_484] : memref<4x1536xf32, #tpu.memory_space<vmem>> -> memref<1x1536xf32, #tpu.memory_space<vmem>>
          %dma_start3A_486 = tpu.memref_squeeze %dma_start3A_485 : memref<1x1536xf32, #tpu.memory_space<vmem>> -> memref<1536xf32, #tpu.memory_space<vmem>>
          %dma_start3A_487 = tpu.memref_slice %arg3[%select_n3A, %mul3A_477] : memref<4x147456xf32, #tpu.memory_space<hbm>> -> memref<1x1536xf32, #tpu.memory_space<hbm>>
          %dma_start3A_488 = tpu.memref_squeeze %dma_start3A_487 : memref<1x1536xf32, #tpu.memory_space<hbm>> -> memref<1536xf32, #tpu.memory_space<hbm>>
          tpu.enqueue_dma source(%dma_start3A_488 : memref<1536xf32, #tpu.memory_space<hbm>>) target(%dma_start3A_486 : memref<1536xf32, #tpu.memory_space<vmem>>) target_semaphore(%arg10 : memref<!tpu.dma_semaphore, #tpu.memory_space<semaphore_mem>>)
          %mul3A_489 = arith.constant 768 : i32
          %mul3A_490 = arith.muli %add3A_289, %mul3A_489 : i32
          %dma_start3A_491 = arith.constant 0 : i32
          %dma_start3A_492 = arith.constant 0 : i32
          %dma_start3A_493 = arith.constant 0 : i32
          %dma_start3A_494 = tpu.memref_slice %arg9[%dma_start3A_491, %dma_start3A_492, %dma_start3A_493] : memref<4x4x768xf32, #tpu.memory_space<vmem>> -> memref<1x4x768xf32, #tpu.memory_space<vmem>>
          %dma_start3A_495 = tpu.memref_squeeze %dma_start3A_494 : memref<1x4x768xf32, #tpu.memory_space<vmem>> -> memref<4x768xf32, #tpu.memory_space<vmem>>
          %dma_start3A_496 = arith.constant 0 : i32
          %dma_start3A_497 = tpu.memref_slice %arg4[%select_n3A, %dma_start3A_496, %mul3A_490] : memref<4x4x73728xf32, #tpu.memory_space<hbm>> -> memref<1x4x768xf32, #tpu.memory_space<hbm>>
          %dma_start3A_498 = tpu.memref_squeeze %dma_start3A_497 : memref<1x4x768xf32, #tpu.memory_space<hbm>> -> memref<4x768xf32, #tpu.memory_space<hbm>>
          %dma_start3A_499 = arith.constant 0 : i32
          %dma_start3A_500 = arith.constant 0 : i32
          %dma_start3A_501 = tpu.memref_slice %arg9[%dma_start3A_491, %dma_start3A_499, %dma_start3A_500] : memref<4x4x768xf32, #tpu.memory_space<vmem>> -> memref<1x4x768xf32, #tpu.memory_space<vmem>>
          %dma_start3A_502 = tpu.memref_squeeze %dma_start3A_501 : memref<1x4x768xf32, #tpu.memory_space<vmem>> -> memref<4x768xf32, #tpu.memory_space<vmem>>
          %dma_start3A_503 = arith.constant 0 : i32
          %dma_start3A_504 = tpu.memref_slice %arg4[%select_n3A, %dma_start3A_503, %mul3A_490] : memref<4x4x73728xf32, #tpu.memory_space<hbm>> -> memref<1x4x768xf32, #tpu.memory_space<hbm>>
          %dma_start3A_505 = tpu.memref_squeeze %dma_start3A_504 : memref<1x4x768xf32, #tpu.memory_space<hbm>> -> memref<4x768xf32, #tpu.memory_space<hbm>>
          tpu.enqueue_dma source(%dma_start3A_505 : memref<4x768xf32, #tpu.memory_space<hbm>>) target(%dma_start3A_502 : memref<4x768xf32, #tpu.memory_space<vmem>>) target_semaphore(%arg10 : memref<!tpu.dma_semaphore, #tpu.memory_space<semaphore_mem>>)
        } else {
        }
        %mul3A_292 = arith.constant 4 : i32
        %mul3A_293 = arith.muli %scan3A_238, %mul3A_292 : i32
        %add3A_294 = arith.constant 1 : i32
        %add3A_295 = arith.addi %mul3A_293, %add3A_294 : i32
        %dma_wait3A_296 = arith.constant 1 : i32
        %dma_wait3A_297 = arith.constant 0 : i32
        %dma_wait3A_298 = tpu.memref_slice %arg7[%dma_wait3A_296, %dma_wait3A_297] : memref<4x1536xf32, #tpu.memory_space<vmem>> -> memref<1x1536xf32, #tpu.memory_space<vmem>>
        %dma_wait3A_299 = tpu.memref_squeeze %dma_wait3A_298 : memref<1x1536xf32, #tpu.memory_space<vmem>> -> memref<1536xf32, #tpu.memory_space<vmem>>
        %dma_wait3A_300 = arith.constant 0 : i32
        %dma_wait3A_301 = tpu.memref_slice %arg2[%add3A_59, %dma_wait3A_300] : memref<384x147456xf32, #tpu.memory_space<hbm>> -> memref<1x1536xf32, #tpu.memory_space<hbm>>
        %dma_wait3A_302 = tpu.memref_squeeze %dma_wait3A_301 : memref<1x1536xf32, #tpu.memory_space<hbm>> -> memref<1536xf32, #tpu.memory_space<hbm>>
        %dma_wait3A_303 = arith.constant 0 : i32
        %dma_wait3A_304 = tpu.memref_slice %arg7[%dma_wait3A_296, %dma_wait3A_303] : memref<4x1536xf32, #tpu.memory_space<vmem>> -> memref<1x1536xf32, #tpu.memory_space<vmem>>
        %dma_wait3A_305 = tpu.memref_squeeze %dma_wait3A_304 : memref<1x1536xf32, #tpu.memory_space<vmem>> -> memref<1536xf32, #tpu.memory_space<vmem>>
        %dma_wait3A_306 = arith.constant 0 : i32
        %dma_wait3A_307 = tpu.memref_slice %arg2[%add3A_59, %dma_wait3A_306] : memref<384x147456xf32, #tpu.memory_space<hbm>> -> memref<1x1536xf32, #tpu.memory_space<hbm>>
        %dma_wait3A_308 = tpu.memref_squeeze %dma_wait3A_307 : memref<1x1536xf32, #tpu.memory_space<hbm>> -> memref<1536xf32, #tpu.memory_space<hbm>>
        tpu.wait_dma2 semaphore(%arg11 : memref<!tpu.dma_semaphore, #tpu.memory_space<semaphore_mem>>) src(%dma_wait3A_308 : memref<1536xf32, #tpu.memory_space<hbm>>) dst(%dma_wait3A_305 : memref<1536xf32, #tpu.memory_space<vmem>>)
        %dma_wait3A_309 = arith.constant 1 : i32
        %dma_wait3A_310 = arith.constant 0 : i32
        %dma_wait3A_311 = tpu.memref_slice %arg8[%dma_wait3A_309, %dma_wait3A_310] : memref<4x1536xf32, #tpu.memory_space<vmem>> -> memref<1x1536xf32, #tpu.memory_space<vmem>>
        %dma_wait3A_312 = tpu.memref_squeeze %dma_wait3A_311 : memref<1x1536xf32, #tpu.memory_space<vmem>> -> memref<1536xf32, #tpu.memory_space<vmem>>
        %dma_wait3A_313 = arith.constant 0 : i32
        %dma_wait3A_314 = tpu.memref_slice %arg3[%select_n3A, %dma_wait3A_313] : memref<4x147456xf32, #tpu.memory_space<hbm>> -> memref<1x1536xf32, #tpu.memory_space<hbm>>
        %dma_wait3A_315 = tpu.memref_squeeze %dma_wait3A_314 : memref<1x1536xf32, #tpu.memory_space<hbm>> -> memref<1536xf32, #tpu.memory_space<hbm>>
        %dma_wait3A_316 = arith.constant 0 : i32
        %dma_wait3A_317 = tpu.memref_slice %arg8[%dma_wait3A_309, %dma_wait3A_316] : memref<4x1536xf32, #tpu.memory_space<vmem>> -> memref<1x1536xf32, #tpu.memory_space<vmem>>
        %dma_wait3A_318 = tpu.memref_squeeze %dma_wait3A_317 : memref<1x1536xf32, #tpu.memory_space<vmem>> -> memref<1536xf32, #tpu.memory_space<vmem>>
        %dma_wait3A_319 = arith.constant 0 : i32
        %dma_wait3A_320 = tpu.memref_slice %arg3[%select_n3A, %dma_wait3A_319] : memref<4x147456xf32, #tpu.memory_space<hbm>> -> memref<1x1536xf32, #tpu.memory_space<hbm>>
        %dma_wait3A_321 = tpu.memref_squeeze %dma_wait3A_320 : memref<1x1536xf32, #tpu.memory_space<hbm>> -> memref<1536xf32, #tpu.memory_space<hbm>>
        tpu.wait_dma2 semaphore(%arg11 : memref<!tpu.dma_semaphore, #tpu.memory_space<semaphore_mem>>) src(%dma_wait3A_321 : memref<1536xf32, #tpu.memory_space<hbm>>) dst(%dma_wait3A_318 : memref<1536xf32, #tpu.memory_space<vmem>>)
        %dma_wait3A_322 = arith.constant 1 : i32
        %dma_wait3A_323 = arith.constant 0 : i32
        %dma_wait3A_324 = arith.constant 0 : i32
        %dma_wait3A_325 = tpu.memref_slice %arg9[%dma_wait3A_322, %dma_wait3A_323, %dma_wait3A_324] : memref<4x4x768xf32, #tpu.memory_space<vmem>> -> memref<1x4x768xf32, #tpu.memory_space<vmem>>
        %dma_wait3A_326 = tpu.memref_squeeze %dma_wait3A_325 : memref<1x4x768xf32, #tpu.memory_space<vmem>> -> memref<4x768xf32, #tpu.memory_space<vmem>>
        %dma_wait3A_327 = arith.constant 0 : i32
        %dma_wait3A_328 = arith.constant 0 : i32
        %dma_wait3A_329 = tpu.memref_slice %arg4[%select_n3A, %dma_wait3A_327, %dma_wait3A_328] : memref<4x4x73728xf32, #tpu.memory_space<hbm>> -> memref<1x4x768xf32, #tpu.memory_space<hbm>>
        %dma_wait3A_330 = tpu.memref_squeeze %dma_wait3A_329 : memref<1x4x768xf32, #tpu.memory_space<hbm>> -> memref<4x768xf32, #tpu.memory_space<hbm>>
        %dma_wait3A_331 = arith.constant 0 : i32
        %dma_wait3A_332 = arith.constant 0 : i32
        %dma_wait3A_333 = tpu.memref_slice %arg9[%dma_wait3A_322, %dma_wait3A_331, %dma_wait3A_332] : memref<4x4x768xf32, #tpu.memory_space<vmem>> -> memref<1x4x768xf32, #tpu.memory_space<vmem>>
        %dma_wait3A_334 = tpu.memref_squeeze %dma_wait3A_333 : memref<1x4x768xf32, #tpu.memory_space<vmem>> -> memref<4x768xf32, #tpu.memory_space<vmem>>
        %dma_wait3A_335 = arith.constant 0 : i32
        %dma_wait3A_336 = arith.constant 0 : i32
        %dma_wait3A_337 = tpu.memref_slice %arg4[%select_n3A, %dma_wait3A_335, %dma_wait3A_336] : memref<4x4x73728xf32, #tpu.memory_space<hbm>> -> memref<1x4x768xf32, #tpu.memory_space<hbm>>
        %dma_wait3A_338 = tpu.memref_squeeze %dma_wait3A_337 : memref<1x4x768xf32, #tpu.memory_space<hbm>> -> memref<4x768xf32, #tpu.memory_space<hbm>>
        tpu.wait_dma2 semaphore(%arg11 : memref<!tpu.dma_semaphore, #tpu.memory_space<semaphore_mem>>) src(%dma_wait3A_338 : memref<4x768xf32, #tpu.memory_space<hbm>>) dst(%dma_wait3A_334 : memref<4x768xf32, #tpu.memory_space<vmem>>)
        %parallel_loop3A_339 = arith.constant 0 : i32
        %parallel_loop3A_340 = arith.constant 48 : i32
        %parallel_loop3A_341 = arith.constant 1 : i32
        scf.for %parallel_loop3A_463 = %parallel_loop3A_339 to %parallel_loop3A_340 step %parallel_loop3A_341  : i32 {
          %parallel_loop3A_464 = arith.constant 16 : i32
          %parallel_loop3A_465 = arith.muli %parallel_loop3A_463, %parallel_loop3A_464 : i32
          %parallel_loop3A_466 = arith.constant 1 : i32
          %parallel_loop3A_467 = arith.index_cast %parallel_loop3A_466 : i32 to index
          %parallel_loop3A_468 = arith.index_cast %parallel_loop3A_465 : i32 to index
          %parallel_loop3A_469 = tpu.vector_load %arg8[%parallel_loop3A_467, %parallel_loop3A_468] {strides = array<i32>} : memref<4x1536xf32, #tpu.memory_space<vmem>>, vector<16xf32>,
          %parallel_loop3A_470 = vector.bitcast %parallel_loop3A_469 : vector<16xf32> to vector<16xi32>
          %parallel_loop3A_471 = arith.constant 768 : i32
          %parallel_loop3A_472 = arith.addi %parallel_loop3A_465, %parallel_loop3A_471 : i32
          %parallel_loop3A_473 = arith.constant 1 : i32
          %parallel_loop3A_474 = arith.index_cast %parallel_loop3A_473 : i32 to index
          %parallel_loop3A_475 = arith.index_cast %parallel_loop3A_472 : i32 to index
          %parallel_loop3A_476 = tpu.vector_load %arg8[%parallel_loop3A_474, %parallel_loop3A_475] {strides = array<i32>} : memref<4x1536xf32, #tpu.memory_space<vmem>>, vector<16xf32>,
          %parallel_loop3A_477 = vector.bitcast %parallel_loop3A_476 : vector<16xf32> to vector<16xi32>
          %parallel_loop3A_478 = arith.constant 1 : i32
          %parallel_loop3A_479 = arith.index_cast %parallel_loop3A_478 : i32 to index
          %parallel_loop3A_480 = arith.index_cast %parallel_loop3A_465 : i32 to index
          %parallel_loop3A_481 = tpu.vector_load %arg7[%parallel_loop3A_479, %parallel_loop3A_480] {strides = array<i32>} : memref<4x1536xf32, #tpu.memory_space<vmem>>, vector<16xf32>,
          %parallel_loop3A_482 = arith.constant 768 : i32
          %parallel_loop3A_483 = arith.addi %parallel_loop3A_465, %parallel_loop3A_482 : i32
          %parallel_loop3A_484 = arith.constant 1 : i32
          %parallel_loop3A_485 = arith.index_cast %parallel_loop3A_484 : i32 to index
          %parallel_loop3A_486 = arith.index_cast %parallel_loop3A_483 : i32 to index
          %parallel_loop3A_487 = tpu.vector_load %arg7[%parallel_loop3A_485, %parallel_loop3A_486] {strides = array<i32>} : memref<4x1536xf32, #tpu.memory_space<vmem>>, vector<16xf32>,
          %parallel_loop3A_488 = arith.constant 1 : i32
          %parallel_loop3A_489 = arith.constant 0 : i32
          %parallel_loop3A_490 = arith.index_cast %parallel_loop3A_488 : i32 to index
          %parallel_loop3A_491 = arith.index_cast %parallel_loop3A_489 : i32 to index
          %parallel_loop3A_492 = arith.index_cast %parallel_loop3A_465 : i32 to index
          %parallel_loop3A_493 = tpu.vector_load %arg9[%parallel_loop3A_490, %parallel_loop3A_491, %parallel_loop3A_492] {strides = array<i32>} : memref<4x4x768xf32, #tpu.memory_space<vmem>>, vector<16xf32>,
          %parallel_loop3A_494 = vector.bitcast %parallel_loop3A_493 : vector<16xf32> to vector<32xbf16>
          %parallel_loop3A_495 = tpu.unpack_subelements %parallel_loop3A_494, 0 {pack_format = #tpu.pack_format<interleaved>} : vector<32xbf16> -> vector<16xf32>
          %parallel_loop3A_496 = tpu.unpack_subelements %parallel_loop3A_494, 1 {pack_format = #tpu.pack_format<interleaved>} : vector<32xbf16> -> vector<16xf32>
          %parallel_loop3A_497 = arith.constant 0 : i32
          %parallel_loop3A_498 = arith.subi %parallel_loop3A_497, %mul3A_56 : i32
          %parallel_loop3A_499 = vector.broadcast %parallel_loop3A_498 : i32 to vector<16xi32>
          %parallel_loop3A_500 = arith.addi %parallel_loop3A_470, %parallel_loop3A_499 : vector<16xi32>
          %parallel_loop3A_501 = vector.bitcast %parallel_loop3A_500 : vector<16xi32> to vector<16xi32>
          %parallel_loop3A_502 = arith.constant 73728 : i32
          %parallel_loop3A_503 = vector.broadcast %parallel_loop3A_502 : i32 to vector<16xi32>
          %parallel_loop3A_504 = arith.cmpi ult, %parallel_loop3A_501, %parallel_loop3A_503 : vector<16xi32>
          %parallel_loop3A_505 = arith.mulf %parallel_loop3A_495, %parallel_loop3A_481 : vector<16xf32>
          tpu.vector_store_idx %arg6[%parallel_loop3A_500], %parallel_loop3A_505 masked %parallel_loop3A_504 {add = true} : memref<73728xf32, #tpu.memory_space<vmem>>[vector<16xi32>], vector<16xf32>, vector<16xi1>
          %parallel_loop3A_506 = arith.constant 0 : i32
          %parallel_loop3A_507 = arith.subi %parallel_loop3A_506, %mul3A_56 : i32
          %parallel_loop3A_508 = vector.broadcast %parallel_loop3A_507 : i32 to vector<16xi32>
          %parallel_loop3A_509 = arith.addi %parallel_loop3A_477, %parallel_loop3A_508 : vector<16xi32>
          %parallel_loop3A_510 = vector.bitcast %parallel_loop3A_509 : vector<16xi32> to vector<16xi32>
          %parallel_loop3A_511 = arith.constant 73728 : i32
          %parallel_loop3A_512 = vector.broadcast %parallel_loop3A_511 : i32 to vector<16xi32>
          %parallel_loop3A_513 = arith.cmpi ult, %parallel_loop3A_510, %parallel_loop3A_512 : vector<16xi32>
          %parallel_loop3A_514 = arith.mulf %parallel_loop3A_496, %parallel_loop3A_487 : vector<16xf32>
          tpu.vector_store_idx %arg6[%parallel_loop3A_509], %parallel_loop3A_514 masked %parallel_loop3A_513 {add = true} : memref<73728xf32, #tpu.memory_space<vmem>>[vector<16xi32>], vector<16xf32>, vector<16xi1>
          %parallel_loop3A_515 = arith.constant 1 : i32
          %parallel_loop3A_516 = arith.constant 1 : i32
          %parallel_loop3A_517 = arith.index_cast %parallel_loop3A_515 : i32 to index
          %parallel_loop3A_518 = arith.index_cast %parallel_loop3A_516 : i32 to index
          %parallel_loop3A_519 = arith.index_cast %parallel_loop3A_465 : i32 to index
          %parallel_loop3A_520 = tpu.vector_load %arg9[%parallel_loop3A_517, %parallel_loop3A_518, %parallel_loop3A_519] {strides = array<i32>} : memref<4x4x768xf32, #tpu.memory_space<vmem>>, vector<16xf32>,
          %parallel_loop3A_521 = vector.bitcast %parallel_loop3A_520 : vector<16xf32> to vector<32xbf16>
          %parallel_loop3A_522 = tpu.unpack_subelements %parallel_loop3A_521, 0 {pack_format = #tpu.pack_format<interleaved>} : vector<32xbf16> -> vector<16xf32>
          %parallel_loop3A_523 = tpu.unpack_subelements %parallel_loop3A_521, 1 {pack_format = #tpu.pack_format<interleaved>} : vector<32xbf16> -> vector<16xf32>
          %parallel_loop3A_524 = arith.constant 1 : i32
          %parallel_loop3A_525 = arith.subi %parallel_loop3A_524, %mul3A_56 : i32
          %parallel_loop3A_526 = vector.broadcast %parallel_loop3A_525 : i32 to vector<16xi32>
          %parallel_loop3A_527 = arith.addi %parallel_loop3A_470, %parallel_loop3A_526 : vector<16xi32>
          %parallel_loop3A_528 = vector.bitcast %parallel_loop3A_527 : vector<16xi32> to vector<16xi32>
          %parallel_loop3A_529 = arith.constant 73728 : i32
          %parallel_loop3A_530 = vector.broadcast %parallel_loop3A_529 : i32 to vector<16xi32>
          %parallel_loop3A_531 = arith.cmpi ult, %parallel_loop3A_528, %parallel_loop3A_530 : vector<16xi32>
          %parallel_loop3A_532 = arith.mulf %parallel_loop3A_522, %parallel_loop3A_481 : vector<16xf32>
          tpu.vector_store_idx %arg6[%parallel_loop3A_527], %parallel_loop3A_532 masked %parallel_loop3A_531 {add = true} : memref<73728xf32, #tpu.memory_space<vmem>>[vector<16xi32>], vector<16xf32>, vector<16xi1>
          %parallel_loop3A_533 = arith.constant 1 : i32
          %parallel_loop3A_534 = arith.subi %parallel_loop3A_533, %mul3A_56 : i32
          %parallel_loop3A_535 = vector.broadcast %parallel_loop3A_534 : i32 to vector<16xi32>
          %parallel_loop3A_536 = arith.addi %parallel_loop3A_477, %parallel_loop3A_535 : vector<16xi32>
          %parallel_loop3A_537 = vector.bitcast %parallel_loop3A_536 : vector<16xi32> to vector<16xi32>
          %parallel_loop3A_538 = arith.constant 73728 : i32
          %parallel_loop3A_539 = vector.broadcast %parallel_loop3A_538 : i32 to vector<16xi32>
          %parallel_loop3A_540 = arith.cmpi ult, %parallel_loop3A_537, %parallel_loop3A_539 : vector<16xi32>
          %parallel_loop3A_541 = arith.mulf %parallel_loop3A_523, %parallel_loop3A_487 : vector<16xf32>
          tpu.vector_store_idx %arg6[%parallel_loop3A_536], %parallel_loop3A_541 masked %parallel_loop3A_540 {add = true} : memref<73728xf32, #tpu.memory_space<vmem>>[vector<16xi32>], vector<16xf32>, vector<16xi1>
          %parallel_loop3A_542 = arith.constant 1 : i32
          %parallel_loop3A_543 = arith.constant 2 : i32
          %parallel_loop3A_544 = arith.index_cast %parallel_loop3A_542 : i32 to index
          %parallel_loop3A_545 = arith.index_cast %parallel_loop3A_543 : i32 to index
          %parallel_loop3A_546 = arith.index_cast %parallel_loop3A_465 : i32 to index
          %parallel_loop3A_547 = tpu.vector_load %arg9[%parallel_loop3A_544, %parallel_loop3A_545, %parallel_loop3A_546] {strides = array<i32>} : memref<4x4x768xf32, #tpu.memory_space<vmem>>, vector<16xf32>,
          %parallel_loop3A_548 = vector.bitcast %parallel_loop3A_547 : vector<16xf32> to vector<32xbf16>
          %parallel_loop3A_549 = tpu.unpack_subelements %parallel_loop3A_548, 0 {pack_format = #tpu.pack_format<interleaved>} : vector<32xbf16> -> vector<16xf32>
          %parallel_loop3A_550 = tpu.unpack_subelements %parallel_loop3A_548, 1 {pack_format = #tpu.pack_format<interleaved>} : vector<32xbf16> -> vector<16xf32>
          %parallel_loop3A_551 = arith.constant 384 : i32
          %parallel_loop3A_552 = arith.subi %parallel_loop3A_551, %mul3A_56 : i32
          %parallel_loop3A_553 = vector.broadcast %parallel_loop3A_552 : i32 to vector<16xi32>
          %parallel_loop3A_554 = arith.addi %parallel_loop3A_470, %parallel_loop3A_553 : vector<16xi32>
          %parallel_loop3A_555 = vector.bitcast %parallel_loop3A_554 : vector<16xi32> to vector<16xi32>
          %parallel_loop3A_556 = arith.constant 73728 : i32
          %parallel_loop3A_557 = vector.broadcast %parallel_loop3A_556 : i32 to vector<16xi32>
          %parallel_loop3A_558 = arith.cmpi ult, %parallel_loop3A_555, %parallel_loop3A_557 : vector<16xi32>
          %parallel_loop3A_559 = arith.mulf %parallel_loop3A_549, %parallel_loop3A_481 : vector<16xf32>
          tpu.vector_store_idx %arg6[%parallel_loop3A_554], %parallel_loop3A_559 masked %parallel_loop3A_558 {add = true} : memref<73728xf32, #tpu.memory_space<vmem>>[vector<16xi32>], vector<16xf32>, vector<16xi1>
          %parallel_loop3A_560 = arith.constant 384 : i32
          %parallel_loop3A_561 = arith.subi %parallel_loop3A_560, %mul3A_56 : i32
          %parallel_loop3A_562 = vector.broadcast %parallel_loop3A_561 : i32 to vector<16xi32>
          %parallel_loop3A_563 = arith.addi %parallel_loop3A_477, %parallel_loop3A_562 : vector<16xi32>
          %parallel_loop3A_564 = vector.bitcast %parallel_loop3A_563 : vector<16xi32> to vector<16xi32>
          %parallel_loop3A_565 = arith.constant 73728 : i32
          %parallel_loop3A_566 = vector.broadcast %parallel_loop3A_565 : i32 to vector<16xi32>
          %parallel_loop3A_567 = arith.cmpi ult, %parallel_loop3A_564, %parallel_loop3A_566 : vector<16xi32>
          %parallel_loop3A_568 = arith.mulf %parallel_loop3A_550, %parallel_loop3A_487 : vector<16xf32>
          tpu.vector_store_idx %arg6[%parallel_loop3A_563], %parallel_loop3A_568 masked %parallel_loop3A_567 {add = true} : memref<73728xf32, #tpu.memory_space<vmem>>[vector<16xi32>], vector<16xf32>, vector<16xi1>
          %parallel_loop3A_569 = arith.constant 1 : i32
          %parallel_loop3A_570 = arith.constant 3 : i32
          %parallel_loop3A_571 = arith.index_cast %parallel_loop3A_569 : i32 to index
          %parallel_loop3A_572 = arith.index_cast %parallel_loop3A_570 : i32 to index
          %parallel_loop3A_573 = arith.index_cast %parallel_loop3A_465 : i32 to index
          %parallel_loop3A_574 = tpu.vector_load %arg9[%parallel_loop3A_571, %parallel_loop3A_572, %parallel_loop3A_573] {strides = array<i32>} : memref<4x4x768xf32, #tpu.memory_space<vmem>>, vector<16xf32>,
          %parallel_loop3A_575 = vector.bitcast %parallel_loop3A_574 : vector<16xf32> to vector<32xbf16>
          %parallel_loop3A_576 = tpu.unpack_subelements %parallel_loop3A_575, 0 {pack_format = #tpu.pack_format<interleaved>} : vector<32xbf16> -> vector<16xf32>
          %parallel_loop3A_577 = tpu.unpack_subelements %parallel_loop3A_575, 1 {pack_format = #tpu.pack_format<interleaved>} : vector<32xbf16> -> vector<16xf32>
          %parallel_loop3A_578 = arith.constant 385 : i32
          %parallel_loop3A_579 = arith.subi %parallel_loop3A_578, %mul3A_56 : i32
          %parallel_loop3A_580 = vector.broadcast %parallel_loop3A_579 : i32 to vector<16xi32>
          %parallel_loop3A_581 = arith.addi %parallel_loop3A_470, %parallel_loop3A_580 : vector<16xi32>
          %parallel_loop3A_582 = vector.bitcast %parallel_loop3A_581 : vector<16xi32> to vector<16xi32>
          %parallel_loop3A_583 = arith.constant 73728 : i32
          %parallel_loop3A_584 = vector.broadcast %parallel_loop3A_583 : i32 to vector<16xi32>
          %parallel_loop3A_585 = arith.cmpi ult, %parallel_loop3A_582, %parallel_loop3A_584 : vector<16xi32>
          %parallel_loop3A_586 = arith.mulf %parallel_loop3A_576, %parallel_loop3A_481 : vector<16xf32>
          tpu.vector_store_idx %arg6[%parallel_loop3A_581], %parallel_loop3A_586 masked %parallel_loop3A_585 {add = true} : memref<73728xf32, #tpu.memory_space<vmem>>[vector<16xi32>], vector<16xf32>, vector<16xi1>
          %parallel_loop3A_587 = arith.constant 385 : i32
          %parallel_loop3A_588 = arith.subi %parallel_loop3A_587, %mul3A_56 : i32
          %parallel_loop3A_589 = vector.broadcast %parallel_loop3A_588 : i32 to vector<16xi32>
          %parallel_loop3A_590 = arith.addi %parallel_loop3A_477, %parallel_loop3A_589 : vector<16xi32>
          %parallel_loop3A_591 = vector.bitcast %parallel_loop3A_590 : vector<16xi32> to vector<16xi32>
          %parallel_loop3A_592 = arith.constant 73728 : i32
          %parallel_loop3A_593 = vector.broadcast %parallel_loop3A_592 : i32 to vector<16xi32>
          %parallel_loop3A_594 = arith.cmpi ult, %parallel_loop3A_591, %parallel_loop3A_593 : vector<16xi32>
          %parallel_loop3A_595 = arith.mulf %parallel_loop3A_577, %parallel_loop3A_487 : vector<16xf32>
          tpu.vector_store_idx %arg6[%parallel_loop3A_590], %parallel_loop3A_595 masked %parallel_loop3A_594 {add = true} : memref<73728xf32, #tpu.memory_space<vmem>>[vector<16xi32>], vector<16xf32>, vector<16xi1>
        } {sc.loop_unroll_factor = 4 : i64, sc.parallel_access}
        %add3A_342 = arith.constant 4 : i32
        %add3A_343 = arith.addi %add3A_295, %add3A_342 : i32
        %lt3A_344 = arith.constant 96 : i32
        %lt3A_345 = arith.cmpi slt, %add3A_343, %lt3A_344 : i32
        %convert_element_type3A_346 = arith.extui %lt3A_345 : i1 to i32
        %cond3A_347 = arith.constant 0 : i32
        %cond3A_348 = arith.cmpi ne, %convert_element_type3A_346, %cond3A_347 : i32
        scf.if %cond3A_348 {
          %mul3A_463 = arith.constant 1536 : i32
          %mul3A_464 = arith.muli %add3A_343, %mul3A_463 : i32
          %dma_start3A_465 = arith.constant 1 : i32
          %dma_start3A_466 = arith.constant 0 : i32
          %dma_start3A_467 = tpu.memref_slice %arg7[%dma_start3A_465, %dma_start3A_466] : memref<4x1536xf32, #tpu.memory_space<vmem>> -> memref<1x1536xf32, #tpu.memory_space<vmem>>
          %dma_start3A_468 = tpu.memref_squeeze %dma_start3A_467 : memref<1x1536xf32, #tpu.memory_space<vmem>> -> memref<1536xf32, #tpu.memory_space<vmem>>
          %dma_start3A_469 = tpu.memref_slice %arg2[%add3A_59, %mul3A_464] : memref<384x147456xf32, #tpu.memory_space<hbm>> -> memref<1x1536xf32, #tpu.memory_space<hbm>>
          %dma_start3A_470 = tpu.memref_squeeze %dma_start3A_469 : memref<1x1536xf32, #tpu.memory_space<hbm>> -> memref<1536xf32, #tpu.memory_space<hbm>>
          %dma_start3A_471 = arith.constant 0 : i32
          %dma_start3A_472 = tpu.memref_slice %arg7[%dma_start3A_465, %dma_start3A_471] : memref<4x1536xf32, #tpu.memory_space<vmem>> -> memref<1x1536xf32, #tpu.memory_space<vmem>>
          %dma_start3A_473 = tpu.memref_squeeze %dma_start3A_472 : memref<1x1536xf32, #tpu.memory_space<vmem>> -> memref<1536xf32, #tpu.memory_space<vmem>>
          %dma_start3A_474 = tpu.memref_slice %arg2[%add3A_59, %mul3A_464] : memref<384x147456xf32, #tpu.memory_space<hbm>> -> memref<1x1536xf32, #tpu.memory_space<hbm>>
          %dma_start3A_475 = tpu.memref_squeeze %dma_start3A_474 : memref<1x1536xf32, #tpu.memory_space<hbm>> -> memref<1536xf32, #tpu.memory_space<hbm>>
          tpu.enqueue_dma source(%dma_start3A_475 : memref<1536xf32, #tpu.memory_space<hbm>>) target(%dma_start3A_473 : memref<1536xf32, #tpu.memory_space<vmem>>) target_semaphore(%arg11 : memref<!tpu.dma_semaphore, #tpu.memory_space<semaphore_mem>>)
          %mul3A_476 = arith.constant 1536 : i32
          %mul3A_477 = arith.muli %add3A_343, %mul3A_476 : i32
          %dma_start3A_478 = arith.constant 1 : i32
          %dma_start3A_479 = arith.constant 0 : i32
          %dma_start3A_480 = tpu.memref_slice %arg8[%dma_start3A_478, %dma_start3A_479] : memref<4x1536xf32, #tpu.memory_space<vmem>> -> memref<1x1536xf32, #tpu.memory_space<vmem>>
          %dma_start3A_481 = tpu.memref_squeeze %dma_start3A_480 : memref<1x1536xf32, #tpu.memory_space<vmem>> -> memref<1536xf32, #tpu.memory_space<vmem>>
          %dma_start3A_482 = tpu.memref_slice %arg3[%select_n3A, %mul3A_477] : memref<4x147456xf32, #tpu.memory_space<hbm>> -> memref<1x1536xf32, #tpu.memory_space<hbm>>
          %dma_start3A_483 = tpu.memref_squeeze %dma_start3A_482 : memref<1x1536xf32, #tpu.memory_space<hbm>> -> memref<1536xf32, #tpu.memory_space<hbm>>
          %dma_start3A_484 = arith.constant 0 : i32
          %dma_start3A_485 = tpu.memref_slice %arg8[%dma_start3A_478, %dma_start3A_484] : memref<4x1536xf32, #tpu.memory_space<vmem>> -> memref<1x1536xf32, #tpu.memory_space<vmem>>
          %dma_start3A_486 = tpu.memref_squeeze %dma_start3A_485 : memref<1x1536xf32, #tpu.memory_space<vmem>> -> memref<1536xf32, #tpu.memory_space<vmem>>
          %dma_start3A_487 = tpu.memref_slice %arg3[%select_n3A, %mul3A_477] : memref<4x147456xf32, #tpu.memory_space<hbm>> -> memref<1x1536xf32, #tpu.memory_space<hbm>>
          %dma_start3A_488 = tpu.memref_squeeze %dma_start3A_487 : memref<1x1536xf32, #tpu.memory_space<hbm>> -> memref<1536xf32, #tpu.memory_space<hbm>>
          tpu.enqueue_dma source(%dma_start3A_488 : memref<1536xf32, #tpu.memory_space<hbm>>) target(%dma_start3A_486 : memref<1536xf32, #tpu.memory_space<vmem>>) target_semaphore(%arg11 : memref<!tpu.dma_semaphore, #tpu.memory_space<semaphore_mem>>)
          %mul3A_489 = arith.constant 768 : i32
          %mul3A_490 = arith.muli %add3A_343, %mul3A_489 : i32
          %dma_start3A_491 = arith.constant 1 : i32
          %dma_start3A_492 = arith.constant 0 : i32
          %dma_start3A_493 = arith.constant 0 : i32
          %dma_start3A_494 = tpu.memref_slice %arg9[%dma_start3A_491, %dma_start3A_492, %dma_start3A_493] : memref<4x4x768xf32, #tpu.memory_space<vmem>> -> memref<1x4x768xf32, #tpu.memory_space<vmem>>
          %dma_start3A_495 = tpu.memref_squeeze %dma_start3A_494 : memref<1x4x768xf32, #tpu.memory_space<vmem>> -> memref<4x768xf32, #tpu.memory_space<vmem>>
          %dma_start3A_496 = arith.constant 0 : i32
          %dma_start3A_497 = tpu.memref_slice %arg4[%select_n3A, %dma_start3A_496, %mul3A_490] : memref<4x4x73728xf32, #tpu.memory_space<hbm>> -> memref<1x4x768xf32, #tpu.memory_space<hbm>>
          %dma_start3A_498 = tpu.memref_squeeze %dma_start3A_497 : memref<1x4x768xf32, #tpu.memory_space<hbm>> -> memref<4x768xf32, #tpu.memory_space<hbm>>
          %dma_start3A_499 = arith.constant 0 : i32
          %dma_start3A_500 = arith.constant 0 : i32
          %dma_start3A_501 = tpu.memref_slice %arg9[%dma_start3A_491, %dma_start3A_499, %dma_start3A_500] : memref<4x4x768xf32, #tpu.memory_space<vmem>> -> memref<1x4x768xf32, #tpu.memory_space<vmem>>
          %dma_start3A_502 = tpu.memref_squeeze %dma_start3A_501 : memref<1x4x768xf32, #tpu.memory_space<vmem>> -> memref<4x768xf32, #tpu.memory_space<vmem>>
          %dma_start3A_503 = arith.constant 0 : i32
          %dma_start3A_504 = tpu.memref_slice %arg4[%select_n3A, %dma_start3A_503, %mul3A_490] : memref<4x4x73728xf32, #tpu.memory_space<hbm>> -> memref<1x4x768xf32, #tpu.memory_space<hbm>>
          %dma_start3A_505 = tpu.memref_squeeze %dma_start3A_504 : memref<1x4x768xf32, #tpu.memory_space<hbm>> -> memref<4x768xf32, #tpu.memory_space<hbm>>
          tpu.enqueue_dma source(%dma_start3A_505 : memref<4x768xf32, #tpu.memory_space<hbm>>) target(%dma_start3A_502 : memref<4x768xf32, #tpu.memory_space<vmem>>) target_semaphore(%arg11 : memref<!tpu.dma_semaphore, #tpu.memory_space<semaphore_mem>>)
        } else {
        }
        %mul3A_349 = arith.constant 4 : i32
        %mul3A_350 = arith.muli %scan3A_238, %mul3A_349 : i32
        %add3A_351 = arith.constant 2 : i32
        %add3A_352 = arith.addi %mul3A_350, %add3A_351 : i32
        %dma_wait3A_353 = arith.constant 2 : i32
        %dma_wait3A_354 = arith.constant 0 : i32
        %dma_wait3A_355 = tpu.memref_slice %arg7[%dma_wait3A_353, %dma_wait3A_354] : memref<4x1536xf32, #tpu.memory_space<vmem>> -> memref<1x1536xf32, #tpu.memory_space<vmem>>
        %dma_wait3A_356 = tpu.memref_squeeze %dma_wait3A_355 : memref<1x1536xf32, #tpu.memory_space<vmem>> -> memref<1536xf32, #tpu.memory_space<vmem>>
        %dma_wait3A_357 = arith.constant 0 : i32
        %dma_wait3A_358 = tpu.memref_slice %arg2[%add3A_59, %dma_wait3A_357] : memref<384x147456xf32, #tpu.memory_space<hbm>> -> memref<1x1536xf32, #tpu.memory_space<hbm>>
        %dma_wait3A_359 = tpu.memref_squeeze %dma_wait3A_358 : memref<1x1536xf32, #tpu.memory_space<hbm>> -> memref<1536xf32, #tpu.memory_space<hbm>>
        %dma_wait3A_360 = arith.constant 0 : i32
        %dma_wait3A_361 = tpu.memref_slice %arg7[%dma_wait3A_353, %dma_wait3A_360] : memref<4x1536xf32, #tpu.memory_space<vmem>> -> memref<1x1536xf32, #tpu.memory_space<vmem>>
        %dma_wait3A_362 = tpu.memref_squeeze %dma_wait3A_361 : memref<1x1536xf32, #tpu.memory_space<vmem>> -> memref<1536xf32, #tpu.memory_space<vmem>>
        %dma_wait3A_363 = arith.constant 0 : i32
        %dma_wait3A_364 = tpu.memref_slice %arg2[%add3A_59, %dma_wait3A_363] : memref<384x147456xf32, #tpu.memory_space<hbm>> -> memref<1x1536xf32, #tpu.memory_space<hbm>>
        %dma_wait3A_365 = tpu.memref_squeeze %dma_wait3A_364 : memref<1x1536xf32, #tpu.memory_space<hbm>> -> memref<1536xf32, #tpu.memory_space<hbm>>
        tpu.wait_dma2 semaphore(%arg12 : memref<!tpu.dma_semaphore, #tpu.memory_space<semaphore_mem>>) src(%dma_wait3A_365 : memref<1536xf32, #tpu.memory_space<hbm>>) dst(%dma_wait3A_362 : memref<1536xf32, #tpu.memory_space<vmem>>)
        %dma_wait3A_366 = arith.constant 2 : i32
        %dma_wait3A_367 = arith.constant 0 : i32
        %dma_wait3A_368 = tpu.memref_slice %arg8[%dma_wait3A_366, %dma_wait3A_367] : memref<4x1536xf32, #tpu.memory_space<vmem>> -> memref<1x1536xf32, #tpu.memory_space<vmem>>
        %dma_wait3A_369 = tpu.memref_squeeze %dma_wait3A_368 : memref<1x1536xf32, #tpu.memory_space<vmem>> -> memref<1536xf32, #tpu.memory_space<vmem>>
        %dma_wait3A_370 = arith.constant 0 : i32
        %dma_wait3A_371 = tpu.memref_slice %arg3[%select_n3A, %dma_wait3A_370] : memref<4x147456xf32, #tpu.memory_space<hbm>> -> memref<1x1536xf32, #tpu.memory_space<hbm>>
        %dma_wait3A_372 = tpu.memref_squeeze %dma_wait3A_371 : memref<1x1536xf32, #tpu.memory_space<hbm>> -> memref<1536xf32, #tpu.memory_space<hbm>>
        %dma_wait3A_373 = arith.constant 0 : i32
        %dma_wait3A_374 = tpu.memref_slice %arg8[%dma_wait3A_366, %dma_wait3A_373] : memref<4x1536xf32, #tpu.memory_space<vmem>> -> memref<1x1536xf32, #tpu.memory_space<vmem>>
        %dma_wait3A_375 = tpu.memref_squeeze %dma_wait3A_374 : memref<1x1536xf32, #tpu.memory_space<vmem>> -> memref<1536xf32, #tpu.memory_space<vmem>>
        %dma_wait3A_376 = arith.constant 0 : i32
        %dma_wait3A_377 = tpu.memref_slice %arg3[%select_n3A, %dma_wait3A_376] : memref<4x147456xf32, #tpu.memory_space<hbm>> -> memref<1x1536xf32, #tpu.memory_space<hbm>>
        %dma_wait3A_378 = tpu.memref_squeeze %dma_wait3A_377 : memref<1x1536xf32, #tpu.memory_space<hbm>> -> memref<1536xf32, #tpu.memory_space<hbm>>
        tpu.wait_dma2 semaphore(%arg12 : memref<!tpu.dma_semaphore, #tpu.memory_space<semaphore_mem>>) src(%dma_wait3A_378 : memref<1536xf32, #tpu.memory_space<hbm>>) dst(%dma_wait3A_375 : memref<1536xf32, #tpu.memory_space<vmem>>)
        %dma_wait3A_379 = arith.constant 2 : i32
        %dma_wait3A_380 = arith.constant 0 : i32
        %dma_wait3A_381 = arith.constant 0 : i32
        %dma_wait3A_382 = tpu.memref_slice %arg9[%dma_wait3A_379, %dma_wait3A_380, %dma_wait3A_381] : memref<4x4x768xf32, #tpu.memory_space<vmem>> -> memref<1x4x768xf32, #tpu.memory_space<vmem>>
        %dma_wait3A_383 = tpu.memref_squeeze %dma_wait3A_382 : memref<1x4x768xf32, #tpu.memory_space<vmem>> -> memref<4x768xf32, #tpu.memory_space<vmem>>
        %dma_wait3A_384 = arith.constant 0 : i32
        %dma_wait3A_385 = arith.constant 0 : i32
        %dma_wait3A_386 = tpu.memref_slice %arg4[%select_n3A, %dma_wait3A_384, %dma_wait3A_385] : memref<4x4x73728xf32, #tpu.memory_space<hbm>> -> memref<1x4x768xf32, #tpu.memory_space<hbm>>
        %dma_wait3A_387 = tpu.memref_squeeze %dma_wait3A_386 : memref<1x4x768xf32, #tpu.memory_space<hbm>> -> memref<4x768xf32, #tpu.memory_space<hbm>>
        %dma_wait3A_388 = arith.constant 0 : i32
        %dma_wait3A_389 = arith.constant 0 : i32
        %dma_wait3A_390 = tpu.memref_slice %arg9[%dma_wait3A_379, %dma_wait3A_388, %dma_wait3A_389] : memref<4x4x768xf32, #tpu.memory_space<vmem>> -> memref<1x4x768xf32, #tpu.memory_space<vmem>>
        %dma_wait3A_391 = tpu.memref_squeeze %dma_wait3A_390 : memref<1x4x768xf32, #tpu.memory_space<vmem>> -> memref<4x768xf32, #tpu.memory_space<vmem>>
        %dma_wait3A_392 = arith.constant 0 : i32
        %dma_wait3A_393 = arith.constant 0 : i32
        %dma_wait3A_394 = tpu.memref_slice %arg4[%select_n3A, %dma_wait3A_392, %dma_wait3A_393] : memref<4x4x73728xf32, #tpu.memory_space<hbm>> -> memref<1x4x768xf32, #tpu.memory_space<hbm>>
        %dma_wait3A_395 = tpu.memref_squeeze %dma_wait3A_394 : memref<1x4x768xf32, #tpu.memory_space<hbm>> -> memref<4x768xf32, #tpu.memory_space<hbm>>
        tpu.wait_dma2 semaphore(%arg12 : memref<!tpu.dma_semaphore, #tpu.memory_space<semaphore_mem>>) src(%dma_wait3A_395 : memref<4x768xf32, #tpu.memory_space<hbm>>) dst(%dma_wait3A_391 : memref<4x768xf32, #tpu.memory_space<vmem>>)
        %parallel_loop3A_396 = arith.constant 0 : i32
        %parallel_loop3A_397 = arith.constant 48 : i32
        %parallel_loop3A_398 = arith.constant 1 : i32
        scf.for %parallel_loop3A_463 = %parallel_loop3A_396 to %parallel_loop3A_397 step %parallel_loop3A_398  : i32 {
          %parallel_loop3A_464 = arith.constant 16 : i32
          %parallel_loop3A_465 = arith.muli %parallel_loop3A_463, %parallel_loop3A_464 : i32
          %parallel_loop3A_466 = arith.constant 2 : i32
          %parallel_loop3A_467 = arith.index_cast %parallel_loop3A_466 : i32 to index
          %parallel_loop3A_468 = arith.index_cast %parallel_loop3A_465 : i32 to index
          %parallel_loop3A_469 = tpu.vector_load %arg8[%parallel_loop3A_467, %parallel_loop3A_468] {strides = array<i32>} : memref<4x1536xf32, #tpu.memory_space<vmem>>, vector<16xf32>,
          %parallel_loop3A_470 = vector.bitcast %parallel_loop3A_469 : vector<16xf32> to vector<16xi32>
          %parallel_loop3A_471 = arith.constant 768 : i32
          %parallel_loop3A_472 = arith.addi %parallel_loop3A_465, %parallel_loop3A_471 : i32
          %parallel_loop3A_473 = arith.constant 2 : i32
          %parallel_loop3A_474 = arith.index_cast %parallel_loop3A_473 : i32 to index
          %parallel_loop3A_475 = arith.index_cast %parallel_loop3A_472 : i32 to index
          %parallel_loop3A_476 = tpu.vector_load %arg8[%parallel_loop3A_474, %parallel_loop3A_475] {strides = array<i32>} : memref<4x1536xf32, #tpu.memory_space<vmem>>, vector<16xf32>,
          %parallel_loop3A_477 = vector.bitcast %parallel_loop3A_476 : vector<16xf32> to vector<16xi32>
          %parallel_loop3A_478 = arith.constant 2 : i32
          %parallel_loop3A_479 = arith.index_cast %parallel_loop3A_478 : i32 to index
          %parallel_loop3A_480 = arith.index_cast %parallel_loop3A_465 : i32 to index
          %parallel_loop3A_481 = tpu.vector_load %arg7[%parallel_loop3A_479, %parallel_loop3A_480] {strides = array<i32>} : memref<4x1536xf32, #tpu.memory_space<vmem>>, vector<16xf32>,
          %parallel_loop3A_482 = arith.constant 768 : i32
          %parallel_loop3A_483 = arith.addi %parallel_loop3A_465, %parallel_loop3A_482 : i32
          %parallel_loop3A_484 = arith.constant 2 : i32
          %parallel_loop3A_485 = arith.index_cast %parallel_loop3A_484 : i32 to index
          %parallel_loop3A_486 = arith.index_cast %parallel_loop3A_483 : i32 to index
          %parallel_loop3A_487 = tpu.vector_load %arg7[%parallel_loop3A_485, %parallel_loop3A_486] {strides = array<i32>} : memref<4x1536xf32, #tpu.memory_space<vmem>>, vector<16xf32>,
          %parallel_loop3A_488 = arith.constant 2 : i32
          %parallel_loop3A_489 = arith.constant 0 : i32
          %parallel_loop3A_490 = arith.index_cast %parallel_loop3A_488 : i32 to index
          %parallel_loop3A_491 = arith.index_cast %parallel_loop3A_489 : i32 to index
          %parallel_loop3A_492 = arith.index_cast %parallel_loop3A_465 : i32 to index
          %parallel_loop3A_493 = tpu.vector_load %arg9[%parallel_loop3A_490, %parallel_loop3A_491, %parallel_loop3A_492] {strides = array<i32>} : memref<4x4x768xf32, #tpu.memory_space<vmem>>, vector<16xf32>,
          %parallel_loop3A_494 = vector.bitcast %parallel_loop3A_493 : vector<16xf32> to vector<32xbf16>
          %parallel_loop3A_495 = tpu.unpack_subelements %parallel_loop3A_494, 0 {pack_format = #tpu.pack_format<interleaved>} : vector<32xbf16> -> vector<16xf32>
          %parallel_loop3A_496 = tpu.unpack_subelements %parallel_loop3A_494, 1 {pack_format = #tpu.pack_format<interleaved>} : vector<32xbf16> -> vector<16xf32>
          %parallel_loop3A_497 = arith.constant 0 : i32
          %parallel_loop3A_498 = arith.subi %parallel_loop3A_497, %mul3A_56 : i32
          %parallel_loop3A_499 = vector.broadcast %parallel_loop3A_498 : i32 to vector<16xi32>
          %parallel_loop3A_500 = arith.addi %parallel_loop3A_470, %parallel_loop3A_499 : vector<16xi32>
          %parallel_loop3A_501 = vector.bitcast %parallel_loop3A_500 : vector<16xi32> to vector<16xi32>
          %parallel_loop3A_502 = arith.constant 73728 : i32
          %parallel_loop3A_503 = vector.broadcast %parallel_loop3A_502 : i32 to vector<16xi32>
          %parallel_loop3A_504 = arith.cmpi ult, %parallel_loop3A_501, %parallel_loop3A_503 : vector<16xi32>
          %parallel_loop3A_505 = arith.mulf %parallel_loop3A_495, %parallel_loop3A_481 : vector<16xf32>
          tpu.vector_store_idx %arg6[%parallel_loop3A_500], %parallel_loop3A_505 masked %parallel_loop3A_504 {add = true} : memref<73728xf32, #tpu.memory_space<vmem>>[vector<16xi32>], vector<16xf32>, vector<16xi1>
          %parallel_loop3A_506 = arith.constant 0 : i32
          %parallel_loop3A_507 = arith.subi %parallel_loop3A_506, %mul3A_56 : i32
          %parallel_loop3A_508 = vector.broadcast %parallel_loop3A_507 : i32 to vector<16xi32>
          %parallel_loop3A_509 = arith.addi %parallel_loop3A_477, %parallel_loop3A_508 : vector<16xi32>
          %parallel_loop3A_510 = vector.bitcast %parallel_loop3A_509 : vector<16xi32> to vector<16xi32>
          %parallel_loop3A_511 = arith.constant 73728 : i32
          %parallel_loop3A_512 = vector.broadcast %parallel_loop3A_511 : i32 to vector<16xi32>
          %parallel_loop3A_513 = arith.cmpi ult, %parallel_loop3A_510, %parallel_loop3A_512 : vector<16xi32>
          %parallel_loop3A_514 = arith.mulf %parallel_loop3A_496, %parallel_loop3A_487 : vector<16xf32>
          tpu.vector_store_idx %arg6[%parallel_loop3A_509], %parallel_loop3A_514 masked %parallel_loop3A_513 {add = true} : memref<73728xf32, #tpu.memory_space<vmem>>[vector<16xi32>], vector<16xf32>, vector<16xi1>
          %parallel_loop3A_515 = arith.constant 2 : i32
          %parallel_loop3A_516 = arith.constant 1 : i32
          %parallel_loop3A_517 = arith.index_cast %parallel_loop3A_515 : i32 to index
          %parallel_loop3A_518 = arith.index_cast %parallel_loop3A_516 : i32 to index
          %parallel_loop3A_519 = arith.index_cast %parallel_loop3A_465 : i32 to index
          %parallel_loop3A_520 = tpu.vector_load %arg9[%parallel_loop3A_517, %parallel_loop3A_518, %parallel_loop3A_519] {strides = array<i32>} : memref<4x4x768xf32, #tpu.memory_space<vmem>>, vector<16xf32>,
          %parallel_loop3A_521 = vector.bitcast %parallel_loop3A_520 : vector<16xf32> to vector<32xbf16>
          %parallel_loop3A_522 = tpu.unpack_subelements %parallel_loop3A_521, 0 {pack_format = #tpu.pack_format<interleaved>} : vector<32xbf16> -> vector<16xf32>
          %parallel_loop3A_523 = tpu.unpack_subelements %parallel_loop3A_521, 1 {pack_format = #tpu.pack_format<interleaved>} : vector<32xbf16> -> vector<16xf32>
          %parallel_loop3A_524 = arith.constant 1 : i32
          %parallel_loop3A_525 = arith.subi %parallel_loop3A_524, %mul3A_56 : i32
          %parallel_loop3A_526 = vector.broadcast %parallel_loop3A_525 : i32 to vector<16xi32>
          %parallel_loop3A_527 = arith.addi %parallel_loop3A_470, %parallel_loop3A_526 : vector<16xi32>
          %parallel_loop3A_528 = vector.bitcast %parallel_loop3A_527 : vector<16xi32> to vector<16xi32>
          %parallel_loop3A_529 = arith.constant 73728 : i32
          %parallel_loop3A_530 = vector.broadcast %parallel_loop3A_529 : i32 to vector<16xi32>
          %parallel_loop3A_531 = arith.cmpi ult, %parallel_loop3A_528, %parallel_loop3A_530 : vector<16xi32>
          %parallel_loop3A_532 = arith.mulf %parallel_loop3A_522, %parallel_loop3A_481 : vector<16xf32>
          tpu.vector_store_idx %arg6[%parallel_loop3A_527], %parallel_loop3A_532 masked %parallel_loop3A_531 {add = true} : memref<73728xf32, #tpu.memory_space<vmem>>[vector<16xi32>], vector<16xf32>, vector<16xi1>
          %parallel_loop3A_533 = arith.constant 1 : i32
          %parallel_loop3A_534 = arith.subi %parallel_loop3A_533, %mul3A_56 : i32
          %parallel_loop3A_535 = vector.broadcast %parallel_loop3A_534 : i32 to vector<16xi32>
          %parallel_loop3A_536 = arith.addi %parallel_loop3A_477, %parallel_loop3A_535 : vector<16xi32>
          %parallel_loop3A_537 = vector.bitcast %parallel_loop3A_536 : vector<16xi32> to vector<16xi32>
          %parallel_loop3A_538 = arith.constant 73728 : i32
          %parallel_loop3A_539 = vector.broadcast %parallel_loop3A_538 : i32 to vector<16xi32>
          %parallel_loop3A_540 = arith.cmpi ult, %parallel_loop3A_537, %parallel_loop3A_539 : vector<16xi32>
          %parallel_loop3A_541 = arith.mulf %parallel_loop3A_523, %parallel_loop3A_487 : vector<16xf32>
          tpu.vector_store_idx %arg6[%parallel_loop3A_536], %parallel_loop3A_541 masked %parallel_loop3A_540 {add = true} : memref<73728xf32, #tpu.memory_space<vmem>>[vector<16xi32>], vector<16xf32>, vector<16xi1>
          %parallel_loop3A_542 = arith.constant 2 : i32
          %parallel_loop3A_543 = arith.constant 2 : i32
          %parallel_loop3A_544 = arith.index_cast %parallel_loop3A_542 : i32 to index
          %parallel_loop3A_545 = arith.index_cast %parallel_loop3A_543 : i32 to index
          %parallel_loop3A_546 = arith.index_cast %parallel_loop3A_465 : i32 to index
          %parallel_loop3A_547 = tpu.vector_load %arg9[%parallel_loop3A_544, %parallel_loop3A_545, %parallel_loop3A_546] {strides = array<i32>} : memref<4x4x768xf32, #tpu.memory_space<vmem>>, vector<16xf32>,
          %parallel_loop3A_548 = vector.bitcast %parallel_loop3A_547 : vector<16xf32> to vector<32xbf16>
          %parallel_loop3A_549 = tpu.unpack_subelements %parallel_loop3A_548, 0 {pack_format = #tpu.pack_format<interleaved>} : vector<32xbf16> -> vector<16xf32>
          %parallel_loop3A_550 = tpu.unpack_subelements %parallel_loop3A_548, 1 {pack_format = #tpu.pack_format<interleaved>} : vector<32xbf16> -> vector<16xf32>
          %parallel_loop3A_551 = arith.constant 384 : i32
          %parallel_loop3A_552 = arith.subi %parallel_loop3A_551, %mul3A_56 : i32
          %parallel_loop3A_553 = vector.broadcast %parallel_loop3A_552 : i32 to vector<16xi32>
          %parallel_loop3A_554 = arith.addi %parallel_loop3A_470, %parallel_loop3A_553 : vector<16xi32>
          %parallel_loop3A_555 = vector.bitcast %parallel_loop3A_554 : vector<16xi32> to vector<16xi32>
          %parallel_loop3A_556 = arith.constant 73728 : i32
          %parallel_loop3A_557 = vector.broadcast %parallel_loop3A_556 : i32 to vector<16xi32>
          %parallel_loop3A_558 = arith.cmpi ult, %parallel_loop3A_555, %parallel_loop3A_557 : vector<16xi32>
          %parallel_loop3A_559 = arith.mulf %parallel_loop3A_549, %parallel_loop3A_481 : vector<16xf32>
          tpu.vector_store_idx %arg6[%parallel_loop3A_554], %parallel_loop3A_559 masked %parallel_loop3A_558 {add = true} : memref<73728xf32, #tpu.memory_space<vmem>>[vector<16xi32>], vector<16xf32>, vector<16xi1>
          %parallel_loop3A_560 = arith.constant 384 : i32
          %parallel_loop3A_561 = arith.subi %parallel_loop3A_560, %mul3A_56 : i32
          %parallel_loop3A_562 = vector.broadcast %parallel_loop3A_561 : i32 to vector<16xi32>
          %parallel_loop3A_563 = arith.addi %parallel_loop3A_477, %parallel_loop3A_562 : vector<16xi32>
          %parallel_loop3A_564 = vector.bitcast %parallel_loop3A_563 : vector<16xi32> to vector<16xi32>
          %parallel_loop3A_565 = arith.constant 73728 : i32
          %parallel_loop3A_566 = vector.broadcast %parallel_loop3A_565 : i32 to vector<16xi32>
          %parallel_loop3A_567 = arith.cmpi ult, %parallel_loop3A_564, %parallel_loop3A_566 : vector<16xi32>
          %parallel_loop3A_568 = arith.mulf %parallel_loop3A_550, %parallel_loop3A_487 : vector<16xf32>
          tpu.vector_store_idx %arg6[%parallel_loop3A_563], %parallel_loop3A_568 masked %parallel_loop3A_567 {add = true} : memref<73728xf32, #tpu.memory_space<vmem>>[vector<16xi32>], vector<16xf32>, vector<16xi1>
          %parallel_loop3A_569 = arith.constant 2 : i32
          %parallel_loop3A_570 = arith.constant 3 : i32
          %parallel_loop3A_571 = arith.index_cast %parallel_loop3A_569 : i32 to index
          %parallel_loop3A_572 = arith.index_cast %parallel_loop3A_570 : i32 to index
          %parallel_loop3A_573 = arith.index_cast %parallel_loop3A_465 : i32 to index
          %parallel_loop3A_574 = tpu.vector_load %arg9[%parallel_loop3A_571, %parallel_loop3A_572, %parallel_loop3A_573] {strides = array<i32>} : memref<4x4x768xf32, #tpu.memory_space<vmem>>, vector<16xf32>,
          %parallel_loop3A_575 = vector.bitcast %parallel_loop3A_574 : vector<16xf32> to vector<32xbf16>
          %parallel_loop3A_576 = tpu.unpack_subelements %parallel_loop3A_575, 0 {pack_format = #tpu.pack_format<interleaved>} : vector<32xbf16> -> vector<16xf32>
          %parallel_loop3A_577 = tpu.unpack_subelements %parallel_loop3A_575, 1 {pack_format = #tpu.pack_format<interleaved>} : vector<32xbf16> -> vector<16xf32>
          %parallel_loop3A_578 = arith.constant 385 : i32
          %parallel_loop3A_579 = arith.subi %parallel_loop3A_578, %mul3A_56 : i32
          %parallel_loop3A_580 = vector.broadcast %parallel_loop3A_579 : i32 to vector<16xi32>
          %parallel_loop3A_581 = arith.addi %parallel_loop3A_470, %parallel_loop3A_580 : vector<16xi32>
          %parallel_loop3A_582 = vector.bitcast %parallel_loop3A_581 : vector<16xi32> to vector<16xi32>
          %parallel_loop3A_583 = arith.constant 73728 : i32
          %parallel_loop3A_584 = vector.broadcast %parallel_loop3A_583 : i32 to vector<16xi32>
          %parallel_loop3A_585 = arith.cmpi ult, %parallel_loop3A_582, %parallel_loop3A_584 : vector<16xi32>
          %parallel_loop3A_586 = arith.mulf %parallel_loop3A_576, %parallel_loop3A_481 : vector<16xf32>
          tpu.vector_store_idx %arg6[%parallel_loop3A_581], %parallel_loop3A_586 masked %parallel_loop3A_585 {add = true} : memref<73728xf32, #tpu.memory_space<vmem>>[vector<16xi32>], vector<16xf32>, vector<16xi1>
          %parallel_loop3A_587 = arith.constant 385 : i32
          %parallel_loop3A_588 = arith.subi %parallel_loop3A_587, %mul3A_56 : i32
          %parallel_loop3A_589 = vector.broadcast %parallel_loop3A_588 : i32 to vector<16xi32>
          %parallel_loop3A_590 = arith.addi %parallel_loop3A_477, %parallel_loop3A_589 : vector<16xi32>
          %parallel_loop3A_591 = vector.bitcast %parallel_loop3A_590 : vector<16xi32> to vector<16xi32>
          %parallel_loop3A_592 = arith.constant 73728 : i32
          %parallel_loop3A_593 = vector.broadcast %parallel_loop3A_592 : i32 to vector<16xi32>
          %parallel_loop3A_594 = arith.cmpi ult, %parallel_loop3A_591, %parallel_loop3A_593 : vector<16xi32>
          %parallel_loop3A_595 = arith.mulf %parallel_loop3A_577, %parallel_loop3A_487 : vector<16xf32>
          tpu.vector_store_idx %arg6[%parallel_loop3A_590], %parallel_loop3A_595 masked %parallel_loop3A_594 {add = true} : memref<73728xf32, #tpu.memory_space<vmem>>[vector<16xi32>], vector<16xf32>, vector<16xi1>
        } {sc.loop_unroll_factor = 4 : i64, sc.parallel_access}
        %add3A_399 = arith.constant 4 : i32
        %add3A_400 = arith.addi %add3A_352, %add3A_399 : i32
        %lt3A_401 = arith.constant 96 : i32
        %lt3A_402 = arith.cmpi slt, %add3A_400, %lt3A_401 : i32
        %convert_element_type3A_403 = arith.extui %lt3A_402 : i1 to i32
        %cond3A_404 = arith.constant 0 : i32
        %cond3A_405 = arith.cmpi ne, %convert_element_type3A_403, %cond3A_404 : i32
        scf.if %cond3A_405 {
          %mul3A_463 = arith.constant 1536 : i32
          %mul3A_464 = arith.muli %add3A_400, %mul3A_463 : i32
          %dma_start3A_465 = arith.constant 2 : i32
          %dma_start3A_466 = arith.constant 0 : i32
          %dma_start3A_467 = tpu.memref_slice %arg7[%dma_start3A_465, %dma_start3A_466] : memref<4x1536xf32, #tpu.memory_space<vmem>> -> memref<1x1536xf32, #tpu.memory_space<vmem>>
          %dma_start3A_468 = tpu.memref_squeeze %dma_start3A_467 : memref<1x1536xf32, #tpu.memory_space<vmem>> -> memref<1536xf32, #tpu.memory_space<vmem>>
          %dma_start3A_469 = tpu.memref_slice %arg2[%add3A_59, %mul3A_464] : memref<384x147456xf32, #tpu.memory_space<hbm>> -> memref<1x1536xf32, #tpu.memory_space<hbm>>
          %dma_start3A_470 = tpu.memref_squeeze %dma_start3A_469 : memref<1x1536xf32, #tpu.memory_space<hbm>> -> memref<1536xf32, #tpu.memory_space<hbm>>
          %dma_start3A_471 = arith.constant 0 : i32
          %dma_start3A_472 = tpu.memref_slice %arg7[%dma_start3A_465, %dma_start3A_471] : memref<4x1536xf32, #tpu.memory_space<vmem>> -> memref<1x1536xf32, #tpu.memory_space<vmem>>
          %dma_start3A_473 = tpu.memref_squeeze %dma_start3A_472 : memref<1x1536xf32, #tpu.memory_space<vmem>> -> memref<1536xf32, #tpu.memory_space<vmem>>
          %dma_start3A_474 = tpu.memref_slice %arg2[%add3A_59, %mul3A_464] : memref<384x147456xf32, #tpu.memory_space<hbm>> -> memref<1x1536xf32, #tpu.memory_space<hbm>>
          %dma_start3A_475 = tpu.memref_squeeze %dma_start3A_474 : memref<1x1536xf32, #tpu.memory_space<hbm>> -> memref<1536xf32, #tpu.memory_space<hbm>>
          tpu.enqueue_dma source(%dma_start3A_475 : memref<1536xf32, #tpu.memory_space<hbm>>) target(%dma_start3A_473 : memref<1536xf32, #tpu.memory_space<vmem>>) target_semaphore(%arg12 : memref<!tpu.dma_semaphore, #tpu.memory_space<semaphore_mem>>)
          %mul3A_476 = arith.constant 1536 : i32
          %mul3A_477 = arith.muli %add3A_400, %mul3A_476 : i32
          %dma_start3A_478 = arith.constant 2 : i32
          %dma_start3A_479 = arith.constant 0 : i32
          %dma_start3A_480 = tpu.memref_slice %arg8[%dma_start3A_478, %dma_start3A_479] : memref<4x1536xf32, #tpu.memory_space<vmem>> -> memref<1x1536xf32, #tpu.memory_space<vmem>>
          %dma_start3A_481 = tpu.memref_squeeze %dma_start3A_480 : memref<1x1536xf32, #tpu.memory_space<vmem>> -> memref<1536xf32, #tpu.memory_space<vmem>>
          %dma_start3A_482 = tpu.memref_slice %arg3[%select_n3A, %mul3A_477] : memref<4x147456xf32, #tpu.memory_space<hbm>> -> memref<1x1536xf32, #tpu.memory_space<hbm>>
          %dma_start3A_483 = tpu.memref_squeeze %dma_start3A_482 : memref<1x1536xf32, #tpu.memory_space<hbm>> -> memref<1536xf32, #tpu.memory_space<hbm>>
          %dma_start3A_484 = arith.constant 0 : i32
          %dma_start3A_485 = tpu.memref_slice %arg8[%dma_start3A_478, %dma_start3A_484] : memref<4x1536xf32, #tpu.memory_space<vmem>> -> memref<1x1536xf32, #tpu.memory_space<vmem>>
          %dma_start3A_486 = tpu.memref_squeeze %dma_start3A_485 : memref<1x1536xf32, #tpu.memory_space<vmem>> -> memref<1536xf32, #tpu.memory_space<vmem>>
          %dma_start3A_487 = tpu.memref_slice %arg3[%select_n3A, %mul3A_477] : memref<4x147456xf32, #tpu.memory_space<hbm>> -> memref<1x1536xf32, #tpu.memory_space<hbm>>
          %dma_start3A_488 = tpu.memref_squeeze %dma_start3A_487 : memref<1x1536xf32, #tpu.memory_space<hbm>> -> memref<1536xf32, #tpu.memory_space<hbm>>
          tpu.enqueue_dma source(%dma_start3A_488 : memref<1536xf32, #tpu.memory_space<hbm>>) target(%dma_start3A_486 : memref<1536xf32, #tpu.memory_space<vmem>>) target_semaphore(%arg12 : memref<!tpu.dma_semaphore, #tpu.memory_space<semaphore_mem>>)
          %mul3A_489 = arith.constant 768 : i32
          %mul3A_490 = arith.muli %add3A_400, %mul3A_489 : i32
          %dma_start3A_491 = arith.constant 2 : i32
          %dma_start3A_492 = arith.constant 0 : i32
          %dma_start3A_493 = arith.constant 0 : i32
          %dma_start3A_494 = tpu.memref_slice %arg9[%dma_start3A_491, %dma_start3A_492, %dma_start3A_493] : memref<4x4x768xf32, #tpu.memory_space<vmem>> -> memref<1x4x768xf32, #tpu.memory_space<vmem>>
          %dma_start3A_495 = tpu.memref_squeeze %dma_start3A_494 : memref<1x4x768xf32, #tpu.memory_space<vmem>> -> memref<4x768xf32, #tpu.memory_space<vmem>>
          %dma_start3A_496 = arith.constant 0 : i32
          %dma_start3A_497 = tpu.memref_slice %arg4[%select_n3A, %dma_start3A_496, %mul3A_490] : memref<4x4x73728xf32, #tpu.memory_space<hbm>> -> memref<1x4x768xf32, #tpu.memory_space<hbm>>
          %dma_start3A_498 = tpu.memref_squeeze %dma_start3A_497 : memref<1x4x768xf32, #tpu.memory_space<hbm>> -> memref<4x768xf32, #tpu.memory_space<hbm>>
          %dma_start3A_499 = arith.constant 0 : i32
          %dma_start3A_500 = arith.constant 0 : i32
          %dma_start3A_501 = tpu.memref_slice %arg9[%dma_start3A_491, %dma_start3A_499, %dma_start3A_500] : memref<4x4x768xf32, #tpu.memory_space<vmem>> -> memref<1x4x768xf32, #tpu.memory_space<vmem>>
          %dma_start3A_502 = tpu.memref_squeeze %dma_start3A_501 : memref<1x4x768xf32, #tpu.memory_space<vmem>> -> memref<4x768xf32, #tpu.memory_space<vmem>>
          %dma_start3A_503 = arith.constant 0 : i32
          %dma_start3A_504 = tpu.memref_slice %arg4[%select_n3A, %dma_start3A_503, %mul3A_490] : memref<4x4x73728xf32, #tpu.memory_space<hbm>> -> memref<1x4x768xf32, #tpu.memory_space<hbm>>
          %dma_start3A_505 = tpu.memref_squeeze %dma_start3A_504 : memref<1x4x768xf32, #tpu.memory_space<hbm>> -> memref<4x768xf32, #tpu.memory_space<hbm>>
          tpu.enqueue_dma source(%dma_start3A_505 : memref<4x768xf32, #tpu.memory_space<hbm>>) target(%dma_start3A_502 : memref<4x768xf32, #tpu.memory_space<vmem>>) target_semaphore(%arg12 : memref<!tpu.dma_semaphore, #tpu.memory_space<semaphore_mem>>)
        } else {
        }
        %mul3A_406 = arith.constant 4 : i32
        %mul3A_407 = arith.muli %scan3A_238, %mul3A_406 : i32
        %add3A_408 = arith.constant 3 : i32
        %add3A_409 = arith.addi %mul3A_407, %add3A_408 : i32
        %dma_wait3A_410 = arith.constant 3 : i32
        %dma_wait3A_411 = arith.constant 0 : i32
        %dma_wait3A_412 = tpu.memref_slice %arg7[%dma_wait3A_410, %dma_wait3A_411] : memref<4x1536xf32, #tpu.memory_space<vmem>> -> memref<1x1536xf32, #tpu.memory_space<vmem>>
        %dma_wait3A_413 = tpu.memref_squeeze %dma_wait3A_412 : memref<1x1536xf32, #tpu.memory_space<vmem>> -> memref<1536xf32, #tpu.memory_space<vmem>>
        %dma_wait3A_414 = arith.constant 0 : i32
        %dma_wait3A_415 = tpu.memref_slice %arg2[%add3A_59, %dma_wait3A_414] : memref<384x147456xf32, #tpu.memory_space<hbm>> -> memref<1x1536xf32, #tpu.memory_space<hbm>>
        %dma_wait3A_416 = tpu.memref_squeeze %dma_wait3A_415 : memref<1x1536xf32, #tpu.memory_space<hbm>> -> memref<1536xf32, #tpu.memory_space<hbm>>
        %dma_wait3A_417 = arith.constant 0 : i32
        %dma_wait3A_418 = tpu.memref_slice %arg7[%dma_wait3A_410, %dma_wait3A_417] : memref<4x1536xf32, #tpu.memory_space<vmem>> -> memref<1x1536xf32, #tpu.memory_space<vmem>>
        %dma_wait3A_419 = tpu.memref_squeeze %dma_wait3A_418 : memref<1x1536xf32, #tpu.memory_space<vmem>> -> memref<1536xf32, #tpu.memory_space<vmem>>
        %dma_wait3A_420 = arith.constant 0 : i32
        %dma_wait3A_421 = tpu.memref_slice %arg2[%add3A_59, %dma_wait3A_420] : memref<384x147456xf32, #tpu.memory_space<hbm>> -> memref<1x1536xf32, #tpu.memory_space<hbm>>
        %dma_wait3A_422 = tpu.memref_squeeze %dma_wait3A_421 : memref<1x1536xf32, #tpu.memory_space<hbm>> -> memref<1536xf32, #tpu.memory_space<hbm>>
        tpu.wait_dma2 semaphore(%arg13 : memref<!tpu.dma_semaphore, #tpu.memory_space<semaphore_mem>>) src(%dma_wait3A_422 : memref<1536xf32, #tpu.memory_space<hbm>>) dst(%dma_wait3A_419 : memref<1536xf32, #tpu.memory_space<vmem>>)
        %dma_wait3A_423 = arith.constant 3 : i32
        %dma_wait3A_424 = arith.constant 0 : i32
        %dma_wait3A_425 = tpu.memref_slice %arg8[%dma_wait3A_423, %dma_wait3A_424] : memref<4x1536xf32, #tpu.memory_space<vmem>> -> memref<1x1536xf32, #tpu.memory_space<vmem>>
        %dma_wait3A_426 = tpu.memref_squeeze %dma_wait3A_425 : memref<1x1536xf32, #tpu.memory_space<vmem>> -> memref<1536xf32, #tpu.memory_space<vmem>>
        %dma_wait3A_427 = arith.constant 0 : i32
        %dma_wait3A_428 = tpu.memref_slice %arg3[%select_n3A, %dma_wait3A_427] : memref<4x147456xf32, #tpu.memory_space<hbm>> -> memref<1x1536xf32, #tpu.memory_space<hbm>>
        %dma_wait3A_429 = tpu.memref_squeeze %dma_wait3A_428 : memref<1x1536xf32, #tpu.memory_space<hbm>> -> memref<1536xf32, #tpu.memory_space<hbm>>
        %dma_wait3A_430 = arith.constant 0 : i32
        %dma_wait3A_431 = tpu.memref_slice %arg8[%dma_wait3A_423, %dma_wait3A_430] : memref<4x1536xf32, #tpu.memory_space<vmem>> -> memref<1x1536xf32, #tpu.memory_space<vmem>>
        %dma_wait3A_432 = tpu.memref_squeeze %dma_wait3A_431 : memref<1x1536xf32, #tpu.memory_space<vmem>> -> memref<1536xf32, #tpu.memory_space<vmem>>
        %dma_wait3A_433 = arith.constant 0 : i32
        %dma_wait3A_434 = tpu.memref_slice %arg3[%select_n3A, %dma_wait3A_433] : memref<4x147456xf32, #tpu.memory_space<hbm>> -> memref<1x1536xf32, #tpu.memory_space<hbm>>
        %dma_wait3A_435 = tpu.memref_squeeze %dma_wait3A_434 : memref<1x1536xf32, #tpu.memory_space<hbm>> -> memref<1536xf32, #tpu.memory_space<hbm>>
        tpu.wait_dma2 semaphore(%arg13 : memref<!tpu.dma_semaphore, #tpu.memory_space<semaphore_mem>>) src(%dma_wait3A_435 : memref<1536xf32, #tpu.memory_space<hbm>>) dst(%dma_wait3A_432 : memref<1536xf32, #tpu.memory_space<vmem>>)
        %dma_wait3A_436 = arith.constant 3 : i32
        %dma_wait3A_437 = arith.constant 0 : i32
        %dma_wait3A_438 = arith.constant 0 : i32
        %dma_wait3A_439 = tpu.memref_slice %arg9[%dma_wait3A_436, %dma_wait3A_437, %dma_wait3A_438] : memref<4x4x768xf32, #tpu.memory_space<vmem>> -> memref<1x4x768xf32, #tpu.memory_space<vmem>>
        %dma_wait3A_440 = tpu.memref_squeeze %dma_wait3A_439 : memref<1x4x768xf32, #tpu.memory_space<vmem>> -> memref<4x768xf32, #tpu.memory_space<vmem>>
        %dma_wait3A_441 = arith.constant 0 : i32
        %dma_wait3A_442 = arith.constant 0 : i32
        %dma_wait3A_443 = tpu.memref_slice %arg4[%select_n3A, %dma_wait3A_441, %dma_wait3A_442] : memref<4x4x73728xf32, #tpu.memory_space<hbm>> -> memref<1x4x768xf32, #tpu.memory_space<hbm>>
        %dma_wait3A_444 = tpu.memref_squeeze %dma_wait3A_443 : memref<1x4x768xf32, #tpu.memory_space<hbm>> -> memref<4x768xf32, #tpu.memory_space<hbm>>
        %dma_wait3A_445 = arith.constant 0 : i32
        %dma_wait3A_446 = arith.constant 0 : i32
        %dma_wait3A_447 = tpu.memref_slice %arg9[%dma_wait3A_436, %dma_wait3A_445, %dma_wait3A_446] : memref<4x4x768xf32, #tpu.memory_space<vmem>> -> memref<1x4x768xf32, #tpu.memory_space<vmem>>
        %dma_wait3A_448 = tpu.memref_squeeze %dma_wait3A_447 : memref<1x4x768xf32, #tpu.memory_space<vmem>> -> memref<4x768xf32, #tpu.memory_space<vmem>>
        %dma_wait3A_449 = arith.constant 0 : i32
        %dma_wait3A_450 = arith.constant 0 : i32
        %dma_wait3A_451 = tpu.memref_slice %arg4[%select_n3A, %dma_wait3A_449, %dma_wait3A_450] : memref<4x4x73728xf32, #tpu.memory_space<hbm>> -> memref<1x4x768xf32, #tpu.memory_space<hbm>>
        %dma_wait3A_452 = tpu.memref_squeeze %dma_wait3A_451 : memref<1x4x768xf32, #tpu.memory_space<hbm>> -> memref<4x768xf32, #tpu.memory_space<hbm>>
        tpu.wait_dma2 semaphore(%arg13 : memref<!tpu.dma_semaphore, #tpu.memory_space<semaphore_mem>>) src(%dma_wait3A_452 : memref<4x768xf32, #tpu.memory_space<hbm>>) dst(%dma_wait3A_448 : memref<4x768xf32, #tpu.memory_space<vmem>>)
        %parallel_loop3A_453 = arith.constant 0 : i32
        %parallel_loop3A_454 = arith.constant 48 : i32
        %parallel_loop3A_455 = arith.constant 1 : i32
        scf.for %parallel_loop3A_463 = %parallel_loop3A_453 to %parallel_loop3A_454 step %parallel_loop3A_455  : i32 {
          %parallel_loop3A_464 = arith.constant 16 : i32
          %parallel_loop3A_465 = arith.muli %parallel_loop3A_463, %parallel_loop3A_464 : i32
          %parallel_loop3A_466 = arith.constant 3 : i32
          %parallel_loop3A_467 = arith.index_cast %parallel_loop3A_466 : i32 to index
          %parallel_loop3A_468 = arith.index_cast %parallel_loop3A_465 : i32 to index
          %parallel_loop3A_469 = tpu.vector_load %arg8[%parallel_loop3A_467, %parallel_loop3A_468] {strides = array<i32>} : memref<4x1536xf32, #tpu.memory_space<vmem>>, vector<16xf32>,
          %parallel_loop3A_470 = vector.bitcast %parallel_loop3A_469 : vector<16xf32> to vector<16xi32>
          %parallel_loop3A_471 = arith.constant 768 : i32
          %parallel_loop3A_472 = arith.addi %parallel_loop3A_465, %parallel_loop3A_471 : i32
          %parallel_loop3A_473 = arith.constant 3 : i32
          %parallel_loop3A_474 = arith.index_cast %parallel_loop3A_473 : i32 to index
          %parallel_loop3A_475 = arith.index_cast %parallel_loop3A_472 : i32 to index
          %parallel_loop3A_476 = tpu.vector_load %arg8[%parallel_loop3A_474, %parallel_loop3A_475] {strides = array<i32>} : memref<4x1536xf32, #tpu.memory_space<vmem>>, vector<16xf32>,
          %parallel_loop3A_477 = vector.bitcast %parallel_loop3A_476 : vector<16xf32> to vector<16xi32>
          %parallel_loop3A_478 = arith.constant 3 : i32
          %parallel_loop3A_479 = arith.index_cast %parallel_loop3A_478 : i32 to index
          %parallel_loop3A_480 = arith.index_cast %parallel_loop3A_465 : i32 to index
          %parallel_loop3A_481 = tpu.vector_load %arg7[%parallel_loop3A_479, %parallel_loop3A_480] {strides = array<i32>} : memref<4x1536xf32, #tpu.memory_space<vmem>>, vector<16xf32>,
          %parallel_loop3A_482 = arith.constant 768 : i32
          %parallel_loop3A_483 = arith.addi %parallel_loop3A_465, %parallel_loop3A_482 : i32
          %parallel_loop3A_484 = arith.constant 3 : i32
          %parallel_loop3A_485 = arith.index_cast %parallel_loop3A_484 : i32 to index
          %parallel_loop3A_486 = arith.index_cast %parallel_loop3A_483 : i32 to index
          %parallel_loop3A_487 = tpu.vector_load %arg7[%parallel_loop3A_485, %parallel_loop3A_486] {strides = array<i32>} : memref<4x1536xf32, #tpu.memory_space<vmem>>, vector<16xf32>,
          %parallel_loop3A_488 = arith.constant 3 : i32
          %parallel_loop3A_489 = arith.constant 0 : i32
          %parallel_loop3A_490 = arith.index_cast %parallel_loop3A_488 : i32 to index
          %parallel_loop3A_491 = arith.index_cast %parallel_loop3A_489 : i32 to index
          %parallel_loop3A_492 = arith.index_cast %parallel_loop3A_465 : i32 to index
          %parallel_loop3A_493 = tpu.vector_load %arg9[%parallel_loop3A_490, %parallel_loop3A_491, %parallel_loop3A_492] {strides = array<i32>} : memref<4x4x768xf32, #tpu.memory_space<vmem>>, vector<16xf32>,
          %parallel_loop3A_494 = vector.bitcast %parallel_loop3A_493 : vector<16xf32> to vector<32xbf16>
          %parallel_loop3A_495 = tpu.unpack_subelements %parallel_loop3A_494, 0 {pack_format = #tpu.pack_format<interleaved>} : vector<32xbf16> -> vector<16xf32>
          %parallel_loop3A_496 = tpu.unpack_subelements %parallel_loop3A_494, 1 {pack_format = #tpu.pack_format<interleaved>} : vector<32xbf16> -> vector<16xf32>
          %parallel_loop3A_497 = arith.constant 0 : i32
          %parallel_loop3A_498 = arith.subi %parallel_loop3A_497, %mul3A_56 : i32
          %parallel_loop3A_499 = vector.broadcast %parallel_loop3A_498 : i32 to vector<16xi32>
          %parallel_loop3A_500 = arith.addi %parallel_loop3A_470, %parallel_loop3A_499 : vector<16xi32>
          %parallel_loop3A_501 = vector.bitcast %parallel_loop3A_500 : vector<16xi32> to vector<16xi32>
          %parallel_loop3A_502 = arith.constant 73728 : i32
          %parallel_loop3A_503 = vector.broadcast %parallel_loop3A_502 : i32 to vector<16xi32>
          %parallel_loop3A_504 = arith.cmpi ult, %parallel_loop3A_501, %parallel_loop3A_503 : vector<16xi32>
          %parallel_loop3A_505 = arith.mulf %parallel_loop3A_495, %parallel_loop3A_481 : vector<16xf32>
          tpu.vector_store_idx %arg6[%parallel_loop3A_500], %parallel_loop3A_505 masked %parallel_loop3A_504 {add = true} : memref<73728xf32, #tpu.memory_space<vmem>>[vector<16xi32>], vector<16xf32>, vector<16xi1>
          %parallel_loop3A_506 = arith.constant 0 : i32
          %parallel_loop3A_507 = arith.subi %parallel_loop3A_506, %mul3A_56 : i32
          %parallel_loop3A_508 = vector.broadcast %parallel_loop3A_507 : i32 to vector<16xi32>
          %parallel_loop3A_509 = arith.addi %parallel_loop3A_477, %parallel_loop3A_508 : vector<16xi32>
          %parallel_loop3A_510 = vector.bitcast %parallel_loop3A_509 : vector<16xi32> to vector<16xi32>
          %parallel_loop3A_511 = arith.constant 73728 : i32
          %parallel_loop3A_512 = vector.broadcast %parallel_loop3A_511 : i32 to vector<16xi32>
          %parallel_loop3A_513 = arith.cmpi ult, %parallel_loop3A_510, %parallel_loop3A_512 : vector<16xi32>
          %parallel_loop3A_514 = arith.mulf %parallel_loop3A_496, %parallel_loop3A_487 : vector<16xf32>
          tpu.vector_store_idx %arg6[%parallel_loop3A_509], %parallel_loop3A_514 masked %parallel_loop3A_513 {add = true} : memref<73728xf32, #tpu.memory_space<vmem>>[vector<16xi32>], vector<16xf32>, vector<16xi1>
          %parallel_loop3A_515 = arith.constant 3 : i32
          %parallel_loop3A_516 = arith.constant 1 : i32
          %parallel_loop3A_517 = arith.index_cast %parallel_loop3A_515 : i32 to index
          %parallel_loop3A_518 = arith.index_cast %parallel_loop3A_516 : i32 to index
          %parallel_loop3A_519 = arith.index_cast %parallel_loop3A_465 : i32 to index
          %parallel_loop3A_520 = tpu.vector_load %arg9[%parallel_loop3A_517, %parallel_loop3A_518, %parallel_loop3A_519] {strides = array<i32>} : memref<4x4x768xf32, #tpu.memory_space<vmem>>, vector<16xf32>,
          %parallel_loop3A_521 = vector.bitcast %parallel_loop3A_520 : vector<16xf32> to vector<32xbf16>
          %parallel_loop3A_522 = tpu.unpack_subelements %parallel_loop3A_521, 0 {pack_format = #tpu.pack_format<interleaved>} : vector<32xbf16> -> vector<16xf32>
          %parallel_loop3A_523 = tpu.unpack_subelements %parallel_loop3A_521, 1 {pack_format = #tpu.pack_format<interleaved>} : vector<32xbf16> -> vector<16xf32>
          %parallel_loop3A_524 = arith.constant 1 : i32
          %parallel_loop3A_525 = arith.subi %parallel_loop3A_524, %mul3A_56 : i32
          %parallel_loop3A_526 = vector.broadcast %parallel_loop3A_525 : i32 to vector<16xi32>
          %parallel_loop3A_527 = arith.addi %parallel_loop3A_470, %parallel_loop3A_526 : vector<16xi32>
          %parallel_loop3A_528 = vector.bitcast %parallel_loop3A_527 : vector<16xi32> to vector<16xi32>
          %parallel_loop3A_529 = arith.constant 73728 : i32
          %parallel_loop3A_530 = vector.broadcast %parallel_loop3A_529 : i32 to vector<16xi32>
          %parallel_loop3A_531 = arith.cmpi ult, %parallel_loop3A_528, %parallel_loop3A_530 : vector<16xi32>
          %parallel_loop3A_532 = arith.mulf %parallel_loop3A_522, %parallel_loop3A_481 : vector<16xf32>
          tpu.vector_store_idx %arg6[%parallel_loop3A_527], %parallel_loop3A_532 masked %parallel_loop3A_531 {add = true} : memref<73728xf32, #tpu.memory_space<vmem>>[vector<16xi32>], vector<16xf32>, vector<16xi1>
          %parallel_loop3A_533 = arith.constant 1 : i32
          %parallel_loop3A_534 = arith.subi %parallel_loop3A_533, %mul3A_56 : i32
          %parallel_loop3A_535 = vector.broadcast %parallel_loop3A_534 : i32 to vector<16xi32>
          %parallel_loop3A_536 = arith.addi %parallel_loop3A_477, %parallel_loop3A_535 : vector<16xi32>
          %parallel_loop3A_537 = vector.bitcast %parallel_loop3A_536 : vector<16xi32> to vector<16xi32>
          %parallel_loop3A_538 = arith.constant 73728 : i32
          %parallel_loop3A_539 = vector.broadcast %parallel_loop3A_538 : i32 to vector<16xi32>
          %parallel_loop3A_540 = arith.cmpi ult, %parallel_loop3A_537, %parallel_loop3A_539 : vector<16xi32>
          %parallel_loop3A_541 = arith.mulf %parallel_loop3A_523, %parallel_loop3A_487 : vector<16xf32>
          tpu.vector_store_idx %arg6[%parallel_loop3A_536], %parallel_loop3A_541 masked %parallel_loop3A_540 {add = true} : memref<73728xf32, #tpu.memory_space<vmem>>[vector<16xi32>], vector<16xf32>, vector<16xi1>
          %parallel_loop3A_542 = arith.constant 3 : i32
          %parallel_loop3A_543 = arith.constant 2 : i32
          %parallel_loop3A_544 = arith.index_cast %parallel_loop3A_542 : i32 to index
          %parallel_loop3A_545 = arith.index_cast %parallel_loop3A_543 : i32 to index
          %parallel_loop3A_546 = arith.index_cast %parallel_loop3A_465 : i32 to index
          %parallel_loop3A_547 = tpu.vector_load %arg9[%parallel_loop3A_544, %parallel_loop3A_545, %parallel_loop3A_546] {strides = array<i32>} : memref<4x4x768xf32, #tpu.memory_space<vmem>>, vector<16xf32>,
          %parallel_loop3A_548 = vector.bitcast %parallel_loop3A_547 : vector<16xf32> to vector<32xbf16>
          %parallel_loop3A_549 = tpu.unpack_subelements %parallel_loop3A_548, 0 {pack_format = #tpu.pack_format<interleaved>} : vector<32xbf16> -> vector<16xf32>
          %parallel_loop3A_550 = tpu.unpack_subelements %parallel_loop3A_548, 1 {pack_format = #tpu.pack_format<interleaved>} : vector<32xbf16> -> vector<16xf32>
          %parallel_loop3A_551 = arith.constant 384 : i32
          %parallel_loop3A_552 = arith.subi %parallel_loop3A_551, %mul3A_56 : i32
          %parallel_loop3A_553 = vector.broadcast %parallel_loop3A_552 : i32 to vector<16xi32>
          %parallel_loop3A_554 = arith.addi %parallel_loop3A_470, %parallel_loop3A_553 : vector<16xi32>
          %parallel_loop3A_555 = vector.bitcast %parallel_loop3A_554 : vector<16xi32> to vector<16xi32>
          %parallel_loop3A_556 = arith.constant 73728 : i32
          %parallel_loop3A_557 = vector.broadcast %parallel_loop3A_556 : i32 to vector<16xi32>
          %parallel_loop3A_558 = arith.cmpi ult, %parallel_loop3A_555, %parallel_loop3A_557 : vector<16xi32>
          %parallel_loop3A_559 = arith.mulf %parallel_loop3A_549, %parallel_loop3A_481 : vector<16xf32>
          tpu.vector_store_idx %arg6[%parallel_loop3A_554], %parallel_loop3A_559 masked %parallel_loop3A_558 {add = true} : memref<73728xf32, #tpu.memory_space<vmem>>[vector<16xi32>], vector<16xf32>, vector<16xi1>
          %parallel_loop3A_560 = arith.constant 384 : i32
          %parallel_loop3A_561 = arith.subi %parallel_loop3A_560, %mul3A_56 : i32
          %parallel_loop3A_562 = vector.broadcast %parallel_loop3A_561 : i32 to vector<16xi32>
          %parallel_loop3A_563 = arith.addi %parallel_loop3A_477, %parallel_loop3A_562 : vector<16xi32>
          %parallel_loop3A_564 = vector.bitcast %parallel_loop3A_563 : vector<16xi32> to vector<16xi32>
          %parallel_loop3A_565 = arith.constant 73728 : i32
          %parallel_loop3A_566 = vector.broadcast %parallel_loop3A_565 : i32 to vector<16xi32>
          %parallel_loop3A_567 = arith.cmpi ult, %parallel_loop3A_564, %parallel_loop3A_566 : vector<16xi32>
          %parallel_loop3A_568 = arith.mulf %parallel_loop3A_550, %parallel_loop3A_487 : vector<16xf32>
          tpu.vector_store_idx %arg6[%parallel_loop3A_563], %parallel_loop3A_568 masked %parallel_loop3A_567 {add = true} : memref<73728xf32, #tpu.memory_space<vmem>>[vector<16xi32>], vector<16xf32>, vector<16xi1>
          %parallel_loop3A_569 = arith.constant 3 : i32
          %parallel_loop3A_570 = arith.constant 3 : i32
          %parallel_loop3A_571 = arith.index_cast %parallel_loop3A_569 : i32 to index
          %parallel_loop3A_572 = arith.index_cast %parallel_loop3A_570 : i32 to index
          %parallel_loop3A_573 = arith.index_cast %parallel_loop3A_465 : i32 to index
          %parallel_loop3A_574 = tpu.vector_load %arg9[%parallel_loop3A_571, %parallel_loop3A_572, %parallel_loop3A_573] {strides = array<i32>} : memref<4x4x768xf32, #tpu.memory_space<vmem>>, vector<16xf32>,
          %parallel_loop3A_575 = vector.bitcast %parallel_loop3A_574 : vector<16xf32> to vector<32xbf16>
          %parallel_loop3A_576 = tpu.unpack_subelements %parallel_loop3A_575, 0 {pack_format = #tpu.pack_format<interleaved>} : vector<32xbf16> -> vector<16xf32>
          %parallel_loop3A_577 = tpu.unpack_subelements %parallel_loop3A_575, 1 {pack_format = #tpu.pack_format<interleaved>} : vector<32xbf16> -> vector<16xf32>
          %parallel_loop3A_578 = arith.constant 385 : i32
          %parallel_loop3A_579 = arith.subi %parallel_loop3A_578, %mul3A_56 : i32
          %parallel_loop3A_580 = vector.broadcast %parallel_loop3A_579 : i32 to vector<16xi32>
          %parallel_loop3A_581 = arith.addi %parallel_loop3A_470, %parallel_loop3A_580 : vector<16xi32>
          %parallel_loop3A_582 = vector.bitcast %parallel_loop3A_581 : vector<16xi32> to vector<16xi32>
          %parallel_loop3A_583 = arith.constant 73728 : i32
          %parallel_loop3A_584 = vector.broadcast %parallel_loop3A_583 : i32 to vector<16xi32>
          %parallel_loop3A_585 = arith.cmpi ult, %parallel_loop3A_582, %parallel_loop3A_584 : vector<16xi32>
          %parallel_loop3A_586 = arith.mulf %parallel_loop3A_576, %parallel_loop3A_481 : vector<16xf32>
          tpu.vector_store_idx %arg6[%parallel_loop3A_581], %parallel_loop3A_586 masked %parallel_loop3A_585 {add = true} : memref<73728xf32, #tpu.memory_space<vmem>>[vector<16xi32>], vector<16xf32>, vector<16xi1>
          %parallel_loop3A_587 = arith.constant 385 : i32
          %parallel_loop3A_588 = arith.subi %parallel_loop3A_587, %mul3A_56 : i32
          %parallel_loop3A_589 = vector.broadcast %parallel_loop3A_588 : i32 to vector<16xi32>
          %parallel_loop3A_590 = arith.addi %parallel_loop3A_477, %parallel_loop3A_589 : vector<16xi32>
          %parallel_loop3A_591 = vector.bitcast %parallel_loop3A_590 : vector<16xi32> to vector<16xi32>
          %parallel_loop3A_592 = arith.constant 73728 : i32
          %parallel_loop3A_593 = vector.broadcast %parallel_loop3A_592 : i32 to vector<16xi32>
          %parallel_loop3A_594 = arith.cmpi ult, %parallel_loop3A_591, %parallel_loop3A_593 : vector<16xi32>
          %parallel_loop3A_595 = arith.mulf %parallel_loop3A_577, %parallel_loop3A_487 : vector<16xf32>
          tpu.vector_store_idx %arg6[%parallel_loop3A_590], %parallel_loop3A_595 masked %parallel_loop3A_594 {add = true} : memref<73728xf32, #tpu.memory_space<vmem>>[vector<16xi32>], vector<16xf32>, vector<16xi1>
        } {sc.loop_unroll_factor = 4 : i64, sc.parallel_access}
        %add3A_456 = arith.constant 4 : i32
        %add3A_457 = arith.addi %add3A_409, %add3A_456 : i32
        %lt3A_458 = arith.constant 96 : i32
        %lt3A_459 = arith.cmpi slt, %add3A_457, %lt3A_458 : i32
        %convert_element_type3A_460 = arith.extui %lt3A_459 : i1 to i32
        %cond3A_461 = arith.constant 0 : i32
        %cond3A_462 = arith.cmpi ne, %convert_element_type3A_460, %cond3A_461 : i32
        scf.if %cond3A_462 {
          %mul3A_463 = arith.constant 1536 : i32
          %mul3A_464 = arith.muli %add3A_457, %mul3A_463 : i32
          %dma_start3A_465 = arith.constant 3 : i32
          %dma_start3A_466 = arith.constant 0 : i32
          %dma_start3A_467 = tpu.memref_slice %arg7[%dma_start3A_465, %dma_start3A_466] : memref<4x1536xf32, #tpu.memory_space<vmem>> -> memref<1x1536xf32, #tpu.memory_space<vmem>>
          %dma_start3A_468 = tpu.memref_squeeze %dma_start3A_467 : memref<1x1536xf32, #tpu.memory_space<vmem>> -> memref<1536xf32, #tpu.memory_space<vmem>>
          %dma_start3A_469 = tpu.memref_slice %arg2[%add3A_59, %mul3A_464] : memref<384x147456xf32, #tpu.memory_space<hbm>> -> memref<1x1536xf32, #tpu.memory_space<hbm>>
          %dma_start3A_470 = tpu.memref_squeeze %dma_start3A_469 : memref<1x1536xf32, #tpu.memory_space<hbm>> -> memref<1536xf32, #tpu.memory_space<hbm>>
          %dma_start3A_471 = arith.constant 0 : i32
          %dma_start3A_472 = tpu.memref_slice %arg7[%dma_start3A_465, %dma_start3A_471] : memref<4x1536xf32, #tpu.memory_space<vmem>> -> memref<1x1536xf32, #tpu.memory_space<vmem>>
          %dma_start3A_473 = tpu.memref_squeeze %dma_start3A_472 : memref<1x1536xf32, #tpu.memory_space<vmem>> -> memref<1536xf32, #tpu.memory_space<vmem>>
          %dma_start3A_474 = tpu.memref_slice %arg2[%add3A_59, %mul3A_464] : memref<384x147456xf32, #tpu.memory_space<hbm>> -> memref<1x1536xf32, #tpu.memory_space<hbm>>
          %dma_start3A_475 = tpu.memref_squeeze %dma_start3A_474 : memref<1x1536xf32, #tpu.memory_space<hbm>> -> memref<1536xf32, #tpu.memory_space<hbm>>
          tpu.enqueue_dma source(%dma_start3A_475 : memref<1536xf32, #tpu.memory_space<hbm>>) target(%dma_start3A_473 : memref<1536xf32, #tpu.memory_space<vmem>>) target_semaphore(%arg13 : memref<!tpu.dma_semaphore, #tpu.memory_space<semaphore_mem>>)
          %mul3A_476 = arith.constant 1536 : i32
          %mul3A_477 = arith.muli %add3A_457, %mul3A_476 : i32
          %dma_start3A_478 = arith.constant 3 : i32
          %dma_start3A_479 = arith.constant 0 : i32
          %dma_start3A_480 = tpu.memref_slice %arg8[%dma_start3A_478, %dma_start3A_479] : memref<4x1536xf32, #tpu.memory_space<vmem>> -> memref<1x1536xf32, #tpu.memory_space<vmem>>
          %dma_start3A_481 = tpu.memref_squeeze %dma_start3A_480 : memref<1x1536xf32, #tpu.memory_space<vmem>> -> memref<1536xf32, #tpu.memory_space<vmem>>
          %dma_start3A_482 = tpu.memref_slice %arg3[%select_n3A, %mul3A_477] : memref<4x147456xf32, #tpu.memory_space<hbm>> -> memref<1x1536xf32, #tpu.memory_space<hbm>>
          %dma_start3A_483 = tpu.memref_squeeze %dma_start3A_482 : memref<1x1536xf32, #tpu.memory_space<hbm>> -> memref<1536xf32, #tpu.memory_space<hbm>>
          %dma_start3A_484 = arith.constant 0 : i32
          %dma_start3A_485 = tpu.memref_slice %arg8[%dma_start3A_478, %dma_start3A_484] : memref<4x1536xf32, #tpu.memory_space<vmem>> -> memref<1x1536xf32, #tpu.memory_space<vmem>>
          %dma_start3A_486 = tpu.memref_squeeze %dma_start3A_485 : memref<1x1536xf32, #tpu.memory_space<vmem>> -> memref<1536xf32, #tpu.memory_space<vmem>>
          %dma_start3A_487 = tpu.memref_slice %arg3[%select_n3A, %mul3A_477] : memref<4x147456xf32, #tpu.memory_space<hbm>> -> memref<1x1536xf32, #tpu.memory_space<hbm>>
          %dma_start3A_488 = tpu.memref_squeeze %dma_start3A_487 : memref<1x1536xf32, #tpu.memory_space<hbm>> -> memref<1536xf32, #tpu.memory_space<hbm>>
          tpu.enqueue_dma source(%dma_start3A_488 : memref<1536xf32, #tpu.memory_space<hbm>>) target(%dma_start3A_486 : memref<1536xf32, #tpu.memory_space<vmem>>) target_semaphore(%arg13 : memref<!tpu.dma_semaphore, #tpu.memory_space<semaphore_mem>>)
          %mul3A_489 = arith.constant 768 : i32
          %mul3A_490 = arith.muli %add3A_457, %mul3A_489 : i32
          %dma_start3A_491 = arith.constant 3 : i32
          %dma_start3A_492 = arith.constant 0 : i32
          %dma_start3A_493 = arith.constant 0 : i32
          %dma_start3A_494 = tpu.memref_slice %arg9[%dma_start3A_491, %dma_start3A_492, %dma_start3A_493] : memref<4x4x768xf32, #tpu.memory_space<vmem>> -> memref<1x4x768xf32, #tpu.memory_space<vmem>>
          %dma_start3A_495 = tpu.memref_squeeze %dma_start3A_494 : memref<1x4x768xf32, #tpu.memory_space<vmem>> -> memref<4x768xf32, #tpu.memory_space<vmem>>
          %dma_start3A_496 = arith.constant 0 : i32
          %dma_start3A_497 = tpu.memref_slice %arg4[%select_n3A, %dma_start3A_496, %mul3A_490] : memref<4x4x73728xf32, #tpu.memory_space<hbm>> -> memref<1x4x768xf32, #tpu.memory_space<hbm>>
          %dma_start3A_498 = tpu.memref_squeeze %dma_start3A_497 : memref<1x4x768xf32, #tpu.memory_space<hbm>> -> memref<4x768xf32, #tpu.memory_space<hbm>>
          %dma_start3A_499 = arith.constant 0 : i32
          %dma_start3A_500 = arith.constant 0 : i32
          %dma_start3A_501 = tpu.memref_slice %arg9[%dma_start3A_491, %dma_start3A_499, %dma_start3A_500] : memref<4x4x768xf32, #tpu.memory_space<vmem>> -> memref<1x4x768xf32, #tpu.memory_space<vmem>>
          %dma_start3A_502 = tpu.memref_squeeze %dma_start3A_501 : memref<1x4x768xf32, #tpu.memory_space<vmem>> -> memref<4x768xf32, #tpu.memory_space<vmem>>
          %dma_start3A_503 = arith.constant 0 : i32
          %dma_start3A_504 = tpu.memref_slice %arg4[%select_n3A, %dma_start3A_503, %mul3A_490] : memref<4x4x73728xf32, #tpu.memory_space<hbm>> -> memref<1x4x768xf32, #tpu.memory_space<hbm>>
          %dma_start3A_505 = tpu.memref_squeeze %dma_start3A_504 : memref<1x4x768xf32, #tpu.memory_space<hbm>> -> memref<4x768xf32, #tpu.memory_space<hbm>>
          tpu.enqueue_dma source(%dma_start3A_505 : memref<4x768xf32, #tpu.memory_space<hbm>>) target(%dma_start3A_502 : memref<4x768xf32, #tpu.memory_space<vmem>>) target_semaphore(%arg13 : memref<!tpu.dma_semaphore, #tpu.memory_space<semaphore_mem>>)
        } else {
        }
      }
      %scan3A_237 = arith.constant 24 : i32
      "tpu.region"() ({
        %run_scoped3A = tpu.sem_alloc : memref<!tpu.dma_semaphore, #tpu.memory_space<semaphore_mem>>
        %dma_start3A_238 = tpu.memref_slice %arg5[%add3A_59, %mul3A_56] : memref<384x147456xf32, #tpu.memory_space<hbm>> -> memref<1x73728xf32, #tpu.memory_space<hbm>>
        %dma_start3A_239 = tpu.memref_squeeze %dma_start3A_238 : memref<1x73728xf32, #tpu.memory_space<hbm>> -> memref<73728xf32, #tpu.memory_space<hbm>>
        %dma_start3A_240 = tpu.memref_slice %arg5[%add3A_59, %mul3A_56] : memref<384x147456xf32, #tpu.memory_space<hbm>> -> memref<1x73728xf32, #tpu.memory_space<hbm>>
        %dma_start3A_241 = tpu.memref_squeeze %dma_start3A_240 : memref<1x73728xf32, #tpu.memory_space<hbm>> -> memref<73728xf32, #tpu.memory_space<hbm>>
        tpu.enqueue_dma source(%arg6 : memref<73728xf32, #tpu.memory_space<vmem>>) target(%dma_start3A_241 : memref<73728xf32, #tpu.memory_space<hbm>>) target_semaphore(%run_scoped3A : memref<!tpu.dma_semaphore, #tpu.memory_space<semaphore_mem>>)
        %dma_wait3A = tpu.memref_slice %arg5[%add3A_59, %mul3A_56] : memref<384x147456xf32, #tpu.memory_space<hbm>> -> memref<1x73728xf32, #tpu.memory_space<hbm>>
        %dma_wait3A_242 = tpu.memref_squeeze %dma_wait3A : memref<1x73728xf32, #tpu.memory_space<hbm>> -> memref<73728xf32, #tpu.memory_space<hbm>>
        %dma_wait3A_243 = tpu.memref_slice %arg5[%add3A_59, %mul3A_56] : memref<384x147456xf32, #tpu.memory_space<hbm>> -> memref<1x73728xf32, #tpu.memory_space<hbm>>
        %dma_wait3A_244 = tpu.memref_squeeze %dma_wait3A_243 : memref<1x73728xf32, #tpu.memory_space<hbm>> -> memref<73728xf32, #tpu.memory_space<hbm>>
        tpu.wait_dma2 semaphore(%run_scoped3A : memref<!tpu.dma_semaphore, #tpu.memory_space<semaphore_mem>>) src(%arg6 : memref<73728xf32, #tpu.memory_space<vmem>>) dst(%dma_wait3A_244 : memref<73728xf32, #tpu.memory_space<hbm>>)
        tpu.yield
      }) : () -> ()
    }
    %scan3A_4 = arith.constant 24 : i32
    return
  }
}

module attributes {stable_mosaic.version = 14 : i64} {
  func.func @_prep_body(%arg0: i32, %arg1: i32, %arg2: memref<1x2x128x384xf32, #tpu.memory_space<vmem>>, %arg3: memref<1x128x384xf32, #tpu.memory_space<vmem>>, %arg4: memref<1x4x64x384xf32, #tpu.memory_space<vmem>>) attributes {dimension_semantics = [#tpu.dimension_semantics<arbitrary>, #tpu.dimension_semantics<arbitrary>], iteration_bounds = array<i64: 4, 3>, scalar_prefetch = 0 : i64, scratch_operands = 0 : i64, tpu.core_type = #tpu.core_type<tc>, window_params = [{transform_indices = @transform_0, window_bounds = array<i64: 1, 2, 128, 384>}, {transform_indices = @transform_1, window_bounds = array<i64: 1, 128, 384>}, {transform_indices = @transform_2, window_bounds = array<i64: 1, 4, 64, 384>}]} {
    %get3A = arith.constant 0 : index
    %get3A_0 = arith.constant 0 : index
    %get3A_1 = arith.constant 0 : index
    %get3A_2 = arith.constant 0 : index
    %get3A_3 = vector.load %arg2[%get3A, %get3A_0, %get3A_1, %get3A_2] : memref<1x2x128x384xf32, #tpu.memory_space<vmem>>, vector<1x1x128x384xf32>
    %get3A_4 = vector.shape_cast %get3A_3 : vector<1x1x128x384xf32> to vector<128x384xf32>
    %get3A_5 = arith.constant 0 : index
    %get3A_6 = arith.constant 1 : index
    %get3A_7 = arith.constant 0 : index
    %get3A_8 = arith.constant 0 : index
    %get3A_9 = vector.load %arg2[%get3A_5, %get3A_6, %get3A_7, %get3A_8] : memref<1x2x128x384xf32, #tpu.memory_space<vmem>>, vector<1x1x128x384xf32>
    %get3A_10 = vector.shape_cast %get3A_9 : vector<1x1x128x384xf32> to vector<128x384xf32>
    %iota3A = tpu.iota {dimensions = array<i32: 1>} : vector<128x384xi32>
    %convert_element_type3A = arith.sitofp %iota3A : vector<128x384xi32> to vector<128x384xf32>
    %iota3A_11 = tpu.iota {dimensions = array<i32: 0>} : vector<128x384xi32>
    %convert_element_type3A_12 = arith.sitofp %iota3A_11 : vector<128x384xi32> to vector<128x384xf32>
    %add3A = arith.addf %convert_element_type3A, %get3A_4 : vector<128x384xf32>
    %mul3A = arith.constant 128 : i32
    %mul3A_13 = arith.muli %arg1, %mul3A : i32
    %convert_element_type3A_14 = arith.sitofp %mul3A_13 : i32 to f32
    %add3A_15 = vector.broadcast %convert_element_type3A_14 : f32 to vector<128x384xf32>
    %add3A_16 = arith.addf %convert_element_type3A_12, %add3A_15 : vector<128x384xf32>
    %add3A_17 = arith.addf %add3A_16, %get3A_10 : vector<128x384xf32>
    %floor3A = math.floor %add3A : vector<128x384xf32>
    %floor3A_18 = math.floor %add3A_17 : vector<128x384xf32>
    %add3A_19 = arith.constant 1.000000e+00 : f32
    %add3A_20 = vector.broadcast %add3A_19 : f32 to vector<128x384xf32>
    %add3A_21 = arith.addf %floor3A, %add3A_20 : vector<128x384xf32>
    %add3A_22 = arith.constant 1.000000e+00 : f32
    %add3A_23 = vector.broadcast %add3A_22 : f32 to vector<128x384xf32>
    %add3A_24 = arith.addf %floor3A_18, %add3A_23 : vector<128x384xf32>
    %jit3A = arith.constant -4.000000e+00 : f32
    %jit3A_25 = arith.constant 3.860000e+02 : f32
    %max3A = vector.broadcast %jit3A : f32 to vector<128x384xf32>
    %max3A_26 = arith.maximumf %max3A, %floor3A : vector<128x384xf32>
    %min3A = vector.broadcast %jit3A_25 : f32 to vector<128x384xf32>
    %min3A_27 = arith.minimumf %min3A, %max3A_26 : vector<128x384xf32>
    %convert_element_type3A_28 = arith.fptosi %min3A_27 : vector<128x384xf32> to vector<128x384xi32>
    %jit3A_29 = arith.constant -4.000000e+00 : f32
    %jit3A_30 = arith.constant 3.860000e+02 : f32
    %max3A_31 = vector.broadcast %jit3A_29 : f32 to vector<128x384xf32>
    %max3A_32 = arith.maximumf %max3A_31, %floor3A_18 : vector<128x384xf32>
    %min3A_33 = vector.broadcast %jit3A_30 : f32 to vector<128x384xf32>
    %min3A_34 = arith.minimumf %min3A_33, %max3A_32 : vector<128x384xf32>
    %convert_element_type3A_35 = arith.fptosi %min3A_34 : vector<128x384xf32> to vector<128x384xi32>
    %ge3A = arith.constant 0 : i32
    %ge3A_36 = vector.broadcast %ge3A : i32 to vector<128x384xi32>
    %ge3A_37 = arith.cmpi sge, %convert_element_type3A_28, %ge3A_36 : vector<128x384xi32>
    %lt3A = arith.constant 384 : i32
    %lt3A_38 = vector.broadcast %lt3A : i32 to vector<128x384xi32>
    %lt3A_39 = arith.cmpi slt, %convert_element_type3A_28, %lt3A_38 : vector<128x384xi32>
    %and3A = arith.andi %ge3A_37, %lt3A_39 : vector<128x384xi1>
    %ge3A_40 = arith.constant -1 : i32
    %ge3A_41 = vector.broadcast %ge3A_40 : i32 to vector<128x384xi32>
    %ge3A_42 = arith.cmpi sge, %convert_element_type3A_28, %ge3A_41 : vector<128x384xi32>
    %lt3A_43 = arith.constant 383 : i32
    %lt3A_44 = vector.broadcast %lt3A_43 : i32 to vector<128x384xi32>
    %lt3A_45 = arith.cmpi slt, %convert_element_type3A_28, %lt3A_44 : vector<128x384xi32>
    %and3A_46 = arith.andi %ge3A_42, %lt3A_45 : vector<128x384xi1>
    %ge3A_47 = arith.constant 0 : i32
    %ge3A_48 = vector.broadcast %ge3A_47 : i32 to vector<128x384xi32>
    %ge3A_49 = arith.cmpi sge, %convert_element_type3A_35, %ge3A_48 : vector<128x384xi32>
    %lt3A_50 = arith.constant 384 : i32
    %lt3A_51 = vector.broadcast %lt3A_50 : i32 to vector<128x384xi32>
    %lt3A_52 = arith.cmpi slt, %convert_element_type3A_35, %lt3A_51 : vector<128x384xi32>
    %and3A_53 = arith.andi %ge3A_49, %lt3A_52 : vector<128x384xi1>
    %ge3A_54 = arith.constant -1 : i32
    %ge3A_55 = vector.broadcast %ge3A_54 : i32 to vector<128x384xi32>
    %ge3A_56 = arith.cmpi sge, %convert_element_type3A_35, %ge3A_55 : vector<128x384xi32>
    %lt3A_57 = arith.constant 383 : i32
    %lt3A_58 = vector.broadcast %lt3A_57 : i32 to vector<128x384xi32>
    %lt3A_59 = arith.cmpi slt, %convert_element_type3A_35, %lt3A_58 : vector<128x384xi32>
    %and3A_60 = arith.andi %ge3A_56, %lt3A_59 : vector<128x384xi1>
    %sub3A = arith.subf %add3A_21, %add3A : vector<128x384xf32>
    %sub3A_61 = arith.subf %add3A, %floor3A : vector<128x384xf32>
    %sub3A_62 = arith.subf %add3A_24, %add3A_17 : vector<128x384xf32>
    %sub3A_63 = arith.subf %add3A_17, %floor3A_18 : vector<128x384xf32>
    %broadcast_in_dim3A = arith.constant 0.000000e+00 : f32
    %broadcast_in_dim3A_64 = vector.broadcast %broadcast_in_dim3A : f32 to vector<128x384xf32>
    %mul3A_65 = arith.constant 384 : i32
    %mul3A_66 = vector.broadcast %mul3A_65 : i32 to vector<128x384xi32>
    %mul3A_67 = arith.muli %convert_element_type3A_35, %mul3A_66 : vector<128x384xi32>
    %add3A_68 = arith.addi %mul3A_67, %convert_element_type3A_28 : vector<128x384xi32>
    %bitcast_convert_type3A = tpu.bitcast %add3A_68 : vector<128x384xi32> -> vector<128x384xf32>
    %swap3A = arith.constant 0 : index
    %swap3A_69 = arith.constant 0 : index
    %swap3A_70 = arith.constant 0 : index
    %swap3A_71 = vector.load %arg3[%swap3A, %swap3A_69, %swap3A_70] : memref<1x128x384xf32, #tpu.memory_space<vmem>>, vector<1x128x384xf32>
    %swap3A_72 = vector.shape_cast %swap3A_71 : vector<1x128x384xf32> to vector<128x384xf32>
    %swap3A_73 = vector.shape_cast %bitcast_convert_type3A : vector<128x384xf32> to vector<1x128x384xf32>
    tpu.vector_store %arg3[%swap3A, %swap3A_69, %swap3A_70], %swap3A_73 {strides = array<i32>} : memref<1x128x384xf32, #tpu.memory_space<vmem>>, vector<1x128x384xf32>,
    %and3A_74 = arith.andi %and3A, %and3A_53 : vector<128x384xi1>
    %mul3A_75 = arith.mulf %sub3A, %sub3A_62 : vector<128x384xf32>
    %select_n3A = arith.select %and3A_74, %mul3A_75, %broadcast_in_dim3A_64 : vector<128x384xi1>, vector<128x384xf32>
    %convert_element_type3A_76 = arith.truncf %select_n3A : vector<128x384xf32> to vector<128x384xbf16>
    %bitcast_convert_type3A_77 = tpu.bitcast %convert_element_type3A_76 : vector<128x384xbf16> -> vector<128x384xi16>
    %convert_element_type3A_78 = arith.extui %bitcast_convert_type3A_77 : vector<128x384xi16> to vector<128x384xi32>
    %reshape3A = vector.shape_cast %convert_element_type3A_78 : vector<128x384xi32> to vector<32x4x384xi32>
    %slice3A = vector.extract_strided_slice %reshape3A {offsets = [0, 0, 0], sizes = [32, 2, 384], strides = [1, 1, 1]} : vector<32x4x384xi32> to vector<32x2x384xi32>
    %slice3A_79 = vector.extract_strided_slice %reshape3A {offsets = [0, 2, 0], sizes = [32, 2, 384], strides = [1, 1, 1]} : vector<32x4x384xi32> to vector<32x2x384xi32>
    %shift_left3A = arith.constant 16 : i32
    %shift_left3A_80 = vector.broadcast %shift_left3A : i32 to vector<32x2x384xi32>
    %shift_left3A_81 = arith.shli %slice3A_79, %shift_left3A_80 : vector<32x2x384xi32>
    %or3A = arith.ori %slice3A, %shift_left3A_81 : vector<32x2x384xi32>
    %bitcast_convert_type3A_82 = tpu.bitcast %or3A : vector<32x2x384xi32> -> vector<32x2x384xf32>
    %reshape3A_83 = vector.shape_cast %bitcast_convert_type3A_82 : vector<32x2x384xf32> to vector<64x384xf32>
    %swap3A_84 = arith.constant 0 : index
    %swap3A_85 = arith.constant 0 : index
    %swap3A_86 = arith.constant 0 : index
    %swap3A_87 = arith.constant 0 : index
    %swap3A_88 = vector.load %arg4[%swap3A_84, %swap3A_85, %swap3A_86, %swap3A_87] : memref<1x4x64x384xf32, #tpu.memory_space<vmem>>, vector<1x1x64x384xf32>
    %swap3A_89 = vector.shape_cast %swap3A_88 : vector<1x1x64x384xf32> to vector<64x384xf32>
    %swap3A_90 = vector.shape_cast %reshape3A_83 : vector<64x384xf32> to vector<1x1x64x384xf32>
    tpu.vector_store %arg4[%swap3A_84, %swap3A_85, %swap3A_86, %swap3A_87], %swap3A_90 {strides = array<i32>} : memref<1x4x64x384xf32, #tpu.memory_space<vmem>>, vector<1x1x64x384xf32>,
    %and3A_91 = arith.andi %and3A_46, %and3A_53 : vector<128x384xi1>
    %mul3A_92 = arith.mulf %sub3A_61, %sub3A_62 : vector<128x384xf32>
    %select_n3A_93 = arith.select %and3A_91, %mul3A_92, %broadcast_in_dim3A_64 : vector<128x384xi1>, vector<128x384xf32>
    %convert_element_type3A_94 = arith.truncf %select_n3A_93 : vector<128x384xf32> to vector<128x384xbf16>
    %bitcast_convert_type3A_95 = tpu.bitcast %convert_element_type3A_94 : vector<128x384xbf16> -> vector<128x384xi16>
    %convert_element_type3A_96 = arith.extui %bitcast_convert_type3A_95 : vector<128x384xi16> to vector<128x384xi32>
    %reshape3A_97 = vector.shape_cast %convert_element_type3A_96 : vector<128x384xi32> to vector<32x4x384xi32>
    %slice3A_98 = vector.extract_strided_slice %reshape3A_97 {offsets = [0, 0, 0], sizes = [32, 2, 384], strides = [1, 1, 1]} : vector<32x4x384xi32> to vector<32x2x384xi32>
    %slice3A_99 = vector.extract_strided_slice %reshape3A_97 {offsets = [0, 2, 0], sizes = [32, 2, 384], strides = [1, 1, 1]} : vector<32x4x384xi32> to vector<32x2x384xi32>
    %shift_left3A_100 = arith.constant 16 : i32
    %shift_left3A_101 = vector.broadcast %shift_left3A_100 : i32 to vector<32x2x384xi32>
    %shift_left3A_102 = arith.shli %slice3A_99, %shift_left3A_101 : vector<32x2x384xi32>
    %or3A_103 = arith.ori %slice3A_98, %shift_left3A_102 : vector<32x2x384xi32>
    %bitcast_convert_type3A_104 = tpu.bitcast %or3A_103 : vector<32x2x384xi32> -> vector<32x2x384xf32>
    %reshape3A_105 = vector.shape_cast %bitcast_convert_type3A_104 : vector<32x2x384xf32> to vector<64x384xf32>
    %swap3A_106 = arith.constant 0 : index
    %swap3A_107 = arith.constant 1 : index
    %swap3A_108 = arith.constant 0 : index
    %swap3A_109 = arith.constant 0 : index
    %swap3A_110 = vector.load %arg4[%swap3A_106, %swap3A_107, %swap3A_108, %swap3A_109] : memref<1x4x64x384xf32, #tpu.memory_space<vmem>>, vector<1x1x64x384xf32>
    %swap3A_111 = vector.shape_cast %swap3A_110 : vector<1x1x64x384xf32> to vector<64x384xf32>
    %swap3A_112 = vector.shape_cast %reshape3A_105 : vector<64x384xf32> to vector<1x1x64x384xf32>
    tpu.vector_store %arg4[%swap3A_106, %swap3A_107, %swap3A_108, %swap3A_109], %swap3A_112 {strides = array<i32>} : memref<1x4x64x384xf32, #tpu.memory_space<vmem>>, vector<1x1x64x384xf32>,
    %and3A_113 = arith.andi %and3A, %and3A_60 : vector<128x384xi1>
    %mul3A_114 = arith.mulf %sub3A, %sub3A_63 : vector<128x384xf32>
    %select_n3A_115 = arith.select %and3A_113, %mul3A_114, %broadcast_in_dim3A_64 : vector<128x384xi1>, vector<128x384xf32>
    %convert_element_type3A_116 = arith.truncf %select_n3A_115 : vector<128x384xf32> to vector<128x384xbf16>
    %bitcast_convert_type3A_117 = tpu.bitcast %convert_element_type3A_116 : vector<128x384xbf16> -> vector<128x384xi16>
    %convert_element_type3A_118 = arith.extui %bitcast_convert_type3A_117 : vector<128x384xi16> to vector<128x384xi32>
    %reshape3A_119 = vector.shape_cast %convert_element_type3A_118 : vector<128x384xi32> to vector<32x4x384xi32>
    %slice3A_120 = vector.extract_strided_slice %reshape3A_119 {offsets = [0, 0, 0], sizes = [32, 2, 384], strides = [1, 1, 1]} : vector<32x4x384xi32> to vector<32x2x384xi32>
    %slice3A_121 = vector.extract_strided_slice %reshape3A_119 {offsets = [0, 2, 0], sizes = [32, 2, 384], strides = [1, 1, 1]} : vector<32x4x384xi32> to vector<32x2x384xi32>
    %shift_left3A_122 = arith.constant 16 : i32
    %shift_left3A_123 = vector.broadcast %shift_left3A_122 : i32 to vector<32x2x384xi32>
    %shift_left3A_124 = arith.shli %slice3A_121, %shift_left3A_123 : vector<32x2x384xi32>
    %or3A_125 = arith.ori %slice3A_120, %shift_left3A_124 : vector<32x2x384xi32>
    %bitcast_convert_type3A_126 = tpu.bitcast %or3A_125 : vector<32x2x384xi32> -> vector<32x2x384xf32>
    %reshape3A_127 = vector.shape_cast %bitcast_convert_type3A_126 : vector<32x2x384xf32> to vector<64x384xf32>
    %swap3A_128 = arith.constant 0 : index
    %swap3A_129 = arith.constant 2 : index
    %swap3A_130 = arith.constant 0 : index
    %swap3A_131 = arith.constant 0 : index
    %swap3A_132 = vector.load %arg4[%swap3A_128, %swap3A_129, %swap3A_130, %swap3A_131] : memref<1x4x64x384xf32, #tpu.memory_space<vmem>>, vector<1x1x64x384xf32>
    %swap3A_133 = vector.shape_cast %swap3A_132 : vector<1x1x64x384xf32> to vector<64x384xf32>
    %swap3A_134 = vector.shape_cast %reshape3A_127 : vector<64x384xf32> to vector<1x1x64x384xf32>
    tpu.vector_store %arg4[%swap3A_128, %swap3A_129, %swap3A_130, %swap3A_131], %swap3A_134 {strides = array<i32>} : memref<1x4x64x384xf32, #tpu.memory_space<vmem>>, vector<1x1x64x384xf32>,
    %and3A_135 = arith.andi %and3A_46, %and3A_60 : vector<128x384xi1>
    %mul3A_136 = arith.mulf %sub3A_61, %sub3A_63 : vector<128x384xf32>
    %select_n3A_137 = arith.select %and3A_135, %mul3A_136, %broadcast_in_dim3A_64 : vector<128x384xi1>, vector<128x384xf32>
    %convert_element_type3A_138 = arith.truncf %select_n3A_137 : vector<128x384xf32> to vector<128x384xbf16>
    %bitcast_convert_type3A_139 = tpu.bitcast %convert_element_type3A_138 : vector<128x384xbf16> -> vector<128x384xi16>
    %convert_element_type3A_140 = arith.extui %bitcast_convert_type3A_139 : vector<128x384xi16> to vector<128x384xi32>
    %reshape3A_141 = vector.shape_cast %convert_element_type3A_140 : vector<128x384xi32> to vector<32x4x384xi32>
    %slice3A_142 = vector.extract_strided_slice %reshape3A_141 {offsets = [0, 0, 0], sizes = [32, 2, 384], strides = [1, 1, 1]} : vector<32x4x384xi32> to vector<32x2x384xi32>
    %slice3A_143 = vector.extract_strided_slice %reshape3A_141 {offsets = [0, 2, 0], sizes = [32, 2, 384], strides = [1, 1, 1]} : vector<32x4x384xi32> to vector<32x2x384xi32>
    %shift_left3A_144 = arith.constant 16 : i32
    %shift_left3A_145 = vector.broadcast %shift_left3A_144 : i32 to vector<32x2x384xi32>
    %shift_left3A_146 = arith.shli %slice3A_143, %shift_left3A_145 : vector<32x2x384xi32>
    %or3A_147 = arith.ori %slice3A_142, %shift_left3A_146 : vector<32x2x384xi32>
    %bitcast_convert_type3A_148 = tpu.bitcast %or3A_147 : vector<32x2x384xi32> -> vector<32x2x384xf32>
    %reshape3A_149 = vector.shape_cast %bitcast_convert_type3A_148 : vector<32x2x384xf32> to vector<64x384xf32>
    %swap3A_150 = arith.constant 0 : index
    %swap3A_151 = arith.constant 3 : index
    %swap3A_152 = arith.constant 0 : index
    %swap3A_153 = arith.constant 0 : index
    %swap3A_154 = vector.load %arg4[%swap3A_150, %swap3A_151, %swap3A_152, %swap3A_153] : memref<1x4x64x384xf32, #tpu.memory_space<vmem>>, vector<1x1x64x384xf32>
    %swap3A_155 = vector.shape_cast %swap3A_154 : vector<1x1x64x384xf32> to vector<64x384xf32>
    %swap3A_156 = vector.shape_cast %reshape3A_149 : vector<64x384xf32> to vector<1x1x64x384xf32>
    tpu.vector_store %arg4[%swap3A_150, %swap3A_151, %swap3A_152, %swap3A_153], %swap3A_156 {strides = array<i32>} : memref<1x4x64x384xf32, #tpu.memory_space<vmem>>, vector<1x1x64x384xf32>,
    return
  }
  func.func @transform_0(%arg0: i32, %arg1: i32) -> (i32, i32, i32, i32) {
    %c0_i32 = arith.constant 0 : i32
    %c0_i32_0 = arith.constant 0 : i32
    %c0_i32_1 = arith.constant 0 : i32
    return %arg0, %c0_i32, %arg1, %c0_i32_0 : i32, i32, i32, i32
  }
  func.func @transform_1(%arg0: i32, %arg1: i32) -> (i32, i32, i32) {
    %c0_i32 = arith.constant 0 : i32
    %c0_i32_0 = arith.constant 0 : i32
    return %arg0, %arg1, %c0_i32 : i32, i32, i32
  }
  func.func @transform_2(%arg0: i32, %arg1: i32) -> (i32, i32, i32, i32) {
    %c0_i32 = arith.constant 0 : i32
    %c0_i32_0 = arith.constant 0 : i32
    %c0_i32_1 = arith.constant 0 : i32
    return %arg0, %c0_i32, %arg1, %c0_i32_0 : i32, i32, i32, i32
  }
}

</mosaic_0001>

<sc_bundles>
// kernel: kernel.4.cloned.1.call-start
scs
__scs_entry_jumppad:
0x0: {  	(pc) =	sbr.rel $0x88, $3  }
0x1: {  	(tag) =	ssettag $0x0;
	lr =	simm.s32 $0x1  }
0x2: {  	[smem:$0x3F9F] =	sst lr;
	_ =	strace $0xD0000000  }
0x3: {  	_ = 	snop  }
0x4: {  	_ = 	snop  }
0x5: {  	_ = 	snop  }
0x6: {  	_ = 	snop  }
0x7: {  	_ = 	snop  }
__scs_overlays_trampoline_lowered:
0x8: {  	[smem:$0x3FAE] =	sst s0  }
0x9: {  	[smem:$0x3FAF] =	sst s1  }
0xa: {  	[smem:$0x3FB0] =	sst s2  }
0xb: {  	[smem:$0x3FB1] =	sst s3  }
0xc: {  	[smem:$0x3FB2] =	sst s4  }
0xd: {  	[smem:$0x3FB3] =	sst s5  }
0xe: {  	[smem:$0x3FB4] =	sst s6  }
0xf: {  	[smem:$0x3FB5] =	sst s7  }
0x10: {  	[smem:$0x3FB6] =	sst s8  }
0x11: {  	[smem:$0x3FB7] =	sst s9;
	s0 =	simm.s32 @!p0 $0x0  }
0x12: {  	s1 =	sld [smem:$0x3F9D];
	s0 =	simm.s32 @p0 $0x1  }
0x13: {  	[smem:$0x3FB8] =	sst s0;
	s0 =	simm.s32 @!p1 $0x0  }
0x14: {  	s2 =	sld [smem:$0x3F9C];
	s0 =	simm.s32 @p1 $0x1  }
0x15: {  	[smem:$0x3FB9] =	sst s0;
	s0 =	simm.s32 @!p2 $0x0  }
0x16: {  	s3 =	sld [smem:$0x3FDB];
	s0 =	simm.s32 @p2 $0x1  }
0x17: {  	s4 =	simm.s32 $0x1BF5;
	[smem:$0x3FBB] =	sst s0  }
0x18: {  	s0 =	sld [smem:$0x3F9E];
	_ =	swait.ge [sflag:s4], $0x0  }
0x19: {  	s7 =	sld [smem:$0x3F9F]  }
0x1a: {  	s8 =	sadd.s32 $0xFFFFE003, lr  }
0x1b: {  	s9 =	sadd.s32 $0xFFFFFEF7, lr;
	s5 =	simm.s32 $0xFFFFFFFF;
	p2 =	slt.u32 s8, $0xFFFFF086  }
0x1c: {  	p1 =	slt.u32 s9, $0xF7A;
	s5 =	simm.s32 @!p2 $0x0  }
0x1d: {  	s5 =	simm.s32 @p1 $0x1;
	p0 =	seq.s32 s7, s2  }
0x1e: {  	s7 =	smul.u32 @!p0 $0xF7A, s2;
	p2 =	seq.s32 @!p0 s5, $0x0  }
0x1f: {  	s9 =	smul.u32 $0xF7A, s1;
	s8 =	simm.s32 @!p0 $0x1BF5;
	p2 =	por !p2, p0  }
0x20: {  	[sflag:s8] =	ssyncset.s32 @!p0 $0xFFFFF086;
	s6 =	sadd.s32 @!p0 s3, s7;
	s7 =	simm.s32 @!p0 $0x108  }
0x21: {  	s3 =	sadd.s32 s3, s9;
	s6 =	sadd.s32 @!p0 $0x88, s6;
	s7 =	simm.s32 @p2 $0x1082  }
0x22: {  	[simem:s7], [sflag:s8] =	dma.local @!p0 [hbm:s6], $0xF7A  }
0x23: {  	s9 =	sor.u32 $0xD0000000, s2;
	s6 =	simm.s32 $0x108;
	_ =	swait.ge @!p0 [sflag:s8], $0x0  }
0x24: {  	s3 =	sadd.s32 $0x88, s3;
	s6 =	simm.s32 @!p1 $0x1082;
	[sflag:s4] =	ssyncset.s32 $0xFFFFF086  }
0x25: {  	[simem:s6], [sflag:s4] =	dma.local [hbm:s3], $0xF7A  }
0x26: {  	[smem:$0x3F9F] =	sst s1;
	(tag) =	ssettag s2;
	_ =	strace s9  }
0x27: {  	s1 =	sld [smem:$0x3FAF]  }
0x28: {  	s2 =	sld [smem:$0x3FB0]  }
0x29: {  	s4 =	sld [smem:$0x3FB2]  }
0x2a: {  	p0 =	seq.s32 s5, $0x0;
	s5 =	sld [smem:$0x3FB3]  }
0x2b: {  	s6 =	sld [smem:$0x3FB4]  }
0x2c: {  	s7 =	sld [smem:$0x3FB5]  }
0x2d: {  	s3 =	simm.s32 $0x108;
	s8 =	sld [smem:$0x3FB6]  }
0x2e: {  	s3 =	simm.s32 @!p0 $0x1082;
	s9 =	sld [smem:$0x3FB7]  }
0x2f: {  	lr =	sadd.s32 s0, s3;
	s0 =	sld [smem:$0x3FAE]  }
0x30: {  	s3 =	sld [smem:$0x3FB1]  }
0x31: {  	[smem:$0x3FBA] =	sst s10  }
0x32: {  	s10 =	sld [smem:$0x3FB8];
	_ =	sdelay $0x3  }
0x33: {  	p0 =	seq.s32 s10, $0x1;
	s10 =	sld [smem:$0x3FBA];
	_ =	sdelay $0x3  }
0x34: {  	[smem:$0x3FBA] =	sst s10  }
0x35: {  	s10 =	sld [smem:$0x3FB9];
	_ =	sdelay $0x3  }
0x36: {  	p1 =	seq.s32 s10, $0x1;
	s10 =	sld [smem:$0x3FBA];
	_ =	sdelay $0x3  }
0x37: {  	[smem:$0x3FBA] =	sst s10  }
0x38: {  	s10 =	sld [smem:$0x3FBB]  }
0x39: {  	_ = 	snop;
	(pc) =	sbr.ind lr, $3  }
0x3a: {  	_ = 	snop  }
0x3b: {  	_ = 	snop  }
0x3c: {  	p2 =	seq.s32 s10, $0x1;
	s10 =	sld [smem:$0x3FBA]  }
0x3d: {  	_ =	shalt  }
0x3e: {  	_ =	shalt  }
0x3f: {  	_ =	shalt  }
0x40: {  	_ =	shalt  }
0x41: {  	_ =	shalt  }
0x42: {  	_ =	shalt  }
0x43: {  	_ =	shalt  }
0x44: {  	_ =	shalt  }
0x45: {  	_ =	shalt  }
0x46: {  	_ =	shalt  }
0x47: {  	_ =	shalt  }
0x48: {  	_ =	shalt  }
0x49: {  	_ =	shalt  }
0x4a: {  	_ =	shalt  }
0x4b: {  	_ =	shalt  }
0x4c: {  	_ =	shalt  }
0x4d: {  	_ =	shalt  }
0x4e: {  	_ =	shalt  }
0x4f: {  	_ =	shalt  }
0x50: {  	_ =	shalt  }
0x51: {  	_ =	shalt  }
0x52: {  	_ =	shalt  }
0x53: {  	_ =	shalt  }
0x54: {  	_ =	shalt  }
0x55: {  	_ =	shalt  }
0x56: {  	_ =	shalt  }
0x57: {  	_ =	shalt  }
0x58: {  	_ =	shalt  }
0x59: {  	_ =	shalt  }
0x5a: {  	_ =	shalt  }
0x5b: {  	_ =	shalt  }
0x5c: {  	_ =	shalt  }
0x5d: {  	_ =	shalt  }
0x5e: {  	_ =	shalt  }
0x5f: {  	_ =	shalt  }
0x60: {  	_ =	shalt  }
0x61: {  	_ =	shalt  }
0x62: {  	_ =	shalt  }
0x63: {  	_ =	shalt  }
0x64: {  	_ =	shalt  }
0x65: {  	_ =	shalt  }
0x66: {  	_ =	shalt  }
0x67: {  	_ =	shalt  }
0x68: {  	_ =	shalt  }
0x69: {  	_ =	shalt  }
0x6a: {  	_ =	shalt  }
0x6b: {  	_ =	shalt  }
0x6c: {  	_ =	shalt  }
0x6d: {  	_ =	shalt  }
0x6e: {  	_ =	shalt  }
0x6f: {  	_ =	shalt  }
0x70: {  	_ =	shalt  }
0x71: {  	_ =	shalt  }
0x72: {  	_ =	shalt  }
0x73: {  	_ =	shalt  }
0x74: {  	_ =	shalt  }
0x75: {  	_ =	shalt  }
0x76: {  	_ =	shalt  }
0x77: {  	_ =	shalt  }
0x78: {  	_ =	shalt  }
0x79: {  	_ =	shalt  }
0x7a: {  	_ =	shalt  }
0x7b: {  	_ =	shalt  }
0x7c: {  	_ =	shalt  }
0x7d: {  	_ =	shalt  }
0x7e: {  	_ =	shalt  }
0x7f: {  	_ =	shalt  }
0x80: {  	_ =	shalt  }
0x81: {  	_ =	shalt  }
0x82: {  	_ =	shalt  }
0x83: {  	_ =	shalt  }
0x84: {  	_ =	shalt  }
0x85: {  	_ =	shalt  }
0x86: {  	_ =	shalt  }
0x87: {  	_ =	shalt  }
.Lfunc_end0:
.L_simem_size_0:
called_computation.2_lowered:
.L_overlay_start_0:
0x88: {  	s2 =	sld [smem:$0x3FD9]  }
0x89: {  	s3 =	sld [smem:$0x3FFE];
	_ =	sdelay $0x1  }
0x8a: {  	s1 =	srdreg.scid  }
0x8b: {  	s0 =	sand.u32 $0x1, s1  }
0x8c: {  	s17 =	sshll.u32 s0, $0xA;
	s2 =	sadd.s32 s3, s2  }
0x8d: {  	s2 =	sadd.s32 s2, s17  }
0x8e: {  	[smem:$0x3FC6] =	sst s2  }
0x8f: {  	_ = 	snop  }
0x90: {  	s2 =	sld [smem:$0x3FD0];
	(tm) =	ssettm $0x1  }
0x91: {  	s18 =	sld [smem:$0x3FFB];
	_ =	sdelay $0x3  }
0x92: {  	_ =	strace s18  }
0x93: {  	s3 =	sld [smem:$0x3FFC];
	_ =	sdelay $0x3  }
0x94: {  	_ =	strace s3  }
0x95: {  	s3 =	sld [smem:$0x3FFD];
	_ =	sdelay $0x3  }
0x96: {  	_ =	strace s3  }
0x97: {  	_ =	strace $0x8FFFFFFF  }
0x98: {  	s19 =	sld [smem:$0x3FDB];
	_ =	sdelay $0x1  }
0x99: {  	s4 =	simm.s32 $_scs_section_size  }
0x9a: {  	s5 =	simm.s32 $_size__tile_overlayer_lowered;
	s6 =	simm.s32 $_tile_overlayer_lowered  }
0x9b: {  	s22 =	simm.s32 $0x1BFF;
	s21 =	sshll.u32 s6, $0x1;
	s3 =	sadd.s32 s4, s19  }
0x9c: {  	s7 =	simm.s32 $0x0;
	s20 =	sshll.u32 s5, $0x1;
	s5 =	sadd.s32 s21, s3  }
0x9d: {  	[timem:s7], [sflag:s22] =	dma.local [hbm:s5], s20  }
0x9e: {  	_ =	swait.ge [sflag:s22], s20  }
0x9f: {  	s4 =	ssub.s32 $0x0, s20;
	[sflag:s22] =	ssyncset.done $0x0  }
0xa0: {  	[sflag:s22] =	ssyncadd.s32 s4;
	_ =	sdelay $0x1  }
0xa1: {  	s23 =	simm.s32 $0x1B8B  }
0xa2: {  	_ =	swait.ge [sflag:s23], $0x1  }
0xa3: {  	[sflag:s23] =	ssyncset.done $0x0  }
0xa4: {  	s25 =	simm.s32 $0x1B8E;
	s24 =	sld [smem:$0x3FFE];
	[sflag:s23] =	ssyncadd.s32 $0xFFFFFFFF  }
0xa5: {  	s26 =	simm.s32 $execute0_lowered;
	[smem:$0x3FD2] =	sst s25  }
0xa6: {  	s5 =	sshll.u32 s26, $0x1;
	_ =	strace $0x80000049;
	[dreg:$0x1] =	wrdreg $0xFFFFFFFF  }
0xa7: {  	s28 =	simm.s32 $_size_execute0_lowered;
	s3 =	sadd.s32 s3, s5;
	[dreg:$0x0] =	wrdreg $0x0  }
0xa8: {  	s5 =	sshll.u32 s28, $0x1;
	[dreg:$0x2] =	wrdreg s3  }
0xa9: {  	[dreg:$0x3] =	wrdreg s5  }
0xaa: {  	[dreg:$0x4] =	wrdreg $0xC0  }
0xab: {  	_ =	task [dreg:s7], $0x5FFFF  }
0xac: {  	[dreg:$0x1] =	wrdreg $0xFFFFFFFF  }
0xad: {  	[dreg:$0x0] =	wrdreg $0x60  }
0xae: {  	[dreg:$0x2] =	wrdreg s2  }
0xaf: {  	[dreg:$0x3] =	wrdreg s24  }
0xb0: {  	[dreg:$0x4] =	wrdreg $0x9  }
0xb1: {  	_ =	task.clear_ibuf [dreg:s7], $0x5FFFF;
	_ =	strace $0x90000049  }
0xb2: {  	s29 =	simm.s32 $0x9;
	_ =	strace $0x8000004B  }
0xb3: {  	_ =	swait.ge [sflag:s29], $0x1  }
0xb4: {  	[sflag:s29] =	ssyncadd.s32 $0xFFFFFFFF  }
0xb5: {  	_ =	strace $0x9000004B  }
0xb6: {  	_ =	sfence  }
0xb7: {  	s30 =	sld [smem:$0x0];
	_ =	sdelay $0x2  }
0xb8: {  	s31 =	sshll.u32 s1, $0xD;
	s1 =	sshrl.u32 s1, $0x2  }
0xb9: {  	s3 =	sand.u32 $0x4000, s31;
	s1 =	sadd.s32 s1, s30  }
0xba: {  	s0 =	sor.u32 s3, s0;
	s1 =	sshll.u32 s1, $0x11  }
0xbb: {  	s0 =	sor.u32 s1, s0  }
0xbc: {  	s0 =	sadd.s32 $0x8F2B, s0  }
0xbd: {  	[sflag:s0] =	ssyncadd.remote.s32 $0x1  }
0xbe: {  	_ =	sfence.sel $0xFFFF  }
0xbf: {  	[dreg:$0x0] =	wrdreg $0xFFFFFFFF;
	(pc) =	sbr.abs _section_cstart, $3  }
0xc0: {  	[dreg:$0x1] =	wrdreg $0xFFFFFFFF  }
0xc1: {  	_ =	task.clear_ibuf [dreg:s7], $0x2FFFF;
	_ =	strace $0x9FFFFFFF  }
0xc2: {  	(tm) =	ssettm $0x7FFFFFFF  }
0xc3: {  	_ =	shalt  }
tec
execute0_lowered:
.L_overlay_start_1:
0x0: {  	(tag) =	ssettag $0x1  }
0x1: {  	s21 =	rddreg [dreg:$0x0]  }
0x2: {  	s0 =	rddreg [dreg:$0x1];
	s2 =	simm.s32 $0x0;
	s1 =	srdreg.scid  }
0x3: {  	s17 =	stileid.u32;
	[smem:$0x7FF] =	sst s2;
	s5 =	sadd.s32 $0x37000, s0  }
0x4: {  	s18 =	sshll.u32 s17, $0x1;
	_ =	strace $0x8000004A;
	[dreg:$0x4] =	wrdreg s5  }
0x5: {  	s4 =	sand.u32 $0x1, s1;
	[dreg:$0x5] =	wrdreg s18  }
0x6: {  	s20 =	sadd.s32 $0x600, s21;
	[dreg:$0x3] =	wrdreg s4  }
0x7: {  	s23 =	sadd.s32 $0x1300, s0;
	[dreg:$0x6] =	wrdreg s20  }
0x8: {  	s24 =	sadd.s32 $0x13180, s0;
	[dreg:$0x7] =	wrdreg s23  }
0x9: {  	s19 =	sadd.s32 $0x1000, s0;
	s25 =	sadd.s32 $0xC00, s21;
	[dreg:$0x8] =	wrdreg s24  }
0xa: {  	s22 =	sadd.s32 $0x13000, s0;
	s26 =	sadd.s32 $0x1600, s0;
	[dreg:$0x9] =	wrdreg s25  }
0xb: {  	s28 =	sadd.s32 $0x13300, s0;
	s29 =	sadd.s32 $0x1200, s21;
	[dreg:$0xa] =	wrdreg s26  }
.Ltmp0:
0xc: {  	s1 =	ssub.s32 $0x2, s4;
	[dreg:$0xb] =	wrdreg s28;
	(pc) =	sbr.rel .LBB2_1-.Ltmp0, $4  }
0xd: {  	s30 =	sadd.s32 $0x1900, s0;
	[dreg:$0xc] =	wrdreg s29;
	s3 =	sshrl.u32 s1, $0x1  }
0xe: {  	s0 =	sadd.s32 $0x13480, s0;
	[dreg:$0xd] =	wrdreg s30;
	s1 =	ssub.s32 s1, s3  }
0xf: {  	[dreg:$0xe] =	wrdreg s0;
	s31 =	smax.u32 s1, $0x1  }
0x10: {  	v0 =	vimm.f32 $0.0e+00;
	p0 =	seq.s32 s4, $0x1;
	s1 =	simm.s32 $0x0;
	[dreg:$0xf] =	wrdreg s31  }
.LBB2_22:
0x11: {  	s1 =	rddreg [dreg:$0x10]  }
0x12: {  	s0 =	rddreg [dreg:$0xf];
	s1 =	sadd.s32 $0x1, s1  }
0x13: {  	p1 =	sne.s32 s1, s0  }
.Ltmp1:
0x14: {  	_ = 	snop;
	(pc) =	sbr.rel @!p1 .LBB2_23-.Ltmp1, $1  }
0x15: {  	_ =	sdelay $0x3  }
.LBB2_1:
.Ltmp2:
0x16: {  	(pc) =	sbr.rel .LBB2_2-.Ltmp2, $2  }
0x17: {  	_ =	sdelay $0x2  }
0x18: {  	[dreg:$0x10] =	wrdreg s1;
	s1 =	simm.s32 $0x0  }
.LBB2_21:
0x19: {  	s0 =	rddreg [dreg:$0x14]  }
0x1a: {  	s0 =	smul.u32 $0x90000, s0  }
0x1b: {  	s1 =	rddreg [dreg:$0x12]  }
0x1c: {  	s26 =	rddreg [dreg:$0x13];
	s0 =	sadd.s32 s0, s1  }
0x1d: {  	s0 =	sor.u32 s26, s0  }
0x1e: {  	s28 =	rddreg [dreg:$0x4];
	s29 =	simm.s32 $0x80;
	s0 =	sshrl.u32 s0, $0x3  }
0x1f: {  	s3 =	simm.s32 $0x400;
	s30 =	simm.s32 $0x5;
	s0 =	sadd.s32 s28, s0  }
0x20: {  	[hbm4b:s0+s29] =	stream.strided.scatter [tilespmem:s2], [sflag:$0x5], $0x12000, s3, s29, $0x38;
	[tilespmem:$0x18000] =	vst v63  }
0x21: {  	_ =	swait.ge [sflag:s30], $0x12000  }
0x22: {  	s31 =	rddreg [dreg:$0x11]  }
0x23: {  	s1 =	sadd.s32 $0x1, s31  }
0x24: {  	p1 =	sne.s32 s1, $0x18  }
.Ltmp3:
0x25: {  	_ = 	snop;
	(pc) =	sbr.rel @!p1 .LBB2_22-.Ltmp3, $3  }
0x26: {  	_ =	sdelay $0x1  }
0x27: {  	[sflag:s30] =	ssyncset.done $0x0  }
0x28: {  	[sflag:s30] =	ssyncadd.s32 $0xFFFEE000  }
.LBB2_2:
0x29: {  	s5 =	simm.s32 $0x40  }
0x2a: {  	[tilespmem:s5+$0xFFFFFFC0] =	vst v0  }
0x2b: {  	[tilespmem:s5+$0x30] =	vst v0  }
0x2c: {  	[tilespmem:s5+$0x20] =	vst v0  }
0x2d: {  	[tilespmem:s5+$0x10] =	vst v0  }
0x2e: {  	[tilespmem:s5+$0x0] =	vst v0  }
0x2f: {  	[tilespmem:s5+$0xFFFFFFF0] =	vst v0  }
0x30: {  	s0 =	simm.s32 $0x0;
	[tilespmem:s5+$0xFFFFFFE0] =	vst v0  }
.LBB2_3:
0x31: {  	s0 =	sadd.s32 $0x8, s0;
	[tilespmem:s5+$0xFFFFFFD0] =	vst v0;
	s5 =	sadd.s32 $0x80, s5  }
0x32: {  	[tilespmem:s5+$0xFFFFFFC0] =	vst v0;
	p1 =	slt.u32 s0, $0x11F8  }
0x33: {  	[tilespmem:s5+$0x30] =	vst v0  }
.Ltmp4:
0x34: {  	[tilespmem:s5+$0x20] =	vst v0;
	(pc) =	sbr.rel @p1 .LBB2_3-.Ltmp4, $4  }
0x35: {  	[tilespmem:s5+$0x10] =	vst v0  }
0x36: {  	[tilespmem:s5+$0x0] =	vst v0  }
0x37: {  	[tilespmem:s5+$0xFFFFFFF0] =	vst v0  }
0x38: {  	[tilespmem:s5+$0xFFFFFFE0] =	vst v0  }
0x39: {  	s7 =	smul.u32 $0xAB, s1;
	_ =	sdelay $0x1  }
0x3a: {  	[dreg:$0x11] =	wrdreg s1;
	s0 =	sshrl.u32 s7, $0xA  }
0x3b: {  	s3 =	sshll.u32 s1, $0x5;
	s4 =	rddreg [dreg:$0x5];
	s1 =	sand.u32 $0x3F, s0  }
0x3c: {  	s8 =	rddreg [dreg:$0x3];
	s3 =	sor.u32 s3, s4;
	s0 =	smul.u32 $0xFFFFFF40, s1  }
0x3d: {  	s3 =	sor.u32 s8, s3  }
0x3e: {  	s0 =	sadd.s32 s0, s3  }
0x3f: {  	p1 =	slt.s32 s0, $0x1  }
0x40: {  	s3 =	sshrl.u32 s0, $0x1F;
	p1 =	por !p1, !p0  }
0x41: {  	s4 =	simm.s32 $0x1;
	s3 =	sadd.s32 s3, s0;
	p1 =	por !p1, !p1  }
0x42: {  	s8 =	smul.u32 $0x60, s1;
	s3 =	sshra.s32 s3, $0x1;
	s4 =	simm.s32 @!p1 $0x0  }
0x43: {  	s4 =	ssub.s32 s3, s4  }
0x44: {  	s3 =	sadd.s32 s8, s4  }
0x45: {  	s3 =	sshrl.u32 s3, $0x3  }
0x46: {  	s9 =	sshll.u32 s4, $0x7;
	s6 =	smul.u32 $0x120000, s3  }
0x47: {  	s3 =	sand.u32 $0x380, s9  }
0x48: {  	[dreg:$0x13] =	wrdreg s3;
	s14 =	sor.u32 s3, s6  }
0x49: {  	[dreg:$0x12] =	wrdreg s6;
	s3 =	sshrl.u32 s14, $0x3  }
0x4a: {  	s10 =	simm.s32 $0x12000;
	s9 =	simm.s32 $0x0;
	[tilespmem:s5+$0xFFFFFFD0] =	vst v0;
	s5 =	sadd.s32 s21, s3  }
0x4b: {  	[tilespmem:s10], [sflag:$0x1] =	stream.linear.gather [hbm4b:s5+s9], $0x80, $0x38;
	[tilespmem:$0x18000] =	vst v63  }
0x4c: {  	s12 =	simm.s32 $0x12200;
	s11 =	sadd.s32 $0x80, s5  }
0x4d: {  	[tilespmem:s12], [sflag:$0x1] =	stream.linear.gather [hbm4b:s11+s9], $0x80, $0x38;
	[tilespmem:$0x18000] =	vst v63  }
0x4e: {  	s15 =	simm.s32 $0x12400;
	s13 =	sadd.s32 $0x100, s5  }
0x4f: {  	[tilespmem:s15], [sflag:$0x1] =	stream.linear.gather [hbm4b:s13+s9], $0x80, $0x38;
	[tilespmem:$0x18000] =	vst v63  }
0x50: {  	s17 =	simm.s32 $0x12600;
	s16 =	sadd.s32 $0x180, s5  }
0x51: {  	[tilespmem:s17], [sflag:$0x1] =	stream.linear.gather [hbm4b:s16+s9], $0x80, $0x38;
	[tilespmem:$0x18000] =	vst v63  }
0x52: {  	s20 =	simm.s32 $0x12800;
	s18 =	sadd.s32 $0x200, s5  }
0x53: {  	[tilespmem:s20], [sflag:$0x1] =	stream.linear.gather [hbm4b:s18+s9], $0x80, $0x38;
	[tilespmem:$0x18000] =	vst v63  }
0x54: {  	s24 =	simm.s32 $0x12A00;
	s23 =	sadd.s32 $0x280, s5  }
0x55: {  	[tilespmem:s24], [sflag:$0x1] =	stream.linear.gather [hbm4b:s23+s9], $0x80, $0x38;
	[tilespmem:$0x18000] =	vst v63  }
0x56: {  	s26 =	simm.s32 $0x12C00;
	s25 =	sadd.s32 $0x300, s5  }
0x57: {  	[tilespmem:s26], [sflag:$0x1] =	stream.linear.gather [hbm4b:s25+s9], $0x80, $0x38;
	[tilespmem:$0x18000] =	vst v63  }
0x58: {  	s29 =	simm.s32 $0x12E00;
	s28 =	sadd.s32 $0x380, s5  }
0x59: {  	[tilespmem:s29], [sflag:$0x1] =	stream.linear.gather [hbm4b:s28+s9], $0x80, $0x38;
	[tilespmem:$0x18000] =	vst v63  }
0x5a: {  	s31 =	simm.s32 $0x13000;
	s30 =	sadd.s32 $0x400, s5  }
0x5b: {  	[tilespmem:s31], [sflag:$0x1] =	stream.linear.gather [hbm4b:s30+s9], $0x80, $0x38;
	[tilespmem:$0x18000] =	vst v63  }
0x5c: {  	s6 =	sadd.s32 $0x480, s5;
	s10 =	simm.s32 $0x13200  }
0x5d: {  	[tilespmem:s10], [sflag:$0x1] =	stream.linear.gather [hbm4b:s6+s9], $0x80, $0x38;
	[tilespmem:$0x18000] =	vst v63  }
0x5e: {  	s11 =	sadd.s32 $0x500, s5;
	s12 =	simm.s32 $0x13400  }
0x5f: {  	[tilespmem:s12], [sflag:$0x1] =	stream.linear.gather [hbm4b:s11+s9], $0x80, $0x38;
	[tilespmem:$0x18000] =	vst v63  }
0x60: {  	s5 =	sadd.s32 $0x580, s5;
	s13 =	simm.s32 $0x13600;
	s15 =	sshrl.u32 s1, $0x2  }
0x61: {  	[tilespmem:s13], [sflag:$0x1] =	stream.linear.gather [hbm4b:s5+s9], $0x80, $0x38;
	[tilespmem:$0x18000] =	vst v63  }
0x62: {  	s7 =	sshrl.u32 s7, $0x3;
	s5 =	smul.u32 $0x90000, s15  }
0x63: {  	s7 =	sand.u32 $0x180, s7  }
0x64: {  	s15 =	sor.u32 s7, s5  }
0x65: {  	s18 =	sshrl.u32 s15, $0x3  }
0x66: {  	s16 =	simm.s32 $0x13800;
	s5 =	sadd.s32 s19, s18  }
0x67: {  	[tilespmem:s16], [sflag:$0x1] =	stream.linear.gather [hbm4b:s5+s9], $0x80, $0x38;
	[tilespmem:$0x18000] =	vst v63  }
0x68: {  	s20 =	simm.s32 $0x13A00;
	s17 =	sadd.s32 $0x40, s5  }
0x69: {  	[tilespmem:s20], [sflag:$0x1] =	stream.linear.gather [hbm4b:s17+s9], $0x80, $0x38;
	[tilespmem:$0x18000] =	vst v63  }
0x6a: {  	s24 =	simm.s32 $0x13C00;
	s23 =	sadd.s32 $0x80, s5  }
0x6b: {  	[tilespmem:s24], [sflag:$0x1] =	stream.linear.gather [hbm4b:s23+s9], $0x80, $0x38;
	[tilespmem:$0x18000] =	vst v63  }
0x6c: {  	s26 =	simm.s32 $0x13E00;
	s25 =	sadd.s32 $0xC0, s5  }
0x6d: {  	[tilespmem:s26], [sflag:$0x1] =	stream.linear.gather [hbm4b:s25+s9], $0x80, $0x38;
	[tilespmem:$0x18000] =	vst v63  }
0x6e: {  	s29 =	simm.s32 $0x14000;
	s28 =	sadd.s32 $0x100, s5  }
0x6f: {  	[tilespmem:s29], [sflag:$0x1] =	stream.linear.gather [hbm4b:s28+s9], $0x80, $0x38;
	[tilespmem:$0x18000] =	vst v63  }
0x70: {  	s31 =	simm.s32 $0x14200;
	s30 =	sadd.s32 $0x140, s5  }
0x71: {  	[tilespmem:s31], [sflag:$0x1] =	stream.linear.gather [hbm4b:s30+s9], $0x80, $0x38;
	[tilespmem:$0x18000] =	vst v63  }
0x72: {  	s8 =	simm.s32 $0x14400;
	s6 =	sadd.s32 $0x180, s5  }
0x73: {  	[tilespmem:s8], [sflag:$0x1] =	stream.linear.gather [hbm4b:s6+s9], $0x80, $0x38;
	[tilespmem:$0x18000] =	vst v63  }
0x74: {  	s11 =	simm.s32 $0x14600;
	s10 =	sadd.s32 $0x1C0, s5  }
0x75: {  	[tilespmem:s11], [sflag:$0x1] =	stream.linear.gather [hbm4b:s10+s9], $0x80, $0x38;
	[tilespmem:$0x18000] =	vst v63  }
0x76: {  	s13 =	simm.s32 $0x14800;
	s12 =	sadd.s32 $0x200, s5  }
0x77: {  	[tilespmem:s13], [sflag:$0x1] =	stream.linear.gather [hbm4b:s12+s9], $0x80, $0x38;
	[tilespmem:$0x18000] =	vst v63  }
0x78: {  	s16 =	sadd.s32 $0x240, s5;
	s17 =	simm.s32 $0x14A00  }
0x79: {  	[tilespmem:s17], [sflag:$0x1] =	stream.linear.gather [hbm4b:s16+s9], $0x80, $0x38;
	[tilespmem:$0x18000] =	vst v63  }
0x7a: {  	s20 =	sadd.s32 $0x280, s5;
	s23 =	simm.s32 $0x14C00;
	s16 =	smul.u32 $0x48000, s1  }
0x7b: {  	[tilespmem:s23], [sflag:$0x1] =	stream.linear.gather [hbm4b:s20+s9], $0x80, $0x38;
	[tilespmem:$0x18000] =	vst v63  }
0x7c: {  	s5 =	sadd.s32 $0x2C0, s5;
	s24 =	simm.s32 $0x14E00;
	s7 =	sshrl.u32 s16, $0x3  }
0x7d: {  	[tilespmem:s24], [sflag:$0x1] =	stream.linear.gather [hbm4b:s5+s9], $0x80, $0x38;
	[tilespmem:$0x18000] =	vst v63  }
0x7e: {  	s26 =	simm.s32 $0x15000;
	s28 =	rddreg [dreg:$0x6];
	s25 =	sadd.s32 s22, s7  }
0x7f: {  	[tilespmem:s26], [sflag:$0x1] =	stream.linear.gather [hbm4b:s25+s9], $0xC00, $0x38;
	[tilespmem:$0x18000] =	vst v63  }
0x80: {  	s29 =	simm.s32 $0x12080;
	s1 =	sadd.s32 s3, s28  }
0x81: {  	[tilespmem:s29], [sflag:$0x2] =	stream.linear.gather [hbm4b:s1+s9], $0x80, $0x38;
	[tilespmem:$0x18000] =	vst v63  }
0x82: {  	s31 =	simm.s32 $0x12280;
	s30 =	sadd.s32 $0x80, s1  }
0x83: {  	[tilespmem:s31], [sflag:$0x2] =	stream.linear.gather [hbm4b:s30+s9], $0x80, $0x38;
	[tilespmem:$0x18000] =	vst v63  }
0x84: {  	s8 =	simm.s32 $0x12480;
	s6 =	sadd.s32 $0x100, s1  }
0x85: {  	[tilespmem:s8], [sflag:$0x2] =	stream.linear.gather [hbm4b:s6+s9], $0x80, $0x38;
	[tilespmem:$0x18000] =	vst v63  }
0x86: {  	s11 =	simm.s32 $0x12680;
	s10 =	sadd.s32 $0x180, s1  }
0x87: {  	[tilespmem:s11], [sflag:$0x2] =	stream.linear.gather [hbm4b:s10+s9], $0x80, $0x38;
	[tilespmem:$0x18000] =	vst v63  }
0x88: {  	s13 =	simm.s32 $0x12880;
	s12 =	sadd.s32 $0x200, s1  }
0x89: {  	[tilespmem:s13], [sflag:$0x2] =	stream.linear.gather [hbm4b:s12+s9], $0x80, $0x38;
	[tilespmem:$0x18000] =	vst v63  }
0x8a: {  	s17 =	sadd.s32 $0x280, s1;
	s20 =	simm.s32 $0x12A80  }
0x8b: {  	[tilespmem:s20], [sflag:$0x2] =	stream.linear.gather [hbm4b:s17+s9], $0x80, $0x38;
	[tilespmem:$0x18000] =	vst v63  }
0x8c: {  	s23 =	sadd.s32 $0x300, s1;
	s24 =	simm.s32 $0x12C80  }
0x8d: {  	[tilespmem:s24], [sflag:$0x2] =	stream.linear.gather [hbm4b:s23+s9], $0x80, $0x38;
	[tilespmem:$0x18000] =	vst v63  }
0x8e: {  	s25 =	sadd.s32 $0x380, s1;
	s26 =	simm.s32 $0x12E80  }
0x8f: {  	[tilespmem:s26], [sflag:$0x2] =	stream.linear.gather [hbm4b:s25+s9], $0x80, $0x38;
	[tilespmem:$0x18000] =	vst v63  }
0x90: {  	s28 =	sadd.s32 $0x400, s1;
	s29 =	simm.s32 $0x13080  }
0x91: {  	[tilespmem:s29], [sflag:$0x2] =	stream.linear.gather [hbm4b:s28+s9], $0x80, $0x38;
	[tilespmem:$0x18000] =	vst v63  }
0x92: {  	s30 =	sadd.s32 $0x480, s1;
	s31 =	simm.s32 $0x13280  }
0x93: {  	[tilespmem:s31], [sflag:$0x2] =	stream.linear.gather [hbm4b:s30+s9], $0x80, $0x38;
	[tilespmem:$0x18000] =	vst v63  }
0x94: {  	s8 =	sadd.s32 $0x500, s1;
	s10 =	simm.s32 $0x13480  }
0x95: {  	[tilespmem:s10], [sflag:$0x2] =	stream.linear.gather [hbm4b:s8+s9], $0x80, $0x38;
	[tilespmem:$0x18000] =	vst v63  }
0x96: {  	s1 =	sadd.s32 $0x580, s1;
	s11 =	simm.s32 $0x13680;
	s12 =	rddreg [dreg:$0x7]  }
0x97: {  	[tilespmem:s11], [sflag:$0x2] =	stream.linear.gather [hbm4b:s1+s9], $0x80, $0x38;
	[tilespmem:$0x18000] =	vst v63  }
0x98: {  	s13 =	simm.s32 $0x13880;
	s1 =	sadd.s32 s18, s12  }
0x99: {  	[tilespmem:s13], [sflag:$0x2] =	stream.linear.gather [hbm4b:s1+s9], $0x80, $0x38;
	[tilespmem:$0x18000] =	vst v63  }
0x9a: {  	s20 =	simm.s32 $0x13A80;
	s17 =	sadd.s32 $0x40, s1  }
0x9b: {  	[tilespmem:s20], [sflag:$0x2] =	stream.linear.gather [hbm4b:s17+s9], $0x80, $0x38;
	[tilespmem:$0x18000] =	vst v63  }
0x9c: {  	s24 =	simm.s32 $0x13C80;
	s23 =	sadd.s32 $0x80, s1  }
0x9d: {  	[tilespmem:s24], [sflag:$0x2] =	stream.linear.gather [hbm4b:s23+s9], $0x80, $0x38;
	[tilespmem:$0x18000] =	vst v63  }
0x9e: {  	s26 =	simm.s32 $0x13E80;
	s25 =	sadd.s32 $0xC0, s1  }
0x9f: {  	[tilespmem:s26], [sflag:$0x2] =	stream.linear.gather [hbm4b:s25+s9], $0x80, $0x38;
	[tilespmem:$0x18000] =	vst v63  }
0xa0: {  	s29 =	simm.s32 $0x14080;
	s28 =	sadd.s32 $0x100, s1  }
0xa1: {  	[tilespmem:s29], [sflag:$0x2] =	stream.linear.gather [hbm4b:s28+s9], $0x80, $0x38;
	[tilespmem:$0x18000] =	vst v63  }
0xa2: {  	s31 =	simm.s32 $0x14280;
	s30 =	sadd.s32 $0x140, s1  }
0xa3: {  	[tilespmem:s31], [sflag:$0x2] =	stream.linear.gather [hbm4b:s30+s9], $0x80, $0x38;
	[tilespmem:$0x18000] =	vst v63  }
0xa4: {  	s10 =	simm.s32 $0x14480;
	s8 =	sadd.s32 $0x180, s1  }
0xa5: {  	[tilespmem:s10], [sflag:$0x2] =	stream.linear.gather [hbm4b:s8+s9], $0x80, $0x38;
	[tilespmem:$0x18000] =	vst v63  }
0xa6: {  	s12 =	simm.s32 $0x14680;
	s11 =	sadd.s32 $0x1C0, s1  }
0xa7: {  	[tilespmem:s12], [sflag:$0x2] =	stream.linear.gather [hbm4b:s11+s9], $0x80, $0x38;
	[tilespmem:$0x18000] =	vst v63  }
0xa8: {  	s13 =	sadd.s32 $0x200, s1;
	s17 =	simm.s32 $0x14880  }
0xa9: {  	[tilespmem:s17], [sflag:$0x2] =	stream.linear.gather [hbm4b:s13+s9], $0x80, $0x38;
	[tilespmem:$0x18000] =	vst v63  }
0xaa: {  	s20 =	sadd.s32 $0x240, s1;
	s23 =	simm.s32 $0x14A80  }
0xab: {  	[tilespmem:s23], [sflag:$0x2] =	stream.linear.gather [hbm4b:s20+s9], $0x80, $0x38;
	[tilespmem:$0x18000] =	vst v63  }
0xac: {  	s24 =	sadd.s32 $0x280, s1;
	s25 =	simm.s32 $0x14C80  }
0xad: {  	[tilespmem:s25], [sflag:$0x2] =	stream.linear.gather [hbm4b:s24+s9], $0x80, $0x38;
	[tilespmem:$0x18000] =	vst v63  }
0xae: {  	s1 =	sadd.s32 $0x2C0, s1;
	s26 =	simm.s32 $0x14E80;
	s28 =	rddreg [dreg:$0x8]  }
0xaf: {  	[tilespmem:s26], [sflag:$0x2] =	stream.linear.gather [hbm4b:s1+s9], $0x80, $0x38;
	[tilespmem:$0x18000] =	vst v63  }
0xb0: {  	s29 =	simm.s32 $0x15C00;
	s30 =	rddreg [dreg:$0x9];
	s1 =	sadd.s32 s7, s28  }
0xb1: {  	[tilespmem:s29], [sflag:$0x2] =	stream.linear.gather [hbm4b:s1+s9], $0xC00, $0x38;
	[tilespmem:$0x18000] =	vst v63  }
0xb2: {  	s31 =	simm.s32 $0x12100;
	s1 =	sadd.s32 s3, s30  }
0xb3: {  	[tilespmem:s31], [sflag:$0x3] =	stream.linear.gather [hbm4b:s1+s9], $0x80, $0x38;
	[tilespmem:$0x18000] =	vst v63  }
0xb4: {  	s8 =	simm.s32 $0x12300;
	s6 =	sadd.s32 $0x80, s1  }
0xb5: {  	[tilespmem:s8], [sflag:$0x3] =	stream.linear.gather [hbm4b:s6+s9], $0x80, $0x38;
	[tilespmem:$0x18000] =	vst v63  }
0xb6: {  	s11 =	simm.s32 $0x12500;
	s10 =	sadd.s32 $0x100, s1  }
0xb7: {  	[tilespmem:s11], [sflag:$0x3] =	stream.linear.gather [hbm4b:s10+s9], $0x80, $0x38;
	[tilespmem:$0x18000] =	vst v63  }
0xb8: {  	s13 =	simm.s32 $0x12700;
	s12 =	sadd.s32 $0x180, s1  }
0xb9: {  	[tilespmem:s13], [sflag:$0x3] =	stream.linear.gather [hbm4b:s12+s9], $0x80, $0x38;
	[tilespmem:$0x18000] =	vst v63  }
0xba: {  	s20 =	simm.s32 $0x12900;
	s17 =	sadd.s32 $0x200, s1  }
0xbb: {  	[tilespmem:s20], [sflag:$0x3] =	stream.linear.gather [hbm4b:s17+s9], $0x80, $0x38;
	[tilespmem:$0x18000] =	vst v63  }
0xbc: {  	s24 =	simm.s32 $0x12B00;
	s23 =	sadd.s32 $0x280, s1  }
0xbd: {  	[tilespmem:s24], [sflag:$0x3] =	stream.linear.gather [hbm4b:s23+s9], $0x80, $0x38;
	[tilespmem:$0x18000] =	vst v63  }
0xbe: {  	s26 =	simm.s32 $0x12D00;
	s25 =	sadd.s32 $0x300, s1  }
0xbf: {  	[tilespmem:s26], [sflag:$0x3] =	stream.linear.gather [hbm4b:s25+s9], $0x80, $0x38;
	[tilespmem:$0x18000] =	vst v63  }
0xc0: {  	s29 =	simm.s32 $0x12F00;
	s28 =	sadd.s32 $0x380, s1  }
0xc1: {  	[tilespmem:s29], [sflag:$0x3] =	stream.linear.gather [hbm4b:s28+s9], $0x80, $0x38;
	[tilespmem:$0x18000] =	vst v63  }
0xc2: {  	s30 =	sadd.s32 $0x400, s1;
	s31 =	simm.s32 $0x13100  }
0xc3: {  	[tilespmem:s31], [sflag:$0x3] =	stream.linear.gather [hbm4b:s30+s9], $0x80, $0x38;
	[tilespmem:$0x18000] =	vst v63  }
0xc4: {  	s8 =	sadd.s32 $0x480, s1;
	s10 =	simm.s32 $0x13300  }
0xc5: {  	[tilespmem:s10], [sflag:$0x3] =	stream.linear.gather [hbm4b:s8+s9], $0x80, $0x38;
	[tilespmem:$0x18000] =	vst v63  }
0xc6: {  	s11 =	sadd.s32 $0x500, s1;
	s12 =	simm.s32 $0x13500  }
0xc7: {  	[tilespmem:s12], [sflag:$0x3] =	stream.linear.gather [hbm4b:s11+s9], $0x80, $0x38;
	[tilespmem:$0x18000] =	vst v63  }
0xc8: {  	s1 =	sadd.s32 $0x580, s1;
	s13 =	simm.s32 $0x13700;
	s17 =	rddreg [dreg:$0xa]  }
0xc9: {  	[tilespmem:s13], [sflag:$0x3] =	stream.linear.gather [hbm4b:s1+s9], $0x80, $0x38;
	[tilespmem:$0x18000] =	vst v63  }
0xca: {  	s20 =	simm.s32 $0x13900;
	s1 =	sadd.s32 s18, s17  }
0xcb: {  	[tilespmem:s20], [sflag:$0x3] =	stream.linear.gather [hbm4b:s1+s9], $0x80, $0x38;
	[tilespmem:$0x18000] =	vst v63  }
0xcc: {  	s24 =	simm.s32 $0x13B00;
	s23 =	sadd.s32 $0x40, s1  }
0xcd: {  	[tilespmem:s24], [sflag:$0x3] =	stream.linear.gather [hbm4b:s23+s9], $0x80, $0x38;
	[tilespmem:$0x18000] =	vst v63  }
0xce: {  	s26 =	simm.s32 $0x13D00;
	s25 =	sadd.s32 $0x80, s1  }
0xcf: {  	[tilespmem:s26], [sflag:$0x3] =	stream.linear.gather [hbm4b:s25+s9], $0x80, $0x38;
	[tilespmem:$0x18000] =	vst v63  }
0xd0: {  	s29 =	simm.s32 $0x13F00;
	s28 =	sadd.s32 $0xC0, s1  }
0xd1: {  	[tilespmem:s29], [sflag:$0x3] =	stream.linear.gather [hbm4b:s28+s9], $0x80, $0x38;
	[tilespmem:$0x18000] =	vst v63  }
0xd2: {  	s31 =	simm.s32 $0x14100;
	s30 =	sadd.s32 $0x100, s1  }
0xd3: {  	[tilespmem:s31], [sflag:$0x3] =	stream.linear.gather [hbm4b:s30+s9], $0x80, $0x38;
	[tilespmem:$0x18000] =	vst v63  }
0xd4: {  	s8 =	simm.s32 $0x14300;
	s6 =	sadd.s32 $0x140, s1  }
0xd5: {  	[tilespmem:s8], [sflag:$0x3] =	stream.linear.gather [hbm4b:s6+s9], $0x80, $0x38;
	[tilespmem:$0x18000] =	vst v63  }
0xd6: {  	s11 =	simm.s32 $0x14500;
	s10 =	sadd.s32 $0x180, s1  }
0xd7: {  	[tilespmem:s11], [sflag:$0x3] =	stream.linear.gather [hbm4b:s10+s9], $0x80, $0x38;
	[tilespmem:$0x18000] =	vst v63  }
0xd8: {  	s13 =	simm.s32 $0x14700;
	s12 =	sadd.s32 $0x1C0, s1  }
0xd9: {  	[tilespmem:s13], [sflag:$0x3] =	stream.linear.gather [hbm4b:s12+s9], $0x80, $0x38;
	[tilespmem:$0x18000] =	vst v63  }
0xda: {  	s17 =	sadd.s32 $0x200, s1;
	s20 =	simm.s32 $0x14900  }
0xdb: {  	[tilespmem:s20], [sflag:$0x3] =	stream.linear.gather [hbm4b:s17+s9], $0x80, $0x38;
	[tilespmem:$0x18000] =	vst v63  }
0xdc: {  	s23 =	sadd.s32 $0x240, s1;
	s24 =	simm.s32 $0x14B00  }
0xdd: {  	[tilespmem:s24], [sflag:$0x3] =	stream.linear.gather [hbm4b:s23+s9], $0x80, $0x38;
	[tilespmem:$0x18000] =	vst v63  }
0xde: {  	s25 =	sadd.s32 $0x280, s1;
	s26 =	simm.s32 $0x14D00  }
0xdf: {  	[tilespmem:s26], [sflag:$0x3] =	stream.linear.gather [hbm4b:s25+s9], $0x80, $0x38;
	[tilespmem:$0x18000] =	vst v63  }
0xe0: {  	s1 =	sadd.s32 $0x2C0, s1;
	s28 =	simm.s32 $0x14F00;
	s29 =	rddreg [dreg:$0xb]  }
0xe1: {  	[tilespmem:s28], [sflag:$0x3] =	stream.linear.gather [hbm4b:s1+s9], $0x80, $0x38;
	[tilespmem:$0x18000] =	vst v63  }
0xe2: {  	s30 =	simm.s32 $0x16800;
	s31 =	rddreg [dreg:$0xc];
	s1 =	sadd.s32 s7, s29  }
0xe3: {  	[tilespmem:s30], [sflag:$0x3] =	stream.linear.gather [hbm4b:s1+s9], $0xC00, $0x38;
	[tilespmem:$0x18000] =	vst v63  }
0xe4: {  	s5 =	simm.s32 $0x12180;
	s1 =	sadd.s32 s3, s31  }
0xe5: {  	[tilespmem:s5], [sflag:$0x4] =	stream.linear.gather [hbm4b:s1+s9], $0x80, $0x38;
	[tilespmem:$0x18000] =	vst v63  }
0xe6: {  	s8 =	simm.s32 $0x12380;
	s6 =	sadd.s32 $0x80, s1  }
0xe7: {  	[tilespmem:s8], [sflag:$0x4] =	stream.linear.gather [hbm4b:s6+s9], $0x80, $0x38;
	[tilespmem:$0x18000] =	vst v63  }
0xe8: {  	s11 =	simm.s32 $0x12580;
	s10 =	sadd.s32 $0x100, s1  }
0xe9: {  	[tilespmem:s11], [sflag:$0x4] =	stream.linear.gather [hbm4b:s10+s9], $0x80, $0x38;
	[tilespmem:$0x18000] =	vst v63  }
0xea: {  	s13 =	simm.s32 $0x12780;
	s12 =	sadd.s32 $0x180, s1  }
0xeb: {  	[tilespmem:s13], [sflag:$0x4] =	stream.linear.gather [hbm4b:s12+s9], $0x80, $0x38;
	[tilespmem:$0x18000] =	vst v63  }
0xec: {  	s20 =	simm.s32 $0x12980;
	s17 =	sadd.s32 $0x200, s1  }
0xed: {  	[tilespmem:s20], [sflag:$0x4] =	stream.linear.gather [hbm4b:s17+s9], $0x80, $0x38;
	[tilespmem:$0x18000] =	vst v63  }
0xee: {  	s24 =	simm.s32 $0x12B80;
	s23 =	sadd.s32 $0x280, s1  }
0xef: {  	[tilespmem:s24], [sflag:$0x4] =	stream.linear.gather [hbm4b:s23+s9], $0x80, $0x38;
	[tilespmem:$0x18000] =	vst v63  }
0xf0: {  	s26 =	simm.s32 $0x12D80;
	s25 =	sadd.s32 $0x300, s1  }
0xf1: {  	[tilespmem:s26], [sflag:$0x4] =	stream.linear.gather [hbm4b:s25+s9], $0x80, $0x38;
	[tilespmem:$0x18000] =	vst v63  }
0xf2: {  	s29 =	simm.s32 $0x12F80;
	s28 =	sadd.s32 $0x380, s1  }
0xf3: {  	[tilespmem:s29], [sflag:$0x4] =	stream.linear.gather [hbm4b:s28+s9], $0x80, $0x38;
	[tilespmem:$0x18000] =	vst v63  }
0xf4: {  	s31 =	simm.s32 $0x13180;
	s30 =	sadd.s32 $0x400, s1  }
0xf5: {  	[tilespmem:s31], [sflag:$0x4] =	stream.linear.gather [hbm4b:s30+s9], $0x80, $0x38;
	[tilespmem:$0x18000] =	vst v63  }
0xf6: {  	s6 =	sadd.s32 $0x480, s1;
	s8 =	simm.s32 $0x13380  }
0xf7: {  	[tilespmem:s8], [sflag:$0x4] =	stream.linear.gather [hbm4b:s6+s9], $0x80, $0x38;
	[tilespmem:$0x18000] =	vst v63  }
0xf8: {  	s10 =	sadd.s32 $0x500, s1;
	s11 =	simm.s32 $0x13580  }
0xf9: {  	[tilespmem:s11], [sflag:$0x4] =	stream.linear.gather [hbm4b:s10+s9], $0x80, $0x38;
	[tilespmem:$0x18000] =	vst v63  }
0xfa: {  	s1 =	sadd.s32 $0x580, s1;
	s12 =	simm.s32 $0x13780;
	s13 =	rddreg [dreg:$0xd]  }
0xfb: {  	[tilespmem:s12], [sflag:$0x4] =	stream.linear.gather [hbm4b:s1+s9], $0x80, $0x38;
	[tilespmem:$0x18000] =	vst v63  }
0xfc: {  	s17 =	simm.s32 $0x13980;
	s1 =	sadd.s32 s18, s13  }
0xfd: {  	[tilespmem:s17], [sflag:$0x4] =	stream.linear.gather [hbm4b:s1+s9], $0x80, $0x38;
	[tilespmem:$0x18000] =	vst v63  }
0xfe: {  	s20 =	simm.s32 $0x13B80;
	s18 =	sadd.s32 $0x40, s1  }
0xff: {  	[tilespmem:s20], [sflag:$0x4] =	stream.linear.gather [hbm4b:s18+s9], $0x80, $0x38;
	[tilespmem:$0x18000] =	vst v63  }
0x100: {  	s24 =	simm.s32 $0x13D80;
	s23 =	sadd.s32 $0x80, s1  }
0x101: {  	[tilespmem:s24], [sflag:$0x4] =	stream.linear.gather [hbm4b:s23+s9], $0x80, $0x38;
	[tilespmem:$0x18000] =	vst v63  }
0x102: {  	s26 =	simm.s32 $0x13F80;
	s29 =	simm.s32 $0x14180;
	s25 =	sadd.s32 $0xC0, s1  }
0x103: {  	[tilespmem:s26], [sflag:$0x4] =	stream.linear.gather [hbm4b:s25+s9], $0x80, $0x38;
	[tilespmem:$0x18000] =	vst v63  }
0x104: {  	s31 =	simm.s32 $0x14380;
	s8 =	simm.s32 $0x14580;
	s28 =	sadd.s32 $0x100, s1  }
0x105: {  	[tilespmem:s29], [sflag:$0x4] =	stream.linear.gather [hbm4b:s28+s9], $0x80, $0x38;
	[tilespmem:$0x18000] =	vst v63  }
0x106: {  	s11 =	simm.s32 $0x14780;
	s13 =	simm.s32 $0x14980;
	s30 =	sadd.s32 $0x140, s1  }
0x107: {  	[tilespmem:s31], [sflag:$0x4] =	stream.linear.gather [hbm4b:s30+s9], $0x80, $0x38;
	[tilespmem:$0x18000] =	vst v63  }
0x108: {  	s6 =	sadd.s32 $0x180, s1;
	s10 =	sadd.s32 $0x1C0, s1;
	s12 =	sadd.s32 $0x200, s1  }
0x109: {  	[tilespmem:s8], [sflag:$0x4] =	stream.linear.gather [hbm4b:s6+s9], $0x80, $0x38;
	[tilespmem:$0x18000] =	vst v63  }
0x10a: {  	s17 =	sadd.s32 $0x240, s1;
	s18 =	simm.s32 $0x14B80;
	s20 =	sadd.s32 $0x280, s1  }
0x10b: {  	[tilespmem:s11], [sflag:$0x4] =	stream.linear.gather [hbm4b:s10+s9], $0x80, $0x38;
	[tilespmem:$0x18000] =	vst v63  }
0x10c: {  	s1 =	sadd.s32 $0x2C0, s1;
	s23 =	simm.s32 $0x14D80;
	s25 =	sshll.u32 s4, $0x1  }
0x10d: {  	[tilespmem:s13], [sflag:$0x4] =	stream.linear.gather [hbm4b:s12+s9], $0x80, $0x38;
	[tilespmem:$0x18000] =	vst v63  }
0x10e: {  	s24 =	simm.s32 $0x14F80;
	s26 =	rddreg [dreg:$0xe];
	s0 =	ssub.s32 s0, s25  }
0x10f: {  	[tilespmem:s18], [sflag:$0x4] =	stream.linear.gather [hbm4b:s17+s9], $0x80, $0x38;
	[tilespmem:$0x18000] =	vst v63  }
0x110: {  	[dreg:$0x14] =	wrdreg s0;
	s0 =	smul.u32 $0x12000, s0;
	s28 =	simm.s32 $0x17400  }
0x111: {  	[tilespmem:s23], [sflag:$0x4] =	stream.linear.gather [hbm4b:s20+s9], $0x80, $0x38;
	[tilespmem:$0x18000] =	vst v63  }
0x112: {  	s29 =	ssub.s32 $0x0, s0;
	s30 =	ssub.s32 $0x1, s0;
	s31 =	ssub.s32 $0x180, s0  }
0x113: {  	[tilespmem:s24], [sflag:$0x4] =	stream.linear.gather [hbm4b:s1+s9], $0x80, $0x38;
	[tilespmem:$0x18000] =	vst v63  }
0x114: {  	s0 =	ssub.s32 $0x181, s0;
	v1 =	vmov s29;
	s6 =	simm.s32 $0x0;
	s1 =	sadd.s32 s7, s26  }
0x115: {  	v2 =	vmov s30;
	v3 =	vmov s31;
	v4 =	vmov s0;
	[tilespmem:s28], [sflag:$0x4] =	stream.linear.gather [hbm4b:s1+s9], $0xC00, $0x38;
	[tilespmem:$0x18000] =	vst v63  }
.LBB2_5:
0x116: {  	s1 =	simm.s32 $0x1  }
0x117: {  	_ =	swait.ge [sflag:s1], $0x600  }
0x118: {  	[sflag:s1] =	ssyncset.done $0x0  }
0x119: {  	[sflag:s1] =	ssyncadd.s32 $0xFFFFFA00  }
0x11a: {  	_ =	swait.ge [sflag:s1], $0x600  }
0x11b: {  	s0 =	simm.s32 $0x0;
	s3 =	simm.s32 $0x330;
	[sflag:s1] =	ssyncset.done $0x0  }
0x11c: {  	s25 =	simm.s32 $0x0;
	s4 =	simm.s32 $0xCC0;
	[sflag:s1] =	ssyncadd.s32 $0xFFFFFA00  }
0x11d: {  	s24 =	sand.u32 $0x40, s0;
	s0 =	sand.u32 $0xE00, s25;
	_ =	swait.ge [sflag:s1], $0xC00  }
0x11e: {  	s3 =	sand.u32 $0x70, s3;
	s7 =	sor.u32 $0x30, s24;
	[sflag:s1] =	ssyncset.done $0x0  }
0x11f: {  	s4 =	sand.u32 $0x1E00, s4;
	s5 =	sor.u32 s0, s7;
	[sflag:s1] =	ssyncadd.s32 $0xFFFFF400  }
0x120: {  	s8 =	sor.u32 s3, s4;
	s26 =	sor.u32 $0x10, s24;
	v10 =	vld [tilespmem:s5+$0x13800]  }
0x121: {  	s9 =	sor.u32 s0, s26;
	v9 =	vld [tilespmem:s8+$0x13800]  }
0x122: {  	v12 =	vld [tilespmem:s9+$0x15000]  }
0x123: {  	v5 =	vld [tilespmem:s5+$0x15000]  }
0x124: {  	s28 =	sor.u32 $0x20, s24;
	v15 =	vld [tilespmem:s5+$0x12000]  }
0x125: {  	s10 =	sor.u32 s0, s28;
	v16 =	vld [tilespmem:s8+$0x12000];
	v6 =	vadd.s32 v1, v10  }
0x126: {  	s29 =	sor.u32 s24, s0;
	v18 =	vld [tilespmem:s10+$0x15000];
	v11 =	vadd.s32 v1, v9;
	vm0 =	vlt.u32 v6, $0x12000  }
0x127: {  	v13 =	vld [tilespmem:s29+$0x15000];
	vm1 =	vlt.u32 v11, $0x12000  }
0x128: {  	v7 =	vld [tilespmem:s9+$0x13800]  }
0x129: {  	v8 =	vld [tilespmem:s10+$0x13800];
	v14 =	vunpack.i.l.bf16.f32 v5  }
0x12a: {  	v19 =	vld [tilespmem:s29+$0x13800];
	v5 =	vunpack.i.u.bf16.f32 v5;
	v14 =	vmul.f32 v14, v15  }
0x12b: {  	v22 =	vld [tilespmem:s29+$0x14400];
	v5 =	vmul.f32 v5, v16  }
0x12c: {  	s11 =	simm.s32 $0x310;
	s30 =	sor.u32 $0x15000, s0;
	[tilespmem:v6+s2+$0x0] =	vst.idx.add.f32.msk vm0, v14  }
0x12d: {  	s31 =	simm.s32 $0x320;
	s12 =	simm.s32 $0xC40;
	s7 =	sor.u32 s7, s30;
	[tilespmem:v11+s2+$0x0] =	vst.idx.add.f32.msk vm1, v5  }
0x12e: {  	s13 =	simm.s32 $0xC80;
	s11 =	sand.u32 $0x50, s11;
	s12 =	sand.u32 $0x1E00, s12;
	v14 =	vld [tilespmem:s7+$0x80]  }
0x12f: {  	s13 =	sand.u32 $0x1E00, s13;
	s11 =	sor.u32 s11, s12;
	s0 =	sand.u32 $0x60, s31;
	v21 =	vadd.s32 v2, v10;
	v6 =	vld [tilespmem:s9+$0x12000]  }
0x130: {  	s17 =	sor.u32 s0, s13;
	v20 =	vld [tilespmem:s11+$0x13800];
	v23 =	vadd.s32 v2, v9;
	vm0 =	vlt.u32 v21, $0x12000  }
0x131: {  	v17 =	vld [tilespmem:s17+$0x13800];
	vm1 =	vlt.u32 v23, $0x12000  }
0x132: {  	v24 =	vunpack.i.u.bf16.f32 v12;
	v26 =	vadd.s32 v1, v7;
	v28 =	vadd.s32 v1, v19;
	v5 =	vld [tilespmem:s10+$0x12000]  }
0x133: {  	v12 =	vunpack.i.l.bf16.f32 v12;
	vm2 =	vlt.u32 v26, $0x12000;
	v11 =	vld [tilespmem:s29+$0x12000];
	v25 =	vunpack.i.l.bf16.f32 v14  }
0x134: {  	p1 =	por $0x0, $0x0;
	s0 =	simm.s32 $0x1;
	v32 =	vmul.f32 v12, v6;
	v12 =	vld [tilespmem:s17+$0x12000];
	v27 =	vunpack.i.u.bf16.f32 v14;
	v25 =	vmul.f32 v25, v15  }
0x135: {  	s0 =	simm.s32 @!p1 $0x0;
	v29 =	vadd.s32 v1, v22;
	vm3 =	vlt.u32 v28, $0x12000;
	v14 =	vld [tilespmem:s29+$0x12C00];
	v27 =	vmul.f32 v27, v16  }
0x136: {  	s0 =	sshll.u32 s0, $0x6;
	v45 =	vadd.s32 v2, v7;
	v30 =	vadd.s32 v1, v8;
	[tilespmem:v21+s2+$0x0] =	vst.idx.add.f32.msk vm0, v25;
	vm0 =	vlt.u32 v29, $0x12000  }
0x137: {  	s0 =	sadd.s32 $0x0, s0;
	v44 =	vunpack.i.u.bf16.f32 v13;
	v33 =	vadd.s32 v3, v10;
	v34 =	vadd.s32 v1, v20;
	[tilespmem:v23+s2+$0x0] =	vst.idx.add.f32.msk vm1, v27  }
0x138: {  	s18 =	sadd.s32 $0x30, s0;
	v47 =	vadd.s32 v1, v17;
	v23 =	vunpack.i.l.bf16.f32 v13;
	vm1 =	vlt.u32 v30, $0x12000;
	v13 =	vld [tilespmem:s11+$0x12000]  }
0x139: {  	s20 =	sor.u32 $0x100, s18;
	v35 =	vadd.s32 v3, v7;
	vm6 =	vlt.u32 v47, $0x12000;
	[tilespmem:v26+s2+$0x0] =	vst.idx.add.f32.msk vm2, v32;
	v23 =	vmul.f32 v23, v11  }
0x13a: {  	v46 =	vadd.s32 v2, v19;
	vm5 =	vlt.u32 v34, $0x12000;
	v31 =	vld [tilespmem:s20+$0x15000];
	v25 =	vmul.f32 v44, v14  }
0x13b: {  	v48 =	vadd.s32 v3, v9;
	v21 =	vunpack.i.u.bf16.f32 v18;
	v18 =	vunpack.i.l.bf16.f32 v18;
	[tilespmem:v28+s2+$0x0] =	vst.idx.add.f32.msk vm3, v23  }
0x13c: {  	s1 =	sor.u32 s24, s30;
	v49 =	vadd.s32 v2, v8;
	v18 =	vmul.f32 v18, v5;
	[tilespmem:v29+s2+$0x0] =	vst.idx.add.f32.msk vm0, v25  }
0x13d: {  	v50 =	vadd.s32 v2, v22;
	vm4 =	vlt.u32 v33, $0x12000;
	v21 =	vmul.f32 v21, v12;
	v28 =	vld [tilespmem:s1+$0x80]  }
0x13e: {  	v51 =	vadd.s32 v2, v17;
	vm0 =	vlt.u32 v48, $0x12000;
	[tilespmem:v30+s2+$0x0] =	vst.idx.add.f32.msk vm1, v18;
	v18 =	vmul.f32 v24, v13  }
0x13f: {  	v53 =	vadd.s32 v3, v8;
	v54 =	vadd.s32 v3, v19;
	vm7 =	vlt.u32 v46, $0x12000;
	[tilespmem:v47+s2+$0x0] =	vst.idx.add.f32.msk vm6, v21  }
0x140: {  	s24 =	sor.u32 s28, s30;
	v36 =	vadd.s32 v3, v22;
	vm9 =	vlt.u32 v50, $0x12000;
	v23 =	vunpack.i.l.bf16.f32 v31;
	[tilespmem:v34+s2+$0x0] =	vst.idx.add.f32.msk vm5, v18  }
0x141: {  	s23 =	sor.u32 s26, s30;
	v57 =	vadd.s32 v3, v20;
	v23 =	vmul.f32 v23, v15;
	v18 =	vunpack.i.u.bf16.f32 v31;
	v55 =	vld [tilespmem:s24+$0x80]  }
0x142: {  	v7 =	vadd.s32 v4, v7;
	v52 =	vld [tilespmem:s23+$0x80];
	v18 =	vmul.f32 v18, v16;
	v21 =	vunpack.i.l.bf16.f32 v28  }
0x143: {  	vm2 =	vlt.u32 v49, $0x12000;
	[tilespmem:v33+s2+$0x0] =	vst.idx.add.f32.msk vm4, v23;
	v28 =	vunpack.i.u.bf16.f32 v28;
	v21 =	vmul.f32 v21, v11  }
0x144: {  	vm3 =	vlt.u32 v45, $0x12000;
	v23 =	vadd.s32 v2, v20;
	[tilespmem:v48+s2+$0x0] =	vst.idx.add.f32.msk vm0, v18;
	v56 =	vmul.f32 v28, v14  }
0x145: {  	v8 =	vadd.s32 v4, v8;
	vm8 =	vlt.u32 v7, $0x12000;
	vm4 =	vlt.u32 v23, $0x12000;
	[tilespmem:v46+s2+$0x0] =	vst.idx.add.f32.msk vm7, v21  }
0x146: {  	s25 =	sor.u32 $0x100, s0;
	vm10 =	vlt.u32 v54, $0x12000;
	vm15 =	vmmov vm8;
	v60 =	vunpack.i.l.bf16.f32 v55;
	[tilespmem:v50+s2+$0x0] =	vst.idx.add.f32.msk vm9, v56  }
0x147: {  	s26 =	sor.u32 $0x180, s18;
	vm6 =	vlt.u32 v51, $0x12000;
	v21 =	vunpack.i.l.bf16.f32 v52;
	v31 =	vmul.f32 v60, v5;
	v25 =	vld [tilespmem:s25+$0x15000]  }
0x148: {  	vm1 =	vlt.u32 v35, $0x12000;
	v59 =	vld [tilespmem:s26+$0x15000];
	v58 =	vunpack.i.u.bf16.f32 v52;
	v21 =	vmul.f32 v21, v6  }
0x149: {  	vm5 =	vlt.u32 v36, $0x12000;
	v18 =	vadd.s32 v3, v17;
	v24 =	vmul.f32 v58, v13;
	[tilespmem:v49+s2+$0x0] =	vst.idx.add.f32.msk vm2, v31  }
0x14a: {  	s28 =	sadd.s32 $0x10, s0;
	[tilespmem:v45+s2+$0x0] =	vst.idx.add.f32.msk vm3, v21;
	v21 =	vadd.s32 v4, v19;
	v19 =	vadd.s32 v4, v22;
	v22 =	vunpack.i.u.bf16.f32 v55  }
0x14b: {  	s29 =	sor.u32 $0x100, s28;
	vm0 =	vlt.u32 v53, $0x12000;
	[tilespmem:v23+s2+$0x0] =	vst.idx.add.f32.msk vm4, v24;
	v23 =	vadd.s32 v4, v10;
	v10 =	vmul.f32 v22, v12  }
0x14c: {  	s30 =	sadd.s32 $0x20, s0;
	v22 =	vadd.s32 v4, v9;
	vm2 =	vlt.u32 v23, $0x12000;
	v24 =	vld [tilespmem:s29+$0x15000];
	v9 =	vunpack.i.l.bf16.f32 v25  }
0x14d: {  	s31 =	sor.u32 $0x100, s30;
	vm3 =	vlt.u32 v22, $0x12000;
	[tilespmem:v51+s2+$0x0] =	vst.idx.add.f32.msk vm6, v10;
	v10 =	vunpack.i.u.bf16.f32 v25;
	v61 =	vmul.f32 v9, v11  }
0x14e: {  	vm7 =	vlt.u32 v57, $0x12000;
	v62 =	vld [tilespmem:s31+$0x15000];
	v9 =	vadd.s32 v4, v20;
	v20 =	vmul.f32 v10, v14  }
0x14f: {  	vm9 =	vlt.u32 v18, $0x12000;
	v10 =	vadd.s32 v4, v17;
	v17 =	vunpack.i.l.bf16.f32 v59;
	[tilespmem:v54+s2+$0x0] =	vst.idx.add.f32.msk vm10, v61  }
0x150: {  	s0 =	sor.u32 $0x180, s0;
	v63 =	vunpack.i.u.bf16.f32 v59;
	vm4 =	vlt.u32 v8, $0x12000;
	v15 =	vmul.f32 v17, v15;
	[tilespmem:v36+s2+$0x0] =	vst.idx.add.f32.msk vm5, v20  }
0x151: {  	v16 =	vmul.f32 v63, v16;
	vm6 =	vlt.u32 v21, $0x12000;
	v20 =	vunpack.i.l.bf16.f32 v24;
	v17 =	vld [tilespmem:s0+$0x15000]  }
0x152: {  	vm5 =	vlt.u32 v19, $0x12000;
	[tilespmem:v23+s2+$0x0] =	vst.idx.add.f32.msk vm2, v15;
	v15 =	vunpack.i.u.bf16.f32 v24;
	v20 =	vmul.f32 v20, v6  }
0x153: {  	vm2 =	vlt.u32 v9, $0x12000;
	[tilespmem:v22+s2+$0x0] =	vst.idx.add.f32.msk vm3, v16;
	v16 =	vunpack.i.l.bf16.f32 v62;
	v15 =	vmul.f32 v15, v13  }
0x154: {  	vm3 =	vlt.u32 v10, $0x12000;
	v16 =	vmul.f32 v16, v5;
	[tilespmem:v35+s2+$0x0] =	vst.idx.add.f32.msk vm1, v20;
	v20 =	vunpack.i.u.bf16.f32 v62  }
0x155: {  	s4 =	sor.u32 $0x180, s30;
	s24 =	simm.s32 $0x0;
	vm8 =	vmmov vm2;
	vm1 =	vmmov vm4;
	[tilespmem:v57+s2+$0x0] =	vst.idx.add.f32.msk vm7, v15;
	v15 =	vmul.f32 v20, v12  }
0x156: {  	s26 =	simm.s32 $0x0;
	s25 =	simm.s32 $0x370;
	s0 =	sor.u32 $0x180, s28;
	[tilespmem:v53+s2+$0x0] =	vst.idx.add.f32.msk vm0, v16;
	vm0 =	vmmov vm3;
	v16 =	vunpack.i.u.bf16.f32 v17;
	v17 =	vunpack.i.l.bf16.f32 v17  }
.LBB2_6:
0x157: {  	_ = 	snop  }
0x158: {  	[tilespmem:v18+s2+$0x0] =	vst.idx.add.f32.msk vm9, v15  }
0x159: {  	s1 =	sadd.s32 $0xFFFFFCD0, s25;
	v11 =	vmul.f32 v17, v11;
	v15 =	vld [tilespmem:s0+$0x15000]  }
0x15a: {  	v14 =	vmul.f32 v16, v14;
	s26 =	sadd.s32 $0x100, s26;
	s5 =	sand.u32 $0x40, s1;
	v16 =	vld [tilespmem:s4+$0x15000]  }
0x15b: {  	s17 =	sand.u32 $0xE00, s26;
	s18 =	sadd.s32 $0xCC0, s26;
	s8 =	sor.u32 $0x30, s5;
	[tilespmem:v21+s2+$0x0] =	vst.idx.add.f32.msk vm6, v11  }
0x15c: {  	v20 =	vimm.s32 $0x0;
	s20 =	sand.u32 $0x70, s25;
	s0 =	sand.u32 $0x1E00, s18;
	s13 =	sor.u32 s17, s8;
	[tilespmem:v19+s2+$0x0] =	vst.idx.add.f32.msk vm5, v14  }
0x15d: {  	v20 =	vsel vm1, $0xFFFFFFFF, v20;
	s7 =	sor.u32 $0x10, s5;
	s18 =	sor.u32 s20, s0;
	v23 =	vld [tilespmem:s13+$0x13800]  }
0x15e: {  	[tilespmem:$0x1FFB0] =	vst v20;
	v20 =	vimm.s32 $0x0;
	s23 =	sor.u32 s17, s7;
	v24 =	vld [tilespmem:s18+$0x13800]  }
0x15f: {  	v20 =	vsel vm0, $0xFFFFFFFF, v20;
	v18 =	vld [tilespmem:s23+$0x15000]  }
0x160: {  	[tilespmem:$0x1FFC0] =	vst v20;
	v20 =	vld [tilespmem:s13+$0x15000];
	v14 =	vunpack.i.l.bf16.f32 v15  }
0x161: {  	v25 =	vld [tilespmem:s13+$0x12000];
	v11 =	vunpack.i.u.bf16.f32 v15;
	v22 =	vmul.f32 v14, v6;
	v14 =	vunpack.i.l.bf16.f32 v16  }
0x162: {  	s20 =	sor.u32 $0x20, s5;
	v26 =	vld [tilespmem:s18+$0x12000];
	v6 =	vunpack.i.u.bf16.f32 v16;
	v15 =	vmul.f32 v14, v5;
	v5 =	vadd.s32 v1, v23  }
0x163: {  	s28 =	sor.u32 s17, s20;
	v19 =	vld [tilespmem:s23+$0x13800];
	v16 =	vmul.f32 v6, v12;
	v6 =	vadd.s32 v1, v24;
	vm0 =	vlt.u32 v5, $0x12000  }
0x164: {  	v30 =	vld [tilespmem:s28+$0x13800];
	vm1 =	vlt.u32 v6, $0x12000  }
0x165: {  	s29 =	sor.u32 s5, s17;
	v17 =	vmul.f32 v11, v13;
	v11 =	vld [tilespmem:s28+$0x15000]  }
0x166: {  	v21 =	vld [tilespmem:s29+$0x13800];
	v31 =	vunpack.i.u.bf16.f32 v18;
	v14 =	vunpack.i.l.bf16.f32 v20  }
0x167: {  	v34 =	vld [tilespmem:s29+$0x14400];
	v13 =	vunpack.i.l.bf16.f32 v18;
	v18 =	vunpack.i.u.bf16.f32 v20;
	v14 =	vmul.f32 v14, v25  }
0x168: {  	v12 =	vld [tilespmem:s29+$0x15000];
	v18 =	vmul.f32 v18, v26  }
0x169: {  	[tilespmem:v5+s2+$0x0] =	vst.idx.add.f32.msk vm0, v14  }
0x16a: {  	s3 =	sadd.s32 $0xFFFFFFE0, s25;
	s11 =	sadd.s32 $0xC40, s26;
	s31 =	sor.u32 $0x15000, s17;
	v27 =	vadd.s32 v2, v19;
	v28 =	vadd.s32 v2, v30;
	v32 =	vunpack.i.u.bf16.f32 v11;
	[tilespmem:v6+s2+$0x0] =	vst.idx.add.f32.msk vm1, v18  }
0x16b: {  	s10 =	sand.u32 $0x50, s3;
	s11 =	sand.u32 $0x1E00, s11;
	s8 =	sor.u32 s8, s31;
	v29 =	vunpack.i.l.bf16.f32 v11;
	vm0 =	vlt.u32 v27, $0x12000;
	v5 =	vimm.s32 $0x0;
	v6 =	vld [tilespmem:s23+$0x12000]  }
0x16c: {  	s9 =	sadd.s32 $0xFFFFFFF0, s25;
	s12 =	sadd.s32 $0xC80, s26;
	s11 =	sor.u32 s10, s11;
	v11 =	vimm.s32 $0x0;
	v5 =	vsel vm0, $0xFFFFFFFF, v5;
	vm0 =	vlt.u32 v28, $0x12000;
	v14 =	vld [tilespmem:s8+$0x80]  }
0x16d: {  	s9 =	sand.u32 $0x60, s9;
	s30 =	sand.u32 $0x1E00, s12;
	v38 =	vld [tilespmem:s11+$0x13800];
	v36 =	vadd.s32 v2, v23;
	v11 =	vsel vm0, $0xFFFFFFFF, v11  }
0x16e: {  	s12 =	sor.u32 s9, s30;
	v39 =	vadd.s32 v2, v24;
	vm6 =	vlt.u32 v36, $0x12000;
	[tilespmem:$0x1FFA0] =	vst v11;
	v11 =	vld [tilespmem:s29+$0x12000]  }
0x16f: {  	v40 =	vld [tilespmem:s12+$0x13800];
	v37 =	vadd.s32 v1, v21;
	v43 =	vadd.s32 v1, v34;
	vm3 =	vlt.u32 v39, $0x12000  }
0x170: {  	p1 =	por !p1, !p1;
	s4 =	simm.s32 $0x1;
	vm7 =	vlt.u32 v37, $0x12000;
	v33 =	vunpack.i.u.bf16.f32 v12;
	v18 =	vadd.s32 v1, v19;
	[tilespmem:$0x1FF90] =	vst v5;
	v5 =	vld [tilespmem:s28+$0x12000]  }
0x171: {  	s4 =	simm.s32 @!p1 $0x0;
	vm1 =	vlt.u32 v18, $0x12000;
	v62 =	vmul.f32 v13, v6;
	v13 =	vld [tilespmem:s11+$0x12000];
	v42 =	vunpack.i.l.bf16.f32 v14  }
0x172: {  	s10 =	sshll.u32 s4, $0x6;
	v12 =	vunpack.i.l.bf16.f32 v12;
	v44 =	vunpack.i.u.bf16.f32 v14;
	v14 =	vld [tilespmem:s29+$0x12C00];
	v42 =	vmul.f32 v42, v25  }
0x173: {  	s17 =	sadd.s32 s10, s26;
	vm4 =	vlt.u32 v43, $0x12000;
	v44 =	vmul.f32 v44, v26;
	v49 =	vmul.f32 v12, v11;
	v12 =	vld [tilespmem:s12+$0x12000]  }
0x174: {  	s7 =	sor.u32 s7, s31;
	v35 =	vadd.s32 v1, v30;
	s28 =	sadd.s32 $0x30, s17;
	[tilespmem:v36+s2+$0x0] =	vst.idx.add.f32.msk vm6, v42  }
0x175: {  	s9 =	sor.u32 s5, s31;
	s3 =	sor.u32 s20, s31;
	v45 =	vadd.s32 v1, v38;
	vm2 =	vlt.u32 v35, $0x12000;
	s31 =	sor.u32 $0x100, s28;
	[tilespmem:v39+s2+$0x0] =	vst.idx.add.f32.msk vm3, v44  }
0x176: {  	v47 =	vadd.s32 v1, v40;
	vm5 =	vlt.u32 v45, $0x12000;
	v48 =	vld [tilespmem:s31+$0x15000]  }
0x177: {  	v50 =	vadd.s32 v3, v23;
	[tilespmem:v18+s2+$0x0] =	vst.idx.add.f32.msk vm1, v62;
	vm6 =	vlt.u32 v47, $0x12000;
	v33 =	vmul.f32 v33, v14  }
0x178: {  	[tilespmem:v37+s2+$0x0] =	vst.idx.add.f32.msk vm7, v49;
	vm3 =	vlt.u32 v50, $0x12000  }
0x179: {  	v51 =	vadd.s32 v3, v24;
	v63 =	vmul.f32 v29, v5;
	[tilespmem:v43+s2+$0x0] =	vst.idx.add.f32.msk vm4, v33  }
0x17a: {  	vm0 =	vlt.u32 v51, $0x12000;
	v31 =	vmul.f32 v31, v13;
	v58 =	vld [tilespmem:s9+$0x80]  }
0x17b: {  	[tilespmem:v35+s2+$0x0] =	vst.idx.add.f32.msk vm2, v63;
	v32 =	vmul.f32 v32, v12;
	v56 =	vunpack.i.l.bf16.f32 v48  }
0x17c: {  	[tilespmem:v45+s2+$0x0] =	vst.idx.add.f32.msk vm5, v31;
	v37 =	vmul.f32 v56, v25  }
0x17d: {  	[tilespmem:v47+s2+$0x0] =	vst.idx.add.f32.msk vm6, v32;
	v57 =	vunpack.i.u.bf16.f32 v48  }
0x17e: {  	v33 =	vmul.f32 v57, v26;
	[tilespmem:v50+s2+$0x0] =	vst.idx.add.f32.msk vm3, v37  }
0x17f: {  	v45 =	vunpack.i.u.bf16.f32 v58;
	v47 =	vunpack.i.l.bf16.f32 v58;
	v58 =	vld [tilespmem:$0x1FF90]  }
0x180: {  	s5 =	sor.u32 $0x180, s28;
	[tilespmem:v51+s2+$0x0] =	vst.idx.add.f32.msk vm0, v33  }
0x181: {  	v59 =	vimm.s32 $0x0;
	v63 =	vld [tilespmem:s5+$0x15000]  }
0x182: {  	v20 =	vadd.s32 v3, v19;
	v61 =	vadd.s32 v4, v19;
	v23 =	vadd.s32 v4, v23  }
0x183: {  	vm1 =	vlt.u32 v20, $0x12000;
	v18 =	vimm.s32 $0x0;
	vm4 =	vlt.u32 v23, $0x12000;
	v48 =	vld [tilespmem:s7+$0x80]  }
0x184: {  	v29 =	vadd.s32 v3, v30;
	v18 =	vsel vm1, $0xFFFFFFFF, v18;
	vm0 =	vlt.u32 v61, $0x12000  }
0x185: {  	vm1 =	vlt.u32 v29, $0x12000;
	[tilespmem:v7+s2+$0x0] =	vst.idx.add.f32.msk vm15, v22;
	vm15 =	vmmov vm0;
	vm0 =	vnez.u8 v58  }
0x186: {  	v43 =	vsel vm1, $0xFFFFFFFF, v59;
	v59 =	vld [tilespmem:$0x1FFA0];
	v50 =	vunpack.i.l.bf16.f32 v63  }
0x187: {  	v25 =	vmul.f32 v50, v25  }
0x188: {  	v49 =	vld [tilespmem:s3+$0x80];
	v53 =	vunpack.i.l.bf16.f32 v48  }
0x189: {  	[tilespmem:v23+s2+$0x0] =	vst.idx.add.f32.msk vm4, v25;
	v23 =	vmul.f32 v53, v6;
	_ =	sdelay $0x1  }
0x18a: {  	[tilespmem:v27+s2+$0x0] =	vst.idx.add.f32.msk vm0, v23;
	vm0 =	vnez.u8 v59  }
0x18b: {  	v22 =	vunpack.i.u.bf16.f32 v63;
	v63 =	vld [tilespmem:$0x1FFB0];
	_ =	sdelay $0x1  }
0x18c: {  	v44 =	vadd.s32 v2, v40;
	v55 =	vunpack.i.l.bf16.f32 v49  }
0x18d: {  	vm14 =	vlt.u32 v44, $0x12000;
	v57 =	vmul.f32 v55, v5;
	_ =	sdelay $0x1  }
0x18e: {  	[tilespmem:v28+s2+$0x0] =	vst.idx.add.f32.msk vm0, v57;
	vm0 =	vnez.u8 v63  }
0x18f: {  	v54 =	vunpack.i.u.bf16.f32 v49  }
0x190: {  	v60 =	vimm.s32 $0x0;
	v41 =	vadd.s32 v2, v21;
	v23 =	vmul.f32 v54, v12  }
0x191: {  	v46 =	vadd.s32 v2, v34;
	vm10 =	vlt.u32 v41, $0x12000;
	s23 =	sadd.s32 $0x20, s17;
	v35 =	vadd.s32 v3, v38  }
0x192: {  	v24 =	vadd.s32 v4, v24;
	vm12 =	vlt.u32 v46, $0x12000;
	s30 =	sor.u32 $0x100, s23;
	vm1 =	vlt.u32 v35, $0x12000;
	[tilespmem:v44+s2+$0x0] =	vst.idx.add.f32.msk vm14, v23  }
0x193: {  	[tilespmem:$0x1FFF0] =	vst v43;
	v43 =	vsel vm1, $0xFFFFFFFF, v60;
	vm1 =	vmmov vm8;
	vm8 =	vlt.u32 v24, $0x12000;
	v7 =	vmovc v61;
	v61 =	vld [tilespmem:s30+$0x15000]  }
0x194: {  	[tilespmem:v8+s2+$0x0] =	vst.idx.add.f32.msk vm0, v15  }
0x195: {  	v32 =	vmul.f32 v47, v11;
	v15 =	vld [tilespmem:$0x1FFC0]  }
0x196: {  	v62 =	vadd.s32 v4, v38;
	v42 =	vadd.s32 v2, v38;
	v38 =	vmul.f32 v45, v14  }
0x197: {  	vm13 =	vlt.u32 v42, $0x12000;
	[tilespmem:v41+s2+$0x0] =	vst.idx.add.f32.msk vm10, v32;
	v22 =	vmul.f32 v22, v26  }
0x198: {  	[tilespmem:v46+s2+$0x0] =	vst.idx.add.f32.msk vm12, v38  }
0x199: {  	s1 =	sor.u32 $0x100, s17;
	[tilespmem:v24+s2+$0x0] =	vst.idx.add.f32.msk vm8, v22  }
0x19a: {  	[tilespmem:$0x1FFD0] =	vst v18;
	v51 =	vunpack.i.u.bf16.f32 v48;
	v22 =	vld [tilespmem:s1+$0x15000];
	vm0 =	vnez.u8 v15  }
0x19b: {  	v36 =	vadd.s32 v3, v21;
	v56 =	vmul.f32 v51, v13;
	v15 =	vld [tilespmem:$0x1FFD0]  }
0x19c: {  	s20 =	sadd.s32 $0x10, s17;
	v52 =	vadd.s32 v3, v34;
	vm7 =	vlt.u32 v36, $0x12000  }
0x19d: {  	vm11 =	vlt.u32 v52, $0x12000;
	s29 =	sor.u32 $0x100, s20;
	[tilespmem:v42+s2+$0x0] =	vst.idx.add.f32.msk vm13, v56  }
0x19e: {  	v60 =	vld [tilespmem:s29+$0x15000]  }
0x19f: {  	[tilespmem:$0x1FFE0] =	vst v43;
	v23 =	vunpack.i.u.bf16.f32 v22;
	v22 =	vunpack.i.l.bf16.f32 v22  }
0x1a0: {  	v22 =	vmul.f32 v22, v11;
	[tilespmem:v10+s2+$0x0] =	vst.idx.add.f32.msk vm0, v16;
	vm0 =	vnez.u8 v15  }
0x1a1: {  	v23 =	vmul.f32 v23, v14;
	v16 =	vld [tilespmem:$0x1FFE0]  }
0x1a2: {  	[tilespmem:v36+s2+$0x0] =	vst.idx.add.f32.msk vm7, v22  }
0x1a3: {  	[tilespmem:v52+s2+$0x0] =	vst.idx.add.f32.msk vm11, v23;
	v23 =	vunpack.i.l.bf16.f32 v60  }
0x1a4: {  	v30 =	vadd.s32 v4, v30;
	v23 =	vmul.f32 v23, v6  }
0x1a5: {  	vm2 =	vlt.u32 v30, $0x12000;
	[tilespmem:v9+s2+$0x0] =	vst.idx.add.f32.msk vm1, v17  }
0x1a6: {  	vm1 =	vmmov vm2;
	vm2 =	vnez.u8 v16;
	[tilespmem:v20+s2+$0x0] =	vst.idx.add.f32.msk vm0, v23  }
0x1a7: {  	v20 =	vld [tilespmem:$0x1FFF0];
	_ =	sdelay $0x1  }
0x1a8: {  	v22 =	vunpack.i.u.bf16.f32 v60  }
0x1a9: {  	v22 =	vmul.f32 v22, v13;
	_ =	sdelay $0x1  }
0x1aa: {  	s24 =	sadd.s32 $0x4, s24;
	s10 =	sor.u32 $0x180, s17;
	[tilespmem:v35+s2+$0x0] =	vst.idx.add.f32.msk vm2, v22;
	vm2 =	vnez.u8 v20  }
0x1ab: {  	p2 =	slt.u32 s24, $0x2C;
	v19 =	vadd.s32 v4, v34;
	v18 =	vadd.s32 v3, v40;
	v17 =	vld [tilespmem:s10+$0x15000]  }
.Ltmp5:
0x1ac: {  	v21 =	vadd.s32 v4, v21;
	vm9 =	vlt.u32 v18, $0x12000;
	v31 =	vadd.s32 v4, v40;
	(pc) =	sbr.rel @p2 .LBB2_6-.Ltmp5, $4  }
0x1ad: {  	vm5 =	vlt.u32 v19, $0x12000;
	vm6 =	vlt.u32 v21, $0x12000;
	v25 =	vunpack.i.l.bf16.f32 v61  }
0x1ae: {  	vm3 =	vlt.u32 v62, $0x12000;
	v9 =	vmovc v62;
	v62 =	vunpack.i.u.bf16.f32 v61;
	v25 =	vmul.f32 v25, v5  }
0x1af: {  	vm10 =	vlt.u32 v31, $0x12000;
	vm8 =	vmmov vm3;
	v15 =	vmul.f32 v62, v12  }
0x1b0: {  	s25 =	sadd.s32 $0x40, s25;
	s0 =	sor.u32 $0x180, s20;
	s4 =	sor.u32 $0x180, s23;
	v8 =	vmovc v30;
	v10 =	vmovc v31;
	v16 =	vunpack.i.u.bf16.f32 v17;
	v17 =	vunpack.i.l.bf16.f32 v17;
	vm0 =	vmmov vm10;
	[tilespmem:v29+s2+$0x0] =	vst.idx.add.f32.msk vm2, v25  }
0x1b1: {  	_ =	sdelay $0x3  }
0x1b2: {  	v20 =	vld [tilespmem:s0+$0x15000]  }
0x1b3: {  	[tilespmem:v18+s2+$0x0] =	vst.idx.add.f32.msk vm9, v15  }
0x1b4: {  	v15 =	vld [tilespmem:s4+$0x15000];
	_ =	sdelay $0x1  }
0x1b5: {  	v11 =	vmul.f32 v17, v11  }
0x1b6: {  	v14 =	vmul.f32 v16, v14;
	v60 =	vunpack.i.l.bf16.f32 v20  }
0x1b7: {  	[tilespmem:v21+s2+$0x0] =	vst.idx.add.f32.msk vm6, v11;
	v61 =	vunpack.i.u.bf16.f32 v20;
	v6 =	vmul.f32 v60, v6  }
0x1b8: {  	p1 =	seq.s32 s6, $0x17;
	[tilespmem:v19+s2+$0x0] =	vst.idx.add.f32.msk vm5, v14;
	v62 =	vunpack.i.l.bf16.f32 v15;
	v11 =	vmul.f32 v61, v13  }
.Ltmp6:
0x1b9: {  	v63 =	vunpack.i.u.bf16.f32 v15;
	v5 =	vmul.f32 v62, v5;
	[tilespmem:v7+s2+$0x0] =	vst.idx.add.f32.msk vm15, v6;
	(pc) =	sbr.rel @p1 .LBB2_9-.Ltmp6, $4  }
0x1ba: {  	v6 =	vmul.f32 v63, v12;
	[tilespmem:v9+s2+$0x0] =	vst.idx.add.f32.msk vm8, v11  }
0x1bb: {  	[tilespmem:v8+s2+$0x0] =	vst.idx.add.f32.msk vm1, v5  }
0x1bc: {  	[tilespmem:v10+s2+$0x0] =	vst.idx.add.f32.msk vm0, v6  }
0x1bd: {  	s5 =	sshll.u32 s6, $0x2;
	[dreg:$0x15] =	wrdreg s6  }
0x1be: {  	s0 =	sadd.s32 $0x4, s5  }
0x1bf: {  	s1 =	smul.u32 $0x3000, s0;
	_ =	sdelay $0x1  }
0x1c0: {  	s1 =	sadd.s32 s14, s1  }
0x1c1: {  	s1 =	sshrl.u32 s1, $0x3  }
0x1c2: {  	s3 =	simm.s32 $0x12000;
	s1 =	sadd.s32 s21, s1  }
0x1c3: {  	[tilespmem:s3], [sflag:$0x1] =	stream.linear.gather [hbm4b:s1+s2], $0x80, $0x38;
	[tilespmem:$0x18000] =	vst v63  }
0x1c4: {  	s4 =	simm.s32 $0x12200;
	s26 =	sadd.s32 $0x80, s1  }
0x1c5: {  	[tilespmem:s4], [sflag:$0x1] =	stream.linear.gather [hbm4b:s26+s2], $0x80, $0x38;
	[tilespmem:$0x18000] =	vst v63  }
0x1c6: {  	s29 =	simm.s32 $0x12400;
	s28 =	sadd.s32 $0x100, s1  }
0x1c7: {  	[tilespmem:s29], [sflag:$0x1] =	stream.linear.gather [hbm4b:s28+s2], $0x80, $0x38;
	[tilespmem:$0x18000] =	vst v63  }
0x1c8: {  	s31 =	simm.s32 $0x12600;
	s30 =	sadd.s32 $0x180, s1  }
0x1c9: {  	[tilespmem:s31], [sflag:$0x1] =	stream.linear.gather [hbm4b:s30+s2], $0x80, $0x38;
	[tilespmem:$0x18000] =	vst v63  }
0x1ca: {  	s6 =	simm.s32 $0x12800;
	s4 =	sadd.s32 $0x200, s1  }
0x1cb: {  	[tilespmem:s6], [sflag:$0x1] =	stream.linear.gather [hbm4b:s4+s2], $0x80, $0x38;
	[tilespmem:$0x18000] =	vst v63  }
0x1cc: {  	s8 =	simm.s32 $0x12A00;
	s7 =	sadd.s32 $0x280, s1  }
0x1cd: {  	[tilespmem:s8], [sflag:$0x1] =	stream.linear.gather [hbm4b:s7+s2], $0x80, $0x38;
	[tilespmem:$0x18000] =	vst v63  }
0x1ce: {  	s10 =	simm.s32 $0x12C00;
	s9 =	sadd.s32 $0x300, s1  }
0x1cf: {  	[tilespmem:s10], [sflag:$0x1] =	stream.linear.gather [hbm4b:s9+s2], $0x80, $0x38;
	[tilespmem:$0x18000] =	vst v63  }
0x1d0: {  	s12 =	simm.s32 $0x12E00;
	s11 =	sadd.s32 $0x380, s1  }
0x1d1: {  	[tilespmem:s12], [sflag:$0x1] =	stream.linear.gather [hbm4b:s11+s2], $0x80, $0x38;
	[tilespmem:$0x18000] =	vst v63  }
0x1d2: {  	s17 =	simm.s32 $0x13000;
	s13 =	sadd.s32 $0x400, s1  }
0x1d3: {  	[tilespmem:s17], [sflag:$0x1] =	stream.linear.gather [hbm4b:s13+s2], $0x80, $0x38;
	[tilespmem:$0x18000] =	vst v63  }
0x1d4: {  	s20 =	simm.s32 $0x13200;
	s18 =	sadd.s32 $0x480, s1  }
0x1d5: {  	[tilespmem:s20], [sflag:$0x1] =	stream.linear.gather [hbm4b:s18+s2], $0x80, $0x38;
	[tilespmem:$0x18000] =	vst v63  }
0x1d6: {  	s24 =	simm.s32 $0x13400;
	s25 =	smul.u32 $0x1800, s0;
	s23 =	sadd.s32 $0x500, s1  }
0x1d7: {  	[tilespmem:s24], [sflag:$0x1] =	stream.linear.gather [hbm4b:s23+s2], $0x80, $0x38;
	[tilespmem:$0x18000] =	vst v63  }
0x1d8: {  	s1 =	sadd.s32 $0x580, s1;
	s26 =	simm.s32 $0x13600;
	s28 =	sadd.s32 s15, s25  }
0x1d9: {  	[tilespmem:s26], [sflag:$0x1] =	stream.linear.gather [hbm4b:s1+s2], $0x80, $0x38;
	[tilespmem:$0x18000] =	vst v63  }
0x1da: {  	s1 =	sshrl.u32 s28, $0x3  }
0x1db: {  	s29 =	simm.s32 $0x13800;
	s1 =	sadd.s32 s19, s1  }
0x1dc: {  	[tilespmem:s29], [sflag:$0x1] =	stream.linear.gather [hbm4b:s1+s2], $0x80, $0x38;
	[tilespmem:$0x18000] =	vst v63  }
0x1dd: {  	s31 =	simm.s32 $0x13A00;
	s30 =	sadd.s32 $0x40, s1  }
0x1de: {  	[tilespmem:s31], [sflag:$0x1] =	stream.linear.gather [hbm4b:s30+s2], $0x80, $0x38;
	[tilespmem:$0x18000] =	vst v63  }
0x1df: {  	s6 =	simm.s32 $0x13C00;
	s4 =	sadd.s32 $0x80, s1  }
0x1e0: {  	[tilespmem:s6], [sflag:$0x1] =	stream.linear.gather [hbm4b:s4+s2], $0x80, $0x38;
	[tilespmem:$0x18000] =	vst v63  }
0x1e1: {  	s8 =	simm.s32 $0x13E00;
	s7 =	sadd.s32 $0xC0, s1  }
0x1e2: {  	[tilespmem:s8], [sflag:$0x1] =	stream.linear.gather [hbm4b:s7+s2], $0x80, $0x38;
	[tilespmem:$0x18000] =	vst v63  }
0x1e3: {  	s10 =	simm.s32 $0x14000;
	s9 =	sadd.s32 $0x100, s1  }
0x1e4: {  	[tilespmem:s10], [sflag:$0x1] =	stream.linear.gather [hbm4b:s9+s2], $0x80, $0x38;
	[tilespmem:$0x18000] =	vst v63  }
0x1e5: {  	s12 =	simm.s32 $0x14200;
	s11 =	sadd.s32 $0x140, s1  }
0x1e6: {  	[tilespmem:s12], [sflag:$0x1] =	stream.linear.gather [hbm4b:s11+s2], $0x80, $0x38;
	[tilespmem:$0x18000] =	vst v63  }
0x1e7: {  	s17 =	simm.s32 $0x14400;
	s13 =	sadd.s32 $0x180, s1  }
0x1e8: {  	[tilespmem:s17], [sflag:$0x1] =	stream.linear.gather [hbm4b:s13+s2], $0x80, $0x38;
	[tilespmem:$0x18000] =	vst v63  }
0x1e9: {  	s20 =	simm.s32 $0x14600;
	s18 =	sadd.s32 $0x1C0, s1  }
0x1ea: {  	[tilespmem:s20], [sflag:$0x1] =	stream.linear.gather [hbm4b:s18+s2], $0x80, $0x38;
	[tilespmem:$0x18000] =	vst v63  }
0x1eb: {  	s24 =	simm.s32 $0x14800;
	s23 =	sadd.s32 $0x200, s1  }
0x1ec: {  	[tilespmem:s24], [sflag:$0x1] =	stream.linear.gather [hbm4b:s23+s2], $0x80, $0x38;
	[tilespmem:$0x18000] =	vst v63  }
0x1ed: {  	s0 =	smul.u32 $0xC00, s0;
	s26 =	simm.s32 $0x14A00;
	s25 =	sadd.s32 $0x240, s1  }
0x1ee: {  	[tilespmem:s26], [sflag:$0x1] =	stream.linear.gather [hbm4b:s25+s2], $0x80, $0x38;
	[tilespmem:$0x18000] =	vst v63  }
0x1ef: {  	s0 =	sadd.s32 s16, s0;
	s28 =	sadd.s32 $0x280, s1;
	s29 =	simm.s32 $0x14C00  }
0x1f0: {  	[tilespmem:s29], [sflag:$0x1] =	stream.linear.gather [hbm4b:s28+s2], $0x80, $0x38;
	[tilespmem:$0x18000] =	vst v63  }
0x1f1: {  	s0 =	sshrl.u32 s0, $0x3;
	s1 =	sadd.s32 $0x2C0, s1;
	s30 =	simm.s32 $0x14E00  }
0x1f2: {  	[tilespmem:s30], [sflag:$0x1] =	stream.linear.gather [hbm4b:s1+s2], $0x80, $0x38;
	[tilespmem:$0x18000] =	vst v63  }
0x1f3: {  	s0 =	sadd.s32 s22, s0;
	s31 =	simm.s32 $0x15000  }
0x1f4: {  	[tilespmem:s31], [sflag:$0x1] =	stream.linear.gather [hbm4b:s0+s2], $0xC00, $0x38;
	[tilespmem:$0x18000] =	vst v63  }
.LBB2_9:
0x1f5: {  	[dreg:$0x16] =	wrdreg s5;
	s0 =	simm.s32 $0x2  }
0x1f6: {  	_ =	swait.ge [sflag:s0], $0x600  }
0x1f7: {  	[sflag:s0] =	ssyncset.done $0x0  }
0x1f8: {  	[sflag:s0] =	ssyncadd.s32 $0xFFFFFA00  }
0x1f9: {  	_ =	swait.ge [sflag:s0], $0x600  }
0x1fa: {  	[sflag:s0] =	ssyncset.done $0x0  }
0x1fb: {  	[sflag:s0] =	ssyncadd.s32 $0xFFFFFA00  }
0x1fc: {  	_ =	swait.ge [sflag:s0], $0xC00  }
0x1fd: {  	s8 =	simm.s32 $0x0;
	s25 =	simm.s32 $0x0;
	[sflag:s0] =	ssyncset.done $0x0  }
0x1fe: {  	s1 =	simm.s32 $0x330;
	[sflag:s0] =	ssyncadd.s32 $0xFFFFF400;
	s0 =	sand.u32 $0x40, s8  }
0x1ff: {  	s4 =	simm.s32 $0xCC0;
	s7 =	sand.u32 $0xE00, s25;
	s3 =	sor.u32 $0x30, s0  }
0x200: {  	s1 =	sand.u32 $0x70, s1;
	s4 =	sand.u32 $0x1E80, s4;
	s9 =	sor.u32 s3, s7  }
0x201: {  	s1 =	sor.u32 s1, s4;
	v14 =	vld [tilespmem:s9+$0x13880]  }
0x202: {  	v15 =	vld [tilespmem:s1+$0x13800]  }
0x203: {  	s8 =	sadd.s32 $0x15C00, s7  }
0x204: {  	s10 =	sor.u32 s3, s8  }
0x205: {  	v5 =	vld [tilespmem:s10+$0x0]  }
0x206: {  	v23 =	vld [tilespmem:s9+$0x12080];
	v6 =	vadd.s32 v1, v14  }
0x207: {  	s18 =	sor.u32 $0x10, s0;
	v24 =	vld [tilespmem:s1+$0x12000];
	s13 =	sor.u32 s0, s8;
	v7 =	vadd.s32 v1, v15;
	vm0 =	vlt.u32 v6, $0x12000  }
0x208: {  	s4 =	sor.u32 $0x20, s0;
	s11 =	sor.u32 s18, s8;
	v10 =	vld [tilespmem:s13+$0x0];
	vm1 =	vlt.u32 v7, $0x12000  }
0x209: {  	s12 =	sor.u32 s4, s8;
	v8 =	vld [tilespmem:s11+$0x0]  }
0x20a: {  	s17 =	sor.u32 s18, s7;
	v9 =	vld [tilespmem:s12+$0x0];
	v11 =	vunpack.i.l.bf16.f32 v5  }
0x20b: {  	s20 =	sor.u32 s4, s7;
	v12 =	vld [tilespmem:s17+$0x13880];
	v5 =	vunpack.i.u.bf16.f32 v5;
	v11 =	vmul.f32 v11, v23  }
0x20c: {  	s24 =	smov.u32 s16;
	s16 =	smov.u32 s15;
	s15 =	smov.u32 s14;
	v16 =	vld [tilespmem:s20+$0x13880];
	v5 =	vmul.f32 v5, v24  }
0x20d: {  	s23 =	smov.u32 s19;
	s19 =	smov.u32 s21;
	s21 =	sadd.s32 $0x15C80, s7;
	[tilespmem:v6+s2+$0x0] =	vst.idx.add.f32.msk vm0, v11  }
0x20e: {  	s14 =	smov.u32 s22;
	s26 =	simm.s32 $0xC80;
	s10 =	sor.u32 s3, s21;
	[tilespmem:v7+s2+$0x0] =	vst.idx.add.f32.msk vm1, v5  }
0x20f: {  	s13 =	sor.u32 s0, s7;
	s9 =	simm.s32 $0x310;
	s12 =	simm.s32 $0xC40;
	v6 =	vld [tilespmem:s10+$0x0]  }
0x210: {  	s11 =	simm.s32 $0x320;
	v25 =	vld [tilespmem:s13+$0x13880];
	s9 =	sand.u32 $0x50, s9;
	s22 =	sand.u32 $0x1E00, s12;
	v11 =	vadd.s32 v2, v14  }
0x211: {  	v26 =	vld [tilespmem:s13+$0x14480];
	s11 =	sand.u32 $0x60, s11;
	s12 =	sand.u32 $0x1E80, s26;
	s9 =	sor.u32 s22, s9;
	v13 =	vadd.s32 v2, v15;
	vm0 =	vlt.u32 v11, $0x12000  }
0x212: {  	s6 =	sor.u32 s11, s12;
	v27 =	vld [tilespmem:s9+$0x13880];
	vm1 =	vlt.u32 v13, $0x12000  }
0x213: {  	v28 =	vld [tilespmem:s6+$0x13800]  }
0x214: {  	v19 =	vunpack.i.u.bf16.f32 v8;
	v20 =	vunpack.i.l.bf16.f32 v8;
	v7 =	vld [tilespmem:s17+$0x12080];
	v17 =	vunpack.i.l.bf16.f32 v6  }
0x215: {  	v22 =	vadd.s32 v1, v12;
	v5 =	vld [tilespmem:s20+$0x12080];
	v8 =	vunpack.i.u.bf16.f32 v6;
	v17 =	vmul.f32 v17, v23  }
0x216: {  	vm2 =	vlt.u32 v22, $0x12000;
	v6 =	vld [tilespmem:s13+$0x12080];
	v8 =	vmul.f32 v8, v24  }
0x217: {  	v63 =	vadd.s32 v4, v15;
	v31 =	vadd.s32 v1, v25;
	[tilespmem:v11+s2+$0x0] =	vst.idx.add.f32.msk vm0, v17  }
0x218: {  	v30 =	vadd.s32 v1, v16;
	vm3 =	vlt.u32 v31, $0x12000;
	v32 =	vadd.s32 v1, v27;
	[tilespmem:v13+s2+$0x0] =	vst.idx.add.f32.msk vm1, v8  }
0x219: {  	v36 =	vadd.s32 v1, v28;
	vm4 =	vlt.u32 v32, $0x12000;
	vm0 =	vlt.u32 v30, $0x12000;
	v8 =	vld [tilespmem:s9+$0x12080]  }
0x21a: {  	v20 =	vmul.f32 v20, v7;
	v11 =	vunpack.i.u.bf16.f32 v10;
	v13 =	vunpack.i.l.bf16.f32 v10;
	v10 =	vld [tilespmem:s6+$0x12000]  }
0x21b: {  	s11 =	sadd.s32 $0x15D00, s7;
	v21 =	vunpack.i.u.bf16.f32 v9;
	v29 =	vunpack.i.l.bf16.f32 v9;
	v9 =	vld [tilespmem:s13+$0x12C80];
	vm5 =	vlt.u32 v36, $0x12000  }
0x21c: {  	s12 =	sor.u32 s3, s11;
	v33 =	vadd.s32 v2, v12;
	[tilespmem:v22+s2+$0x0] =	vst.idx.add.f32.msk vm2, v20;
	v13 =	vmul.f32 v13, v6  }
0x21d: {  	v18 =	vadd.s32 v3, v12;
	v35 =	vadd.s32 v2, v16;
	v29 =	vmul.f32 v29, v5;
	v34 =	vld [tilespmem:s12+$0x0]  }
0x21e: {  	v37 =	vadd.s32 v1, v26;
	[tilespmem:v31+s2+$0x0] =	vst.idx.add.f32.msk vm3, v13;
	v19 =	vmul.f32 v19, v8  }
0x21f: {  	v38 =	vadd.s32 v2, v25;
	vm6 =	vlt.u32 v37, $0x12000;
	[tilespmem:v30+s2+$0x0] =	vst.idx.add.f32.msk vm0, v29;
	v20 =	vmul.f32 v21, v10  }
0x220: {  	vm9 =	vlt.u32 v18, $0x12000;
	v58 =	vadd.s32 v2, v28;
	v30 =	vadd.s32 v3, v14;
	[tilespmem:v32+s2+$0x0] =	vst.idx.add.f32.msk vm4, v19  }
0x221: {  	vm12 =	vlt.u32 v58, $0x12000;
	s17 =	sor.u32 s18, s21;
	v13 =	vadd.s32 v3, v15;
	vm7 =	vlt.u32 v30, $0x12000;
	[tilespmem:v36+s2+$0x0] =	vst.idx.add.f32.msk vm5, v20  }
0x222: {  	s20 =	sor.u32 s4, s21;
	v17 =	vadd.s32 v3, v16;
	v22 =	vadd.s32 v3, v27;
	vm10 =	vlt.u32 v13, $0x12000;
	v39 =	vld [tilespmem:s17+$0x0]  }
0x223: {  	vm1 =	vlt.u32 v33, $0x12000;
	v11 =	vmul.f32 v11, v9;
	vm11 =	vlt.u32 v22, $0x12000;
	v36 =	vld [tilespmem:s20+$0x0]  }
0x224: {  	v31 =	vadd.s32 v2, v27;
	vm3 =	vlt.u32 v38, $0x12000;
	v20 =	vunpack.i.l.bf16.f32 v34  }
0x225: {  	s5 =	sor.u32 s0, s21;
	[tilespmem:v37+s2+$0x0] =	vst.idx.add.f32.msk vm6, v11;
	vm0 =	vlt.u32 v35, $0x12000;
	v21 =	vunpack.i.u.bf16.f32 v34;
	v59 =	vmul.f32 v20, v23  }
0x226: {  	vm8 =	vlt.u32 v31, $0x12000;
	v29 =	vadd.s32 v2, v26;
	v37 =	vld [tilespmem:s5+$0x0];
	v11 =	vmul.f32 v21, v24  }
0x227: {  	s21 =	sadd.s32 $0x15D80, s7;
	v15 =	vadd.s32 v4, v28;
	vm2 =	vlt.u32 v29, $0x12000;
	[tilespmem:v30+s2+$0x0] =	vst.idx.add.f32.msk vm7, v59;
	v30 =	vunpack.i.l.bf16.f32 v39  }
0x228: {  	s3 =	sor.u32 s3, s21;
	v19 =	vadd.s32 v3, v25;
	[tilespmem:v13+s2+$0x0] =	vst.idx.add.f32.msk vm10, v11;
	v60 =	vunpack.i.l.bf16.f32 v36;
	v13 =	vmul.f32 v30, v7  }
0x229: {  	v21 =	vadd.s32 v3, v28;
	v11 =	vunpack.i.u.bf16.f32 v39;
	v30 =	vld [tilespmem:s3+$0x0];
	v61 =	vmul.f32 v60, v5  }
0x22a: {  	v20 =	vadd.s32 v3, v26;
	v36 =	vunpack.i.u.bf16.f32 v36;
	v11 =	vmul.f32 v11, v8;
	[tilespmem:v33+s2+$0x0] =	vst.idx.add.f32.msk vm1, v13  }
0x22b: {  	vm5 =	vlt.u32 v17, $0x12000;
	vm4 =	vlt.u32 v20, $0x12000;
	v62 =	vmul.f32 v36, v10;
	[tilespmem:v35+s2+$0x0] =	vst.idx.add.f32.msk vm0, v61  }
0x22c: {  	vm7 =	vlt.u32 v19, $0x12000;
	v13 =	vadd.s32 v4, v12;
	v12 =	vunpack.i.l.bf16.f32 v37;
	[tilespmem:v31+s2+$0x0] =	vst.idx.add.f32.msk vm8, v11  }
0x22d: {  	s22 =	sor.u32 s18, s11;
	v11 =	vadd.s32 v4, v16;
	v16 =	vunpack.i.u.bf16.f32 v37;
	v31 =	vmul.f32 v12, v6;
	[tilespmem:v58+s2+$0x0] =	vst.idx.add.f32.msk vm12, v62  }
0x22e: {  	s26 =	sor.u32 s4, s11;
	v12 =	vadd.s32 v4, v25;
	v25 =	vadd.s32 v4, v14;
	v14 =	vadd.s32 v4, v26;
	v26 =	vld [tilespmem:s22+$0x0]  }
0x22f: {  	vm10 =	vlt.u32 v21, $0x12000;
	vm0 =	vlt.u32 v13, $0x12000;
	v16 =	vmul.f32 v16, v9;
	v28 =	vld [tilespmem:s26+$0x0]  }
0x230: {  	vm8 =	vlt.u32 v15, $0x12000;
	vm1 =	vlt.u32 v25, $0x12000;
	vm15 =	vlt.u32 v12, $0x12000;
	[tilespmem:v38+s2+$0x0] =	vst.idx.add.f32.msk vm3, v31  }
0x231: {  	s1 =	sor.u32 s0, s11;
	vm3 =	vlt.u32 v63, $0x12000;
	[tilespmem:v29+s2+$0x0] =	vst.idx.add.f32.msk vm2, v16;
	v16 =	vadd.s32 v4, v27;
	v27 =	vunpack.i.l.bf16.f32 v30  }
0x232: {  	vm14 =	vlt.u32 v14, $0x12000;
	vm13 =	vmmov vm0;
	v23 =	vmul.f32 v27, v23;
	v27 =	vld [tilespmem:s1+$0x0]  }
0x233: {  	vm2 =	vlt.u32 v11, $0x12000;
	v29 =	vunpack.i.u.bf16.f32 v30;
	vm6 =	vlt.u32 v16, $0x12000  }
0x234: {  	v29 =	vmul.f32 v29, v24;
	vm12 =	vmmov vm6;
	vm6 =	vmmov vm2  }
0x235: {  	vm2 =	vmmov vm8;
	v30 =	vunpack.i.u.bf16.f32 v26;
	v24 =	vunpack.i.l.bf16.f32 v26  }
0x236: {  	s29 =	simm.s32 $0x0;
	s31 =	simm.s32 $0x370;
	v26 =	vunpack.i.l.bf16.f32 v28;
	[tilespmem:v25+s2+$0x0] =	vst.idx.add.f32.msk vm1, v23;
	v25 =	vmul.f32 v24, v7;
	v24 =	vunpack.i.u.bf16.f32 v28  }
0x237: {  	s30 =	sor.u32 s18, s21;
	s28 =	sor.u32 s4, s21;
	s26 =	sor.u32 s0, s21;
	v28 =	vmul.f32 v30, v8;
	[tilespmem:v63+s2+$0x0] =	vst.idx.add.f32.msk vm3, v29;
	v23 =	vunpack.i.u.bf16.f32 v27;
	v27 =	vunpack.i.l.bf16.f32 v27  }
.LBB2_10:
0x238: {  	s0 =	sadd.s32 $0xFFFFFCD0, s31  }
0x239: {  	[tilespmem:v18+s2+$0x0] =	vst.idx.add.f32.msk vm9, v25;
	v18 =	vmul.f32 v26, v5;
	s25 =	sadd.s32 $0x100, s25;
	s0 =	sand.u32 $0x40, s0  }
0x23a: {  	vm0 =	vmmov vm15;
	v25 =	vimm.s32 $0x0;
	[tilespmem:v22+s2+$0x0] =	vst.idx.add.f32.msk vm11, v28;
	s18 =	sand.u32 $0xE00, s25;
	s3 =	sadd.s32 $0xCC0, s25;
	s4 =	sor.u32 $0x30, s0  }
0x23b: {  	v24 =	vmul.f32 v24, v10;
	s8 =	sand.u32 $0x70, s31;
	v25 =	vsel vm0, $0xFFFFFFFF, v25;
	[tilespmem:v17+s2+$0x0] =	vst.idx.add.f32.msk vm5, v18;
	s3 =	sand.u32 $0x1E80, s3;
	s10 =	sor.u32 s4, s18  }
0x23c: {  	[tilespmem:$0x1FF70] =	vst v25;
	v25 =	vmul.f32 v27, v6;
	v27 =	vmul.f32 v23, v9;
	s11 =	sor.u32 s8, s3;
	v23 =	vld [tilespmem:s10+$0x13880]  }
0x23d: {  	v26 =	vld [tilespmem:s11+$0x13800]  }
0x23e: {  	s9 =	sadd.s32 $0x15C00, s18;
	[tilespmem:v21+s2+$0x0] =	vst.idx.add.f32.msk vm10, v24  }
0x23f: {  	s8 =	sor.u32 s4, s9;
	[tilespmem:v19+s2+$0x0] =	vst.idx.add.f32.msk vm7, v25  }
0x240: {  	s1 =	sadd.s32 $0xFFFFFFE0, s31;
	s22 =	sadd.s32 $0xC40, s25;
	v17 =	vld [tilespmem:s8+$0x0]  }
0x241: {  	s5 =	sadd.s32 $0xFFFFFFF0, s31;
	s1 =	sand.u32 $0x50, s1;
	vm0 =	vmmov vm14;
	v22 =	vimm.s32 $0x0;
	s12 =	sand.u32 $0x1E00, s22;
	v24 =	vld [tilespmem:s10+$0x12080];
	v18 =	vadd.s32 v1, v23  }
0x242: {  	s13 =	sand.u32 $0x60, s5;
	v22 =	vsel vm0, $0xFFFFFFFF, v22;
	s5 =	sor.u32 s12, s1;
	v25 =	vld [tilespmem:s11+$0x12000];
	v19 =	vadd.s32 v1, v26;
	vm0 =	vlt.u32 v18, $0x12000  }
0x243: {  	s6 =	sadd.s32 $0xC80, s25;
	v43 =	vld [tilespmem:s5+$0x13880];
	vm1 =	vlt.u32 v19, $0x12000  }
0x244: {  	s6 =	sand.u32 $0x1E80, s6;
	s17 =	sor.u32 s0, s9;
	[tilespmem:v20+s2+$0x0] =	vst.idx.add.f32.msk vm4, v27  }
0x245: {  	s7 =	sor.u32 $0x10, s0;
	[tilespmem:$0x1FF80] =	vst v22;
	s1 =	sor.u32 s13, s6;
	v22 =	vld [tilespmem:s17+$0x0];
	v27 =	vunpack.i.l.bf16.f32 v17  }
0x246: {  	s21 =	sor.u32 s7, s9;
	v44 =	vld [tilespmem:s1+$0x13800];
	v17 =	vunpack.i.u.bf16.f32 v17;
	v27 =	vmul.f32 v27, v24  }
0x247: {  	v20 =	vld [tilespmem:s21+$0x0];
	v17 =	vmul.f32 v17, v25  }
0x248: {  	s17 =	sadd.s32 $0x15C80, s18;
	[tilespmem:v18+s2+$0x0] =	vst.idx.add.f32.msk vm0, v27  }
0x249: {  	v29 =	vimm.s32 $0x0;
	s21 =	sor.u32 s4, s17;
	[tilespmem:v19+s2+$0x0] =	vst.idx.add.f32.msk vm1, v17  }
0x24a: {  	v29 =	vsel vm6, $0xFFFFFFFF, v29;
	s3 =	sor.u32 $0x20, s0;
	v38 =	vunpack.i.u.bf16.f32 v22;
	v19 =	vunpack.i.l.bf16.f32 v22;
	v22 =	vld [tilespmem:s21+$0x0]  }
0x24b: {  	[tilespmem:$0x1FF50] =	vst v29;
	v29 =	vimm.s32 $0x0;
	s8 =	sor.u32 s3, s18;
	v55 =	vld [tilespmem:s5+$0x12080];
	v32 =	vadd.s32 v2, v23  }
0x24c: {  	v29 =	vsel vm2, $0xFFFFFFFF, v29;
	s22 =	sor.u32 s3, s9;
	s9 =	sor.u32 s7, s18;
	v35 =	vld [tilespmem:s8+$0x13880];
	v33 =	vadd.s32 v2, v26;
	vm2 =	vlt.u32 v32, $0x12000  }
0x24d: {  	v34 =	vld [tilespmem:s9+$0x13880];
	vm4 =	vlt.u32 v33, $0x12000  }
0x24e: {  	v21 =	vld [tilespmem:s22+$0x0]  }
0x24f: {  	v63 =	vimm.s32 $0x0;
	v45 =	vld [tilespmem:s9+$0x12080];
	v28 =	vunpack.i.l.bf16.f32 v22  }
0x250: {  	s20 =	sor.u32 s0, s18;
	v30 =	vld [tilespmem:s8+$0x12080];
	v49 =	vadd.s32 v1, v43;
	v22 =	vunpack.i.u.bf16.f32 v22;
	v47 =	vmul.f32 v28, v24  }
0x251: {  	v39 =	vld [tilespmem:s20+$0x13880];
	v53 =	vadd.s32 v3, v23;
	v42 =	vadd.s32 v1, v35;
	v22 =	vmul.f32 v22, v25  }
0x252: {  	s22 =	sadd.s32 $0x15D00, s18;
	v56 =	vadd.s32 v3, v26;
	v40 =	vadd.s32 v1, v34;
	vm0 =	vlt.u32 v42, $0x12000;
	[tilespmem:v32+s2+$0x0] =	vst.idx.add.f32.msk vm2, v47  }
0x253: {  	s10 =	sor.u32 s4, s22;
	v36 =	vunpack.i.u.bf16.f32 v20;
	v20 =	vunpack.i.l.bf16.f32 v20;
	vm1 =	vlt.u32 v40, $0x12000;
	[tilespmem:v33+s2+$0x0] =	vst.idx.add.f32.msk vm4, v22  }
0x254: {  	[tilespmem:$0x1FF60] =	vst v29;
	v37 =	vunpack.i.u.bf16.f32 v21;
	v21 =	vunpack.i.l.bf16.f32 v21;
	v29 =	vadd.s32 v2, v35;
	v51 =	vld [tilespmem:s10+$0x0]  }
0x255: {  	v57 =	vld [tilespmem:s1+$0x12000];
	vm7 =	vlt.u32 v53, $0x12000;
	vm6 =	vlt.u32 v56, $0x12000;
	vm2 =	vlt.u32 v49, $0x12000  }
0x256: {  	v46 =	vadd.s32 v1, v39;
	v21 =	vmul.f32 v21, v30;
	v27 =	vadd.s32 v2, v34;
	v28 =	vld [tilespmem:s20+$0x12080]  }
0x257: {  	v41 =	vld [tilespmem:s20+$0x14480];
	v20 =	vmul.f32 v20, v45;
	vm3 =	vlt.u32 v27, $0x12000;
	v17 =	vimm.s32 $0x0  }
0x258: {  	v31 =	vadd.s32 v2, v39;
	v36 =	vmul.f32 v36, v55;
	v17 =	vsel vm3, $0xFFFFFFFF, v17;
	[tilespmem:v42+s2+$0x0] =	vst.idx.add.f32.msk vm0, v21  }
0x259: {  	vm3 =	vlt.u32 v29, $0x12000;
	[tilespmem:v40+s2+$0x0] =	vst.idx.add.f32.msk vm1, v20;
	v47 =	vadd.s32 v1, v44;
	v21 =	vunpack.i.l.bf16.f32 v51  }
0x25a: {  	[tilespmem:$0x1FEF0] =	vst v17;
	v62 =	vld [tilespmem:s30+$0x0];
	vm15 =	vlt.u32 v47, $0x12000;
	vm4 =	vlt.u32 v31, $0x12000;
	v61 =	vmul.f32 v21, v24  }
0x25b: {  	v54 =	vmul.f32 v19, v28;
	v19 =	vimm.s32 $0x0;
	[tilespmem:v49+s2+$0x0] =	vst.idx.add.f32.msk vm2, v36;
	v60 =	vunpack.i.u.bf16.f32 v51  }
0x25c: {  	s8 =	sor.u32 s7, s22;
	v17 =	vimm.s32 $0x0;
	v19 =	vsel vm4, $0xFFFFFFFF, v19;
	v40 =	vmul.f32 v60, v25;
	[tilespmem:v53+s2+$0x0] =	vst.idx.add.f32.msk vm7, v61  }
0x25d: {  	s9 =	sor.u32 s3, s22;
	s21 =	sor.u32 s0, s22;
	s22 =	sadd.s32 $0x15D80, s18;
	v17 =	vsel vm3, $0xFFFFFFFF, v17;
	vm3 =	vlt.u32 v46, $0x12000;
	v32 =	vadd.s32 v2, v41;
	[tilespmem:$0x1FF20] =	vst v19;
	v61 =	vld [tilespmem:$0x1FEF0]  }
0x25e: {  	s4 =	sor.u32 s4, s22;
	vm4 =	vlt.u32 v32, $0x12000;
	v19 =	vimm.s32 $0x0;
	vm7 =	vmmov vm13;
	[tilespmem:v56+s2+$0x0] =	vst.idx.add.f32.msk vm6, v40  }
0x25f: {  	v52 =	vadd.s32 v2, v44;
	v37 =	vmul.f32 v37, v57;
	v19 =	vsel vm4, $0xFFFFFFFF, v19;
	v40 =	vld [tilespmem:s4+$0x0]  }
0x260: {  	v23 =	vadd.s32 v4, v23;
	v20 =	vimm.s32 $0x0;
	v33 =	vld [tilespmem:s20+$0x12C80];
	vm4 =	vlt.u32 v52, $0x12000;
	[tilespmem:$0x1FF30] =	vst v19  }
0x261: {  	s13 =	sor.u32 s7, s17;
	v20 =	vsel vm4, $0xFFFFFFFF, v20;
	[tilespmem:v47+s2+$0x0] =	vst.idx.add.f32.msk vm15, v37;
	v47 =	vunpack.i.l.bf16.f32 v62;
	vm13 =	vlt.u32 v23, $0x12000  }
0x262: {  	v19 =	vadd.s32 v3, v39;
	v49 =	vld [tilespmem:s13+$0x0];
	[tilespmem:$0x1FF10] =	vst v20;
	v20 =	vadd.s32 v3, v41;
	v37 =	vmul.f32 v47, v7  }
0x263: {  	v50 =	vadd.s32 v2, v43;
	[tilespmem:v46+s2+$0x0] =	vst.idx.add.f32.msk vm3, v54;
	vm8 =	vlt.u32 v19, $0x12000;
	vm0 =	vlt.u32 v20, $0x12000  }
0x264: {  	[tilespmem:v13+s2+$0x0] =	vst.idx.add.f32.msk vm7, v37;
	vm7 =	vmmov vm8;
	vm8 =	vnez.u8 v61;
	v54 =	vunpack.i.l.bf16.f32 v40  }
0x265: {  	[tilespmem:$0x1FF00] =	vst v17;
	vm1 =	vlt.u32 v50, $0x12000;
	v42 =	vsel vm0, $0xFFFFFFFF, v63;
	v24 =	vmul.f32 v54, v24  }
0x266: {  	v26 =	vadd.s32 v4, v26;
	vm4 =	vmmov vm12;
	v63 =	vld [tilespmem:$0x1FF00];
	[tilespmem:$0x1FF40] =	vst v42  }
0x267: {  	vm12 =	vlt.u32 v26, $0x12000;
	v7 =	vmovc v45;
	v42 =	vunpack.i.u.bf16.f32 v62;
	[tilespmem:v23+s2+$0x0] =	vst.idx.add.f32.msk vm13, v24;
	v24 =	vunpack.i.l.bf16.f32 v49  }
0x268: {  	s11 =	sor.u32 s3, s17;
	v36 =	vmul.f32 v42, v8;
	v8 =	vmovc v55;
	v23 =	vunpack.i.u.bf16.f32 v49;
	v24 =	vmul.f32 v24, v7  }
0x269: {  	v53 =	vld [tilespmem:s11+$0x0];
	v23 =	vmul.f32 v23, v8  }
0x26a: {  	[tilespmem:v27+s2+$0x0] =	vst.idx.add.f32.msk vm8, v24  }
0x26b: {  	v40 =	vunpack.i.u.bf16.f32 v40;
	[tilespmem:v50+s2+$0x0] =	vst.idx.add.f32.msk vm1, v23;
	vm1 =	vnez.u8 v63  }
0x26c: {  	v56 =	vld [tilespmem:s28+$0x0];
	v25 =	vmul.f32 v40, v25;
	_ =	sdelay $0x1  }
0x26d: {  	[tilespmem:v26+s2+$0x0] =	vst.idx.add.f32.msk vm12, v25;
	v26 =	vunpack.i.l.bf16.f32 v53  }
0x26e: {  	v48 =	vadd.s32 v1, v41;
	v24 =	vmul.f32 v26, v30  }
0x26f: {  	vm14 =	vlt.u32 v48, $0x12000  }
0x270: {  	v26 =	vunpack.i.u.bf16.f32 v56;
	[tilespmem:v29+s2+$0x0] =	vst.idx.add.f32.msk vm1, v24  }
0x271: {  	v24 =	vmul.f32 v26, v10;
	v10 =	vld [tilespmem:$0x1FF10];
	_ =	sdelay $0x1  }
0x272: {  	v38 =	vmul.f32 v38, v33;
	_ =	sdelay $0x1  }
0x273: {  	[tilespmem:v48+s2+$0x0] =	vst.idx.add.f32.msk vm14, v38  }
0x274: {  	v58 =	vld [tilespmem:s26+$0x0];
	vm1 =	vnez.u8 v10  }
0x275: {  	v29 =	vld [tilespmem:$0x1FF20];
	_ =	sdelay $0x1  }
0x276: {  	s12 =	sor.u32 s0, s17;
	v25 =	vunpack.i.u.bf16.f32 v53  }
0x277: {  	v55 =	vld [tilespmem:s12+$0x0];
	v25 =	vmul.f32 v25, v57;
	_ =	sdelay $0x1  }
0x278: {  	[tilespmem:v52+s2+$0x0] =	vst.idx.add.f32.msk vm1, v25;
	v25 =	vunpack.i.u.bf16.f32 v58;
	vm1 =	vnez.u8 v29  }
0x279: {  	v29 =	vmul.f32 v25, v9;
	v9 =	vld [tilespmem:$0x1FF30];
	_ =	sdelay $0x1  }
0x27a: {  	v60 =	vunpack.i.l.bf16.f32 v55  }
0x27b: {  	v27 =	vmul.f32 v60, v28;
	_ =	sdelay $0x1  }
0x27c: {  	v23 =	vunpack.i.l.bf16.f32 v56;
	[tilespmem:v31+s2+$0x0] =	vst.idx.add.f32.msk vm1, v27;
	vm1 =	vnez.u8 v9  }
0x27d: {  	v23 =	vmul.f32 v23, v5;
	v5 =	vmov v30;
	v30 =	vld [tilespmem:$0x1FF50];
	_ =	sdelay $0x1  }
0x27e: {  	v59 =	vunpack.i.u.bf16.f32 v55  }
0x27f: {  	v62 =	vmul.f32 v59, v33;
	_ =	sdelay $0x1  }
0x280: {  	[tilespmem:v32+s2+$0x0] =	vst.idx.add.f32.msk vm1, v62;
	vm1 =	vnez.u8 v30;
	_ =	sdelay $0x1  }
0x281: {  	v25 =	vld [tilespmem:s8+$0x0];
	_ =	sdelay $0x1  }
0x282: {  	v26 =	vunpack.i.l.bf16.f32 v58  }
0x283: {  	v27 =	vmul.f32 v26, v6;
	v26 =	vld [tilespmem:s9+$0x0]  }
0x284: {  	[tilespmem:v11+s2+$0x0] =	vst.idx.add.f32.msk vm1, v23  }
0x285: {  	v30 =	vunpack.i.u.bf16.f32 v25;
	v23 =	vunpack.i.l.bf16.f32 v25;
	v25 =	vld [tilespmem:$0x1FF60];
	_ =	sdelay $0x4  }
0x286: {  	vm1 =	vnez.u8 v25;
	v25 =	vmul.f32 v23, v7;
	v23 =	vld [tilespmem:$0x1FF70];
	_ =	sdelay $0x1  }
0x287: {  	v17 =	vadd.s32 v3, v35;
	v35 =	vadd.s32 v4, v35;
	v51 =	vadd.s32 v4, v43  }
0x288: {  	v21 =	vadd.s32 v3, v44;
	v44 =	vadd.s32 v4, v44;
	vm6 =	vlt.u32 v51, $0x12000  }
0x289: {  	vm2 =	vlt.u32 v35, $0x12000;
	vm0 =	vlt.u32 v44, $0x12000;
	vm12 =	vmmov vm6  }
0x28a: {  	vm6 =	vmmov vm2;
	vm2 =	vmmov vm0;
	vm0 =	vnez.u8 v23;
	_ =	sdelay $0x1  }
0x28b: {  	v6 =	vmov v28;
	v28 =	vld [tilespmem:s21+$0x0];
	_ =	sdelay $0x3  }
0x28c: {  	[tilespmem:v12+s2+$0x0] =	vst.idx.add.f32.msk vm0, v27  }
0x28d: {  	v23 =	vunpack.i.u.bf16.f32 v28;
	v27 =	vunpack.i.l.bf16.f32 v28;
	v28 =	vmul.f32 v30, v8;
	v30 =	vld [tilespmem:$0x1FF80];
	_ =	sdelay $0x3  }
0x28e: {  	[tilespmem:v16+s2+$0x0] =	vst.idx.add.f32.msk vm4, v36  }
0x28f: {  	s29 =	sadd.s32 $0x4, s29;
	v18 =	vadd.s32 v3, v34;
	v16 =	vld [tilespmem:$0x1FF40];
	vm0 =	vnez.u8 v30  }
0x290: {  	p2 =	slt.u32 s29, $0x2C;
	v34 =	vadd.s32 v4, v34;
	vm9 =	vlt.u32 v18, $0x12000;
	v22 =	vadd.s32 v3, v43  }
.Ltmp7:
0x291: {  	vm5 =	vlt.u32 v17, $0x12000;
	vm11 =	vlt.u32 v22, $0x12000;
	v39 =	vadd.s32 v4, v39;
	(pc) =	sbr.rel @p2 .LBB2_10-.Ltmp7, $4  }
0x292: {  	vm3 =	vlt.u32 v34, $0x12000;
	v48 =	vadd.s32 v4, v41;
	vm15 =	vlt.u32 v39, $0x12000  }
0x293: {  	vm10 =	vlt.u32 v21, $0x12000;
	vm14 =	vlt.u32 v48, $0x12000;
	v13 =	vmovc v34;
	vm13 =	vmmov vm3  }
0x294: {  	s31 =	sadd.s32 $0x40, s31;
	s3 =	sor.u32 s3, s22;
	s0 =	sor.u32 s0, s22;
	v10 =	vmovc v57;
	v9 =	vmovc v33;
	vm4 =	vnez.u8 v16;
	v16 =	vmov v51;
	v11 =	vmov v35;
	[tilespmem:v15+s2+$0x0] =	vst.idx.add.f32.msk vm1, v24  }
0x295: {  	s30 =	sor.u32 s7, s22;
	s26 =	smov.u32 s0;
	s28 =	smov.u32 s3;
	v15 =	vmovc v44;
	v24 =	vunpack.i.u.bf16.f32 v26;
	v26 =	vunpack.i.l.bf16.f32 v26;
	v12 =	vmovc v39;
	[tilespmem:v14+s2+$0x0] =	vst.idx.add.f32.msk vm0, v29;
	v14 =	vmov v48  }
0x296: {  	_ =	sdelay $0x4  }
0x297: {  	[tilespmem:v18+s2+$0x0] =	vst.idx.add.f32.msk vm9, v25;
	v55 =	vmul.f32 v26, v5  }
0x298: {  	[tilespmem:v22+s2+$0x0] =	vst.idx.add.f32.msk vm11, v28  }
0x299: {  	v56 =	vmul.f32 v27, v6;
	[tilespmem:v17+s2+$0x0] =	vst.idx.add.f32.msk vm5, v55  }
0x29a: {  	v24 =	vmul.f32 v24, v10;
	v57 =	vld [tilespmem:s30+$0x0]  }
0x29b: {  	v58 =	vmul.f32 v23, v9;
	[tilespmem:v19+s2+$0x0] =	vst.idx.add.f32.msk vm7, v56  }
0x29c: {  	[tilespmem:v21+s2+$0x0] =	vst.idx.add.f32.msk vm10, v24  }
0x29d: {  	[tilespmem:v20+s2+$0x0] =	vst.idx.add.f32.msk vm4, v58  }
0x29e: {  	v59 =	vld [tilespmem:s28+$0x0]  }
0x29f: {  	v19 =	vld [tilespmem:s26+$0x0];
	_ =	sdelay $0x1  }
0x2a0: {  	v60 =	vunpack.i.l.bf16.f32 v57  }
0x2a1: {  	v18 =	vunpack.i.u.bf16.f32 v57;
	v7 =	vmul.f32 v60, v7  }
0x2a2: {  	v8 =	vmul.f32 v18, v8;
	v61 =	vunpack.i.l.bf16.f32 v59  }
0x2a3: {  	v62 =	vunpack.i.l.bf16.f32 v19;
	[tilespmem:v13+s2+$0x0] =	vst.idx.add.f32.msk vm13, v7;
	v5 =	vmul.f32 v61, v5  }
0x2a4: {  	v7 =	vunpack.i.u.bf16.f32 v59;
	v6 =	vmul.f32 v62, v6;
	[tilespmem:v16+s2+$0x0] =	vst.idx.add.f32.msk vm12, v8  }
.Ltmp8:
0x2a5: {  	v63 =	vunpack.i.u.bf16.f32 v19;
	v7 =	vmul.f32 v7, v10;
	[tilespmem:v11+s2+$0x0] =	vst.idx.add.f32.msk vm6, v5;
	(pc) =	sbr.rel @p1 .LBB2_13-.Ltmp8, $4  }
0x2a6: {  	v5 =	vmul.f32 v63, v9;
	[tilespmem:v12+s2+$0x0] =	vst.idx.add.f32.msk vm15, v6  }
0x2a7: {  	s21 =	smov.u32 s19;
	[tilespmem:v15+s2+$0x0] =	vst.idx.add.f32.msk vm2, v7  }
0x2a8: {  	s19 =	smov.u32 s23;
	s22 =	smov.u32 s14;
	s14 =	smov.u32 s15;
	[tilespmem:v14+s2+$0x0] =	vst.idx.add.f32.msk vm14, v5  }
0x2a9: {  	vm0 =	vmmov vm15;
	vm1 =	vmmov vm14;
	s15 =	smov.u32 s16;
	s16 =	smov.u32 s24;
	s23 =	rddreg [dreg:$0x16]  }
0x2aa: {  	s0 =	sadd.s32 $0x5, s23  }
0x2ab: {  	s1 =	smul.u32 $0x3000, s0;
	_ =	sdelay $0x1  }
0x2ac: {  	s1 =	sadd.s32 s14, s1  }
0x2ad: {  	s1 =	sshrl.u32 s1, $0x3  }
0x2ae: {  	s3 =	simm.s32 $0x12080;
	s1 =	sadd.s32 s21, s1  }
0x2af: {  	[tilespmem:s3], [sflag:$0x2] =	stream.linear.gather [hbm4b:s1+s2], $0x80, $0x38;
	[tilespmem:$0x18000] =	vst v63  }
0x2b0: {  	s4 =	simm.s32 $0x12280;
	s26 =	sadd.s32 $0x80, s1  }
0x2b1: {  	[tilespmem:s4], [sflag:$0x2] =	stream.linear.gather [hbm4b:s26+s2], $0x80, $0x38;
	[tilespmem:$0x18000] =	vst v63  }
0x2b2: {  	s29 =	simm.s32 $0x12480;
	s28 =	sadd.s32 $0x100, s1  }
0x2b3: {  	[tilespmem:s29], [sflag:$0x2] =	stream.linear.gather [hbm4b:s28+s2], $0x80, $0x38;
	[tilespmem:$0x18000] =	vst v63  }
0x2b4: {  	s31 =	simm.s32 $0x12680;
	s30 =	sadd.s32 $0x180, s1  }
0x2b5: {  	[tilespmem:s31], [sflag:$0x2] =	stream.linear.gather [hbm4b:s30+s2], $0x80, $0x38;
	[tilespmem:$0x18000] =	vst v63  }
0x2b6: {  	s5 =	simm.s32 $0x12880;
	s4 =	sadd.s32 $0x200, s1  }
0x2b7: {  	[tilespmem:s5], [sflag:$0x2] =	stream.linear.gather [hbm4b:s4+s2], $0x80, $0x38;
	[tilespmem:$0x18000] =	vst v63  }
0x2b8: {  	s7 =	simm.s32 $0x12A80;
	s6 =	sadd.s32 $0x280, s1  }
0x2b9: {  	[tilespmem:s7], [sflag:$0x2] =	stream.linear.gather [hbm4b:s6+s2], $0x80, $0x38;
	[tilespmem:$0x18000] =	vst v63  }
0x2ba: {  	s9 =	simm.s32 $0x12C80;
	s8 =	sadd.s32 $0x300, s1  }
0x2bb: {  	[tilespmem:s9], [sflag:$0x2] =	stream.linear.gather [hbm4b:s8+s2], $0x80, $0x38;
	[tilespmem:$0x18000] =	vst v63  }
0x2bc: {  	s11 =	simm.s32 $0x12E80;
	s10 =	sadd.s32 $0x380, s1  }
0x2bd: {  	[tilespmem:s11], [sflag:$0x2] =	stream.linear.gather [hbm4b:s10+s2], $0x80, $0x38;
	[tilespmem:$0x18000] =	vst v63  }
0x2be: {  	s13 =	simm.s32 $0x13080;
	s12 =	sadd.s32 $0x400, s1  }
0x2bf: {  	[tilespmem:s13], [sflag:$0x2] =	stream.linear.gather [hbm4b:s12+s2], $0x80, $0x38;
	[tilespmem:$0x18000] =	vst v63  }
0x2c0: {  	s18 =	simm.s32 $0x13280;
	s17 =	sadd.s32 $0x480, s1  }
0x2c1: {  	[tilespmem:s18], [sflag:$0x2] =	stream.linear.gather [hbm4b:s17+s2], $0x80, $0x38;
	[tilespmem:$0x18000] =	vst v63  }
0x2c2: {  	s24 =	simm.s32 $0x13480;
	s25 =	smul.u32 $0x1800, s0;
	s20 =	sadd.s32 $0x500, s1  }
0x2c3: {  	[tilespmem:s24], [sflag:$0x2] =	stream.linear.gather [hbm4b:s20+s2], $0x80, $0x38;
	[tilespmem:$0x18000] =	vst v63  }
0x2c4: {  	s1 =	sadd.s32 $0x580, s1;
	s26 =	simm.s32 $0x13680;
	s28 =	sadd.s32 s15, s25  }
0x2c5: {  	[tilespmem:s26], [sflag:$0x2] =	stream.linear.gather [hbm4b:s1+s2], $0x80, $0x38;
	[tilespmem:$0x18000] =	vst v63  }
0x2c6: {  	s1 =	sshrl.u32 s28, $0x3  }
0x2c7: {  	s29 =	simm.s32 $0x13880;
	s1 =	sadd.s32 s19, s1  }
0x2c8: {  	[tilespmem:s29], [sflag:$0x2] =	stream.linear.gather [hbm4b:s1+s2], $0x80, $0x38;
	[tilespmem:$0x18000] =	vst v63  }
0x2c9: {  	s31 =	simm.s32 $0x13A80;
	s30 =	sadd.s32 $0x40, s1  }
0x2ca: {  	[tilespmem:s31], [sflag:$0x2] =	stream.linear.gather [hbm4b:s30+s2], $0x80, $0x38;
	[tilespmem:$0x18000] =	vst v63  }
0x2cb: {  	s5 =	simm.s32 $0x13C80;
	s4 =	sadd.s32 $0x80, s1  }
0x2cc: {  	[tilespmem:s5], [sflag:$0x2] =	stream.linear.gather [hbm4b:s4+s2], $0x80, $0x38;
	[tilespmem:$0x18000] =	vst v63  }
0x2cd: {  	s7 =	simm.s32 $0x13E80;
	s6 =	sadd.s32 $0xC0, s1  }
0x2ce: {  	[tilespmem:s7], [sflag:$0x2] =	stream.linear.gather [hbm4b:s6+s2], $0x80, $0x38;
	[tilespmem:$0x18000] =	vst v63  }
0x2cf: {  	s9 =	simm.s32 $0x14080;
	s8 =	sadd.s32 $0x100, s1  }
0x2d0: {  	[tilespmem:s9], [sflag:$0x2] =	stream.linear.gather [hbm4b:s8+s2], $0x80, $0x38;
	[tilespmem:$0x18000] =	vst v63  }
0x2d1: {  	s11 =	simm.s32 $0x14280;
	s10 =	sadd.s32 $0x140, s1  }
0x2d2: {  	[tilespmem:s11], [sflag:$0x2] =	stream.linear.gather [hbm4b:s10+s2], $0x80, $0x38;
	[tilespmem:$0x18000] =	vst v63  }
0x2d3: {  	s13 =	simm.s32 $0x14480;
	s12 =	sadd.s32 $0x180, s1  }
0x2d4: {  	[tilespmem:s13], [sflag:$0x2] =	stream.linear.gather [hbm4b:s12+s2], $0x80, $0x38;
	[tilespmem:$0x18000] =	vst v63  }
0x2d5: {  	s18 =	simm.s32 $0x14680;
	s17 =	sadd.s32 $0x1C0, s1  }
0x2d6: {  	[tilespmem:s18], [sflag:$0x2] =	stream.linear.gather [hbm4b:s17+s2], $0x80, $0x38;
	[tilespmem:$0x18000] =	vst v63  }
0x2d7: {  	s24 =	simm.s32 $0x14880;
	s20 =	sadd.s32 $0x200, s1  }
0x2d8: {  	[tilespmem:s24], [sflag:$0x2] =	stream.linear.gather [hbm4b:s20+s2], $0x80, $0x38;
	[tilespmem:$0x18000] =	vst v63  }
0x2d9: {  	s0 =	smul.u32 $0xC00, s0;
	s26 =	simm.s32 $0x14A80;
	s25 =	sadd.s32 $0x240, s1  }
0x2da: {  	[tilespmem:s26], [sflag:$0x2] =	stream.linear.gather [hbm4b:s25+s2], $0x80, $0x38;
	[tilespmem:$0x18000] =	vst v63  }
0x2db: {  	s0 =	sadd.s32 s16, s0;
	s28 =	sadd.s32 $0x280, s1;
	s29 =	simm.s32 $0x14C80  }
0x2dc: {  	[tilespmem:s29], [sflag:$0x2] =	stream.linear.gather [hbm4b:s28+s2], $0x80, $0x38;
	[tilespmem:$0x18000] =	vst v63  }
0x2dd: {  	s0 =	sshrl.u32 s0, $0x3;
	s1 =	sadd.s32 $0x2C0, s1;
	s30 =	simm.s32 $0x14E80  }
0x2de: {  	[tilespmem:s30], [sflag:$0x2] =	stream.linear.gather [hbm4b:s1+s2], $0x80, $0x38;
	[tilespmem:$0x18000] =	vst v63  }
0x2df: {  	s0 =	sadd.s32 s22, s0;
	s31 =	simm.s32 $0x15C00  }
0x2e0: {  	[tilespmem:s31], [sflag:$0x2] =	stream.linear.gather [hbm4b:s0+s2], $0xC00, $0x38;
	[tilespmem:$0x18000] =	vst v63  }
.LBB2_13:
0x2e1: {  	s1 =	simm.s32 $0x3  }
0x2e2: {  	_ =	swait.ge [sflag:s1], $0x600  }
0x2e3: {  	[sflag:s1] =	ssyncset.done $0x0  }
0x2e4: {  	[sflag:s1] =	ssyncadd.s32 $0xFFFFFA00  }
0x2e5: {  	p2 =	por $0x0, $0x0;
	s0 =	simm.s32 $0x1;
	_ =	swait.ge [sflag:s1], $0x600  }
0x2e6: {  	s0 =	simm.s32 @!p2 $0x0;
	[sflag:s1] =	ssyncset.done $0x0  }
0x2e7: {  	s24 =	simm.s32 $0x330;
	s0 =	sshll.u32 s0, $0x6;
	[sflag:s1] =	ssyncadd.s32 $0xFFFFFA00  }
0x2e8: {  	s4 =	simm.s32 $0xCC0;
	s20 =	sadd.s32 $0x0, s0;
	_ =	swait.ge [sflag:s1], $0xC00  }
0x2e9: {  	s25 =	sand.u32 $0x1E00, s4;
	s3 =	sadd.s32 $0x30, s20;
	[sflag:s1] =	ssyncset.done $0x0  }
0x2ea: {  	s0 =	sand.u32 $0x70, s24;
	s5 =	sor.u32 $0x100, s3;
	[sflag:s1] =	ssyncadd.s32 $0xFFFFF400  }
0x2eb: {  	s26 =	simm.s32 $0x0;
	s6 =	simm.s32 $0x0;
	s7 =	sor.u32 s25, s0;
	v16 =	vld [tilespmem:s5+$0x13800]  }
0x2ec: {  	s28 =	sand.u32 $0x40, s6;
	s3 =	sand.u32 $0xE00, s26;
	v13 =	vld [tilespmem:s7+$0x13900]  }
0x2ed: {  	s0 =	sor.u32 $0x30, s28;
	s4 =	sadd.s32 $0x16800, s3  }
0x2ee: {  	s8 =	sor.u32 s0, s4  }
0x2ef: {  	v6 =	vld [tilespmem:s8+$0x0]  }
0x2f0: {  	s30 =	sor.u32 $0x10, s28;
	v14 =	vld [tilespmem:s5+$0x12000];
	v7 =	vadd.s32 v1, v16  }
0x2f1: {  	s29 =	sor.u32 $0x20, s28;
	s9 =	sor.u32 s30, s4;
	v11 =	vld [tilespmem:s7+$0x12100];
	v8 =	vadd.s32 v1, v13;
	vm0 =	vlt.u32 v7, $0x12000  }
0x2f2: {  	s10 =	sor.u32 s29, s4;
	v21 =	vld [tilespmem:s9+$0x0];
	vm1 =	vlt.u32 v8, $0x12000  }
0x2f3: {  	s12 =	sadd.s32 $0x20, s20;
	s4 =	sor.u32 s28, s4;
	v22 =	vld [tilespmem:s10+$0x0]  }
0x2f4: {  	s11 =	sadd.s32 $0x10, s20;
	s6 =	sor.u32 $0x100, s12;
	v23 =	vld [tilespmem:s4+$0x0];
	v9 =	vunpack.i.l.bf16.f32 v6  }
0x2f5: {  	s5 =	sor.u32 $0x100, s11;
	v18 =	vld [tilespmem:s6+$0x12000];
	v10 =	vunpack.i.u.bf16.f32 v6;
	v9 =	vmul.f32 v9, v14  }
0x2f6: {  	v5 =	vld [tilespmem:s5+$0x13800];
	v10 =	vmul.f32 v10, v11  }
0x2f7: {  	s13 =	sadd.s32 $0x16880, s3;
	[tilespmem:v7+s2+$0x0] =	vst.idx.add.f32.msk vm0, v9  }
0x2f8: {  	s9 =	sor.u32 s0, s13;
	[tilespmem:v8+s2+$0x0] =	vst.idx.add.f32.msk vm1, v10  }
0x2f9: {  	v15 =	vld [tilespmem:s9+$0x0]  }
0x2fa: {  	s17 =	simm.s32 $0xC40;
	s18 =	sor.u32 s28, s3;
	v12 =	vld [tilespmem:s5+$0x12000];
	v19 =	vadd.s32 v2, v16  }
0x2fb: {  	s1 =	sor.u32 $0x100, s20;
	s8 =	simm.s32 $0x310;
	s10 =	simm.s32 $0x320;
	v6 =	vld [tilespmem:s6+$0x13800];
	v20 =	vadd.s32 v2, v13;
	vm0 =	vlt.u32 v19, $0x12000  }
0x2fc: {  	s11 =	simm.s32 $0xC80;
	s7 =	sand.u32 $0x1E00, s17;
	s8 =	sand.u32 $0x50, s8;
	v9 =	vld [tilespmem:s18+$0x14500];
	vm1 =	vlt.u32 v20, $0x12000  }
0x2fd: {  	s10 =	sand.u32 $0x60, s10;
	s11 =	sand.u32 $0x1E00, s11;
	s7 =	sor.u32 s7, s8;
	v10 =	vld [tilespmem:s1+$0x13800]  }
0x2fe: {  	s20 =	sor.u32 s11, s10;
	v8 =	vld [tilespmem:s7+$0x13900];
	v17 =	vunpack.i.l.bf16.f32 v15  }
0x2ff: {  	v7 =	vld [tilespmem:s20+$0x13900];
	v15 =	vunpack.i.u.bf16.f32 v15;
	v24 =	vmul.f32 v17, v14  }
0x300: {  	v25 =	vadd.s32 v1, v5;
	v17 =	vld [tilespmem:s1+$0x12000];
	v15 =	vmul.f32 v15, v11  }
0x301: {  	vm2 =	vlt.u32 v25, $0x12000;
	v26 =	vadd.s32 v1, v6;
	[tilespmem:v19+s2+$0x0] =	vst.idx.add.f32.msk vm0, v24  }
0x302: {  	vm0 =	vlt.u32 v26, $0x12000;
	v24 =	vadd.s32 v1, v10;
	[tilespmem:v20+s2+$0x0] =	vst.idx.add.f32.msk vm1, v15  }
0x303: {  	v27 =	vadd.s32 v1, v8;
	vm1 =	vlt.u32 v24, $0x12000;
	v15 =	vld [tilespmem:s7+$0x12100]  }
0x304: {  	s24 =	sadd.s32 $0x16900, s3;
	vm3 =	vlt.u32 v27, $0x12000;
	v19 =	vunpack.i.l.bf16.f32 v21;
	v20 =	vld [tilespmem:s20+$0x12100]  }
0x305: {  	s25 =	sor.u32 s0, s24;
	v29 =	vunpack.i.l.bf16.f32 v22;
	v30 =	vadd.s32 v1, v7;
	v31 =	vmul.f32 v19, v12;
	v19 =	vld [tilespmem:s18+$0x12D00]  }
0x306: {  	v32 =	vunpack.i.l.bf16.f32 v23;
	v29 =	vmul.f32 v29, v18;
	vm4 =	vlt.u32 v30, $0x12000;
	v28 =	vld [tilespmem:s25+$0x0]  }
0x307: {  	v33 =	vadd.s32 v3, v16;
	v21 =	vunpack.i.u.bf16.f32 v21;
	v32 =	vmul.f32 v32, v17;
	[tilespmem:v25+s2+$0x0] =	vst.idx.add.f32.msk vm2, v31  }
0x308: {  	vm2 =	vlt.u32 v33, $0x12000;
	v25 =	vadd.s32 v3, v13;
	[tilespmem:v26+s2+$0x0] =	vst.idx.add.f32.msk vm0, v29;
	v21 =	vmul.f32 v21, v15  }
0x309: {  	v22 =	vunpack.i.u.bf16.f32 v22;
	vm0 =	vlt.u32 v25, $0x12000;
	[tilespmem:v24+s2+$0x0] =	vst.idx.add.f32.msk vm1, v32  }
0x30a: {  	s26 =	sor.u32 s30, s13;
	v22 =	vmul.f32 v22, v20;
	v24 =	vadd.s32 v1, v9;
	[tilespmem:v27+s2+$0x0] =	vst.idx.add.f32.msk vm3, v21  }
0x30b: {  	vm1 =	vlt.u32 v24, $0x12000;
	v21 =	vunpack.i.l.bf16.f32 v28;
	v26 =	vld [tilespmem:s26+$0x0]  }
0x30c: {  	s6 =	sor.u32 s29, s13;
	v27 =	vadd.s32 v2, v5;
	v28 =	vunpack.i.u.bf16.f32 v28;
	[tilespmem:v30+s2+$0x0] =	vst.idx.add.f32.msk vm4, v22;
	v21 =	vmul.f32 v21, v14  }
0x30d: {  	v22 =	vadd.s32 v2, v8;
	vm3 =	vlt.u32 v27, $0x12000;
	v28 =	vmul.f32 v28, v11;
	v29 =	vld [tilespmem:s6+$0x0]  }
0x30e: {  	s31 =	sadd.s32 $0x16980, s3;
	v23 =	vunpack.i.u.bf16.f32 v23;
	v30 =	vadd.s32 v2, v6;
	vm4 =	vlt.u32 v22, $0x12000;
	[tilespmem:v33+s2+$0x0] =	vst.idx.add.f32.msk vm2, v21  }
0x30f: {  	s0 =	sor.u32 s0, s31;
	vm2 =	vlt.u32 v30, $0x12000;
	v21 =	vmul.f32 v23, v19;
	[tilespmem:v25+s2+$0x0] =	vst.idx.add.f32.msk vm0, v28  }
0x310: {  	v23 =	vadd.s32 v2, v7;
	v25 =	vld [tilespmem:s0+$0x0];
	v28 =	vunpack.i.l.bf16.f32 v26  }
0x311: {  	s7 =	sor.u32 s28, s13;
	vm0 =	vlt.u32 v23, $0x12000;
	[tilespmem:v24+s2+$0x0] =	vst.idx.add.f32.msk vm1, v21;
	v21 =	vunpack.i.u.bf16.f32 v26;
	v24 =	vmul.f32 v28, v12  }
0x312: {  	v16 =	vadd.s32 v4, v16;
	v26 =	vld [tilespmem:s7+$0x0];
	v28 =	vunpack.i.l.bf16.f32 v29;
	v21 =	vmul.f32 v21, v15  }
0x313: {  	v31 =	vadd.s32 v2, v10;
	vm1 =	vlt.u32 v16, $0x12000;
	[tilespmem:v27+s2+$0x0] =	vst.idx.add.f32.msk vm3, v24;
	v24 =	vmul.f32 v28, v18  }
0x314: {  	v27 =	vadd.s32 v2, v9;
	vm3 =	vlt.u32 v31, $0x12000;
	v28 =	vunpack.i.u.bf16.f32 v29;
	[tilespmem:v22+s2+$0x0] =	vst.idx.add.f32.msk vm4, v21  }
0x315: {  	s8 =	sor.u32 s30, s24;
	vm4 =	vlt.u32 v27, $0x12000;
	v22 =	vmul.f32 v28, v20;
	[tilespmem:v30+s2+$0x0] =	vst.idx.add.f32.msk vm2, v24  }
0x316: {  	v13 =	vadd.s32 v4, v13;
	v21 =	vadd.s32 v3, v5;
	v28 =	vunpack.i.l.bf16.f32 v25;
	v29 =	vld [tilespmem:s8+$0x0]  }
0x317: {  	s9 =	sor.u32 s29, s24;
	vm2 =	vlt.u32 v13, $0x12000;
	v14 =	vmul.f32 v28, v14;
	v28 =	vunpack.i.l.bf16.f32 v26;
	[tilespmem:v23+s2+$0x0] =	vst.idx.add.f32.msk vm0, v22  }
0x318: {  	vm0 =	vlt.u32 v21, $0x12000;
	v22 =	vunpack.i.u.bf16.f32 v26;
	v23 =	vmul.f32 v28, v17;
	v26 =	vld [tilespmem:s9+$0x0]  }
0x319: {  	v24 =	vadd.s32 v3, v8;
	[tilespmem:v16+s2+$0x0] =	vst.idx.add.f32.msk vm1, v14;
	v14 =	vmul.f32 v22, v19  }
0x31a: {  	vm5 =	vlt.u32 v24, $0x12000;
	v28 =	vadd.s32 v3, v6;
	v22 =	vunpack.i.u.bf16.f32 v25;
	[tilespmem:v31+s2+$0x0] =	vst.idx.add.f32.msk vm3, v23  }
0x31b: {  	p2 =	por !p2, !p2;
	s10 =	sor.u32 s28, s24;
	vm1 =	vlt.u32 v28, $0x12000;
	v11 =	vmul.f32 v22, v11;
	[tilespmem:v27+s2+$0x0] =	vst.idx.add.f32.msk vm4, v14;
	v14 =	vunpack.i.l.bf16.f32 v29  }
0x31c: {  	s11 =	simm.s32 $0xDC0;
	s25 =	simm.s32 $0x370;
	s0 =	simm.s32 $0x1;
	v16 =	vadd.s32 v3, v7;
	v23 =	vld [tilespmem:s10+$0x0];
	v14 =	vmul.f32 v14, v12  }
0x31d: {  	s17 =	sand.u32 $0x1E00, s11;
	s12 =	sand.u32 $0x70, s25;
	s0 =	simm.s32 @!p2 $0x0;
	v22 =	vadd.s32 v3, v10;
	vm3 =	vlt.u32 v16, $0x12000;
	v25 =	vunpack.i.u.bf16.f32 v29;
	[tilespmem:v13+s2+$0x0] =	vst.idx.add.f32.msk vm2, v11  }
0x31e: {  	s20 =	sor.u32 s17, s12;
	s0 =	sshll.u32 s0, $0x6;
	v13 =	vmul.f32 v25, v15;
	v11 =	vunpack.i.l.bf16.f32 v26;
	v25 =	vunpack.i.u.bf16.f32 v26;
	[tilespmem:v21+s2+$0x0] =	vst.idx.add.f32.msk vm0, v14  }
0x31f: {  	s1 =	sadd.s32 $0x100, s0;
	vm2 =	vlt.u32 v22, $0x12000;
	v11 =	vmul.f32 v11, v18;
	v14 =	vmul.f32 v25, v20;
	v25 =	vld [tilespmem:s20+$0x12100]  }
0x320: {  	s0 =	sadd.s32 $0x30, s1;
	[tilespmem:v24+s2+$0x0] =	vst.idx.add.f32.msk vm5, v13  }
0x321: {  	s13 =	sor.u32 $0x100, s0;
	v27 =	vadd.s32 v3, v9;
	[tilespmem:v28+s2+$0x0] =	vst.idx.add.f32.msk vm1, v11  }
0x322: {  	s18 =	simm.s32 $0x40;
	s26 =	simm.s32 $0x100;
	vm0 =	vlt.u32 v27, $0x12000;
	v11 =	vunpack.i.l.bf16.f32 v23;
	v13 =	vunpack.i.u.bf16.f32 v23;
	v23 =	vld [tilespmem:s13+$0x13800]  }
0x323: {  	s0 =	sand.u32 $0x40, s18;
	s8 =	sand.u32 $0xE00, s26;
	v24 =	vld [tilespmem:s20+$0x13900];
	v11 =	vmul.f32 v11, v17  }
0x324: {  	s7 =	sor.u32 $0x30, s0;
	s24 =	sadd.s32 $0x16800, s8;
	[tilespmem:v16+s2+$0x0] =	vst.idx.add.f32.msk vm3, v14  }
0x325: {  	s9 =	sor.u32 s7, s24;
	[tilespmem:v22+s2+$0x0] =	vst.idx.add.f32.msk vm2, v11  }
0x326: {  	v13 =	vmul.f32 v13, v19;
	v11 =	vld [tilespmem:s9+$0x0]  }
0x327: {  	v16 =	vld [tilespmem:s13+$0x12000];
	v21 =	vadd.s32 v1, v23  }
0x328: {  	v22 =	vadd.s32 v1, v24;
	[tilespmem:v27+s2+$0x0] =	vst.idx.add.f32.msk vm0, v13;
	vm0 =	vlt.u32 v21, $0x12000  }
0x329: {  	s12 =	sadd.s32 $0x10, s1;
	vm1 =	vlt.u32 v22, $0x12000  }
0x32a: {  	s17 =	simm.s32 $0xD40;
	s5 =	sor.u32 $0x100, s12  }
0x32b: {  	s6 =	sand.u32 $0x1E00, s17;
	s4 =	sor.u32 $0x20, s0;
	v30 =	vadd.s32 v4, v8;
	v8 =	vld [tilespmem:s5+$0x12000];
	s17 =	sor.u32 s0, s8;
	v13 =	vunpack.i.l.bf16.f32 v11  }
0x32c: {  	s11 =	sor.u32 s4, s24;
	v32 =	vld [tilespmem:s17+$0x14500];
	v11 =	vunpack.i.u.bf16.f32 v11;
	v27 =	vmul.f32 v13, v16  }
0x32d: {  	v36 =	vld [tilespmem:s11+$0x0];
	v11 =	vmul.f32 v11, v25  }
0x32e: {  	s18 =	sor.u32 $0x10, s0;
	s9 =	sadd.s32 $0x16880, s8;
	[tilespmem:v21+s2+$0x0] =	vst.idx.add.f32.msk vm0, v27  }
0x32f: {  	s3 =	sor.u32 s0, s24;
	s10 =	sor.u32 s18, s24;
	s24 =	sor.u32 s7, s9;
	[tilespmem:v22+s2+$0x0] =	vst.idx.add.f32.msk vm1, v11  }
0x330: {  	v27 =	vadd.s32 v4, v10;
	v10 =	vld [tilespmem:s24+$0x0]  }
0x331: {  	v34 =	vadd.s32 v4, v5;
	v5 =	vadd.s32 v4, v9;
	v37 =	vld [tilespmem:s3+$0x0];
	v9 =	vadd.s32 v2, v23  }
0x332: {  	s12 =	simm.s32 $0x360;
	v26 =	vld [tilespmem:s10+$0x0];
	vm1 =	vlt.u32 v9, $0x12000;
	v11 =	vadd.s32 v2, v24  }
0x333: {  	v31 =	vadd.s32 v4, v7;
	s20 =	simm.s32 $0x350;
	v28 =	vadd.s32 v4, v6;
	s13 =	sadd.s32 $0x20, s1;
	v14 =	vld [tilespmem:s5+$0x13800];
	s1 =	sor.u32 $0x100, s1;
	vm5 =	vlt.u32 v11, $0x12000  }
0x334: {  	s10 =	sand.u32 $0x50, s20;
	v6 =	vimm.s32 $0x0;
	vm3 =	vlt.u32 v30, $0x12000;
	s3 =	sor.u32 $0x100, s13;
	s13 =	simm.s32 $0xD80;
	v29 =	vld [tilespmem:s1+$0x13800];
	vm0 =	vlt.u32 v34, $0x12000  }
0x335: {  	s12 =	sand.u32 $0x60, s12;
	s6 =	sor.u32 s6, s10;
	s13 =	sand.u32 $0x1E00, s13;
	v13 =	vld [tilespmem:s3+$0x13800];
	vm4 =	vmmov vm0;
	vm0 =	vmmov vm3;
	v7 =	vunpack.i.l.bf16.f32 v10  }
0x336: {  	v33 =	vld [tilespmem:s6+$0x13900];
	s20 =	sor.u32 s13, s12;
	v6 =	vsel vm0, $0xFFFFFFFF, v6;
	v10 =	vunpack.i.u.bf16.f32 v10;
	v21 =	vmul.f32 v7, v16  }
0x337: {  	v35 =	vld [tilespmem:s20+$0x13900];
	[tilespmem:$0x1FEE0] =	vst v6;
	v10 =	vmul.f32 v10, v25  }
0x338: {  	vm7 =	vlt.u32 v5, $0x12000;
	vm6 =	vlt.u32 v27, $0x12000;
	[tilespmem:v9+s2+$0x0] =	vst.idx.add.f32.msk vm1, v21  }
0x339: {  	v22 =	vadd.s32 v1, v14;
	v9 =	vimm.s32 $0x0;
	[tilespmem:v11+s2+$0x0] =	vst.idx.add.f32.msk vm5, v10;
	vm5 =	vmmov vm7  }
0x33a: {  	v38 =	vadd.s32 v1, v13;
	vm0 =	vlt.u32 v22, $0x12000;
	v6 =	vld [tilespmem:s3+$0x12000];
	s3 =	sadd.s32 $0x16900, s8;
	v9 =	vsel vm5, $0xFFFFFFFF, v9  }
0x33b: {  	s24 =	sor.u32 s7, s3;
	v7 =	vld [tilespmem:s1+$0x12000];
	vm1 =	vmmov vm6;
	vm6 =	vlt.u32 v38, $0x12000;
	v21 =	vadd.s32 v1, v29;
	[tilespmem:$0x1FED0] =	vst v9  }
0x33c: {  	vm8 =	vlt.u32 v31, $0x12000;
	v44 =	vadd.s32 v1, v32;
	vm5 =	vlt.u32 v21, $0x12000;
	v39 =	vld [tilespmem:s24+$0x0]  }
0x33d: {  	v40 =	vunpack.i.l.bf16.f32 v37;
	vm10 =	vlt.u32 v44, $0x12000;
	v10 =	vunpack.i.l.bf16.f32 v26;
	v9 =	vld [tilespmem:s17+$0x12D00]  }
0x33e: {  	v41 =	vadd.s32 v3, v23;
	v11 =	vunpack.i.l.bf16.f32 v36;
	v42 =	vmul.f32 v10, v8;
	v10 =	vld [tilespmem:s6+$0x12100]  }
0x33f: {  	v43 =	vadd.s32 v3, v24;
	vm7 =	vlt.u32 v41, $0x12000;
	v45 =	vmul.f32 v11, v6;
	v11 =	vld [tilespmem:s20+$0x12100]  }
0x340: {  	vm3 =	vmmov vm8;
	vm8 =	vlt.u32 v43, $0x12000;
	v40 =	vmul.f32 v40, v7;
	[tilespmem:v22+s2+$0x0] =	vst.idx.add.f32.msk vm0, v42  }
0x341: {  	v37 =	vunpack.i.u.bf16.f32 v37;
	[tilespmem:v38+s2+$0x0] =	vst.idx.add.f32.msk vm6, v45  }
0x342: {  	s5 =	sor.u32 s30, s31;
	v46 =	vadd.s32 v1, v33;
	[tilespmem:v21+s2+$0x0] =	vst.idx.add.f32.msk vm5, v40;
	v22 =	vunpack.i.l.bf16.f32 v39;
	v37 =	vmul.f32 v37, v9  }
0x343: {  	vm0 =	vlt.u32 v46, $0x12000;
	v21 =	vunpack.i.u.bf16.f32 v39;
	v39 =	vld [tilespmem:s5+$0x0];
	v56 =	vmul.f32 v22, v16  }
0x344: {  	v55 =	vadd.s32 v1, v35;
	v21 =	vmul.f32 v21, v25;
	[tilespmem:v44+s2+$0x0] =	vst.idx.add.f32.msk vm10, v37  }
0x345: {  	vm9 =	vlt.u32 v55, $0x12000;
	s8 =	sadd.s32 $0x16980, s8;
	[tilespmem:v41+s2+$0x0] =	vst.idx.add.f32.msk vm7, v56  }
0x346: {  	v26 =	vunpack.i.u.bf16.f32 v26;
	s6 =	sor.u32 s7, s8;
	[tilespmem:v43+s2+$0x0] =	vst.idx.add.f32.msk vm8, v21  }
0x347: {  	v59 =	vadd.s32 v2, v32;
	v60 =	vadd.s32 v4, v24;
	s11 =	sor.u32 s0, s9;
	v26 =	vmul.f32 v26, v10;
	v43 =	vld [tilespmem:s6+$0x0]  }
0x348: {  	v57 =	vadd.s32 v2, v14;
	v58 =	vadd.s32 v4, v23;
	v36 =	vunpack.i.u.bf16.f32 v36;
	v48 =	vld [tilespmem:s11+$0x0]  }
0x349: {  	s7 =	sor.u32 s18, s9;
	v36 =	vmul.f32 v36, v11;
	[tilespmem:v46+s2+$0x0] =	vst.idx.add.f32.msk vm0, v26;
	v41 =	vadd.s32 v2, v29;
	vm7 =	vlt.u32 v58, $0x12000  }
0x34a: {  	vm11 =	vlt.u32 v57, $0x12000;
	v61 =	vadd.s32 v2, v33;
	v62 =	vld [tilespmem:s7+$0x0];
	vm15 =	vlt.u32 v41, $0x12000  }
0x34b: {  	s10 =	sor.u32 s4, s9;
	v47 =	vadd.s32 v2, v35;
	[tilespmem:v55+s2+$0x0] =	vst.idx.add.f32.msk vm9, v36;
	vm10 =	vlt.u32 v60, $0x12000;
	v49 =	vunpack.i.l.bf16.f32 v39  }
0x34c: {  	v38 =	vadd.s32 v2, v13;
	v63 =	vld [tilespmem:s10+$0x0];
	v12 =	vmul.f32 v49, v12;
	v26 =	vunpack.i.l.bf16.f32 v43  }
0x34d: {  	vm0 =	vlt.u32 v61, $0x12000;
	v55 =	vunpack.i.l.bf16.f32 v48;
	v16 =	vmul.f32 v26, v16  }
0x34e: {  	vm6 =	vlt.u32 v38, $0x12000;
	[tilespmem:v34+s2+$0x0] =	vst.idx.add.f32.msk vm4, v12;
	v34 =	vmul.f32 v55, v7;
	v43 =	vunpack.i.u.bf16.f32 v43  }
0x34f: {  	vm14 =	vlt.u32 v47, $0x12000;
	v43 =	vmul.f32 v43, v25;
	[tilespmem:v58+s2+$0x0] =	vst.idx.add.f32.msk vm7, v16;
	v16 =	vunpack.i.l.bf16.f32 v62  }
0x350: {  	vm12 =	vlt.u32 v59, $0x12000;
	v52 =	vunpack.i.u.bf16.f32 v62;
	[tilespmem:v41+s2+$0x0] =	vst.idx.add.f32.msk vm15, v34;
	v16 =	vmul.f32 v16, v8  }
0x351: {  	v22 =	vadd.s32 v3, v14;
	v53 =	vunpack.i.l.bf16.f32 v63;
	v36 =	vmul.f32 v52, v10;
	[tilespmem:v60+s2+$0x0] =	vst.idx.add.f32.msk vm10, v43  }
0x352: {  	v12 =	vadd.s32 v4, v14;
	v14 =	vunpack.i.u.bf16.f32 v63;
	[tilespmem:v57+s2+$0x0] =	vst.idx.add.f32.msk vm11, v16;
	v16 =	vmul.f32 v53, v6  }
0x353: {  	v56 =	vmul.f32 v14, v11;
	v57 =	vunpack.i.u.bf16.f32 v48;
	[tilespmem:v61+s2+$0x0] =	vst.idx.add.f32.msk vm0, v36  }
0x354: {  	v36 =	vmul.f32 v57, v9;
	[tilespmem:v38+s2+$0x0] =	vst.idx.add.f32.msk vm6, v16  }
0x355: {  	[tilespmem:v47+s2+$0x0] =	vst.idx.add.f32.msk vm14, v56  }
0x356: {  	[tilespmem:v59+s2+$0x0] =	vst.idx.add.f32.msk vm12, v36  }
0x357: {  	vm2 =	vlt.u32 v28, $0x12000;
	s12 =	sor.u32 s29, s31;
	v24 =	vadd.s32 v3, v32;
	v63 =	vld [tilespmem:$0x1FEE0]  }
0x358: {  	vm2 =	vmmov vm2;
	v23 =	vadd.s32 v3, v29;
	v50 =	vld [tilespmem:s12+$0x0];
	vm5 =	vlt.u32 v24, $0x12000  }
0x359: {  	vm9 =	vlt.u32 v22, $0x12000;
	v21 =	vadd.s32 v3, v13;
	v13 =	vadd.s32 v4, v13  }
0x35a: {  	vm8 =	vlt.u32 v21, $0x12000;
	vm4 =	vlt.u32 v13, $0x12000;
	v14 =	vadd.s32 v4, v29  }
0x35b: {  	v29 =	vadd.s32 v4, v32;
	v26 =	vadd.s32 v3, v33;
	v25 =	vadd.s32 v3, v35  }
0x35c: {  	s13 =	sor.u32 s28, s31;
	vm7 =	vlt.u32 v23, $0x12000;
	vm10 =	vlt.u32 v26, $0x12000;
	vm6 =	vnez.u8 v63  }
0x35d: {  	v54 =	vld [tilespmem:s13+$0x0];
	s17 =	sor.u32 s18, s3;
	vm11 =	vlt.u32 v25, $0x12000;
	vm0 =	vlt.u32 v12, $0x12000;
	v61 =	vunpack.i.u.bf16.f32 v50  }
0x35e: {  	v16 =	vunpack.i.u.bf16.f32 v39;
	v60 =	vld [tilespmem:s17+$0x0];
	v20 =	vmul.f32 v61, v20;
	v59 =	vunpack.i.l.bf16.f32 v50  }
0x35f: {  	s20 =	sor.u32 s4, s3;
	v58 =	vmul.f32 v16, v15;
	v16 =	vadd.s32 v4, v33;
	v18 =	vmul.f32 v59, v18  }
0x360: {  	vm15 =	vmmov vm0;
	v15 =	vadd.s32 v4, v35;
	vm13 =	vlt.u32 v16, $0x12000;
	v62 =	vld [tilespmem:s20+$0x0]  }
0x361: {  	vm14 =	vlt.u32 v14, $0x12000;
	vm12 =	vlt.u32 v29, $0x12000;
	vm13 =	vmmov vm13;
	[tilespmem:v28+s2+$0x0] =	vst.idx.add.f32.msk vm2, v18  }
0x362: {  	v18 =	vunpack.i.u.bf16.f32 v54;
	vm2 =	vmmov vm4;
	[tilespmem:v30+s2+$0x0] =	vst.idx.add.f32.msk vm6, v58;
	v30 =	vunpack.i.l.bf16.f32 v54  }
0x363: {  	s24 =	sor.u32 s0, s3;
	[tilespmem:v31+s2+$0x0] =	vst.idx.add.f32.msk vm3, v20;
	v20 =	vunpack.i.l.bf16.f32 v60;
	vm6 =	vlt.u32 v15, $0x12000;
	v28 =	vmul.f32 v30, v17  }
0x364: {  	p2 =	por !p2, !p2;
	s30 =	simm.s32 $0x4;
	v17 =	vmul.f32 v18, v19;
	v19 =	vunpack.i.u.bf16.f32 v60;
	vm3 =	vmmov vm6;
	v18 =	vld [tilespmem:s24+$0x0]  }
0x365: {  	s31 =	sor.u32 s18, s8;
	s29 =	sor.u32 s4, s8;
	s28 =	sor.u32 s0, s8;
	[tilespmem:v27+s2+$0x0] =	vst.idx.add.f32.msk vm1, v28;
	v27 =	vmul.f32 v20, v8;
	v20 =	vunpack.i.u.bf16.f32 v62;
	v28 =	vunpack.i.l.bf16.f32 v62  }
.LBB2_14:
0x366: {  	v31 =	vld [tilespmem:$0x1FED0];
	_ =	sdelay $0x4  }
0x367: {  	vm0 =	vnez.u8 v31  }
0x368: {  	s26 =	sadd.s32 $0x100, s26;
	s25 =	sadd.s32 $0x40, s25  }
0x369: {  	v19 =	vmul.f32 v19, v10;
	s5 =	sadd.s32 $0xC40, s26;
	s9 =	sadd.s32 $0xFFFFFFE0, s25  }
0x36a: {  	s0 =	simm.s32 $0x1;
	[tilespmem:v22+s2+$0x0] =	vst.idx.add.f32.msk vm9, v27;
	s9 =	sand.u32 $0x50, s9;
	s5 =	sand.u32 $0x1E00, s5  }
0x36b: {  	s0 =	simm.s32 @!p2 $0x0;
	[tilespmem:v26+s2+$0x0] =	vst.idx.add.f32.msk vm10, v19;
	s5 =	sor.u32 s5, s9  }
0x36c: {  	v30 =	vimm.s32 $0x0;
	s0 =	sshll.u32 s0, $0x6;
	v43 =	vld [tilespmem:s5+$0x13900]  }
0x36d: {  	v30 =	vsel vm2, $0xFFFFFFFF, v30;
	s1 =	sadd.s32 s0, s26;
	[tilespmem:v5+s2+$0x0] =	vst.idx.add.f32.msk vm0, v17;
	v17 =	vmul.f32 v28, v6  }
0x36e: {  	[tilespmem:$0x1FEA0] =	vst v30;
	v30 =	vimm.s32 $0x0;
	s0 =	sadd.s32 $0x30, s1;
	v55 =	vld [tilespmem:s5+$0x12100]  }
0x36f: {  	v20 =	vmul.f32 v20, v11;
	s4 =	sadd.s32 $0xCC0, s26;
	v30 =	vsel vm3, $0xFFFFFFFF, v30;
	s6 =	sor.u32 $0x100, s0;
	[tilespmem:v21+s2+$0x0] =	vst.idx.add.f32.msk vm8, v17  }
0x370: {  	s3 =	sand.u32 $0x70, s25;
	s11 =	sand.u32 $0x1E00, s4;
	[tilespmem:$0x1FEB0] =	vst v30;
	v30 =	vunpack.i.u.bf16.f32 v18;
	v18 =	vunpack.i.l.bf16.f32 v18;
	v17 =	vld [tilespmem:s6+$0x13800]  }
0x371: {  	s12 =	sadd.s32 $0xFFFFFCD0, s25;
	s8 =	sor.u32 s11, s3;
	v18 =	vmul.f32 v18, v7;
	[tilespmem:v25+s2+$0x0] =	vst.idx.add.f32.msk vm11, v20  }
0x372: {  	v22 =	vimm.s32 $0x0;
	s3 =	sand.u32 $0xE00, s26;
	s0 =	sand.u32 $0x40, s12;
	vm0 =	vmmov vm14;
	v20 =	vld [tilespmem:s8+$0x13900]  }
0x373: {  	s10 =	sadd.s32 $0x16800, s3;
	s4 =	sor.u32 $0x30, s0;
	v22 =	vsel vm0, $0xFFFFFFFF, v22;
	[tilespmem:v23+s2+$0x0] =	vst.idx.add.f32.msk vm7, v18  }
0x374: {  	s13 =	sor.u32 s4, s10;
	v18 =	vld [tilespmem:s6+$0x12000];
	[tilespmem:$0x1FEC0] =	vst v22;
	v22 =	vmul.f32 v30, v9  }
0x375: {  	v19 =	vimm.s32 $0x0;
	vm0 =	vmmov vm12;
	v21 =	vld [tilespmem:s13+$0x0]  }
0x376: {  	s17 =	sadd.s32 $0x10, s1;
	v19 =	vsel vm0, $0xFFFFFFFF, v19;
	[tilespmem:v24+s2+$0x0] =	vst.idx.add.f32.msk vm5, v22;
	v22 =	vadd.s32 v1, v17  }
0x377: {  	s17 =	sor.u32 $0x100, s17;
	s7 =	sor.u32 $0x10, s0;
	[tilespmem:$0x1FED0] =	vst v19;
	v19 =	vld [tilespmem:s8+$0x12100];
	vm0 =	vlt.u32 v22, $0x12000;
	v23 =	vadd.s32 v1, v20  }
0x378: {  	s18 =	sor.u32 $0x20, s0;
	v5 =	vmov v29;
	v29 =	vld [tilespmem:s17+$0x13800];
	s13 =	sor.u32 s7, s10;
	vm1 =	vlt.u32 v23, $0x12000  }
0x379: {  	s24 =	sor.u32 s18, s10;
	s10 =	sor.u32 s0, s10;
	v24 =	vld [tilespmem:s13+$0x0]  }
0x37a: {  	s20 =	sadd.s32 $0x20, s1;
	v26 =	vld [tilespmem:s10+$0x0];
	v27 =	vunpack.i.l.bf16.f32 v21  }
0x37b: {  	s11 =	sadd.s32 $0xFFFFFFF0, s25;
	s12 =	sadd.s32 $0xC80, s26;
	s6 =	sor.u32 $0x100, s20;
	v25 =	vld [tilespmem:s24+$0x0];
	v21 =	vunpack.i.u.bf16.f32 v21;
	v27 =	vmul.f32 v27, v18  }
0x37c: {  	s11 =	sand.u32 $0x60, s11;
	s12 =	sand.u32 $0x1E00, s12;
	v35 =	vld [tilespmem:s6+$0x13800];
	v21 =	vmul.f32 v21, v19  }
0x37d: {  	s8 =	sor.u32 $0x100, s1;
	s1 =	sor.u32 s12, s11;
	s12 =	sadd.s32 $0x16880, s3;
	[tilespmem:v22+s2+$0x0] =	vst.idx.add.f32.msk vm0, v27  }
0x37e: {  	v61 =	vimm.s32 $0x0;
	s24 =	sor.u32 s4, s12;
	[tilespmem:v23+s2+$0x0] =	vst.idx.add.f32.msk vm1, v21  }
0x37f: {  	v49 =	vadd.s32 v1, v43;
	v38 =	vunpack.i.u.bf16.f32 v26;
	v23 =	vunpack.i.l.bf16.f32 v26;
	v26 =	vld [tilespmem:s24+$0x0]  }
0x380: {  	v45 =	vld [tilespmem:s17+$0x12000];
	v40 =	vadd.s32 v1, v29;
	v33 =	vadd.s32 v2, v17;
	v53 =	vadd.s32 v3, v17  }
0x381: {  	v44 =	vld [tilespmem:s1+$0x13900];
	vm3 =	vlt.u32 v33, $0x12000;
	v34 =	vadd.s32 v2, v20;
	v36 =	vunpack.i.u.bf16.f32 v24  }
0x382: {  	v39 =	vld [tilespmem:s8+$0x13800];
	v24 =	vunpack.i.l.bf16.f32 v24;
	v42 =	vadd.s32 v1, v35;
	vm2 =	vlt.u32 v34, $0x12000  }
0x383: {  	v31 =	vld [tilespmem:s6+$0x12000];
	v27 =	vadd.s32 v2, v29;
	vm0 =	vlt.u32 v42, $0x12000;
	vm1 =	vlt.u32 v40, $0x12000  }
0x384: {  	s20 =	sor.u32 s0, s3;
	v57 =	vld [tilespmem:s1+$0x12100];
	vm4 =	vlt.u32 v27, $0x12000;
	v21 =	vimm.s32 $0x0;
	v28 =	vunpack.i.l.bf16.f32 v26  }
0x385: {  	v41 =	vld [tilespmem:s20+$0x14500];
	v21 =	vsel vm4, $0xFFFFFFFF, v21;
	v26 =	vunpack.i.u.bf16.f32 v26;
	v47 =	vmul.f32 v28, v18  }
0x386: {  	v37 =	vunpack.i.u.bf16.f32 v25;
	v30 =	vadd.s32 v2, v35;
	[tilespmem:$0x1FE40] =	vst v21;
	v28 =	vld [tilespmem:s8+$0x12000];
	v26 =	vmul.f32 v26, v19  }
0x387: {  	v25 =	vunpack.i.l.bf16.f32 v25;
	v52 =	vadd.s32 v2, v44;
	v46 =	vadd.s32 v1, v39;
	s8 =	sadd.s32 $0x16900, s3;
	[tilespmem:v33+s2+$0x0] =	vst.idx.add.f32.msk vm3, v47  }
0x388: {  	v24 =	vmul.f32 v24, v45;
	vm4 =	vlt.u32 v30, $0x12000;
	v21 =	vimm.s32 $0x0;
	s24 =	sor.u32 s4, s8;
	[tilespmem:v34+s2+$0x0] =	vst.idx.add.f32.msk vm2, v26  }
0x389: {  	v25 =	vmul.f32 v25, v31;
	v21 =	vsel vm4, $0xFFFFFFFF, v21;
	vm4 =	vlt.u32 v46, $0x12000;
	v51 =	vld [tilespmem:s24+$0x0]  }
0x38a: {  	[tilespmem:v40+s2+$0x0] =	vst.idx.add.f32.msk vm1, v24;
	vm1 =	vlt.u32 v52, $0x12000;
	v24 =	vimm.s32 $0x0;
	vm3 =	vlt.u32 v49, $0x12000  }
0x38b: {  	vm7 =	vlt.u32 v53, $0x12000;
	v56 =	vadd.s32 v3, v20;
	[tilespmem:v42+s2+$0x0] =	vst.idx.add.f32.msk vm0, v25;
	v24 =	vsel vm1, $0xFFFFFFFF, v24  }
0x38c: {  	vm6 =	vlt.u32 v56, $0x12000;
	v36 =	vmul.f32 v36, v55;
	v60 =	vld [tilespmem:s31+$0x0];
	[tilespmem:$0x1FE60] =	vst v24;
	v24 =	vadd.s32 v3, v41  }
0x38d: {  	v47 =	vadd.s32 v1, v44;
	vm0 =	vlt.u32 v24, $0x12000;
	v34 =	vld [tilespmem:s20+$0x12D00];
	v54 =	vmul.f32 v23, v28  }
0x38e: {  	vm14 =	vlt.u32 v47, $0x12000;
	v42 =	vsel vm0, $0xFFFFFFFF, v61;
	v61 =	vld [tilespmem:$0x1FE40];
	v25 =	vunpack.i.l.bf16.f32 v51  }
0x38f: {  	[tilespmem:v46+s2+$0x0] =	vst.idx.add.f32.msk vm4, v54;
	v58 =	vunpack.i.u.bf16.f32 v51;
	v59 =	vmul.f32 v25, v18  }
0x390: {  	v32 =	vadd.s32 v2, v39;
	[tilespmem:v49+s2+$0x0] =	vst.idx.add.f32.msk vm3, v36;
	v40 =	vmul.f32 v58, v19  }
0x391: {  	vm2 =	vlt.u32 v32, $0x12000;
	s24 =	sadd.s32 $0x16980, s3;
	v23 =	vimm.s32 $0x0;
	[tilespmem:v53+s2+$0x0] =	vst.idx.add.f32.msk vm7, v59;
	vm7 =	vmmov vm15  }
0x392: {  	v37 =	vmul.f32 v37, v57;
	v33 =	vadd.s32 v2, v41;
	s4 =	sor.u32 s4, s24;
	v23 =	vsel vm2, $0xFFFFFFFF, v23;
	[tilespmem:v56+s2+$0x0] =	vst.idx.add.f32.msk vm6, v40  }
0x393: {  	vm5 =	vmmov vm13;
	vm2 =	vlt.u32 v33, $0x12000;
	[tilespmem:$0x1FE70] =	vst v23;
	v23 =	vimm.s32 $0x0;
	v63 =	vld [tilespmem:s4+$0x0]  }
0x394: {  	s13 =	sor.u32 s7, s12;
	v17 =	vadd.s32 v4, v17;
	v23 =	vsel vm2, $0xFFFFFFFF, v23;
	[tilespmem:v47+s2+$0x0] =	vst.idx.add.f32.msk vm14, v37;
	v47 =	vunpack.i.l.bf16.f32 v60  }
0x395: {  	s11 =	sor.u32 s18, s12;
	[tilespmem:$0x1FE80] =	vst v23;
	v23 =	vadd.s32 v3, v39;
	v49 =	vld [tilespmem:s13+$0x0];
	v36 =	vmul.f32 v47, v8;
	vm15 =	vlt.u32 v17, $0x12000  }
0x396: {  	v20 =	vadd.s32 v4, v20;
	[tilespmem:$0x1FE50] =	vst v21;
	v21 =	vadd.s32 v3, v35;
	vm8 =	vlt.u32 v23, $0x12000;
	v53 =	vld [tilespmem:s11+$0x0]  }
0x397: {  	vm13 =	vlt.u32 v20, $0x12000;
	vm1 =	vlt.u32 v21, $0x12000;
	[tilespmem:v12+s2+$0x0] =	vst.idx.add.f32.msk vm7, v36;
	vm7 =	vmmov vm8  }
0x398: {  	v56 =	vld [tilespmem:s29+$0x0];
	vm8 =	vmmov vm1;
	vm1 =	vnez.u8 v61;
	v54 =	vunpack.i.l.bf16.f32 v63  }
0x399: {  	[tilespmem:$0x1FE90] =	vst v42;
	v42 =	vunpack.i.u.bf16.f32 v63;
	v63 =	vld [tilespmem:$0x1FE50];
	v18 =	vmul.f32 v54, v18;
	_ =	sdelay $0x1  }
0x39a: {  	v8 =	vmov v45;
	v19 =	vmul.f32 v42, v19;
	[tilespmem:v17+s2+$0x0] =	vst.idx.add.f32.msk vm15, v18;
	v18 =	vunpack.i.l.bf16.f32 v49  }
0x39b: {  	v18 =	vmul.f32 v18, v8  }
0x39c: {  	[tilespmem:v20+s2+$0x0] =	vst.idx.add.f32.msk vm13, v19;
	v20 =	vunpack.i.l.bf16.f32 v53  }
0x39d: {  	[tilespmem:v27+s2+$0x0] =	vst.idx.add.f32.msk vm1, v18;
	v18 =	vmul.f32 v20, v31;
	v20 =	vunpack.i.u.bf16.f32 v56;
	vm1 =	vnez.u8 v63  }
0x39e: {  	v20 =	vmul.f32 v20, v11;
	v11 =	vld [tilespmem:$0x1FE60];
	_ =	sdelay $0x1  }
0x39f: {  	v48 =	vadd.s32 v1, v41  }
0x3a0: {  	vm12 =	vlt.u32 v48, $0x12000;
	_ =	sdelay $0x1  }
0x3a1: {  	[tilespmem:v30+s2+$0x0] =	vst.idx.add.f32.msk vm1, v18;
	vm1 =	vnez.u8 v11;
	_ =	sdelay $0x1  }
0x3a2: {  	v38 =	vmul.f32 v38, v34  }
0x3a3: {  	v19 =	vunpack.i.u.bf16.f32 v53  }
0x3a4: {  	v50 =	vadd.s32 v2, v43;
	[tilespmem:v48+s2+$0x0] =	vst.idx.add.f32.msk vm12, v38;
	v19 =	vmul.f32 v19, v57  }
0x3a5: {  	vm2 =	vlt.u32 v50, $0x12000;
	v58 =	vld [tilespmem:s28+$0x0]  }
0x3a6: {  	[tilespmem:v52+s2+$0x0] =	vst.idx.add.f32.msk vm1, v19  }
0x3a7: {  	v62 =	vadd.s32 v4, v29;
	v22 =	vadd.s32 v3, v29;
	v29 =	vunpack.i.u.bf16.f32 v60;
	v19 =	vld [tilespmem:$0x1FE70]  }
0x3a8: {  	v48 =	vmul.f32 v29, v10;
	v10 =	vmov v55;
	v17 =	vunpack.i.u.bf16.f32 v49  }
0x3a9: {  	s12 =	sor.u32 s0, s12;
	v17 =	vmul.f32 v17, v10  }
0x3aa: {  	v55 =	vld [tilespmem:s12+$0x0]  }
0x3ab: {  	[tilespmem:v50+s2+$0x0] =	vst.idx.add.f32.msk vm2, v17;
	v17 =	vunpack.i.l.bf16.f32 v56  }
0x3ac: {  	v30 =	vmul.f32 v17, v6;
	v17 =	vunpack.i.u.bf16.f32 v58;
	vm1 =	vnez.u8 v19  }
0x3ad: {  	v17 =	vmul.f32 v17, v9;
	v9 =	vld [tilespmem:$0x1FE80];
	_ =	sdelay $0x1  }
0x3ae: {  	v60 =	vunpack.i.l.bf16.f32 v55  }
0x3af: {  	v27 =	vmul.f32 v60, v28;
	_ =	sdelay $0x1  }
0x3b0: {  	[tilespmem:v32+s2+$0x0] =	vst.idx.add.f32.msk vm1, v27;
	vm1 =	vnez.u8 v9  }
0x3b1: {  	v19 =	vld [tilespmem:$0x1FEA0];
	_ =	sdelay $0x1  }
0x3b2: {  	v59 =	vunpack.i.u.bf16.f32 v55  }
0x3b3: {  	vm4 =	vlt.u32 v62, $0x12000;
	v12 =	vmov v62;
	v62 =	vmul.f32 v59, v34;
	_ =	sdelay $0x1  }
0x3b4: {  	[tilespmem:v33+s2+$0x0] =	vst.idx.add.f32.msk vm1, v62;
	vm1 =	vnez.u8 v19;
	_ =	sdelay $0x3  }
0x3b5: {  	s10 =	sor.u32 s18, s8;
	v18 =	vunpack.i.l.bf16.f32 v58  }
0x3b6: {  	v6 =	vmov v31;
	v31 =	vmul.f32 v18, v7;
	v7 =	vmov v28;
	v28 =	vld [tilespmem:s10+$0x0]  }
0x3b7: {  	[tilespmem:v13+s2+$0x0] =	vst.idx.add.f32.msk vm1, v30  }
0x3b8: {  	v30 =	vld [tilespmem:$0x1FEB0];
	_ =	sdelay $0x4  }
0x3b9: {  	vm1 =	vnez.u8 v30;
	v30 =	vld [tilespmem:$0x1FEC0];
	_ =	sdelay $0x1  }
0x3ba: {  	vm9 =	vlt.u32 v22, $0x12000;
	s9 =	sor.u32 s7, s8  }
0x3bb: {  	v35 =	vadd.s32 v4, v35;
	v25 =	vadd.s32 v3, v44;
	v44 =	vadd.s32 v4, v44;
	v27 =	vld [tilespmem:s9+$0x0]  }
0x3bc: {  	v26 =	vadd.s32 v3, v43;
	vm3 =	vlt.u32 v35, $0x12000;
	vm0 =	vlt.u32 v44, $0x12000;
	[tilespmem:v16+s2+$0x0] =	vst.idx.add.f32.msk vm5, v48  }
0x3bd: {  	s30 =	sadd.s32 $0x4, s30;
	vm2 =	vmmov vm3;
	vm3 =	vmmov vm0;
	v16 =	vld [tilespmem:$0x1FE90];
	vm0 =	vnez.u8 v30  }
0x3be: {  	p3 =	slt.u32 s30, $0x2C;
	vm10 =	vlt.u32 v26, $0x12000;
	v39 =	vadd.s32 v4, v39;
	v51 =	vadd.s32 v4, v43  }
.Ltmp9:
0x3bf: {  	v29 =	vadd.s32 v4, v41;
	vm14 =	vlt.u32 v39, $0x12000;
	vm11 =	vlt.u32 v25, $0x12000;
	(pc) =	sbr.rel @p3 .LBB2_14-.Ltmp9, $4  }
0x3c0: {  	s6 =	sor.u32 s0, s8;
	vm12 =	vlt.u32 v29, $0x12000;
	vm6 =	vlt.u32 v51, $0x12000;
	vm15 =	vmmov vm4  }
0x3c1: {  	vm13 =	vmmov vm6;
	v11 =	vmovc v57;
	v19 =	vunpack.i.u.bf16.f32 v27;
	v27 =	vunpack.i.l.bf16.f32 v27;
	v18 =	vld [tilespmem:s6+$0x0]  }
0x3c2: {  	p2 =	por !p2, !p2;
	s3 =	sor.u32 s18, s24;
	s0 =	sor.u32 s0, s24;
	v9 =	vmovc v34;
	vm5 =	vnez.u8 v16;
	v16 =	vmov v51;
	v27 =	vmul.f32 v27, v8;
	[tilespmem:v15+s2+$0x0] =	vst.idx.add.f32.msk vm1, v20  }
0x3c3: {  	s31 =	sor.u32 s7, s24;
	s28 =	smov.u32 s0;
	s29 =	smov.u32 s3;
	v13 =	vmovc v35;
	v15 =	vmovc v44;
	v20 =	vunpack.i.u.bf16.f32 v28;
	v28 =	vunpack.i.l.bf16.f32 v28;
	[tilespmem:v14+s2+$0x0] =	vst.idx.add.f32.msk vm0, v31;
	v14 =	vmov v39  }
0x3c4: {  	_ =	sdelay $0x3  }
0x3c5: {  	v19 =	vmul.f32 v19, v10  }
0x3c6: {  	[tilespmem:v22+s2+$0x0] =	vst.idx.add.f32.msk vm9, v27;
	v54 =	vmul.f32 v28, v6  }
0x3c7: {  	v20 =	vmul.f32 v20, v11;
	[tilespmem:v26+s2+$0x0] =	vst.idx.add.f32.msk vm10, v19;
	v55 =	vunpack.i.l.bf16.f32 v18  }
0x3c8: {  	[tilespmem:v21+s2+$0x0] =	vst.idx.add.f32.msk vm8, v54;
	v56 =	vunpack.i.u.bf16.f32 v18;
	v19 =	vmul.f32 v55, v7  }
0x3c9: {  	[tilespmem:v25+s2+$0x0] =	vst.idx.add.f32.msk vm11, v20;
	v18 =	vmul.f32 v56, v9  }
0x3ca: {  	[tilespmem:v23+s2+$0x0] =	vst.idx.add.f32.msk vm7, v19  }
0x3cb: {  	[tilespmem:v24+s2+$0x0] =	vst.idx.add.f32.msk vm5, v18  }
0x3cc: {  	v60 =	vld [tilespmem:$0x1FED0];
	_ =	sdelay $0x1  }
0x3cd: {  	v57 =	vld [tilespmem:s31+$0x0];
	_ =	sdelay $0x1  }
0x3ce: {  	v58 =	vld [tilespmem:s29+$0x0]  }
0x3cf: {  	vm1 =	vnez.u8 v60;
	_ =	sdelay $0x1  }
0x3d0: {  	v18 =	vld [tilespmem:s28+$0x0];
	v59 =	vunpack.i.l.bf16.f32 v57  }
0x3d1: {  	v8 =	vmul.f32 v59, v8  }
0x3d2: {  	v61 =	vunpack.i.l.bf16.f32 v58  }
0x3d3: {  	v20 =	vunpack.i.u.bf16.f32 v57;
	v6 =	vmul.f32 v61, v6;
	[tilespmem:v12+s2+$0x0] =	vst.idx.add.f32.msk vm15, v8  }
0x3d4: {  	v62 =	vunpack.i.u.bf16.f32 v58;
	[tilespmem:v5+s2+$0x0] =	vst.idx.add.f32.msk vm1, v17;
	v5 =	vmul.f32 v20, v10  }
.Ltmp10:
0x3d5: {  	v8 =	vmul.f32 v62, v11;
	v63 =	vunpack.i.l.bf16.f32 v18;
	[tilespmem:v13+s2+$0x0] =	vst.idx.add.f32.msk vm2, v6;
	(pc) =	sbr.rel @p1 .LBB2_17-.Ltmp10, $4  }
0x3d6: {  	v7 =	vmul.f32 v63, v7;
	[tilespmem:v16+s2+$0x0] =	vst.idx.add.f32.msk vm13, v5;
	v5 =	vunpack.i.u.bf16.f32 v18  }
0x3d7: {  	[tilespmem:v15+s2+$0x0] =	vst.idx.add.f32.msk vm3, v8;
	v5 =	vmul.f32 v5, v9  }
0x3d8: {  	[tilespmem:v14+s2+$0x0] =	vst.idx.add.f32.msk vm14, v7  }
0x3d9: {  	vm0 =	vmmov vm14;
	vm11 =	vmmov vm12;
	[tilespmem:v29+s2+$0x0] =	vst.idx.add.f32.msk vm12, v5  }
0x3da: {  	s0 =	sadd.s32 $0x6, s23  }
0x3db: {  	s1 =	smul.u32 $0x3000, s0;
	_ =	sdelay $0x1  }
0x3dc: {  	s1 =	sadd.s32 s14, s1  }
0x3dd: {  	s1 =	sshrl.u32 s1, $0x3  }
0x3de: {  	s3 =	simm.s32 $0x12100;
	s1 =	sadd.s32 s21, s1  }
0x3df: {  	[tilespmem:s3], [sflag:$0x3] =	stream.linear.gather [hbm4b:s1+s2], $0x80, $0x38;
	[tilespmem:$0x18000] =	vst v63  }
0x3e0: {  	s4 =	simm.s32 $0x12300;
	s26 =	sadd.s32 $0x80, s1  }
0x3e1: {  	[tilespmem:s4], [sflag:$0x3] =	stream.linear.gather [hbm4b:s26+s2], $0x80, $0x38;
	[tilespmem:$0x18000] =	vst v63  }
0x3e2: {  	s29 =	simm.s32 $0x12500;
	s28 =	sadd.s32 $0x100, s1  }
0x3e3: {  	[tilespmem:s29], [sflag:$0x3] =	stream.linear.gather [hbm4b:s28+s2], $0x80, $0x38;
	[tilespmem:$0x18000] =	vst v63  }
0x3e4: {  	s31 =	simm.s32 $0x12700;
	s30 =	sadd.s32 $0x180, s1  }
0x3e5: {  	[tilespmem:s31], [sflag:$0x3] =	stream.linear.gather [hbm4b:s30+s2], $0x80, $0x38;
	[tilespmem:$0x18000] =	vst v63  }
0x3e6: {  	s5 =	simm.s32 $0x12900;
	s4 =	sadd.s32 $0x200, s1  }
0x3e7: {  	[tilespmem:s5], [sflag:$0x3] =	stream.linear.gather [hbm4b:s4+s2], $0x80, $0x38;
	[tilespmem:$0x18000] =	vst v63  }
0x3e8: {  	s7 =	simm.s32 $0x12B00;
	s6 =	sadd.s32 $0x280, s1  }
0x3e9: {  	[tilespmem:s7], [sflag:$0x3] =	stream.linear.gather [hbm4b:s6+s2], $0x80, $0x38;
	[tilespmem:$0x18000] =	vst v63  }
0x3ea: {  	s9 =	simm.s32 $0x12D00;
	s8 =	sadd.s32 $0x300, s1  }
0x3eb: {  	[tilespmem:s9], [sflag:$0x3] =	stream.linear.gather [hbm4b:s8+s2], $0x80, $0x38;
	[tilespmem:$0x18000] =	vst v63  }
0x3ec: {  	s11 =	simm.s32 $0x12F00;
	s10 =	sadd.s32 $0x380, s1  }
0x3ed: {  	[tilespmem:s11], [sflag:$0x3] =	stream.linear.gather [hbm4b:s10+s2], $0x80, $0x38;
	[tilespmem:$0x18000] =	vst v63  }
0x3ee: {  	s13 =	simm.s32 $0x13100;
	s12 =	sadd.s32 $0x400, s1  }
0x3ef: {  	[tilespmem:s13], [sflag:$0x3] =	stream.linear.gather [hbm4b:s12+s2], $0x80, $0x38;
	[tilespmem:$0x18000] =	vst v63  }
0x3f0: {  	s18 =	simm.s32 $0x13300;
	s17 =	sadd.s32 $0x480, s1  }
0x3f1: {  	[tilespmem:s18], [sflag:$0x3] =	stream.linear.gather [hbm4b:s17+s2], $0x80, $0x38;
	[tilespmem:$0x18000] =	vst v63  }
0x3f2: {  	s24 =	simm.s32 $0x13500;
	s25 =	smul.u32 $0x1800, s0;
	s20 =	sadd.s32 $0x500, s1  }
0x3f3: {  	[tilespmem:s24], [sflag:$0x3] =	stream.linear.gather [hbm4b:s20+s2], $0x80, $0x38;
	[tilespmem:$0x18000] =	vst v63  }
0x3f4: {  	s1 =	sadd.s32 $0x580, s1;
	s26 =	simm.s32 $0x13700;
	s28 =	sadd.s32 s15, s25  }
0x3f5: {  	[tilespmem:s26], [sflag:$0x3] =	stream.linear.gather [hbm4b:s1+s2], $0x80, $0x38;
	[tilespmem:$0x18000] =	vst v63  }
0x3f6: {  	s1 =	sshrl.u32 s28, $0x3  }
0x3f7: {  	s29 =	simm.s32 $0x13900;
	s1 =	sadd.s32 s19, s1  }
0x3f8: {  	[tilespmem:s29], [sflag:$0x3] =	stream.linear.gather [hbm4b:s1+s2], $0x80, $0x38;
	[tilespmem:$0x18000] =	vst v63  }
0x3f9: {  	s31 =	simm.s32 $0x13B00;
	s30 =	sadd.s32 $0x40, s1  }
0x3fa: {  	[tilespmem:s31], [sflag:$0x3] =	stream.linear.gather [hbm4b:s30+s2], $0x80, $0x38;
	[tilespmem:$0x18000] =	vst v63  }
0x3fb: {  	s5 =	simm.s32 $0x13D00;
	s4 =	sadd.s32 $0x80, s1  }
0x3fc: {  	[tilespmem:s5], [sflag:$0x3] =	stream.linear.gather [hbm4b:s4+s2], $0x80, $0x38;
	[tilespmem:$0x18000] =	vst v63  }
0x3fd: {  	s7 =	simm.s32 $0x13F00;
	s6 =	sadd.s32 $0xC0, s1  }
0x3fe: {  	[tilespmem:s7], [sflag:$0x3] =	stream.linear.gather [hbm4b:s6+s2], $0x80, $0x38;
	[tilespmem:$0x18000] =	vst v63  }
0x3ff: {  	s9 =	simm.s32 $0x14100;
	s8 =	sadd.s32 $0x100, s1  }
0x400: {  	[tilespmem:s9], [sflag:$0x3] =	stream.linear.gather [hbm4b:s8+s2], $0x80, $0x38;
	[tilespmem:$0x18000] =	vst v63  }
0x401: {  	s11 =	simm.s32 $0x14300;
	s10 =	sadd.s32 $0x140, s1  }
0x402: {  	[tilespmem:s11], [sflag:$0x3] =	stream.linear.gather [hbm4b:s10+s2], $0x80, $0x38;
	[tilespmem:$0x18000] =	vst v63  }
0x403: {  	s13 =	simm.s32 $0x14500;
	s12 =	sadd.s32 $0x180, s1  }
0x404: {  	[tilespmem:s13], [sflag:$0x3] =	stream.linear.gather [hbm4b:s12+s2], $0x80, $0x38;
	[tilespmem:$0x18000] =	vst v63  }
0x405: {  	s18 =	simm.s32 $0x14700;
	s17 =	sadd.s32 $0x1C0, s1  }
0x406: {  	[tilespmem:s18], [sflag:$0x3] =	stream.linear.gather [hbm4b:s17+s2], $0x80, $0x38;
	[tilespmem:$0x18000] =	vst v63  }
0x407: {  	s24 =	simm.s32 $0x14900;
	s20 =	sadd.s32 $0x200, s1  }
0x408: {  	[tilespmem:s24], [sflag:$0x3] =	stream.linear.gather [hbm4b:s20+s2], $0x80, $0x38;
	[tilespmem:$0x18000] =	vst v63  }
0x409: {  	s0 =	smul.u32 $0xC00, s0;
	s26 =	simm.s32 $0x14B00;
	s25 =	sadd.s32 $0x240, s1  }
0x40a: {  	[tilespmem:s26], [sflag:$0x3] =	stream.linear.gather [hbm4b:s25+s2], $0x80, $0x38;
	[tilespmem:$0x18000] =	vst v63  }
0x40b: {  	s0 =	sadd.s32 s16, s0;
	s28 =	sadd.s32 $0x280, s1;
	s29 =	simm.s32 $0x14D00  }
0x40c: {  	[tilespmem:s29], [sflag:$0x3] =	stream.linear.gather [hbm4b:s28+s2], $0x80, $0x38;
	[tilespmem:$0x18000] =	vst v63  }
0x40d: {  	s0 =	sshrl.u32 s0, $0x3;
	s1 =	sadd.s32 $0x2C0, s1;
	s30 =	simm.s32 $0x14F00  }
0x40e: {  	[tilespmem:s30], [sflag:$0x3] =	stream.linear.gather [hbm4b:s1+s2], $0x80, $0x38;
	[tilespmem:$0x18000] =	vst v63  }
0x40f: {  	s0 =	sadd.s32 s22, s0;
	s31 =	simm.s32 $0x16800  }
0x410: {  	[tilespmem:s31], [sflag:$0x3] =	stream.linear.gather [hbm4b:s0+s2], $0xC00, $0x38;
	[tilespmem:$0x18000] =	vst v63  }
.LBB2_17:
0x411: {  	s1 =	simm.s32 $0x4  }
0x412: {  	_ =	swait.ge [sflag:s1], $0x600  }
0x413: {  	[sflag:s1] =	ssyncset.done $0x0  }
0x414: {  	[sflag:s1] =	ssyncadd.s32 $0xFFFFFA00  }
0x415: {  	p2 =	por $0x0, $0x0;
	s0 =	simm.s32 $0x1;
	_ =	swait.ge [sflag:s1], $0x600  }
0x416: {  	s0 =	simm.s32 @!p2 $0x0;
	[sflag:s1] =	ssyncset.done $0x0  }
0x417: {  	s25 =	simm.s32 $0x330;
	s0 =	sshll.u32 s0, $0x6;
	[sflag:s1] =	ssyncadd.s32 $0xFFFFFA00  }
0x418: {  	s7 =	simm.s32 $0xCC0;
	s5 =	sadd.s32 $0x0, s0;
	_ =	swait.ge [sflag:s1], $0xC00  }
0x419: {  	s3 =	sand.u32 $0x70, s25;
	s0 =	sadd.s32 $0x30, s5;
	[sflag:s1] =	ssyncset.done $0x0  }
0x41a: {  	s8 =	sand.u32 $0x1E00, s7;
	s6 =	sor.u32 $0x180, s0;
	[sflag:s1] =	ssyncadd.s32 $0xFFFFF400  }
0x41b: {  	s26 =	simm.s32 $0x0;
	s9 =	simm.s32 $0x0;
	s8 =	sor.u32 s8, s3;
	v7 =	vld [tilespmem:s6+$0x13800]  }
0x41c: {  	s7 =	sand.u32 $0xE00, s26;
	s0 =	sand.u32 $0x40, s9;
	v8 =	vld [tilespmem:s8+$0x13980]  }
0x41d: {  	s10 =	sadd.s32 $0x17400, s7;
	s3 =	sor.u32 $0x30, s0  }
0x41e: {  	s4 =	sor.u32 s3, s10  }
0x41f: {  	v5 =	vld [tilespmem:s4+$0x0]  }
0x420: {  	s18 =	sor.u32 $0x20, s0;
	v15 =	vld [tilespmem:s6+$0x12000];
	v6 =	vadd.s32 v1, v7  }
0x421: {  	s12 =	sor.u32 s18, s10;
	v17 =	vld [tilespmem:s8+$0x12180];
	v10 =	vadd.s32 v1, v8;
	vm0 =	vlt.u32 v6, $0x12000  }
0x422: {  	s1 =	sor.u32 s0, s10;
	v13 =	vld [tilespmem:s12+$0x0];
	vm1 =	vlt.u32 v10, $0x12000  }
0x423: {  	s13 =	sadd.s32 $0x10, s5;
	s17 =	sadd.s32 $0x20, s5;
	s5 =	sor.u32 $0x180, s5;
	v16 =	vld [tilespmem:s1+$0x0]  }
0x424: {  	s6 =	sor.u32 $0x180, s13;
	v24 =	vld [tilespmem:s5+$0x13800];
	v9 =	vunpack.i.l.bf16.f32 v5  }
0x425: {  	s12 =	sor.u32 s0, s7;
	v18 =	vld [tilespmem:s6+$0x13800];
	v5 =	vunpack.i.u.bf16.f32 v5;
	v12 =	vmul.f32 v9, v15  }
0x426: {  	s20 =	sand.u32 $0x3, s26;
	v25 =	vld [tilespmem:s12+$0x14580];
	v5 =	vmul.f32 v5, v17  }
0x427: {  	s24 =	sadd.s32 $0x17480, s7;
	s4 =	sor.u32 $0x10, s0;
	s1 =	sshll.u32 s20, $0x5;
	[tilespmem:v6+s2+$0x0] =	vst.idx.add.f32.msk vm0, v12  }
0x428: {  	s11 =	sor.u32 s4, s10;
	s9 =	sadd.s32 $0x0, s1;
	s10 =	sor.u32 s3, s24;
	[tilespmem:v10+s2+$0x0] =	vst.idx.add.f32.msk vm1, v5  }
0x429: {  	s9 =	sadd.s32 $0xCA0, s9;
	v6 =	vld [tilespmem:s10+$0x0]  }
0x42a: {  	v11 =	vld [tilespmem:s11+$0x0];
	s9 =	sor.u32 $0x180, s9;
	v10 =	vadd.s32 v2, v7  }
0x42b: {  	s8 =	sor.u32 $0x180, s17;
	v20 =	vld [tilespmem:s9+$0x13800];
	vm0 =	vlt.u32 v10, $0x12000  }
0x42c: {  	s30 =	simm.s32 $0x310;
	s11 =	simm.s32 $0xC40;
	v19 =	vadd.s32 v2, v8;
	v9 =	vld [tilespmem:s8+$0x13800]  }
0x42d: {  	s11 =	sand.u32 $0x1E00, s11;
	v12 =	vld [tilespmem:s8+$0x12000];
	vm1 =	vlt.u32 v19, $0x12000;
	s10 =	sand.u32 $0x50, s30  }
0x42e: {  	v5 =	vld [tilespmem:s6+$0x12000];
	s10 =	sor.u32 s11, s10;
	v14 =	vunpack.i.l.bf16.f32 v6  }
0x42f: {  	v31 =	vadd.s32 v3, v7;
	v34 =	vadd.s32 v1, v24;
	v26 =	vld [tilespmem:s10+$0x13980];
	v21 =	vmul.f32 v14, v15  }
0x430: {  	v35 =	vadd.s32 v3, v8;
	v23 =	vadd.s32 v1, v18;
	v6 =	vunpack.i.u.bf16.f32 v6;
	v14 =	vld [tilespmem:s9+$0x12000]  }
0x431: {  	vm2 =	vlt.u32 v23, $0x12000;
	v27 =	vadd.s32 v1, v9;
	v6 =	vmul.f32 v6, v17;
	[tilespmem:v10+s2+$0x0] =	vst.idx.add.f32.msk vm0, v21  }
0x432: {  	v50 =	vadd.s32 v2, v24;
	v28 =	vadd.s32 v1, v20;
	vm3 =	vlt.u32 v27, $0x12000;
	v10 =	vld [tilespmem:s5+$0x12000]  }
0x433: {  	s31 =	sadd.s32 $0x17500, s7;
	vm8 =	vlt.u32 v34, $0x12000;
	v22 =	vunpack.i.u.bf16.f32 v11;
	[tilespmem:v19+s2+$0x0] =	vst.idx.add.f32.msk vm1, v6;
	vm1 =	vlt.u32 v28, $0x12000  }
0x434: {  	v11 =	vunpack.i.l.bf16.f32 v11;
	s9 =	sor.u32 s3, s31;
	v21 =	vunpack.i.u.bf16.f32 v13;
	v6 =	vunpack.i.l.bf16.f32 v13;
	v13 =	vld [tilespmem:s10+$0x12180]  }
0x435: {  	v58 =	vadd.s32 v4, v7;
	v33 =	vmul.f32 v11, v5;
	v32 =	vadd.s32 v1, v26;
	v29 =	vld [tilespmem:s9+$0x0]  }
0x436: {  	vm4 =	vlt.u32 v31, $0x12000;
	v11 =	vld [tilespmem:s12+$0x12D80];
	vm5 =	vlt.u32 v32, $0x12000;
	v6 =	vmul.f32 v6, v12  }
0x437: {  	v19 =	vunpack.i.u.bf16.f32 v16;
	v16 =	vunpack.i.l.bf16.f32 v16;
	[tilespmem:v23+s2+$0x0] =	vst.idx.add.f32.msk vm2, v33;
	v21 =	vmul.f32 v21, v14  }
0x438: {  	v23 =	vadd.s32 v1, v25;
	[tilespmem:v27+s2+$0x0] =	vst.idx.add.f32.msk vm3, v6;
	v16 =	vmul.f32 v16, v10  }
0x439: {  	v30 =	vadd.s32 v2, v18;
	v47 =	vadd.s32 v3, v18;
	vm3 =	vlt.u32 v23, $0x12000;
	[tilespmem:v28+s2+$0x0] =	vst.idx.add.f32.msk vm1, v21  }
0x43a: {  	v37 =	vadd.s32 v2, v25;
	s11 =	sor.u32 s18, s24;
	v6 =	vunpack.i.l.bf16.f32 v29;
	v21 =	vmul.f32 v22, v13;
	[tilespmem:v34+s2+$0x0] =	vst.idx.add.f32.msk vm8, v16  }
0x43b: {  	v53 =	vadd.s32 v3, v20;
	vm1 =	vlt.u32 v35, $0x12000;
	v6 =	vmul.f32 v6, v15;
	v36 =	vld [tilespmem:s11+$0x0]  }
0x43c: {  	vm6 =	vlt.u32 v50, $0x12000;
	v48 =	vadd.s32 v2, v9;
	v49 =	vadd.s32 v3, v9;
	[tilespmem:v32+s2+$0x0] =	vst.idx.add.f32.msk vm5, v21  }
0x43d: {  	vm7 =	vlt.u32 v48, $0x12000;
	s12 =	sor.u32 s4, s24;
	v22 =	vadd.s32 v2, v20;
	[tilespmem:v31+s2+$0x0] =	vst.idx.add.f32.msk vm4, v6;
	v6 =	vmul.f32 v19, v11  }
0x43e: {  	v51 =	vadd.s32 v2, v26;
	v16 =	vunpack.i.u.bf16.f32 v29;
	vm9 =	vlt.u32 v22, $0x12000;
	v52 =	vld [tilespmem:s12+$0x0]  }
0x43f: {  	s13 =	sor.u32 s0, s24;
	vm0 =	vlt.u32 v30, $0x12000;
	vm2 =	vlt.u32 v37, $0x12000;
	v38 =	vmul.f32 v16, v17;
	[tilespmem:v23+s2+$0x0] =	vst.idx.add.f32.msk vm3, v6  }
0x440: {  	s17 =	sadd.s32 $0x17580, s7;
	vm8 =	vlt.u32 v51, $0x12000;
	v16 =	vadd.s32 v3, v25;
	v6 =	vunpack.i.l.bf16.f32 v36;
	v23 =	vld [tilespmem:s13+$0x0]  }
0x441: {  	s3 =	sor.u32 s3, s17;
	v21 =	vadd.s32 v3, v26;
	[tilespmem:v35+s2+$0x0] =	vst.idx.add.f32.msk vm1, v38;
	v54 =	vunpack.i.u.bf16.f32 v36;
	v6 =	vmul.f32 v6, v12  }
0x442: {  	vm11 =	vlt.u32 v16, $0x12000;
	v19 =	vadd.s32 v3, v24;
	v55 =	vld [tilespmem:s3+$0x0];
	v35 =	vmul.f32 v54, v14  }
0x443: {  	vm4 =	vlt.u32 v53, $0x12000;
	vm5 =	vlt.u32 v19, $0x12000;
	[tilespmem:v48+s2+$0x0] =	vst.idx.add.f32.msk vm7, v6;
	v6 =	vunpack.i.l.bf16.f32 v52  }
0x444: {  	s20 =	sor.u32 s18, s31;
	vm3 =	vlt.u32 v49, $0x12000;
	[tilespmem:v22+s2+$0x0] =	vst.idx.add.f32.msk vm9, v35;
	v22 =	vunpack.i.u.bf16.f32 v52;
	v56 =	vmul.f32 v6, v5  }
0x445: {  	v6 =	vadd.s32 v4, v18;
	v18 =	vunpack.i.l.bf16.f32 v23;
	v57 =	vld [tilespmem:s20+$0x0];
	v22 =	vmul.f32 v22, v13  }
0x446: {  	vm1 =	vlt.u32 v47, $0x12000;
	vm7 =	vlt.u32 v21, $0x12000;
	v7 =	vmul.f32 v18, v10;
	[tilespmem:v30+s2+$0x0] =	vst.idx.add.f32.msk vm0, v56  }
0x447: {  	vm0 =	vlt.u32 v58, $0x12000;
	v18 =	vadd.s32 v4, v8;
	v8 =	vunpack.i.u.bf16.f32 v23;
	[tilespmem:v51+s2+$0x0] =	vst.idx.add.f32.msk vm8, v22  }
0x448: {  	s24 =	sor.u32 s4, s31;
	vm10 =	vlt.u32 v6, $0x12000;
	vm9 =	vlt.u32 v18, $0x12000;
	v59 =	vmul.f32 v8, v11;
	[tilespmem:v50+s2+$0x0] =	vst.idx.add.f32.msk vm6, v7  }
0x449: {  	v23 =	vadd.s32 v4, v20;
	v60 =	vunpack.i.l.bf16.f32 v55;
	v61 =	vunpack.i.u.bf16.f32 v55;
	v20 =	vld [tilespmem:s24+$0x0]  }
0x44a: {  	s30 =	sor.u32 s0, s31;
	vm10 =	vmmov vm10;
	v22 =	vadd.s32 v4, v9;
	v8 =	vadd.s32 v4, v25;
	[tilespmem:v37+s2+$0x0] =	vst.idx.add.f32.msk vm2, v59  }
0x44b: {  	v9 =	vadd.s32 v4, v26;
	v15 =	vmul.f32 v60, v15;
	v17 =	vmul.f32 v61, v17;
	v62 =	vld [tilespmem:s30+$0x0]  }
0x44c: {  	v7 =	vadd.s32 v4, v24;
	vm8 =	vlt.u32 v22, $0x12000;
	v63 =	vunpack.i.l.bf16.f32 v57  }
0x44d: {  	vm6 =	vlt.u32 v23, $0x12000;
	v25 =	vmul.f32 v63, v12;
	[tilespmem:v58+s2+$0x0] =	vst.idx.add.f32.msk vm0, v15;
	v15 =	vunpack.i.u.bf16.f32 v57  }
0x44e: {  	vm2 =	vlt.u32 v8, $0x12000;
	[tilespmem:v18+s2+$0x0] =	vst.idx.add.f32.msk vm9, v17;
	v15 =	vmul.f32 v15, v14;
	v17 =	vunpack.i.l.bf16.f32 v20  }
0x44f: {  	vm0 =	vlt.u32 v7, $0x12000;
	[tilespmem:v49+s2+$0x0] =	vst.idx.add.f32.msk vm3, v25;
	vm3 =	vlt.u32 v9, $0x12000;
	v17 =	vmul.f32 v17, v5  }
0x450: {  	v18 =	vunpack.i.u.bf16.f32 v20;
	vm3 =	vmmov vm3;
	[tilespmem:v53+s2+$0x0] =	vst.idx.add.f32.msk vm4, v15;
	v15 =	vunpack.i.l.bf16.f32 v62  }
0x451: {  	s28 =	simm.s32 $0x0;
	s29 =	simm.s32 $0x2;
	s31 =	sor.u32 s18, s17;
	v18 =	vmul.f32 v18, v13;
	[tilespmem:v47+s2+$0x0] =	vst.idx.add.f32.msk vm1, v17;
	v17 =	vunpack.i.u.bf16.f32 v62;
	v15 =	vmul.f32 v15, v10  }
0x452: {  	p2 =	por !p2, !p2;
	s0 =	sor.u32 s0, s17;
	s3 =	sor.u32 s4, s17;
	v20 =	vld [tilespmem:s31+$0x0];
	vm1 =	vmmov vm0;
	vm0 =	vmmov vm2;
	v17 =	vmul.f32 v17, v11  }
.LBB2_18:
0x453: {  	_ =	sdelay $0x1  }
0x454: {  	s1 =	simm.s32 $0x1;
	[tilespmem:v21+s2+$0x0] =	vst.idx.add.f32.msk vm7, v18  }
0x455: {  	s26 =	sadd.s32 $0x100, s26;
	s1 =	simm.s32 @!p2 $0x0;
	[tilespmem:v19+s2+$0x0] =	vst.idx.add.f32.msk vm5, v15  }
0x456: {  	s25 =	sadd.s32 $0x40, s25;
	s7 =	sadd.s32 $0xCC0, s26;
	s1 =	sshll.u32 s1, $0x6;
	[tilespmem:v16+s2+$0x0] =	vst.idx.add.f32.msk vm11, v17  }
0x457: {  	s6 =	sand.u32 $0x70, s25;
	v15 =	vld [tilespmem:s3+$0x0];
	s9 =	sand.u32 $0x1E00, s7;
	s1 =	sadd.s32 s1, s26  }
0x458: {  	v24 =	vimm.s32 $0x0;
	v61 =	vimm.s32 $0x0;
	v16 =	vld [tilespmem:s0+$0x0];
	s6 =	sor.u32 s9, s6;
	s30 =	sadd.s32 $0x30, s1  }
0x459: {  	v24 =	vsel vm3, $0xFFFFFFFF, v24;
	v18 =	vunpack.i.u.bf16.f32 v20;
	v20 =	vunpack.i.l.bf16.f32 v20;
	v25 =	vld [tilespmem:s6+$0x13980];
	s31 =	sor.u32 $0x180, s30  }
0x45a: {  	s4 =	sand.u32 $0x3, s29;
	s10 =	sadd.s32 $0xFFFFFCD0, s25;
	[tilespmem:$0x1FE00] =	vst v24;
	v24 =	vsel vm1, $0xFFFFFFFF, v61;
	v12 =	vmul.f32 v20, v12;
	v63 =	vld [tilespmem:s31+$0x13800]  }
0x45b: {  	s4 =	sshll.u32 s4, $0x5;
	s7 =	sand.u32 $0xE00, s26;
	[tilespmem:$0x1FE10] =	vst v24;
	s0 =	sand.u32 $0x40, s10;
	v28 =	vld [tilespmem:s6+$0x12180];
	v14 =	vmul.f32 v18, v14  }
0x45c: {  	v62 =	vimm.s32 $0x0;
	s5 =	sadd.s32 s26, s4;
	s9 =	sadd.s32 $0x17400, s7;
	s4 =	sor.u32 $0x30, s0;
	[tilespmem:v22+s2+$0x0] =	vst.idx.add.f32.msk vm8, v12  }
0x45d: {  	v24 =	vsel vm0, $0xFFFFFFFF, v62;
	s11 =	sor.u32 s4, s9;
	[tilespmem:v23+s2+$0x0] =	vst.idx.add.f32.msk vm6, v14  }
0x45e: {  	v12 =	vunpack.i.u.bf16.f32 v15;
	v15 =	vunpack.i.l.bf16.f32 v15;
	v14 =	vld [tilespmem:s11+$0x0];
	v17 =	vunpack.i.u.bf16.f32 v16  }
0x45f: {  	s17 =	sadd.s32 $0xCA0, s5;
	s12 =	sadd.s32 $0x10, s1;
	s5 =	sor.u32 $0x180, s1;
	v26 =	vld [tilespmem:s31+$0x12000];
	v16 =	vunpack.i.l.bf16.f32 v16;
	v20 =	vmul.f32 v15, v5;
	v5 =	vadd.s32 v1, v63  }
0x460: {  	v35 =	vld [tilespmem:s5+$0x13800];
	s31 =	sor.u32 $0x180, s12;
	v15 =	vmul.f32 v16, v10;
	v10 =	vadd.s32 v1, v25;
	vm0 =	vlt.u32 v5, $0x12000  }
0x461: {  	s24 =	sor.u32 s0, s9;
	s30 =	sor.u32 $0x10, s0;
	v22 =	vld [tilespmem:s31+$0x13800];
	vm1 =	vlt.u32 v10, $0x12000  }
0x462: {  	s18 =	sor.u32 $0x20, s0;
	s11 =	sor.u32 s30, s9;
	v18 =	vmul.f32 v12, v13;
	v13 =	vld [tilespmem:s24+$0x0]  }
0x463: {  	s10 =	sadd.s32 $0xC40, s26;
	s13 =	sadd.s32 $0x20, s1;
	s9 =	sor.u32 s18, s9;
	v17 =	vmul.f32 v17, v11;
	v11 =	vld [tilespmem:s11+$0x0];
	v16 =	vunpack.i.l.bf16.f32 v14  }
0x464: {  	s8 =	sadd.s32 $0xFFFFFFE0, s25;
	s20 =	sand.u32 $0x1E00, s10;
	s10 =	sor.u32 $0x180, s13;
	v12 =	vld [tilespmem:s9+$0x0];
	v14 =	vunpack.i.u.bf16.f32 v14;
	v16 =	vmul.f32 v16, v26  }
0x465: {  	s8 =	sand.u32 $0x50, s8;
	v23 =	vld [tilespmem:s10+$0x13800];
	v14 =	vmul.f32 v14, v28  }
0x466: {  	s1 =	sor.u32 s20, s8;
	s20 =	sadd.s32 $0x17480, s7;
	v29 =	vadd.s32 v2, v22;
	[tilespmem:v5+s2+$0x0] =	vst.idx.add.f32.msk vm0, v16  }
0x467: {  	s24 =	sor.u32 s4, s20;
	vm5 =	vlt.u32 v29, $0x12000;
	v5 =	vimm.s32 $0x0;
	[tilespmem:v10+s2+$0x0] =	vst.idx.add.f32.msk vm1, v14  }
0x468: {  	v5 =	vsel vm5, $0xFFFFFFFF, v5;
	v10 =	vld [tilespmem:s24+$0x0]  }
0x469: {  	s13 =	sor.u32 s0, s7;
	v21 =	vunpack.i.u.bf16.f32 v13;
	v32 =	vunpack.i.l.bf16.f32 v13;
	v13 =	vadd.s32 v2, v63;
	[tilespmem:$0x1FDE0] =	vst v5;
	v5 =	vld [tilespmem:s31+$0x12000]  }
0x46a: {  	s17 =	sor.u32 $0x180, s17;
	v38 =	vld [tilespmem:s13+$0x14580];
	v37 =	vadd.s32 v2, v25;
	vm0 =	vlt.u32 v13, $0x12000  }
0x46b: {  	v34 =	vld [tilespmem:s17+$0x13800];
	v31 =	vunpack.i.u.bf16.f32 v11;
	vm1 =	vlt.u32 v37, $0x12000  }
0x46c: {  	v19 =	vunpack.i.l.bf16.f32 v12;
	v36 =	vadd.s32 v1, v23;
	v16 =	vunpack.i.u.bf16.f32 v12;
	v12 =	vld [tilespmem:s10+$0x12000]  }
0x46d: {  	v39 =	vld [tilespmem:s1+$0x13980];
	v11 =	vunpack.i.l.bf16.f32 v11;
	vm2 =	vlt.u32 v36, $0x12000;
	v14 =	vunpack.i.l.bf16.f32 v10  }
0x46e: {  	v10 =	vunpack.i.u.bf16.f32 v10;
	v47 =	vmul.f32 v11, v5;
	v11 =	vld [tilespmem:s13+$0x12D80];
	v42 =	vmul.f32 v14, v26  }
0x46f: {  	v33 =	vadd.s32 v1, v22;
	v14 =	vld [tilespmem:s17+$0x12000];
	v10 =	vmul.f32 v10, v28  }
0x470: {  	vm4 =	vlt.u32 v33, $0x12000;
	v41 =	vadd.s32 v1, v34;
	[tilespmem:v13+s2+$0x0] =	vst.idx.add.f32.msk vm0, v42  }
0x471: {  	vm5 =	vlt.u32 v41, $0x12000;
	v50 =	vmul.f32 v19, v12;
	[tilespmem:v37+s2+$0x0] =	vst.idx.add.f32.msk vm1, v10  }
0x472: {  	v43 =	vadd.s32 v1, v35;
	s31 =	sadd.s32 $0x17500, s7;
	v42 =	vadd.s32 v2, v35;
	v10 =	vld [tilespmem:s5+$0x12000]  }
0x473: {  	vm8 =	vlt.u32 v43, $0x12000;
	s11 =	sor.u32 s4, s31;
	[tilespmem:v36+s2+$0x0] =	vst.idx.add.f32.msk vm2, v50;
	v13 =	vimm.s32 $0x0;
	vm1 =	vlt.u32 v42, $0x12000  }
0x474: {  	v44 =	vadd.s32 v1, v38;
	v48 =	vld [tilespmem:s11+$0x0];
	v13 =	vsel vm1, $0xFFFFFFFF, v13  }
0x475: {  	v51 =	vadd.s32 v3, v63;
	vm0 =	vlt.u32 v44, $0x12000;
	v52 =	vmul.f32 v16, v14;
	[tilespmem:$0x1FDF0] =	vst v13;
	v13 =	vld [tilespmem:s1+$0x12180]  }
0x476: {  	v53 =	vadd.s32 v3, v25;
	vm15 =	vlt.u32 v51, $0x12000;
	[tilespmem:v33+s2+$0x0] =	vst.idx.add.f32.msk vm4, v47  }
0x477: {  	s3 =	sor.u32 s18, s20;
	vm7 =	vlt.u32 v53, $0x12000;
	[tilespmem:v41+s2+$0x0] =	vst.idx.add.f32.msk vm5, v52;
	v32 =	vmul.f32 v32, v10  }
0x478: {  	v46 =	vadd.s32 v1, v39;
	v57 =	vld [tilespmem:s3+$0x0]  }
0x479: {  	vm3 =	vlt.u32 v46, $0x12000;
	v56 =	vmul.f32 v21, v11;
	v54 =	vunpack.i.l.bf16.f32 v48;
	[tilespmem:v43+s2+$0x0] =	vst.idx.add.f32.msk vm8, v32  }
0x47a: {  	v55 =	vunpack.i.u.bf16.f32 v48;
	v36 =	vmul.f32 v54, v26;
	v54 =	vld [tilespmem:$0x1FDF0]  }
0x47b: {  	v41 =	vmul.f32 v55, v28;
	[tilespmem:v44+s2+$0x0] =	vst.idx.add.f32.msk vm0, v56  }
0x47c: {  	s24 =	sadd.s32 $0x17580, s7;
	[tilespmem:v51+s2+$0x0] =	vst.idx.add.f32.msk vm15, v36  }
0x47d: {  	s4 =	sor.u32 s4, s24;
	v31 =	vmul.f32 v31, v13;
	[tilespmem:v53+s2+$0x0] =	vst.idx.add.f32.msk vm7, v41  }
0x47e: {  	[tilespmem:$0x1FE20] =	vst v24;
	v41 =	vld [tilespmem:s4+$0x0]  }
0x47f: {  	s9 =	sor.u32 s0, s20;
	v25 =	vadd.s32 v4, v25;
	v24 =	vadd.s32 v4, v63;
	[tilespmem:v46+s2+$0x0] =	vst.idx.add.f32.msk vm3, v31  }
0x480: {  	v58 =	vimm.s32 $0x0;
	vm9 =	vlt.u32 v25, $0x12000;
	vm4 =	vlt.u32 v24, $0x12000;
	v43 =	vld [tilespmem:s9+$0x0]  }
0x481: {  	s8 =	sor.u32 s30, s20;
	v49 =	vadd.s32 v2, v39;
	v27 =	vadd.s32 v3, v22;
	v59 =	vadd.s32 v4, v22;
	v53 =	vld [tilespmem:$0x1FDE0]  }
0x482: {  	v40 =	vadd.s32 v2, v23;
	v45 =	vadd.s32 v2, v34;
	vm3 =	vlt.u32 v59, $0x12000;
	v62 =	vld [tilespmem:s8+$0x0]  }
0x483: {  	[tilespmem:v6+s2+$0x0] =	vst.idx.add.f32.msk vm10, v20;
	vm10 =	vmmov vm3;
	vm3 =	vnez.u8 v54;
	v63 =	vunpack.i.l.bf16.f32 v41  }
0x484: {  	vm6 =	vlt.u32 v40, $0x12000;
	v6 =	vmovc v59;
	v59 =	vld [tilespmem:$0x1FE00];
	v47 =	vunpack.i.u.bf16.f32 v41;
	v26 =	vmul.f32 v63, v26  }
0x485: {  	vm13 =	vlt.u32 v49, $0x12000;
	vm1 =	vlt.u32 v45, $0x12000;
	v28 =	vmul.f32 v47, v28  }
0x486: {  	vm2 =	vlt.u32 v27, $0x12000;
	v52 =	vunpack.i.l.bf16.f32 v43;
	[tilespmem:v24+s2+$0x0] =	vst.idx.add.f32.msk vm4, v26;
	vm4 =	vnez.u8 v53  }
0x487: {  	v50 =	vsel vm2, $0xFFFFFFFF, v58;
	v61 =	vunpack.i.l.bf16.f32 v57;
	[tilespmem:v25+s2+$0x0] =	vst.idx.add.f32.msk vm9, v28;
	v28 =	vmul.f32 v52, v10  }
0x488: {  	[tilespmem:$0x1FE30] =	vst v50;
	v60 =	vunpack.i.u.bf16.f32 v57;
	v32 =	vmul.f32 v61, v12;
	v61 =	vld [tilespmem:$0x1FE10]  }
0x489: {  	v31 =	vmul.f32 v60, v14;
	v50 =	vunpack.i.l.bf16.f32 v62;
	[tilespmem:v42+s2+$0x0] =	vst.idx.add.f32.msk vm3, v28;
	vm3 =	vnez.u8 v59  }
0x48a: {  	[tilespmem:v40+s2+$0x0] =	vst.idx.add.f32.msk vm6, v32;
	v48 =	vunpack.i.u.bf16.f32 v62;
	v26 =	vmul.f32 v50, v5  }
0x48b: {  	[tilespmem:v45+s2+$0x0] =	vst.idx.add.f32.msk vm1, v31;
	v24 =	vmul.f32 v48, v13  }
0x48c: {  	v37 =	vadd.s32 v2, v38;
	[tilespmem:v29+s2+$0x0] =	vst.idx.add.f32.msk vm4, v26  }
0x48d: {  	s10 =	sor.u32 s30, s31;
	vm12 =	vlt.u32 v37, $0x12000;
	v21 =	vadd.s32 v3, v39;
	v39 =	vadd.s32 v4, v39;
	[tilespmem:v49+s2+$0x0] =	vst.idx.add.f32.msk vm13, v24  }
0x48e: {  	vm1 =	vlt.u32 v39, $0x12000;
	v56 =	vld [tilespmem:s10+$0x0]  }
0x48f: {  	[tilespmem:v9+s2+$0x0] =	vst.idx.add.f32.msk vm3, v18;
	vm3 =	vmmov vm1;
	vm1 =	vnez.u8 v61  }
0x490: {  	v51 =	vunpack.i.u.bf16.f32 v43;
	v62 =	vld [tilespmem:$0x1FE20]  }
0x491: {  	s12 =	sor.u32 s18, s31;
	v20 =	vmul.f32 v51, v11  }
0x492: {  	v31 =	vld [tilespmem:s12+$0x0]  }
0x493: {  	s20 =	sor.u32 s0, s31;
	[tilespmem:v37+s2+$0x0] =	vst.idx.add.f32.msk vm12, v20  }
0x494: {  	v57 =	vld [tilespmem:s20+$0x0]  }
0x495: {  	[tilespmem:v7+s2+$0x0] =	vst.idx.add.f32.msk vm1, v15;
	vm1 =	vnez.u8 v62  }
0x496: {  	v63 =	vld [tilespmem:$0x1FE30]  }
0x497: {  	v30 =	vadd.s32 v3, v23;
	v22 =	vadd.s32 v4, v23  }
0x498: {  	v23 =	vadd.s32 v4, v34;
	vm14 =	vlt.u32 v30, $0x12000;
	v33 =	vadd.s32 v3, v34  }
0x499: {  	v19 =	vadd.s32 v3, v35;
	v16 =	vadd.s32 v3, v38;
	vm15 =	vlt.u32 v33, $0x12000  }
0x49a: {  	v34 =	vadd.s32 v4, v35;
	v35 =	vadd.s32 v4, v38;
	vm11 =	vlt.u32 v16, $0x12000  }
0x49b: {  	s28 =	sadd.s32 $0x4, s28;
	vm2 =	vlt.u32 v35, $0x12000;
	v55 =	vunpack.i.l.bf16.f32 v31;
	[tilespmem:v8+s2+$0x0] =	vst.idx.add.f32.msk vm1, v17;
	vm1 =	vnez.u8 v63  }
0x49c: {  	p3 =	slt.u32 s28, $0x2C;
	vm5 =	vlt.u32 v19, $0x12000;
	v20 =	vunpack.i.u.bf16.f32 v31;
	v24 =	vmul.f32 v55, v12  }
.Ltmp11:
0x49d: {  	vm8 =	vlt.u32 v22, $0x12000;
	vm0 =	vlt.u32 v34, $0x12000;
	v20 =	vmul.f32 v20, v14;
	(pc) =	sbr.rel @p3 .LBB2_18-.Ltmp11, $4  }
0x49e: {  	vm7 =	vlt.u32 v21, $0x12000;
	vm6 =	vlt.u32 v23, $0x12000;
	[tilespmem:v30+s2+$0x0] =	vst.idx.add.f32.msk vm14, v24;
	v25 =	vunpack.i.l.bf16.f32 v56  }
0x49f: {  	s31 =	sor.u32 s18, s24;
	[tilespmem:v33+s2+$0x0] =	vst.idx.add.f32.msk vm15, v20;
	v18 =	vunpack.i.l.bf16.f32 v57;
	v58 =	vunpack.i.u.bf16.f32 v56;
	v25 =	vmul.f32 v25, v5  }
0x4a0: {  	s29 =	sadd.s32 $0x2, s29;
	v9 =	vmovc v39;
	v60 =	vunpack.i.u.bf16.f32 v57;
	v20 =	vld [tilespmem:s31+$0x0];
	v7 =	vmovc v34;
	v15 =	vmul.f32 v18, v10;
	v18 =	vmul.f32 v58, v13  }
0x4a1: {  	p2 =	por !p2, !p2;
	s0 =	sor.u32 s0, s24;
	s3 =	sor.u32 s30, s24;
	v8 =	vmovc v35;
	v17 =	vmul.f32 v60, v11;
	[tilespmem:v27+s2+$0x0] =	vst.idx.add.f32.msk vm1, v25;
	vm1 =	vmmov vm0;
	vm0 =	vmmov vm2  }
0x4a2: {  	_ =	sdelay $0x4  }
0x4a3: {  	[tilespmem:v21+s2+$0x0] =	vst.idx.add.f32.msk vm7, v18  }
0x4a4: {  	[tilespmem:v19+s2+$0x0] =	vst.idx.add.f32.msk vm5, v15  }
0x4a5: {  	v57 =	vld [tilespmem:s3+$0x0]  }
0x4a6: {  	[tilespmem:v16+s2+$0x0] =	vst.idx.add.f32.msk vm11, v17  }
0x4a7: {  	v16 =	vld [tilespmem:s0+$0x0]  }
0x4a8: {  	v58 =	vunpack.i.l.bf16.f32 v20  }
0x4a9: {  	v59 =	vunpack.i.u.bf16.f32 v20;
	v12 =	vmul.f32 v58, v12  }
0x4aa: {  	v14 =	vmul.f32 v59, v14;
	v60 =	vunpack.i.l.bf16.f32 v57  }
0x4ab: {  	[tilespmem:v22+s2+$0x0] =	vst.idx.add.f32.msk vm8, v12;
	v61 =	vunpack.i.u.bf16.f32 v57;
	v5 =	vmul.f32 v60, v5  }
.Ltmp12:
0x4ac: {  	[tilespmem:v23+s2+$0x0] =	vst.idx.add.f32.msk vm6, v14;
	v62 =	vunpack.i.l.bf16.f32 v16;
	v12 =	vmul.f32 v61, v13;
	(pc) =	sbr.rel @p1 .LBB2_21-.Ltmp12, $4  }
0x4ad: {  	v63 =	vunpack.i.u.bf16.f32 v16;
	v10 =	vmul.f32 v62, v10;
	[tilespmem:v6+s2+$0x0] =	vst.idx.add.f32.msk vm10, v5  }
0x4ae: {  	v5 =	vmul.f32 v63, v11;
	[tilespmem:v9+s2+$0x0] =	vst.idx.add.f32.msk vm3, v12  }
0x4af: {  	[tilespmem:v7+s2+$0x0] =	vst.idx.add.f32.msk vm1, v10  }
0x4b0: {  	[tilespmem:v8+s2+$0x0] =	vst.idx.add.f32.msk vm0, v5  }
0x4b1: {  	s0 =	sadd.s32 $0x7, s23  }
0x4b2: {  	s1 =	smul.u32 $0x3000, s0;
	_ =	sdelay $0x1  }
0x4b3: {  	s1 =	sadd.s32 s14, s1  }
0x4b4: {  	s1 =	sshrl.u32 s1, $0x3  }
0x4b5: {  	s3 =	simm.s32 $0x12180;
	s1 =	sadd.s32 s21, s1  }
0x4b6: {  	[tilespmem:s3], [sflag:$0x4] =	stream.linear.gather [hbm4b:s1+s2], $0x80, $0x38;
	[tilespmem:$0x18000] =	vst v63  }
0x4b7: {  	s4 =	simm.s32 $0x12380;
	s26 =	sadd.s32 $0x80, s1  }
0x4b8: {  	[tilespmem:s4], [sflag:$0x4] =	stream.linear.gather [hbm4b:s26+s2], $0x80, $0x38;
	[tilespmem:$0x18000] =	vst v63  }
0x4b9: {  	s29 =	simm.s32 $0x12580;
	s28 =	sadd.s32 $0x100, s1  }
0x4ba: {  	[tilespmem:s29], [sflag:$0x4] =	stream.linear.gather [hbm4b:s28+s2], $0x80, $0x38;
	[tilespmem:$0x18000] =	vst v63  }
0x4bb: {  	s31 =	simm.s32 $0x12780;
	s30 =	sadd.s32 $0x180, s1  }
0x4bc: {  	[tilespmem:s31], [sflag:$0x4] =	stream.linear.gather [hbm4b:s30+s2], $0x80, $0x38;
	[tilespmem:$0x18000] =	vst v63  }
0x4bd: {  	s6 =	simm.s32 $0x12980;
	s5 =	sadd.s32 $0x200, s1  }
0x4be: {  	[tilespmem:s6], [sflag:$0x4] =	stream.linear.gather [hbm4b:s5+s2], $0x80, $0x38;
	[tilespmem:$0x18000] =	vst v63  }
0x4bf: {  	s8 =	simm.s32 $0x12B80;
	s7 =	sadd.s32 $0x280, s1  }
0x4c0: {  	[tilespmem:s8], [sflag:$0x4] =	stream.linear.gather [hbm4b:s7+s2], $0x80, $0x38;
	[tilespmem:$0x18000] =	vst v63  }
0x4c1: {  	s10 =	simm.s32 $0x12D80;
	s9 =	sadd.s32 $0x300, s1  }
0x4c2: {  	[tilespmem:s10], [sflag:$0x4] =	stream.linear.gather [hbm4b:s9+s2], $0x80, $0x38;
	[tilespmem:$0x18000] =	vst v63  }
0x4c3: {  	s12 =	simm.s32 $0x12F80;
	s11 =	sadd.s32 $0x380, s1  }
0x4c4: {  	[tilespmem:s12], [sflag:$0x4] =	stream.linear.gather [hbm4b:s11+s2], $0x80, $0x38;
	[tilespmem:$0x18000] =	vst v63  }
0x4c5: {  	s17 =	simm.s32 $0x13180;
	s13 =	sadd.s32 $0x400, s1  }
0x4c6: {  	[tilespmem:s17], [sflag:$0x4] =	stream.linear.gather [hbm4b:s13+s2], $0x80, $0x38;
	[tilespmem:$0x18000] =	vst v63  }
0x4c7: {  	s20 =	simm.s32 $0x13380;
	s18 =	sadd.s32 $0x480, s1  }
0x4c8: {  	[tilespmem:s20], [sflag:$0x4] =	stream.linear.gather [hbm4b:s18+s2], $0x80, $0x38;
	[tilespmem:$0x18000] =	vst v63  }
0x4c9: {  	s24 =	simm.s32 $0x13580;
	s25 =	smul.u32 $0x1800, s0;
	s23 =	sadd.s32 $0x500, s1  }
0x4ca: {  	[tilespmem:s24], [sflag:$0x4] =	stream.linear.gather [hbm4b:s23+s2], $0x80, $0x38;
	[tilespmem:$0x18000] =	vst v63  }
0x4cb: {  	s1 =	sadd.s32 $0x580, s1;
	s26 =	simm.s32 $0x13780;
	s28 =	sadd.s32 s15, s25  }
0x4cc: {  	[tilespmem:s26], [sflag:$0x4] =	stream.linear.gather [hbm4b:s1+s2], $0x80, $0x38;
	[tilespmem:$0x18000] =	vst v63  }
0x4cd: {  	s1 =	sshrl.u32 s28, $0x3  }
0x4ce: {  	s29 =	simm.s32 $0x13980;
	s1 =	sadd.s32 s19, s1  }
0x4cf: {  	[tilespmem:s29], [sflag:$0x4] =	stream.linear.gather [hbm4b:s1+s2], $0x80, $0x38;
	[tilespmem:$0x18000] =	vst v63  }
0x4d0: {  	s31 =	simm.s32 $0x13B80;
	s30 =	sadd.s32 $0x40, s1  }
0x4d1: {  	[tilespmem:s31], [sflag:$0x4] =	stream.linear.gather [hbm4b:s30+s2], $0x80, $0x38;
	[tilespmem:$0x18000] =	vst v63  }
0x4d2: {  	s6 =	simm.s32 $0x13D80;
	s5 =	sadd.s32 $0x80, s1  }
0x4d3: {  	[tilespmem:s6], [sflag:$0x4] =	stream.linear.gather [hbm4b:s5+s2], $0x80, $0x38;
	[tilespmem:$0x18000] =	vst v63  }
0x4d4: {  	s8 =	simm.s32 $0x13F80;
	s7 =	sadd.s32 $0xC0, s1  }
0x4d5: {  	[tilespmem:s8], [sflag:$0x4] =	stream.linear.gather [hbm4b:s7+s2], $0x80, $0x38;
	[tilespmem:$0x18000] =	vst v63  }
0x4d6: {  	s10 =	simm.s32 $0x14180;
	s9 =	sadd.s32 $0x100, s1  }
0x4d7: {  	[tilespmem:s10], [sflag:$0x4] =	stream.linear.gather [hbm4b:s9+s2], $0x80, $0x38;
	[tilespmem:$0x18000] =	vst v63  }
0x4d8: {  	s12 =	simm.s32 $0x14380;
	s11 =	sadd.s32 $0x140, s1  }
0x4d9: {  	[tilespmem:s12], [sflag:$0x4] =	stream.linear.gather [hbm4b:s11+s2], $0x80, $0x38;
	[tilespmem:$0x18000] =	vst v63  }
0x4da: {  	s17 =	simm.s32 $0x14580;
	s13 =	sadd.s32 $0x180, s1  }
0x4db: {  	[tilespmem:s17], [sflag:$0x4] =	stream.linear.gather [hbm4b:s13+s2], $0x80, $0x38;
	[tilespmem:$0x18000] =	vst v63  }
0x4dc: {  	s20 =	simm.s32 $0x14780;
	s18 =	sadd.s32 $0x1C0, s1  }
0x4dd: {  	[tilespmem:s20], [sflag:$0x4] =	stream.linear.gather [hbm4b:s18+s2], $0x80, $0x38;
	[tilespmem:$0x18000] =	vst v63  }
0x4de: {  	s24 =	simm.s32 $0x14980;
	s23 =	sadd.s32 $0x200, s1  }
0x4df: {  	[tilespmem:s24], [sflag:$0x4] =	stream.linear.gather [hbm4b:s23+s2], $0x80, $0x38;
	[tilespmem:$0x18000] =	vst v63  }
0x4e0: {  	s0 =	smul.u32 $0xC00, s0;
	s26 =	simm.s32 $0x14B80;
	s25 =	sadd.s32 $0x240, s1  }
0x4e1: {  	[tilespmem:s26], [sflag:$0x4] =	stream.linear.gather [hbm4b:s25+s2], $0x80, $0x38;
	[tilespmem:$0x18000] =	vst v63  }
0x4e2: {  	s0 =	sadd.s32 s16, s0;
	s28 =	sadd.s32 $0x280, s1;
	s29 =	simm.s32 $0x14D80  }
0x4e3: {  	[tilespmem:s29], [sflag:$0x4] =	stream.linear.gather [hbm4b:s28+s2], $0x80, $0x38;
	[tilespmem:$0x18000] =	vst v63  }
.Ltmp13:
0x4e4: {  	s0 =	sshrl.u32 s0, $0x3;
	(pc) =	sbr.rel .LBB2_5-.Ltmp13, $4  }
0x4e5: {  	s1 =	sadd.s32 $0x2C0, s1;
	s30 =	simm.s32 $0x14F80;
	s6 =	rddreg [dreg:$0x15]  }
0x4e6: {  	[tilespmem:s30], [sflag:$0x4] =	stream.linear.gather [hbm4b:s1+s2], $0x80, $0x38;
	[tilespmem:$0x18000] =	vst v63  }
0x4e7: {  	s0 =	sadd.s32 s22, s0;
	s31 =	simm.s32 $0x17400;
	s6 =	sadd.s32 $0x1, s6  }
0x4e8: {  	[tilespmem:s31], [sflag:$0x4] =	stream.linear.gather [hbm4b:s0+s2], $0xC00, $0x38;
	[tilespmem:$0x18000] =	vst v63  }
.LBB2_23:
0x4e9: {  	_ =	sfence.sel $0x180000  }
0x4ea: {  	[bflag:$0x0] =	sbarrier.arrive $0xFFFF  }
0x4eb: {  	_ =	strace $0x9000004A  }
0x4ec: {  	s0 =	stileid.u32;
	[bflag:$0x2] =	sbarrier.arrive $0xFFFF  }
0x4ed: {  	p0 =	sne.s32 s0, $0x0;
	s0 =	rddreg [dreg:$0x2]  }
0x4ee: {  	s0 =	sadd.s32 @!p0 $0x100000, s0  }
0x4ef: {  	[sflag:s0] =	ssyncadd.tile.s32 @!p0 $0x1;
	_ =	shalt  }
.Lfunc_end2:
_tile_overlayer_lowered:
.L_overlay_start_2:
0x4f0: {  	(tag) =	ssettag $0x2  }
0x4f1: {  	s0 =	rddreg [dreg:$0x0];
	s2 =	stileid.u32  }
0x4f2: {  	s1 =	rddreg [dreg:$0x1];
	p0 =	sne.s32 s2, $0x0  }
0x4f3: {  	s3 =	rddreg [dreg:$0x2];
	[bflag:$0x3] =	sbarrier.arrive $0xFFFF;
	s2 =	simm.s32 @!p0 $0x1C05  }
0x4f4: {  	[timem:s3], [sflag:s2] =	dma.local @!p0 [hbm:s0], s1  }
0x4f5: {  	s0 =	simm.s32 @!p0 $0x5  }
0x4f6: {  	_ =	swait.ge @!p0 [sflag:s0], s1  }
0x4f7: {  	s1 =	ssub.s32 @!p0 $0x0, s1;
	[sflag:s0] =	ssyncset.done @!p0 $0x0  }
0x4f8: {  	[sflag:s0] =	ssyncadd.s32 @!p0 s1  }
0x4f9: {  	[bflag:$0x3] =	sbarrier.arrive $0xFFFF  }
0x4fa: {  	_ =	shalt  }

// kernel: sparse-core-data-format-call.1.cloned.1.call-start
scs
called_computation.1_lowered:
.L_overlay_start_0:
0x0: {  	s2 =	sld [smem:$0x3FD9]  }
0x1: {  	s3 =	sld [smem:$0x3FFE];
	_ =	sdelay $0x1  }
0x2: {  	s1 =	srdreg.scid  }
0x3: {  	s0 =	sand.u32 $0x1, s1  }
0x4: {  	s19 =	sshll.u32 s0, $0xA;
	s2 =	sadd.s32 s3, s2  }
0x5: {  	s2 =	sadd.s32 s2, s19  }
0x6: {  	[smem:$0x3FC6] =	sst s2  }
0x7: {  	_ = 	snop  }
0x8: {  	s2 =	sld [smem:$0x3FC9]  }
0x9: {  	s20 =	sld [smem:$0x3FD0];
	(tm) =	ssettm $0x1  }
0xa: {  	s4 =	sld [smem:$0x3FFB];
	_ =	sdelay $0x3  }
0xb: {  	_ =	strace s4  }
0xc: {  	s4 =	sld [smem:$0x3FFC];
	_ =	sdelay $0x3  }
0xd: {  	_ =	strace s4  }
0xe: {  	s4 =	sld [smem:$0x3FFD];
	_ =	sdelay $0x3  }
0xf: {  	_ =	strace s4  }
0x10: {  	_ =	strace $0x8FFFFFFF  }
0x11: {  	s21 =	sld [smem:$0x3FDB];
	_ =	sdelay $0x1  }
0x12: {  	s5 =	simm.s32 $_scs_section_size  }
0x13: {  	s6 =	simm.s32 $_size__tile_overlayer_lowered;
	s7 =	simm.s32 $_tile_overlayer_lowered  }
0x14: {  	s24 =	simm.s32 $0x1BFF;
	s23 =	sshll.u32 s7, $0x1;
	s4 =	sadd.s32 s5, s21  }
0x15: {  	s8 =	simm.s32 $0x0;
	s22 =	sshll.u32 s6, $0x1;
	s6 =	sadd.s32 s23, s4  }
0x16: {  	[timem:s8], [sflag:s24] =	dma.local [hbm:s6], s22  }
0x17: {  	_ =	swait.ge [sflag:s24], s22  }
0x18: {  	s5 =	ssub.s32 $0x0, s22;
	[sflag:s24] =	ssyncset.done $0x0  }
0x19: {  	[sflag:s24] =	ssyncadd.s32 s5;
	_ =	sdelay $0x1  }
0x1a: {  	s25 =	simm.s32 $0x1B8B  }
0x1b: {  	_ =	swait.ge [sflag:s25], $0x1  }
0x1c: {  	[sflag:s25] =	ssyncset.done $0x0  }
0x1d: {  	s26 =	simm.s32 $0x1B8E;
	[sflag:s25] =	ssyncadd.s32 $0xFFFFFFFF  }
0x1e: {  	s27 =	simm.s32 $execute0_lowered;
	[smem:$0x3FD2] =	sst s26  }
0x1f: {  	s5 =	sshll.u32 s27, $0x1;
	_ =	strace $0x80000046;
	[dreg:$0x1] =	wrdreg $0xFFFFFFFF  }
0x20: {  	s28 =	simm.s32 $_size_execute0_lowered;
	s4 =	sadd.s32 s4, s5;
	[dreg:$0x0] =	wrdreg $0x0  }
0x21: {  	s5 =	sshll.u32 s28, $0x1;
	[dreg:$0x2] =	wrdreg s4  }
0x22: {  	[dreg:$0x3] =	wrdreg s5  }
0x23: {  	[dreg:$0x4] =	wrdreg $0xC0  }
0x24: {  	_ =	task [dreg:s8], $0x5FFFF  }
0x25: {  	[dreg:$0x1] =	wrdreg $0xFFFFFFFF  }
0x26: {  	[dreg:$0x0] =	wrdreg $0x60  }
0x27: {  	[dreg:$0x2] =	wrdreg s2  }
0x28: {  	[dreg:$0x3] =	wrdreg s20  }
0x29: {  	[dreg:$0x4] =	wrdreg $0x9  }
0x2a: {  	_ =	task.clear_ibuf [dreg:s8], $0x5FFFF;
	_ =	strace $0x90000046  }
0x2b: {  	s29 =	simm.s32 $0x9;
	_ =	strace $0x80000048  }
0x2c: {  	_ =	swait.ge [sflag:s29], $0x1  }
0x2d: {  	[sflag:s29] =	ssyncadd.s32 $0xFFFFFFFF  }
0x2e: {  	_ =	strace $0x90000048  }
0x2f: {  	_ =	sfence  }
0x30: {  	s30 =	sld [smem:$0x0];
	_ =	sdelay $0x2  }
0x31: {  	s31 =	sshll.u32 s1, $0xD;
	s1 =	sshrl.u32 s1, $0x2  }
0x32: {  	s3 =	sand.u32 $0x4000, s31;
	s1 =	sadd.s32 s1, s30  }
0x33: {  	s0 =	sor.u32 s3, s0;
	s1 =	sshll.u32 s1, $0x11  }
0x34: {  	s0 =	sor.u32 s1, s0  }
0x35: {  	s0 =	sadd.s32 $0x8F2B, s0  }
0x36: {  	[sflag:s0] =	ssyncadd.remote.s32 $0x1  }
0x37: {  	_ =	sfence.sel $0xFFFF  }
0x38: {  	[dreg:$0x0] =	wrdreg $0xFFFFFFFF;
	(pc) =	sbr.abs _section_cstart, $3  }
0x39: {  	[dreg:$0x1] =	wrdreg $0xFFFFFFFF  }
0x3a: {  	_ =	task.clear_ibuf [dreg:s8], $0x2FFFF;
	_ =	strace $0x9FFFFFFF  }
0x3b: {  	(tm) =	ssettm $0x7FFFFFFF  }
tec
execute0_lowered:
.L_overlay_start_1:
0x0: {  	(tag) =	ssettag $0x1  }
0x1: {  	s2 =	rddreg [dreg:$0x0]  }
0x2: {  	s3 =	rddreg [dreg:$0x1]  }
0x3: {  	s0 =	rddreg [dreg:$0x2]  }
0x4: {  	s1 =	srdreg.scid;
	_ =	strace $0x80000047;
	s7 =	simm.s32 $0x2  }
0x5: {  	s15 =	simm.s32 $0x0;
	p0 =	por $0x0, $0x0;
	s13 =	simm.s32 $0x0  }
0x6: {  	s16 =	simm.s32 $0x0;
	s14 =	simm.s32 $0x0;
	s9 =	simm.s32 $0x0  }
.Ltmp0:
0x7: {  	s10 =	simm.s32 $0x0;
	s4 =	sshll.u32 s1, $0x4;
	(pc) =	sbr.rel .LBB1_1-.Ltmp0, $4  }
0x8: {  	s1 =	stileid.u32;
	s5 =	sand.u32 $0x10, s4;
	s4 =	simm.s32 $0x1  }
0x9: {  	s8 =	simm.s32 $0x0;
	s6 =	sor.u32 s1, s5;
	[sflag:s4] =	ssyncpa.u1 $0x0  }
0xa: {  	s5 =	sand.u32 $0x3, s1;
	s6 =	sshrl.u32 s6, $0x2;
	[sflag:s7] =	ssyncpa.u1 $0x0  }
0xb: {  	s7 =	simm.s32 $0xC00;
	s12 =	smov.u32 s5;
	s11 =	smov.u32 s6  }
.LBB1_5:
0xc: {  	s17 =	sadd.s32 $0x80, s9  }
0xd: {  	s13 =	sadd.s32 $0x80, s10;
	s18 =	smov.u32 s10;
	p2 =	sgt.s32 s17, $0x17F  }
0xe: {  	s18 =	smov.u32 @p2 s13  }
0xf: {  	s19 =	smov.u32 s11;
	s13 =	sadd.s32 $0x8, s11;
	p3 =	sgt.s32 s18, $0x17F  }
0x10: {  	s19 =	smov.u32 @p3 s13  }
0x11: {  	s20 =	smov.u32 s12;
	s13 =	sadd.s32 $0x4, s12;
	p4 =	sgt.s32 s19, $0x7  }
0x12: {  	p1 =	slt.u32 s8, $0x2;
	s20 =	smov.u32 @p4 s13  }
0x13: {  	s8 =	sadd.s32 $0x1, s8;
	s17 =	simm.s32 @p2 $0x0;
	p2 =	sgt.s32 s20, $0x2F  }
0x14: {  	s15 =	smov.u32 s9;
	s20 =	smov.u32 @p2 s5;
	p2 =	sne.s32 s8, $0x6E  }
.Ltmp1:
0x15: {  	s16 =	smov.u32 s11;
	s21 =	simm.s32 @!p1 $0x2;
	(pc) =	sbr.rel @!p2 .LBB1_6-.Ltmp1, $4  }
0x16: {  	s14 =	smov.u32 s12;
	p0 =	por !p0, !p0;
	_ =	swait.ge @!p1 [sflag:s21], $0x4000  }
0x17: {  	[sflag:s21] =	ssyncset.done @!p1 $0x0;
	s9 =	smov.u32 s17;
	s18 =	simm.s32 @p3 $0x0  }
0x18: {  	[sflag:s21] =	ssyncadd.s32 @!p1 $0xFFFFC000;
	s19 =	smov.u32 @p4 s6;
	s13 =	smov.u32 s10  }
0x19: {  	s10 =	smov.u32 s18;
	s11 =	smov.u32 s19;
	s12 =	smov.u32 s20  }
.LBB1_1:
0x1a: {  	p1 =	sgt.u32 s8, $0x6B  }
0x1b: {  	s17 =	sshrl.u32 @!p1 s10, $0x3  }
0x1c: {  	s18 =	sshll.u32 @!p1 s9, $0x3;
	s17 =	smul.u32 @!p1 $0xC00, s17  }
0x1d: {  	s19 =	sshll.u32 @!p1 s10, $0x7;
	s18 =	sand.u32 @!p1 $0xFFFFFC00, s18  }
0x1e: {  	s17 =	sadd.s32 @!p1 s17, s18;
	s18 =	sand.u32 @!p1 $0x380, s19  }
0x1f: {  	s19 =	sand.u32 @!p1 $0x7F, s9;
	s17 =	sor.u32 @!p1 s18, s17  }
0x20: {  	s18 =	sor.u32 @!p1 s19, s17;
	s17 =	smulhi.u32 @!p1 $0xAAAAAAAB, s17;
	_ =	sdelay $0x1  }
0x21: {  	s19 =	smulhi.u32 @!p1 $0xAAAAAAAB, s18;
	s17 =	sshrl.u32 @!p1 s17, $0x8  }
0x22: {  	s20 =	smulhi.u32 @!p1 $0xAAAAAB, s17  }
0x23: {  	s22 =	smul.u32 @!p1 $0x24000, s12  }
0x24: {  	s19 =	sshrl.u32 @!p1 s19, $0x8;
	s20 =	smul.u32 @!p1 $0x180, s20  }
0x25: {  	s21 =	sxor.u32 @!p1 $0xFFFFFFFF, s8;
	s19 =	smul.u32 @!p1 $0x180, s19  }
0x26: {  	s21 =	sshll.u32 @!p1 s21, $0xE;
	s17 =	ssub.s32 @!p1 s17, s20;
	s20 =	smul.u32 @!p1 $0x4800, s11  }
0x27: {  	s18 =	ssub.s32 @!p1 s18, s19;
	s19 =	sadd.s32 @!p1 s2, s22;
	s17 =	smul.u32 @!p1 $0x30, s17  }
0x28: {  	s21 =	sand.u32 @!p1 $0x4000, s21;
	s19 =	sadd.s32 @!p1 s20, s19;
	s20 =	sand.u32 @!p1 $0x7, s18  }
0x29: {  	s18 =	sshrl.u32 @!p1 s18, $0x3;
	s17 =	sadd.s32 @!p1 s17, s19;
	s19 =	sshll.u32 @!p1 s20, $0x12  }
0x2a: {  	s17 =	sadd.s32 @!p1 s18, s17;
	s18 =	sor.u32 @!p1 $0x400, s19;
	s19 =	simm.s32 @!p1 $0xC00  }
0x2b: {  	[tilespmem:s21], [sflag:$0x1] =	stream.strided.gather @!p1 [hbm4b:s17+s18], $0x4000, s19, s18, $0x38;
	[tilespmem:$0x10000] =	vst v63  }
0x2c: {  	p1 =	seq.s32 s8, $0x0  }
0x2d: {  	p2 =	seq.s32 @!p1 s8, $0x6D  }
0x2e: {  	p1 =	por p1, p2  }
.Ltmp2:
0x2f: {  	_ = 	snop;
	(pc) =	sbr.rel @p1 .LBB1_5-.Ltmp2, $1  }
0x30: {  	_ =	sdelay $0x3  }
0x31: {  	s17 =	simm.s32 $0x1  }
0x32: {  	s17 =	simm.s32 @!p0 $0x0  }
0x33: {  	s17 =	sshll.u32 s17, $0xE  }
0x34: {  	s18 =	sor.u32 $0x40, s17  }
0x35: {  	v1 =	vmov s18;
	_ =	sdelay $0x1  }
0x36: {  	_ =	swait.ge [sflag:s4], $0x4000  }
0x37: {  	[sflag:s4] =	ssyncset.done $0x0  }
0x38: {  	s19 =	simm.s32 $0x0;
	[sflag:s4] =	ssyncadd.s32 $0xFFFFC000  }
0x39: {  	s17 =	sor.u32 $0x8070, s17;
	v6 =	vld.idx.msk [tilespmem:v1+s19+$0x30 ss:$0x1], $0xffff  }
0x3a: {  	v0 =	vmov s17;
	v8 =	vld.idx.msk [tilespmem:v1+s19+$0xFFFFFFC0 ss:$0x1], $0xffff  }
0x3b: {  	v7 =	vld.idx.msk [tilespmem:v1+s19+$0xFFFFFFD0 ss:$0x1], $0xffff  }
0x3c: {  	v5 =	vld.idx.msk [tilespmem:v1+s19+$0xFFFFFFE0 ss:$0x1], $0xffff  }
0x3d: {  	v4 =	vld.idx.msk [tilespmem:v1+s19+$0xFFFFFFF0 ss:$0x1], $0xffff  }
0x3e: {  	s31 =	sshll.u32 s8, $0xE;
	v2 =	vld.idx.msk [tilespmem:v1+s19+$0x0 ss:$0x1], $0xffff  }
0x3f: {  	s17 =	sand.u32 $0x4000, s31;
	v3 =	vld.idx.msk [tilespmem:v1+s19+$0x10 ss:$0x1], $0xffff;
	[tilespmem:v0+s19+$0x0 ss:$0x1] =	vst.idx.msk $0xffff, v6  }
0x40: {  	s20 =	simm.s32 $0x400;
	s18 =	simm.s32 $0x80;
	s17 =	sor.u32 $0x8000, s17;
	[tilespmem:v0+s19+$0xFFFFFF90 ss:$0x1] =	vst.idx.msk $0xffff, v8;
	v6 =	vld.idx.msk [tilespmem:v1+s19+$0x20 ss:$0x1], $0xffff  }
.LBB1_3:
0x41: {  	p1 =	sne.s32 s20, $0xFE00;
	v8 =	vld.idx.msk [tilespmem:v1+s18+$0x30 ss:$0x1], $0xffff;
	[tilespmem:v0+s19+$0xFFFFFFA0 ss:$0x1] =	vst.idx.msk $0xffff, v7  }
0x42: {  	v9 =	vld.idx.msk [tilespmem:v1+s18+$0xFFFFFFC0 ss:$0x1], $0xffff;
	[tilespmem:v0+s19+$0xFFFFFFB0 ss:$0x1] =	vst.idx.msk $0xffff, v5  }
0x43: {  	v7 =	vld.idx.msk [tilespmem:v1+s18+$0xFFFFFFD0 ss:$0x1], $0xffff;
	[tilespmem:v0+s19+$0xFFFFFFC0 ss:$0x1] =	vst.idx.msk $0xffff, v4  }
.Ltmp3:
0x44: {  	v5 =	vld.idx.msk [tilespmem:v1+s18+$0xFFFFFFE0 ss:$0x1], $0xffff;
	[tilespmem:v0+s19+$0xFFFFFFD0 ss:$0x1] =	vst.idx.msk $0xffff, v2;
	(pc) =	sbr.rel @p1 .LBB1_3-.Ltmp3, $4  }
0x45: {  	v4 =	vld.idx.msk [tilespmem:v1+s18+$0xFFFFFFF0 ss:$0x1], $0xffff;
	[tilespmem:v0+s19+$0xFFFFFFE0 ss:$0x1] =	vst.idx.msk $0xffff, v3  }
0x46: {  	v2 =	vld.idx.msk [tilespmem:v1+s18+$0x0 ss:$0x1], $0xffff;
	[tilespmem:v0+s19+$0xFFFFFFF0 ss:$0x1] =	vst.idx.msk $0xffff, v6;
	s19 =	smov.u32 s18  }
0x47: {  	v3 =	vld.idx.msk [tilespmem:v1+s19+$0x10 ss:$0x1], $0xffff;
	[tilespmem:v0+s19+$0x0 ss:$0x1] =	vst.idx.msk $0xffff, v8  }
0x48: {  	s18 =	sshra.s32 s20, $0x2;
	s20 =	sadd.s32 $0x200, s20;
	[tilespmem:v0+s19+$0xFFFFFF90 ss:$0x1] =	vst.idx.msk $0xffff, v9;
	v6 =	vld.idx.msk [tilespmem:v1+s19+$0x20 ss:$0x1], $0xffff  }
0x49: {  	_ =	sdelay $0x2  }
0x4a: {  	s20 =	sshrl.u32 s16, $0x3  }
0x4b: {  	s21 =	sshll.u32 s15, $0x3;
	[tilespmem:v0+s19+$0xFFFFFFA0 ss:$0x1] =	vst.idx.msk $0xffff, v7;
	s20 =	smul.u32 $0xC00, s20  }
0x4c: {  	s27 =	sshll.u32 s16, $0x7;
	v56 =	vld.idx.msk [tilespmem:v1+s18+$0x30 ss:$0x1], $0xffff;
	[tilespmem:v0+s19+$0xFFFFFFB0 ss:$0x1] =	vst.idx.msk $0xffff, v5;
	s21 =	sand.u32 $0xFFFFFC00, s21  }
0x4d: {  	v57 =	vld.idx.msk [tilespmem:v1+s18+$0xFFFFFFC0 ss:$0x1], $0xffff;
	s16 =	sand.u32 $0x380, s27;
	[tilespmem:v0+s19+$0xFFFFFFC0 ss:$0x1] =	vst.idx.msk $0xffff, v4;
	s20 =	sadd.s32 s20, s21  }
0x4e: {  	s28 =	sand.u32 $0x7F, s15;
	v58 =	vld.idx.msk [tilespmem:v1+s18+$0xFFFFFFD0 ss:$0x1], $0xffff;
	[tilespmem:v0+s19+$0xFFFFFFD0 ss:$0x1] =	vst.idx.msk $0xffff, v2;
	s16 =	sor.u32 s16, s20  }
0x4f: {  	v59 =	vld.idx.msk [tilespmem:v1+s18+$0xFFFFFFE0 ss:$0x1], $0xffff;
	[tilespmem:v0+s19+$0xFFFFFFE0 ss:$0x1] =	vst.idx.msk $0xffff, v3;
	s15 =	sor.u32 s28, s16;
	s16 =	smulhi.u32 $0xAAAAAAAB, s16  }
0x50: {  	v60 =	vld.idx.msk [tilespmem:v1+s18+$0xFFFFFFF0 ss:$0x1], $0xffff;
	[tilespmem:v0+s19+$0xFFFFFFF0 ss:$0x1] =	vst.idx.msk $0xffff, v6;
	s29 =	smulhi.u32 $0xAAAAAAAB, s15  }
0x51: {  	v61 =	vld.idx.msk [tilespmem:v1+s18+$0x0 ss:$0x1], $0xffff;
	s14 =	smul.u32 $0x24000, s14;
	[tilespmem:v0+s18+$0x0 ss:$0x1] =	vst.idx.msk $0xffff, v56  }
0x52: {  	v62 =	vld.idx.msk [tilespmem:v1+s18+$0x10 ss:$0x1], $0xffff;
	s13 =	smul.u32 $0x180, s13;
	[tilespmem:v0+s18+$0xFFFFFF90 ss:$0x1] =	vst.idx.msk $0xffff, v57;
	s16 =	sshrl.u32 s16, $0x8;
	s30 =	sshrl.u32 s29, $0x8  }
0x53: {  	v63 =	vld.idx.msk [tilespmem:v1+s18+$0x20 ss:$0x1], $0xffff;
	[tilespmem:v0+s18+$0xFFFFFFA0 ss:$0x1] =	vst.idx.msk $0xffff, v58;
	s16 =	sand.u32 $0x7, s16;
	s19 =	smul.u32 $0x180, s30  }
0x54: {  	[tilespmem:v0+s18+$0xFFFFFFB0 ss:$0x1] =	vst.idx.msk $0xffff, v59;
	s16 =	smul.u32 $0x30, s16  }
.Ltmp4:
0x55: {  	s14 =	sadd.s32 s3, s14;
	[tilespmem:v0+s18+$0xFFFFFFC0 ss:$0x1] =	vst.idx.msk $0xffff, v60;
	s15 =	ssub.s32 s15, s19;
	(pc) =	sbr.rel .LBB1_5-.Ltmp4, $4  }
0x56: {  	s13 =	sadd.s32 s13, s14;
	[tilespmem:v0+s18+$0xFFFFFFD0 ss:$0x1] =	vst.idx.msk $0xffff, v61;
	s31 =	sand.u32 $0x7, s15  }
0x57: {  	[tilespmem:v0+s18+$0xFFFFFFE0 ss:$0x1] =	vst.idx.msk $0xffff, v62;
	s13 =	sadd.s32 s16, s13;
	s15 =	sshrl.u32 s15, $0x3;
	s14 =	sshll.u32 s31, $0x12  }
0x58: {  	[tilespmem:v0+s18+$0xFFFFFFF0 ss:$0x1] =	vst.idx.msk $0xffff, v63;
	s13 =	sadd.s32 s15, s13;
	s14 =	sor.u32 $0x80, s14  }
0x59: {  	[hbm4b:s13+s14] =	stream.strided.scatter [tilespmem:s17], [sflag:$0x2], $0x4000, s7, s14, $0x38;
	[tilespmem:$0x10000] =	vst v63  }
.LBB1_6:
0x5a: {  	_ =	sfence.sel $0x180000  }
0x5b: {  	s2 =	simm.s32 $0x1;
	[bflag:$0x0] =	sbarrier.arrive $0xFFFF  }
0x5c: {  	s31 =	simm.s32 $0x2;
	[sflag:s2] =	ssyncpa.u1 $0x1  }
0x5d: {  	[sflag:s31] =	ssyncpa.u1 $0x1  }
0x5e: {  	p0 =	sne.s32 s1, $0x0;
	_ =	strace $0x90000047  }
0x5f: {  	s0 =	sadd.s32 @!p0 $0x100000, s0;
	[bflag:$0x2] =	sbarrier.arrive $0xFFFF  }
0x60: {  	[sflag:s0] =	ssyncadd.tile.s32 @!p0 $0x1;
	_ =	shalt  }
.Lfunc_end1:
_tile_overlayer_lowered:
.L_overlay_start_2:
0x61: {  	(tag) =	ssettag $0x2  }
0x62: {  	s0 =	rddreg [dreg:$0x0];
	s2 =	stileid.u32  }
0x63: {  	s1 =	rddreg [dreg:$0x1];
	p0 =	sne.s32 s2, $0x0  }
0x64: {  	s3 =	rddreg [dreg:$0x2];
	[bflag:$0x3] =	sbarrier.arrive $0xFFFF;
	s2 =	simm.s32 @!p0 $0x1C01  }
0x65: {  	[timem:s3], [sflag:s2] =	dma.local @!p0 [hbm:s0], s1  }
0x66: {  	s0 =	simm.s32 @!p0 $0x1  }
0x67: {  	_ =	swait.ge @!p0 [sflag:s0], s1  }
0x68: {  	s1 =	ssub.s32 @!p0 $0x0, s1;
	[sflag:s0] =	ssyncset.done @!p0 $0x0  }
0x69: {  	[sflag:s0] =	ssyncadd.s32 @!p0 s1  }
0x6a: {  	[bflag:$0x3] =	sbarrier.arrive $0xFFFF  }
0x6b: {  	_ =	shalt  }

// kernel: sparse-core-data-format-call.cloned.1.call-start
scs
called_computation_lowered:
.L_overlay_start_0:
0x0: {  	s2 =	sld [smem:$0x3FD9]  }
0x1: {  	s3 =	sld [smem:$0x3FFE];
	_ =	sdelay $0x1  }
0x2: {  	s1 =	srdreg.scid  }
0x3: {  	s0 =	sand.u32 $0x1, s1  }
0x4: {  	s18 =	sshll.u32 s0, $0xA;
	s2 =	sadd.s32 s3, s2  }
0x5: {  	s2 =	sadd.s32 s2, s18  }
0x6: {  	[smem:$0x3FC6] =	sst s2  }
0x7: {  	_ = 	snop  }
0x8: {  	s2 =	sld [smem:$0x3FD0];
	(tm) =	ssettm $0x1  }
0x9: {  	s19 =	sld [smem:$0x3FFB];
	_ =	sdelay $0x3  }
0xa: {  	_ =	strace s19  }
0xb: {  	s3 =	sld [smem:$0x3FFC];
	_ =	sdelay $0x3  }
0xc: {  	_ =	strace s3  }
0xd: {  	s3 =	sld [smem:$0x3FFD];
	_ =	sdelay $0x3  }
0xe: {  	_ =	strace s3  }
0xf: {  	_ =	strace $0x8FFFFFFF  }
0x10: {  	s20 =	sld [smem:$0x3FDB];
	_ =	sdelay $0x1  }
0x11: {  	s4 =	simm.s32 $_scs_section_size  }
0x12: {  	s5 =	simm.s32 $_size__tile_overlayer_lowered;
	s6 =	simm.s32 $_tile_overlayer_lowered  }
0x13: {  	s23 =	simm.s32 $0x1BFF;
	s22 =	sshll.u32 s6, $0x1;
	s3 =	sadd.s32 s4, s20  }
0x14: {  	s7 =	simm.s32 $0x0;
	s21 =	sshll.u32 s5, $0x1;
	s5 =	sadd.s32 s22, s3  }
0x15: {  	[timem:s7], [sflag:s23] =	dma.local [hbm:s5], s21  }
0x16: {  	_ =	swait.ge [sflag:s23], s21  }
0x17: {  	s4 =	ssub.s32 $0x0, s21;
	[sflag:s23] =	ssyncset.done $0x0  }
0x18: {  	[sflag:s23] =	ssyncadd.s32 s4;
	_ =	sdelay $0x1  }
0x19: {  	s24 =	simm.s32 $0x1B8B  }
0x1a: {  	_ =	swait.ge [sflag:s24], $0x1  }
0x1b: {  	[sflag:s24] =	ssyncset.done $0x0  }
0x1c: {  	s26 =	simm.s32 $0x1B8E;
	s25 =	sld [smem:$0x3FFE];
	[sflag:s24] =	ssyncadd.s32 $0xFFFFFFFF  }
0x1d: {  	s27 =	simm.s32 $execute0_lowered;
	[smem:$0x3FD2] =	sst s26  }
0x1e: {  	s5 =	sshll.u32 s27, $0x1;
	_ =	strace $0x8000004C;
	[dreg:$0x1] =	wrdreg $0xFFFFFFFF  }
0x1f: {  	s28 =	simm.s32 $_size_execute0_lowered;
	s3 =	sadd.s32 s3, s5;
	[dreg:$0x0] =	wrdreg $0x0  }
0x20: {  	s5 =	sshll.u32 s28, $0x1;
	[dreg:$0x2] =	wrdreg s3  }
0x21: {  	[dreg:$0x3] =	wrdreg s5  }
0x22: {  	[dreg:$0x4] =	wrdreg $0xC0  }
0x23: {  	_ =	task [dreg:s7], $0x5FFFF  }
0x24: {  	[dreg:$0x1] =	wrdreg $0xFFFFFFFF  }
0x25: {  	[dreg:$0x0] =	wrdreg $0x60  }
0x26: {  	[dreg:$0x2] =	wrdreg s25  }
0x27: {  	[dreg:$0x3] =	wrdreg s2  }
0x28: {  	[dreg:$0x4] =	wrdreg $0x9  }
0x29: {  	_ =	task.clear_ibuf [dreg:s7], $0x5FFFF;
	_ =	strace $0x9000004C  }
0x2a: {  	s29 =	simm.s32 $0x9;
	_ =	strace $0x8000004E  }
0x2b: {  	_ =	swait.ge [sflag:s29], $0x1  }
0x2c: {  	[sflag:s29] =	ssyncadd.s32 $0xFFFFFFFF  }
0x2d: {  	_ =	strace $0x9000004E  }
0x2e: {  	_ =	sfence  }
0x2f: {  	s30 =	sld [smem:$0x0];
	_ =	sdelay $0x2  }
0x30: {  	s31 =	sshll.u32 s1, $0xD;
	s1 =	sshrl.u32 s1, $0x2  }
0x31: {  	s3 =	sand.u32 $0x4000, s31;
	s1 =	sadd.s32 s1, s30  }
0x32: {  	s0 =	sor.u32 s3, s0;
	s1 =	sshll.u32 s1, $0x11  }
0x33: {  	s0 =	sor.u32 s1, s0  }
0x34: {  	s0 =	sadd.s32 $0x8F2B, s0  }
0x35: {  	[sflag:s0] =	ssyncadd.remote.s32 $0x1  }
0x36: {  	_ =	sfence.sel $0xFFFF  }
0x37: {  	[dreg:$0x0] =	wrdreg $0xFFFFFFFF;
	(pc) =	sbr.abs _section_cstart, $3  }
0x38: {  	[dreg:$0x1] =	wrdreg $0xFFFFFFFF  }
0x39: {  	_ =	task.clear_ibuf [dreg:s7], $0x2FFFF;
	_ =	strace $0x9FFFFFFF  }
0x3a: {  	(tm) =	ssettm $0x7FFFFFFF  }
0x3b: {  	_ =	shalt  }
tec
execute0_lowered:
.L_overlay_start_1:
0x0: {  	(tag) =	ssettag $0x1  }
0x1: {  	s1 =	rddreg [dreg:$0x0]  }
0x2: {  	s2 =	rddreg [dreg:$0x1]  }
0x3: {  	s0 =	rddreg [dreg:$0x2];
	s4 =	srdreg.scid  }
0x4: {  	_ =	strace $0x8000004D;
	s7 =	simm.s32 $0x2;
	s15 =	simm.s32 $0x0  }
0x5: {  	p0 =	por $0x0, $0x0;
	s13 =	simm.s32 $0x0;
	s16 =	simm.s32 $0x0  }
0x6: {  	s14 =	simm.s32 $0x0;
	s9 =	simm.s32 $0x0;
	s11 =	simm.s32 $0x0  }
.Ltmp0:
0x7: {  	s3 =	sadd.s32 $0x37000, s1;
	s4 =	sshll.u32 s4, $0x4;
	(pc) =	sbr.rel .LBB1_1-.Ltmp0, $4  }
0x8: {  	s1 =	stileid.u32;
	s5 =	sand.u32 $0x10, s4;
	s4 =	simm.s32 $0x1  }
0x9: {  	s8 =	simm.s32 $0x0;
	s6 =	sor.u32 s1, s5;
	[sflag:s4] =	ssyncpa.u1 $0x0  }
0xa: {  	s5 =	sand.u32 $0x3, s1;
	s6 =	sshrl.u32 s6, $0x2;
	[sflag:s7] =	ssyncpa.u1 $0x0  }
0xb: {  	s7 =	simm.s32 $0xC00;
	s12 =	smov.u32 s5;
	s10 =	smov.u32 s6  }
.LBB1_5:
0xc: {  	s17 =	sadd.s32 $0x80, s9  }
0xd: {  	s13 =	sadd.s32 $0x8, s10;
	s18 =	smov.u32 s10;
	p2 =	sgt.s32 s17, $0x17F  }
0xe: {  	s18 =	smov.u32 @p2 s13  }
0xf: {  	s19 =	smov.u32 s11;
	s13 =	sadd.s32 $0x80, s11;
	p3 =	sgt.s32 s18, $0x7  }
0x10: {  	s19 =	smov.u32 @p3 s13  }
0x11: {  	s20 =	smov.u32 s12;
	s13 =	sadd.s32 $0x4, s12;
	p4 =	sgt.s32 s19, $0x17F  }
0x12: {  	p1 =	slt.u32 s8, $0x2;
	s20 =	smov.u32 @p4 s13  }
0x13: {  	s8 =	sadd.s32 $0x1, s8;
	s17 =	simm.s32 @p2 $0x0;
	p2 =	sgt.s32 s20, $0x2F  }
0x14: {  	s15 =	smov.u32 s9;
	s20 =	smov.u32 @p2 s5;
	p2 =	sne.s32 s8, $0x6E  }
.Ltmp1:
0x15: {  	s16 =	smov.u32 s11;
	s21 =	simm.s32 @!p1 $0x2;
	(pc) =	sbr.rel @!p2 .LBB1_6-.Ltmp1, $4  }
0x16: {  	s14 =	smov.u32 s12;
	p0 =	por !p0, !p0;
	_ =	swait.ge @!p1 [sflag:s21], $0x4000  }
0x17: {  	[sflag:s21] =	ssyncset.done @!p1 $0x0;
	s9 =	smov.u32 s17;
	s18 =	smov.u32 @p3 s6  }
0x18: {  	[sflag:s21] =	ssyncadd.s32 @!p1 $0xFFFFC000;
	s19 =	simm.s32 @p4 $0x0;
	s13 =	smov.u32 s10  }
0x19: {  	s10 =	smov.u32 s18;
	s11 =	smov.u32 s19;
	s12 =	smov.u32 s20  }
.LBB1_1:
0x1a: {  	p1 =	sgt.u32 s8, $0x6B  }
0x1b: {  	s17 =	sshrl.u32 @!p1 s10, $0x3  }
0x1c: {  	s18 =	sshll.u32 @!p1 s9, $0x3;
	s17 =	smul.u32 @!p1 $0xC00, s17  }
0x1d: {  	s19 =	sshll.u32 @!p1 s10, $0x7;
	s18 =	sand.u32 @!p1 $0xFFFFFC00, s18  }
0x1e: {  	s17 =	sadd.s32 @!p1 s17, s18;
	s18 =	sand.u32 @!p1 $0x380, s19  }
0x1f: {  	s19 =	sand.u32 @!p1 $0x7F, s9;
	s17 =	sor.u32 @!p1 s18, s17  }
0x20: {  	s18 =	sor.u32 @!p1 s19, s17  }
0x21: {  	s19 =	smulhi.u32 @!p1 $0xAAAAAAAB, s18  }
0x22: {  	s17 =	smulhi.u32 @!p1 $0xAAAAAAAB, s17  }
0x23: {  	s21 =	smul.u32 @!p1 $0x24000, s12;
	s19 =	sshrl.u32 @!p1 s19, $0x8  }
0x24: {  	s20 =	sxor.u32 @!p1 $0xFFFFFFFF, s8;
	s17 =	sshrl.u32 @!p1 s17, $0x8;
	s19 =	smul.u32 @!p1 $0x180, s19  }
0x25: {  	s22 =	smul.u32 @!p1 $0x180, s11;
	s20 =	sshll.u32 @!p1 s20, $0xE;
	s17 =	sand.u32 @!p1 $0x7, s17  }
0x26: {  	s17 =	smul.u32 @!p1 $0x30, s17;
	s18 =	ssub.s32 @!p1 s18, s19;
	s19 =	sadd.s32 @!p1 s3, s21  }
0x27: {  	s20 =	sand.u32 @!p1 $0x4000, s20;
	s19 =	sadd.s32 @!p1 s22, s19;
	s21 =	sand.u32 @!p1 $0x7, s18  }
0x28: {  	s18 =	sshrl.u32 @!p1 s18, $0x3;
	s17 =	sadd.s32 @!p1 s17, s19;
	s19 =	sshll.u32 @!p1 s21, $0x12  }
0x29: {  	s17 =	sadd.s32 @!p1 s18, s17;
	s18 =	sor.u32 @!p1 $0x80, s19;
	s19 =	simm.s32 @!p1 $0xC00  }
0x2a: {  	[tilespmem:s20], [sflag:$0x1] =	stream.strided.gather @!p1 [hbm4b:s17+s18], $0x4000, s19, s18, $0x38;
	[tilespmem:$0x10000] =	vst v63  }
0x2b: {  	p1 =	seq.s32 s8, $0x0  }
0x2c: {  	p2 =	seq.s32 @!p1 s8, $0x6D  }
0x2d: {  	p1 =	por p1, p2  }
.Ltmp2:
0x2e: {  	_ = 	snop;
	(pc) =	sbr.rel @p1 .LBB1_5-.Ltmp2, $1  }
0x2f: {  	_ =	sdelay $0x3  }
0x30: {  	s17 =	simm.s32 $0x1  }
0x31: {  	s17 =	simm.s32 @!p0 $0x0  }
0x32: {  	s17 =	sshll.u32 s17, $0xE  }
0x33: {  	s18 =	sor.u32 $0x70, s17  }
0x34: {  	v1 =	vmov s18;
	_ =	sdelay $0x1  }
0x35: {  	_ =	swait.ge [sflag:s4], $0x4000  }
0x36: {  	[sflag:s4] =	ssyncset.done $0x0  }
0x37: {  	s19 =	simm.s32 $0x0;
	[sflag:s4] =	ssyncadd.s32 $0xFFFFC000  }
0x38: {  	s17 =	sor.u32 $0x8040, s17;
	v6 =	vld.idx.msk [tilespmem:v1+s19+$0x0 ss:$0x1], $0xffff  }
0x39: {  	v0 =	vmov s17;
	v8 =	vld.idx.msk [tilespmem:v1+s19+$0xFFFFFF90 ss:$0x1], $0xffff  }
0x3a: {  	v7 =	vld.idx.msk [tilespmem:v1+s19+$0xFFFFFFA0 ss:$0x1], $0xffff  }
0x3b: {  	v5 =	vld.idx.msk [tilespmem:v1+s19+$0xFFFFFFB0 ss:$0x1], $0xffff  }
0x3c: {  	v4 =	vld.idx.msk [tilespmem:v1+s19+$0xFFFFFFC0 ss:$0x1], $0xffff  }
0x3d: {  	s31 =	sshll.u32 s8, $0xE;
	v2 =	vld.idx.msk [tilespmem:v1+s19+$0xFFFFFFD0 ss:$0x1], $0xffff  }
0x3e: {  	s17 =	sand.u32 $0x4000, s31;
	v3 =	vld.idx.msk [tilespmem:v1+s19+$0xFFFFFFE0 ss:$0x1], $0xffff;
	[tilespmem:v0+s19+$0x30 ss:$0x1] =	vst.idx.msk $0xffff, v6  }
0x3f: {  	s20 =	simm.s32 $0x400;
	s18 =	simm.s32 $0x80;
	s17 =	sor.u32 $0x8000, s17;
	[tilespmem:v0+s19+$0xFFFFFFC0 ss:$0x1] =	vst.idx.msk $0xffff, v8;
	v6 =	vld.idx.msk [tilespmem:v1+s19+$0xFFFFFFF0 ss:$0x1], $0xffff  }
.LBB1_3:
0x40: {  	p1 =	sne.s32 s20, $0xFE00;
	v8 =	vld.idx.msk [tilespmem:v1+s18+$0x0 ss:$0x1], $0xffff;
	[tilespmem:v0+s19+$0xFFFFFFD0 ss:$0x1] =	vst.idx.msk $0xffff, v7  }
0x41: {  	v9 =	vld.idx.msk [tilespmem:v1+s18+$0xFFFFFF90 ss:$0x1], $0xffff;
	[tilespmem:v0+s19+$0xFFFFFFE0 ss:$0x1] =	vst.idx.msk $0xffff, v5  }
0x42: {  	v7 =	vld.idx.msk [tilespmem:v1+s18+$0xFFFFFFA0 ss:$0x1], $0xffff;
	[tilespmem:v0+s19+$0xFFFFFFF0 ss:$0x1] =	vst.idx.msk $0xffff, v4  }
.Ltmp3:
0x43: {  	v5 =	vld.idx.msk [tilespmem:v1+s18+$0xFFFFFFB0 ss:$0x1], $0xffff;
	[tilespmem:v0+s19+$0x0 ss:$0x1] =	vst.idx.msk $0xffff, v2;
	(pc) =	sbr.rel @p1 .LBB1_3-.Ltmp3, $4  }
0x44: {  	v4 =	vld.idx.msk [tilespmem:v1+s18+$0xFFFFFFC0 ss:$0x1], $0xffff;
	[tilespmem:v0+s19+$0x10 ss:$0x1] =	vst.idx.msk $0xffff, v3  }
0x45: {  	v2 =	vld.idx.msk [tilespmem:v1+s18+$0xFFFFFFD0 ss:$0x1], $0xffff;
	[tilespmem:v0+s19+$0x20 ss:$0x1] =	vst.idx.msk $0xffff, v6;
	s19 =	smov.u32 s18  }
0x46: {  	v3 =	vld.idx.msk [tilespmem:v1+s19+$0xFFFFFFE0 ss:$0x1], $0xffff;
	[tilespmem:v0+s19+$0x30 ss:$0x1] =	vst.idx.msk $0xffff, v8  }
0x47: {  	s18 =	sshra.s32 s20, $0x2;
	s20 =	sadd.s32 $0x200, s20;
	[tilespmem:v0+s19+$0xFFFFFFC0 ss:$0x1] =	vst.idx.msk $0xffff, v9;
	v6 =	vld.idx.msk [tilespmem:v1+s19+$0xFFFFFFF0 ss:$0x1], $0xffff  }
0x48: {  	s20 =	sshrl.u32 s16, $0x3  }
0x49: {  	s21 =	sshll.u32 s15, $0x3;
	s20 =	smul.u32 $0xC00, s20  }
0x4a: {  	s26 =	sshll.u32 s16, $0x7;
	s21 =	sand.u32 $0xFFFFFC00, s21  }
0x4b: {  	s16 =	sand.u32 $0x380, s26;
	s20 =	sadd.s32 s20, s21  }
0x4c: {  	[tilespmem:v0+s19+$0xFFFFFFD0 ss:$0x1] =	vst.idx.msk $0xffff, v7;
	s27 =	sand.u32 $0x7F, s15;
	s16 =	sor.u32 s16, s20  }
0x4d: {  	v56 =	vld.idx.msk [tilespmem:v1+s18+$0x0 ss:$0x1], $0xffff;
	[tilespmem:v0+s19+$0xFFFFFFE0 ss:$0x1] =	vst.idx.msk $0xffff, v5;
	s15 =	sor.u32 s27, s16;
	s16 =	smulhi.u32 $0xAAAAAAAB, s16  }
0x4e: {  	v57 =	vld.idx.msk [tilespmem:v1+s18+$0xFFFFFF90 ss:$0x1], $0xffff;
	[tilespmem:v0+s19+$0xFFFFFFF0 ss:$0x1] =	vst.idx.msk $0xffff, v4  }
0x4f: {  	v58 =	vld.idx.msk [tilespmem:v1+s18+$0xFFFFFFA0 ss:$0x1], $0xffff;
	s14 =	smul.u32 $0x24000, s14;
	[tilespmem:v0+s19+$0x0 ss:$0x1] =	vst.idx.msk $0xffff, v2;
	s16 =	sshrl.u32 s16, $0x8  }
0x50: {  	v59 =	vld.idx.msk [tilespmem:v1+s18+$0xFFFFFFB0 ss:$0x1], $0xffff;
	[tilespmem:v0+s19+$0x10 ss:$0x1] =	vst.idx.msk $0xffff, v3;
	s30 =	smulhi.u32 $0xAAAAAB, s16  }
0x51: {  	v60 =	vld.idx.msk [tilespmem:v1+s18+$0xFFFFFFC0 ss:$0x1], $0xffff;
	[tilespmem:v0+s19+$0x20 ss:$0x1] =	vst.idx.msk $0xffff, v6;
	s28 =	smulhi.u32 $0xAAAAAAAB, s15  }
0x52: {  	v61 =	vld.idx.msk [tilespmem:v1+s18+$0xFFFFFFD0 ss:$0x1], $0xffff;
	[tilespmem:v0+s18+$0x30 ss:$0x1] =	vst.idx.msk $0xffff, v56;
	s20 =	smul.u32 $0x180, s30  }
0x53: {  	v62 =	vld.idx.msk [tilespmem:v1+s18+$0xFFFFFFE0 ss:$0x1], $0xffff;
	s13 =	smul.u32 $0x4800, s13;
	[tilespmem:v0+s18+$0xFFFFFFC0 ss:$0x1] =	vst.idx.msk $0xffff, v57;
	s29 =	sshrl.u32 s28, $0x8  }
0x54: {  	v63 =	vld.idx.msk [tilespmem:v1+s18+$0xFFFFFFF0 ss:$0x1], $0xffff;
	[tilespmem:v0+s18+$0xFFFFFFD0 ss:$0x1] =	vst.idx.msk $0xffff, v58;
	s19 =	smul.u32 $0x180, s29;
	s16 =	ssub.s32 s16, s20  }
0x55: {  	[tilespmem:v0+s18+$0xFFFFFFE0 ss:$0x1] =	vst.idx.msk $0xffff, v59;
	s16 =	smul.u32 $0x30, s16  }
.Ltmp4:
0x56: {  	s14 =	sadd.s32 s2, s14;
	[tilespmem:v0+s18+$0xFFFFFFF0 ss:$0x1] =	vst.idx.msk $0xffff, v60;
	s15 =	ssub.s32 s15, s19;
	(pc) =	sbr.rel .LBB1_5-.Ltmp4, $4  }
0x57: {  	s13 =	sadd.s32 s13, s14;
	[tilespmem:v0+s18+$0x0 ss:$0x1] =	vst.idx.msk $0xffff, v61;
	s31 =	sand.u32 $0x7, s15  }
0x58: {  	[tilespmem:v0+s18+$0x10 ss:$0x1] =	vst.idx.msk $0xffff, v62;
	s15 =	sshrl.u32 s15, $0x3;
	s14 =	sshll.u32 s31, $0x12;
	s13 =	sadd.s32 s16, s13  }
0x59: {  	[tilespmem:v0+s18+$0x20 ss:$0x1] =	vst.idx.msk $0xffff, v63;
	s14 =	sor.u32 $0x400, s14;
	s13 =	sadd.s32 s15, s13  }
0x5a: {  	[hbm4b:s13+s14] =	stream.strided.scatter [tilespmem:s17], [sflag:$0x2], $0x4000, s7, s14, $0x38;
	[tilespmem:$0x10000] =	vst v63  }
.LBB1_6:
0x5b: {  	_ =	sfence.sel $0x180000  }
0x5c: {  	s2 =	simm.s32 $0x1;
	[bflag:$0x0] =	sbarrier.arrive $0xFFFF  }
0x5d: {  	s31 =	simm.s32 $0x2;
	[sflag:s2] =	ssyncpa.u1 $0x1  }
0x5e: {  	[sflag:s31] =	ssyncpa.u1 $0x1  }
0x5f: {  	p0 =	sne.s32 s1, $0x0;
	_ =	strace $0x9000004D  }
0x60: {  	s0 =	sadd.s32 @!p0 $0x100000, s0;
	[bflag:$0x2] =	sbarrier.arrive $0xFFFF  }
0x61: {  	[sflag:s0] =	ssyncadd.tile.s32 @!p0 $0x1;
	_ =	shalt  }
.Lfunc_end1:
_tile_overlayer_lowered:
.L_overlay_start_2:
0x62: {  	(tag) =	ssettag $0x2  }
0x63: {  	s0 =	rddreg [dreg:$0x0];
	s2 =	stileid.u32  }
0x64: {  	s1 =	rddreg [dreg:$0x1];
	p0 =	sne.s32 s2, $0x0  }
0x65: {  	s3 =	rddreg [dreg:$0x2];
	[bflag:$0x3] =	sbarrier.arrive $0xFFFF;
	s2 =	simm.s32 @!p0 $0x1C01  }
0x66: {  	[timem:s3], [sflag:s2] =	dma.local @!p0 [hbm:s0], s1  }
0x67: {  	s0 =	simm.s32 @!p0 $0x1  }
0x68: {  	_ =	swait.ge @!p0 [sflag:s0], s1  }
0x69: {  	s1 =	ssub.s32 @!p0 $0x0, s1;
	[sflag:s0] =	ssyncset.done @!p0 $0x0  }
0x6a: {  	[sflag:s0] =	ssyncadd.s32 @!p0 s1  }
0x6b: {  	[bflag:$0x3] =	sbarrier.arrive $0xFFFF  }
0x6c: {  	_ =	shalt  }

</sc_bundles>
